<compile_context>
chip_gen: v7x
topology: tpu7x:2x2x1
jax: 0.10.2.dev20260603
libtpu: 0.0.44.dev20260713+nightly
codegen_flags: <defaults>
</compile_context>

<pallas_src>
import functools

import jax
import jax.numpy as jnp
from jax import lax
from jax.experimental import pallas as pl
from jax.experimental.pallas import tpu as pltpu
from jax.experimental.pallas import tpu_sc as plsc

VOCAB = 100000
EMBED = 64
SEQ = 50
ROWS = 4096
LANES = 16

NC = 2
NS = 16
NW = NC * NS

BBLK = ROWS // NW
NBUF = 5
TPAD = 133

_mesh = plsc.VectorSubcoreMesh(core_axis_name="c", subcore_axis_name="s")


@functools.partial(
    pl.kernel,
    mesh=_mesh,
    out_type=jax.ShapeDtypeStruct((SEQ, EMBED // 8, NW, 8, BBLK), jnp.float32),
    compiler_params=pltpu.CompilerParams(use_tc_tiling_on_sc=False, needs_layout_passes=False),
    scratch_types=[
        pltpu.VMEM((SEQ, BBLK), jnp.int32),
        pltpu.VMEM((NBUF, BBLK, EMBED), jnp.float32),
        pltpu.VMEM((NBUF, EMBED // 8, 8, TPAD), jnp.float32),
        *([pltpu.SemaphoreType.DMA] * NBUF),
        *([pltpu.SemaphoreType.DMA] * NBUF),
    ],
)
def _emb_lookup(idx_hbm, table_hbm, out_hbm, idx_v, gbuf, tbuf, *sems):
    gsem = sems[:NBUF]
    ssem = sems[NBUF:]
    wid = lax.axis_index("s") * NC + lax.axis_index("c")
    pltpu.sync_copy(idx_hbm.at[:, pl.ds(wid * BBLK, BBLK)], idx_v)

    lane = lax.iota(jnp.int32, LANES)

    def gather_start(s, b):
        pltpu.async_copy(table_hbm.at[idx_v.at[s]], gbuf.at[b], gsem[b])

    def gather_wait(s, b):
        pltpu.make_async_copy(
            table_hbm.at[idx_v.at[s]], gbuf.at[b], gsem[b]).wait()

    def scatter_start(s, b):
        pltpu.async_copy(tbuf.at[b, :, :, pl.ds(0, BBLK)],
                         out_hbm.at[s, :, wid], ssem[b])

    def scatter_wait(s, b):
        pltpu.make_async_copy(tbuf.at[b, :, :, pl.ds(0, BBLK)],
                              out_hbm.at[s, :, wid], ssem[b]).wait()

    NE0 = EMBED // LANES
    ti_static = [(lane + e0 * LANES) // 8 for e0 in range(NE0)]
    r_static = [(lane + e0 * LANES) % 8 for e0 in range(NE0)]
    bsl_static = [jnp.full((LANES,), b, dtype=jnp.int32) for b in range(NBUF)]

    def transpose_block(b):
        bsl = bsl_static[b]

        @plsc.parallel_loop(0, BBLK, unroll=4)
        def brow(c):
            cols = jnp.full((LANES,), c, dtype=jnp.int32)
            for e0 in range(NE0):
                v = gbuf[b, c, pl.ds(e0 * LANES, LANES)]
                plsc.store_scatter(
                    tbuf, [bsl, ti_static[e0], r_static[e0], cols], v)

    for b in range(NBUF):
        gather_start(b, b)
    for s in range(NBUF):
        b = s % NBUF
        gather_wait(s, b)
        transpose_block(b)
        scatter_start(s, b)
        gather_start(s + NBUF, b)

    def rounds(i, carry):
        s0 = i * NBUF
        for b in range(NBUF):
            s = s0 + b
            gather_wait(s, b)
            scatter_wait(s - NBUF, b)
            transpose_block(b)
            scatter_start(s, b)
            gather_start(s + NBUF, b)
        return carry

    lax.fori_loop(1, SEQ // NBUF - 1, rounds, 0)

    for s in range(SEQ - NBUF, SEQ):
        b = s % NBUF
        gather_wait(s, b)
        scatter_wait(s - NBUF, b)
        transpose_block(b)
        scatter_start(s, b)
    for s in range(SEQ - NBUF, SEQ):
        scatter_wait(s, s % NBUF)


def kernel(x, table):
    buf = _emb_lookup(x.T.astype(jnp.int32), table)
    return buf.transpose(2, 4, 0, 1, 3).reshape(ROWS, SEQ, EMBED)

# --- scband reference (transcript-rebuilt; emitter-appended) ---
"""Pipeline reference for scband-item-embedding-61117384622712 (READ-ONLY COPY).

The authoritative reference and input builder live on the scoring server;
editing this copy changes nothing except your own understanding.
"""

import jax, jax.numpy as jnp
import numpy as np

VOCAB = 100000
EMBED = 64

def setup_inputs(seed: int = 0) -> dict:
    key = jax.random.key(seed)
    k_idx, k_tab = jax.random.split(key)
    x = jax.random.randint(k_idx, (4096, 50), 0, VOCAB, dtype=jnp.int64 if jax.config.jax_enable_x64 else jnp.int32)
    table = jax.random.normal(k_tab, (VOCAB, EMBED), dtype=jnp.float32)
    # padding_idx=0: torch zeros row 0 of the embedding table at init
    table = table.at[0].set(0.0)
    return {"x": x, "table": table}

def reference(x, table):
    # nn.Embedding(vocab, embed, padding_idx=0): forward is a pure gather
    return jnp.take(table, x, axis=0)

if __name__ == "__main__":
    import jax
    _d = setup_inputs()
    print(jax.jit(kernel)(*tuple(_d.values())))

</pallas_src>

<mosaic_0001>
#map = affine_map<(d0, d1) -> (0, 0)>
#map1 = affine_map<(d0, d1) -> (0, 0, 0, 0, 0)>
module attributes {stable_mosaic.version = 14 : i64} {
  func.func @_emb_lookup(%arg0: i32, %arg1: i32, %arg2: memref<50x4096xi32, #tpu.memory_space<hbm>>, %arg3: memref<100000x64xf32, #tpu.memory_space<hbm>>, %arg4: memref<50x8x32x8x128xf32, #tpu.memory_space<hbm>>, %arg5: memref<50x128xi32, #tpu.memory_space<vmem>>, %arg6: memref<5x128x64xf32, #tpu.memory_space<vmem>>, %arg7: memref<5x8x8x133xf32, #tpu.memory_space<vmem>>, %arg8: memref<!tpu.dma_semaphore, #tpu.memory_space<semaphore_mem>>, %arg9: memref<!tpu.dma_semaphore, #tpu.memory_space<semaphore_mem>>, %arg10: memref<!tpu.dma_semaphore, #tpu.memory_space<semaphore_mem>>, %arg11: memref<!tpu.dma_semaphore, #tpu.memory_space<semaphore_mem>>, %arg12: memref<!tpu.dma_semaphore, #tpu.memory_space<semaphore_mem>>, %arg13: memref<!tpu.dma_semaphore, #tpu.memory_space<semaphore_mem>>, %arg14: memref<!tpu.dma_semaphore, #tpu.memory_space<semaphore_mem>>, %arg15: memref<!tpu.dma_semaphore, #tpu.memory_space<semaphore_mem>>, %arg16: memref<!tpu.dma_semaphore, #tpu.memory_space<semaphore_mem>>, %arg17: memref<!tpu.dma_semaphore, #tpu.memory_space<semaphore_mem>>) attributes {dimension_semantics = [#tpu.dimension_semantics<core_parallel>, #tpu.dimension_semantics<subcore_parallel>], iteration_bounds = array<i64: 2, 16>, scalar_prefetch = 0 : i64, scratch_operands = 13 : i64, tpu.core_type = #tpu.core_type<sc_vector_subcore>, window_params = [{transform_indices = #map}, {transform_indices = #map}, {transform_indices = #map1}]} {
    %mul3A = arith.constant 2 : i32
    %mul3A_0 = arith.muli %arg1, %mul3A : i32
    %add3A = arith.addi %mul3A_0, %arg0 : i32
    %mul3A_1 = arith.constant 128 : i32
    %mul3A_2 = arith.muli %add3A, %mul3A_1 : i32
    "tpu.region"() ({
      %run_scoped3A = tpu.sem_alloc : memref<!tpu.dma_semaphore, #tpu.memory_space<semaphore_mem>>
      %dma_start3A_950 = arith.constant 0 : i32
      %dma_start3A_951 = tpu.memref_slice %arg2[%dma_start3A_950, %mul3A_2] : memref<50x4096xi32, #tpu.memory_space<hbm>> -> memref<50x128xi32, #tpu.memory_space<hbm>>
      %dma_start3A_952 = arith.constant 0 : i32
      %dma_start3A_953 = tpu.memref_slice %arg2[%dma_start3A_952, %mul3A_2] : memref<50x4096xi32, #tpu.memory_space<hbm>> -> memref<50x128xi32, #tpu.memory_space<hbm>>
      tpu.enqueue_dma source(%dma_start3A_953 : memref<50x128xi32, #tpu.memory_space<hbm>>) target(%arg5 : memref<50x128xi32, #tpu.memory_space<vmem>>) target_semaphore(%run_scoped3A : memref<!tpu.dma_semaphore, #tpu.memory_space<semaphore_mem>>)
      %dma_wait3A_954 = arith.constant 0 : i32
      %dma_wait3A_955 = tpu.memref_slice %arg2[%dma_wait3A_954, %mul3A_2] : memref<50x4096xi32, #tpu.memory_space<hbm>> -> memref<50x128xi32, #tpu.memory_space<hbm>>
      %dma_wait3A_956 = arith.constant 0 : i32
      %dma_wait3A_957 = tpu.memref_slice %arg2[%dma_wait3A_956, %mul3A_2] : memref<50x4096xi32, #tpu.memory_space<hbm>> -> memref<50x128xi32, #tpu.memory_space<hbm>>
      tpu.wait_dma2 semaphore(%run_scoped3A : memref<!tpu.dma_semaphore, #tpu.memory_space<semaphore_mem>>) src(%dma_wait3A_957 : memref<50x128xi32, #tpu.memory_space<hbm>>) dst(%arg5 : memref<50x128xi32, #tpu.memory_space<vmem>>)
      tpu.yield
    }) : () -> ()
    %iota3A = tpu.iota {dimensions = array<i32: 0>} : vector<16xi32>
    %add3A_3 = arith.constant 0 : i32
    %add3A_4 = vector.broadcast %add3A_3 : i32 to vector<16xi32>
    %add3A_5 = arith.addi %iota3A, %add3A_4 : vector<16xi32>
    %jit3A = arith.constant 8 : i32
    %div3A = vector.broadcast %jit3A : i32 to vector<16xi32>
    %div3A_6 = arith.divsi %add3A_5, %div3A : vector<16xi32>
    %sign3A = arith.constant 0 : i32
    %sign3A_7 = vector.broadcast %sign3A : i32 to vector<16xi32>
    %sign3A_8 = arith.cmpi sgt, %add3A_5, %sign3A_7 : vector<16xi32>
    %sign3A_9 = arith.extui %sign3A_8 : vector<16xi1> to vector<16xi32>
    %sign3A_10 = arith.constant 0 : i32
    %sign3A_11 = vector.broadcast %sign3A_10 : i32 to vector<16xi32>
    %sign3A_12 = arith.cmpi slt, %add3A_5, %sign3A_11 : vector<16xi32>
    %sign3A_13 = arith.extui %sign3A_12 : vector<16xi1> to vector<16xi32>
    %sign3A_14 = arith.subi %sign3A_9, %sign3A_13 : vector<16xi32>
    %sign3A_15 = arith.constant 0 : i32
    %sign3A_16 = arith.cmpi sgt, %jit3A, %sign3A_15 : i32
    %sign3A_17 = arith.extui %sign3A_16 : i1 to i32
    %sign3A_18 = arith.constant 0 : i32
    %sign3A_19 = arith.cmpi slt, %jit3A, %sign3A_18 : i32
    %sign3A_20 = arith.extui %sign3A_19 : i1 to i32
    %sign3A_21 = arith.subi %sign3A_17, %sign3A_20 : i32
    %ne3A = vector.broadcast %sign3A_21 : i32 to vector<16xi32>
    %ne3A_22 = arith.cmpi ne, %sign3A_14, %ne3A : vector<16xi32>
    %rem3A = vector.broadcast %jit3A : i32 to vector<16xi32>
    %rem3A_23 = arith.remsi %add3A_5, %rem3A : vector<16xi32>
    %ne3A_24 = arith.constant 0 : i32
    %ne3A_25 = vector.broadcast %ne3A_24 : i32 to vector<16xi32>
    %ne3A_26 = arith.cmpi ne, %rem3A_23, %ne3A_25 : vector<16xi32>
    %and3A = arith.andi %ne3A_22, %ne3A_26 : vector<16xi1>
    %sub3A = arith.constant 1 : i32
    %sub3A_27 = vector.broadcast %sub3A : i32 to vector<16xi32>
    %sub3A_28 = arith.subi %div3A_6, %sub3A_27 : vector<16xi32>
    %select_n3A = arith.select %and3A, %sub3A_28, %div3A_6 : vector<16xi1>, vector<16xi32>
    %add3A_29 = arith.constant 16 : i32
    %add3A_30 = vector.broadcast %add3A_29 : i32 to vector<16xi32>
    %add3A_31 = arith.addi %iota3A, %add3A_30 : vector<16xi32>
    %jit3A_32 = arith.constant 8 : i32
    %div3A_33 = vector.broadcast %jit3A_32 : i32 to vector<16xi32>
    %div3A_34 = arith.divsi %add3A_31, %div3A_33 : vector<16xi32>
    %sign3A_35 = arith.constant 0 : i32
    %sign3A_36 = vector.broadcast %sign3A_35 : i32 to vector<16xi32>
    %sign3A_37 = arith.cmpi sgt, %add3A_31, %sign3A_36 : vector<16xi32>
    %sign3A_38 = arith.extui %sign3A_37 : vector<16xi1> to vector<16xi32>
    %sign3A_39 = arith.constant 0 : i32
    %sign3A_40 = vector.broadcast %sign3A_39 : i32 to vector<16xi32>
    %sign3A_41 = arith.cmpi slt, %add3A_31, %sign3A_40 : vector<16xi32>
    %sign3A_42 = arith.extui %sign3A_41 : vector<16xi1> to vector<16xi32>
    %sign3A_43 = arith.subi %sign3A_38, %sign3A_42 : vector<16xi32>
    %sign3A_44 = arith.constant 0 : i32
    %sign3A_45 = arith.cmpi sgt, %jit3A_32, %sign3A_44 : i32
    %sign3A_46 = arith.extui %sign3A_45 : i1 to i32
    %sign3A_47 = arith.constant 0 : i32
    %sign3A_48 = arith.cmpi slt, %jit3A_32, %sign3A_47 : i32
    %sign3A_49 = arith.extui %sign3A_48 : i1 to i32
    %sign3A_50 = arith.subi %sign3A_46, %sign3A_49 : i32
    %ne3A_51 = vector.broadcast %sign3A_50 : i32 to vector<16xi32>
    %ne3A_52 = arith.cmpi ne, %sign3A_43, %ne3A_51 : vector<16xi32>
    %rem3A_53 = vector.broadcast %jit3A_32 : i32 to vector<16xi32>
    %rem3A_54 = arith.remsi %add3A_31, %rem3A_53 : vector<16xi32>
    %ne3A_55 = arith.constant 0 : i32
    %ne3A_56 = vector.broadcast %ne3A_55 : i32 to vector<16xi32>
    %ne3A_57 = arith.cmpi ne, %rem3A_54, %ne3A_56 : vector<16xi32>
    %and3A_58 = arith.andi %ne3A_52, %ne3A_57 : vector<16xi1>
    %sub3A_59 = arith.constant 1 : i32
    %sub3A_60 = vector.broadcast %sub3A_59 : i32 to vector<16xi32>
    %sub3A_61 = arith.subi %div3A_34, %sub3A_60 : vector<16xi32>
    %select_n3A_62 = arith.select %and3A_58, %sub3A_61, %div3A_34 : vector<16xi1>, vector<16xi32>
    %add3A_63 = arith.constant 32 : i32
    %add3A_64 = vector.broadcast %add3A_63 : i32 to vector<16xi32>
    %add3A_65 = arith.addi %iota3A, %add3A_64 : vector<16xi32>
    %jit3A_66 = arith.constant 8 : i32
    %div3A_67 = vector.broadcast %jit3A_66 : i32 to vector<16xi32>
    %div3A_68 = arith.divsi %add3A_65, %div3A_67 : vector<16xi32>
    %sign3A_69 = arith.constant 0 : i32
    %sign3A_70 = vector.broadcast %sign3A_69 : i32 to vector<16xi32>
    %sign3A_71 = arith.cmpi sgt, %add3A_65, %sign3A_70 : vector<16xi32>
    %sign3A_72 = arith.extui %sign3A_71 : vector<16xi1> to vector<16xi32>
    %sign3A_73 = arith.constant 0 : i32
    %sign3A_74 = vector.broadcast %sign3A_73 : i32 to vector<16xi32>
    %sign3A_75 = arith.cmpi slt, %add3A_65, %sign3A_74 : vector<16xi32>
    %sign3A_76 = arith.extui %sign3A_75 : vector<16xi1> to vector<16xi32>
    %sign3A_77 = arith.subi %sign3A_72, %sign3A_76 : vector<16xi32>
    %sign3A_78 = arith.constant 0 : i32
    %sign3A_79 = arith.cmpi sgt, %jit3A_66, %sign3A_78 : i32
    %sign3A_80 = arith.extui %sign3A_79 : i1 to i32
    %sign3A_81 = arith.constant 0 : i32
    %sign3A_82 = arith.cmpi slt, %jit3A_66, %sign3A_81 : i32
    %sign3A_83 = arith.extui %sign3A_82 : i1 to i32
    %sign3A_84 = arith.subi %sign3A_80, %sign3A_83 : i32
    %ne3A_85 = vector.broadcast %sign3A_84 : i32 to vector<16xi32>
    %ne3A_86 = arith.cmpi ne, %sign3A_77, %ne3A_85 : vector<16xi32>
    %rem3A_87 = vector.broadcast %jit3A_66 : i32 to vector<16xi32>
    %rem3A_88 = arith.remsi %add3A_65, %rem3A_87 : vector<16xi32>
    %ne3A_89 = arith.constant 0 : i32
    %ne3A_90 = vector.broadcast %ne3A_89 : i32 to vector<16xi32>
    %ne3A_91 = arith.cmpi ne, %rem3A_88, %ne3A_90 : vector<16xi32>
    %and3A_92 = arith.andi %ne3A_86, %ne3A_91 : vector<16xi1>
    %sub3A_93 = arith.constant 1 : i32
    %sub3A_94 = vector.broadcast %sub3A_93 : i32 to vector<16xi32>
    %sub3A_95 = arith.subi %div3A_68, %sub3A_94 : vector<16xi32>
    %select_n3A_96 = arith.select %and3A_92, %sub3A_95, %div3A_68 : vector<16xi1>, vector<16xi32>
    %add3A_97 = arith.constant 48 : i32
    %add3A_98 = vector.broadcast %add3A_97 : i32 to vector<16xi32>
    %add3A_99 = arith.addi %iota3A, %add3A_98 : vector<16xi32>
    %jit3A_100 = arith.constant 8 : i32
    %div3A_101 = vector.broadcast %jit3A_100 : i32 to vector<16xi32>
    %div3A_102 = arith.divsi %add3A_99, %div3A_101 : vector<16xi32>
    %sign3A_103 = arith.constant 0 : i32
    %sign3A_104 = vector.broadcast %sign3A_103 : i32 to vector<16xi32>
    %sign3A_105 = arith.cmpi sgt, %add3A_99, %sign3A_104 : vector<16xi32>
    %sign3A_106 = arith.extui %sign3A_105 : vector<16xi1> to vector<16xi32>
    %sign3A_107 = arith.constant 0 : i32
    %sign3A_108 = vector.broadcast %sign3A_107 : i32 to vector<16xi32>
    %sign3A_109 = arith.cmpi slt, %add3A_99, %sign3A_108 : vector<16xi32>
    %sign3A_110 = arith.extui %sign3A_109 : vector<16xi1> to vector<16xi32>
    %sign3A_111 = arith.subi %sign3A_106, %sign3A_110 : vector<16xi32>
    %sign3A_112 = arith.constant 0 : i32
    %sign3A_113 = arith.cmpi sgt, %jit3A_100, %sign3A_112 : i32
    %sign3A_114 = arith.extui %sign3A_113 : i1 to i32
    %sign3A_115 = arith.constant 0 : i32
    %sign3A_116 = arith.cmpi slt, %jit3A_100, %sign3A_115 : i32
    %sign3A_117 = arith.extui %sign3A_116 : i1 to i32
    %sign3A_118 = arith.subi %sign3A_114, %sign3A_117 : i32
    %ne3A_119 = vector.broadcast %sign3A_118 : i32 to vector<16xi32>
    %ne3A_120 = arith.cmpi ne, %sign3A_111, %ne3A_119 : vector<16xi32>
    %rem3A_121 = vector.broadcast %jit3A_100 : i32 to vector<16xi32>
    %rem3A_122 = arith.remsi %add3A_99, %rem3A_121 : vector<16xi32>
    %ne3A_123 = arith.constant 0 : i32
    %ne3A_124 = vector.broadcast %ne3A_123 : i32 to vector<16xi32>
    %ne3A_125 = arith.cmpi ne, %rem3A_122, %ne3A_124 : vector<16xi32>
    %and3A_126 = arith.andi %ne3A_120, %ne3A_125 : vector<16xi1>
    %sub3A_127 = arith.constant 1 : i32
    %sub3A_128 = vector.broadcast %sub3A_127 : i32 to vector<16xi32>
    %sub3A_129 = arith.subi %div3A_102, %sub3A_128 : vector<16xi32>
    %select_n3A_130 = arith.select %and3A_126, %sub3A_129, %div3A_102 : vector<16xi1>, vector<16xi32>
    %add3A_131 = arith.constant 0 : i32
    %add3A_132 = vector.broadcast %add3A_131 : i32 to vector<16xi32>
    %add3A_133 = arith.addi %iota3A, %add3A_132 : vector<16xi32>
    %jit3A_134 = arith.constant 8 : i32
    %eq3A = arith.constant 0 : i32
    %eq3A_135 = arith.cmpi eq, %jit3A_134, %eq3A : i32
    %jit3A_136 = arith.constant 1 : i32
    %select_n3A_137 = arith.select %eq3A_135, %jit3A_136, %jit3A_134 : i32
    %rem3A_138 = vector.broadcast %select_n3A_137 : i32 to vector<16xi32>
    %rem3A_139 = arith.remsi %add3A_133, %rem3A_138 : vector<16xi32>
    %ne3A_140 = arith.constant 0 : i32
    %ne3A_141 = vector.broadcast %ne3A_140 : i32 to vector<16xi32>
    %ne3A_142 = arith.cmpi ne, %rem3A_139, %ne3A_141 : vector<16xi32>
    %lt3A = arith.constant 0 : i32
    %lt3A_143 = vector.broadcast %lt3A : i32 to vector<16xi32>
    %lt3A_144 = arith.cmpi slt, %rem3A_139, %lt3A_143 : vector<16xi32>
    %lt3A_145 = arith.constant 0 : i32
    %lt3A_146 = arith.cmpi slt, %select_n3A_137, %lt3A_145 : i32
    %ne3A_147 = vector.broadcast %lt3A_146 : i1 to vector<16xi1>
    %ne3A_148 = vector.broadcast %ne3A_147 : vector<16xi1> to vector<16xi1>
    %ne3A_149 = arith.xori %lt3A_144, %ne3A_148 : vector<16xi1>
    %and3A_150 = arith.andi %ne3A_149, %ne3A_142 : vector<16xi1>
    %add3A_151 = vector.broadcast %select_n3A_137 : i32 to vector<16xi32>
    %add3A_152 = arith.addi %rem3A_139, %add3A_151 : vector<16xi32>
    %select_n3A_153 = arith.select %and3A_150, %add3A_152, %rem3A_139 : vector<16xi1>, vector<16xi32>
    %add3A_154 = arith.constant 16 : i32
    %add3A_155 = vector.broadcast %add3A_154 : i32 to vector<16xi32>
    %add3A_156 = arith.addi %iota3A, %add3A_155 : vector<16xi32>
    %jit3A_157 = arith.constant 8 : i32
    %eq3A_158 = arith.constant 0 : i32
    %eq3A_159 = arith.cmpi eq, %jit3A_157, %eq3A_158 : i32
    %jit3A_160 = arith.constant 1 : i32
    %select_n3A_161 = arith.select %eq3A_159, %jit3A_160, %jit3A_157 : i32
    %rem3A_162 = vector.broadcast %select_n3A_161 : i32 to vector<16xi32>
    %rem3A_163 = arith.remsi %add3A_156, %rem3A_162 : vector<16xi32>
    %ne3A_164 = arith.constant 0 : i32
    %ne3A_165 = vector.broadcast %ne3A_164 : i32 to vector<16xi32>
    %ne3A_166 = arith.cmpi ne, %rem3A_163, %ne3A_165 : vector<16xi32>
    %lt3A_167 = arith.constant 0 : i32
    %lt3A_168 = vector.broadcast %lt3A_167 : i32 to vector<16xi32>
    %lt3A_169 = arith.cmpi slt, %rem3A_163, %lt3A_168 : vector<16xi32>
    %lt3A_170 = arith.constant 0 : i32
    %lt3A_171 = arith.cmpi slt, %select_n3A_161, %lt3A_170 : i32
    %ne3A_172 = vector.broadcast %lt3A_171 : i1 to vector<16xi1>
    %ne3A_173 = vector.broadcast %ne3A_172 : vector<16xi1> to vector<16xi1>
    %ne3A_174 = arith.xori %lt3A_169, %ne3A_173 : vector<16xi1>
    %and3A_175 = arith.andi %ne3A_174, %ne3A_166 : vector<16xi1>
    %add3A_176 = vector.broadcast %select_n3A_161 : i32 to vector<16xi32>
    %add3A_177 = arith.addi %rem3A_163, %add3A_176 : vector<16xi32>
    %select_n3A_178 = arith.select %and3A_175, %add3A_177, %rem3A_163 : vector<16xi1>, vector<16xi32>
    %add3A_179 = arith.constant 32 : i32
    %add3A_180 = vector.broadcast %add3A_179 : i32 to vector<16xi32>
    %add3A_181 = arith.addi %iota3A, %add3A_180 : vector<16xi32>
    %jit3A_182 = arith.constant 8 : i32
    %eq3A_183 = arith.constant 0 : i32
    %eq3A_184 = arith.cmpi eq, %jit3A_182, %eq3A_183 : i32
    %jit3A_185 = arith.constant 1 : i32
    %select_n3A_186 = arith.select %eq3A_184, %jit3A_185, %jit3A_182 : i32
    %rem3A_187 = vector.broadcast %select_n3A_186 : i32 to vector<16xi32>
    %rem3A_188 = arith.remsi %add3A_181, %rem3A_187 : vector<16xi32>
    %ne3A_189 = arith.constant 0 : i32
    %ne3A_190 = vector.broadcast %ne3A_189 : i32 to vector<16xi32>
    %ne3A_191 = arith.cmpi ne, %rem3A_188, %ne3A_190 : vector<16xi32>
    %lt3A_192 = arith.constant 0 : i32
    %lt3A_193 = vector.broadcast %lt3A_192 : i32 to vector<16xi32>
    %lt3A_194 = arith.cmpi slt, %rem3A_188, %lt3A_193 : vector<16xi32>
    %lt3A_195 = arith.constant 0 : i32
    %lt3A_196 = arith.cmpi slt, %select_n3A_186, %lt3A_195 : i32
    %ne3A_197 = vector.broadcast %lt3A_196 : i1 to vector<16xi1>
    %ne3A_198 = vector.broadcast %ne3A_197 : vector<16xi1> to vector<16xi1>
    %ne3A_199 = arith.xori %lt3A_194, %ne3A_198 : vector<16xi1>
    %and3A_200 = arith.andi %ne3A_199, %ne3A_191 : vector<16xi1>
    %add3A_201 = vector.broadcast %select_n3A_186 : i32 to vector<16xi32>
    %add3A_202 = arith.addi %rem3A_188, %add3A_201 : vector<16xi32>
    %select_n3A_203 = arith.select %and3A_200, %add3A_202, %rem3A_188 : vector<16xi1>, vector<16xi32>
    %add3A_204 = arith.constant 48 : i32
    %add3A_205 = vector.broadcast %add3A_204 : i32 to vector<16xi32>
    %add3A_206 = arith.addi %iota3A, %add3A_205 : vector<16xi32>
    %jit3A_207 = arith.constant 8 : i32
    %eq3A_208 = arith.constant 0 : i32
    %eq3A_209 = arith.cmpi eq, %jit3A_207, %eq3A_208 : i32
    %jit3A_210 = arith.constant 1 : i32
    %select_n3A_211 = arith.select %eq3A_209, %jit3A_210, %jit3A_207 : i32
    %rem3A_212 = vector.broadcast %select_n3A_211 : i32 to vector<16xi32>
    %rem3A_213 = arith.remsi %add3A_206, %rem3A_212 : vector<16xi32>
    %ne3A_214 = arith.constant 0 : i32
    %ne3A_215 = vector.broadcast %ne3A_214 : i32 to vector<16xi32>
    %ne3A_216 = arith.cmpi ne, %rem3A_213, %ne3A_215 : vector<16xi32>
    %lt3A_217 = arith.constant 0 : i32
    %lt3A_218 = vector.broadcast %lt3A_217 : i32 to vector<16xi32>
    %lt3A_219 = arith.cmpi slt, %rem3A_213, %lt3A_218 : vector<16xi32>
    %lt3A_220 = arith.constant 0 : i32
    %lt3A_221 = arith.cmpi slt, %select_n3A_211, %lt3A_220 : i32
    %ne3A_222 = vector.broadcast %lt3A_221 : i1 to vector<16xi1>
    %ne3A_223 = vector.broadcast %ne3A_222 : vector<16xi1> to vector<16xi1>
    %ne3A_224 = arith.xori %lt3A_219, %ne3A_223 : vector<16xi1>
    %and3A_225 = arith.andi %ne3A_224, %ne3A_216 : vector<16xi1>
    %add3A_226 = vector.broadcast %select_n3A_211 : i32 to vector<16xi32>
    %add3A_227 = arith.addi %rem3A_213, %add3A_226 : vector<16xi32>
    %select_n3A_228 = arith.select %and3A_225, %add3A_227, %rem3A_213 : vector<16xi1>, vector<16xi32>
    %broadcast_in_dim3A = arith.constant 0 : i32
    %broadcast_in_dim3A_229 = vector.broadcast %broadcast_in_dim3A : i32 to vector<16xi32>
    %broadcast_in_dim3A_230 = arith.constant 1 : i32
    %broadcast_in_dim3A_231 = vector.broadcast %broadcast_in_dim3A_230 : i32 to vector<16xi32>
    %broadcast_in_dim3A_232 = arith.constant 2 : i32
    %broadcast_in_dim3A_233 = vector.broadcast %broadcast_in_dim3A_232 : i32 to vector<16xi32>
    %broadcast_in_dim3A_234 = arith.constant 3 : i32
    %broadcast_in_dim3A_235 = vector.broadcast %broadcast_in_dim3A_234 : i32 to vector<16xi32>
    %broadcast_in_dim3A_236 = arith.constant 4 : i32
    %broadcast_in_dim3A_237 = vector.broadcast %broadcast_in_dim3A_236 : i32 to vector<16xi32>
    %dma_start3A = arith.constant 0 : i32
    %dma_start3A_238 = arith.constant 0 : i32
    %dma_start3A_239 = arith.constant 0 : i32
    %dma_start3A_240 = arith.constant 0 : i32
    %dma_start3A_241 = tpu.memref_slice %arg6[%dma_start3A_238, %dma_start3A_239, %dma_start3A_240] : memref<5x128x64xf32, #tpu.memory_space<vmem>> -> memref<1x128x64xf32, #tpu.memory_space<vmem>>
    %dma_start3A_242 = tpu.memref_squeeze %dma_start3A_241 : memref<1x128x64xf32, #tpu.memory_space<vmem>> -> memref<128x64xf32, #tpu.memory_space<vmem>>
    %dma_start3A_243 = arith.constant 0 : i32
    %dma_start3A_244 = tpu.memref_slice %arg5[%dma_start3A, %dma_start3A_243] : memref<50x128xi32, #tpu.memory_space<vmem>> -> memref<1x128xi32, #tpu.memory_space<vmem>>
    %dma_start3A_245 = tpu.memref_squeeze %dma_start3A_244 : memref<1x128xi32, #tpu.memory_space<vmem>> -> memref<128xi32, #tpu.memory_space<vmem>>
    %dma_start3A_246 = arith.constant 0 : i32
    %dma_start3A_247 = arith.constant 0 : i32
    %dma_start3A_248 = tpu.memref_slice %arg3[%dma_start3A_246, %dma_start3A_247] : memref<100000x64xf32, #tpu.memory_space<hbm>> -> memref<100000x64xf32, #tpu.memory_space<hbm>>
    tpu.enqueue_indirect_dma source(%dma_start3A_248 : memref<100000x64xf32, #tpu.memory_space<hbm>>) target(%dma_start3A_242 : memref<128x64xf32, #tpu.memory_space<vmem>>) offsets(%dma_start3A_245 : memref<128xi32, #tpu.memory_space<vmem>>) semaphore(%arg8 : memref<!tpu.dma_semaphore, #tpu.memory_space<semaphore_mem>>)
    %dma_start3A_249 = arith.constant 1 : i32
    %dma_start3A_250 = arith.constant 1 : i32
    %dma_start3A_251 = arith.constant 0 : i32
    %dma_start3A_252 = arith.constant 0 : i32
    %dma_start3A_253 = tpu.memref_slice %arg6[%dma_start3A_250, %dma_start3A_251, %dma_start3A_252] : memref<5x128x64xf32, #tpu.memory_space<vmem>> -> memref<1x128x64xf32, #tpu.memory_space<vmem>>
    %dma_start3A_254 = tpu.memref_squeeze %dma_start3A_253 : memref<1x128x64xf32, #tpu.memory_space<vmem>> -> memref<128x64xf32, #tpu.memory_space<vmem>>
    %dma_start3A_255 = arith.constant 0 : i32
    %dma_start3A_256 = tpu.memref_slice %arg5[%dma_start3A_249, %dma_start3A_255] : memref<50x128xi32, #tpu.memory_space<vmem>> -> memref<1x128xi32, #tpu.memory_space<vmem>>
    %dma_start3A_257 = tpu.memref_squeeze %dma_start3A_256 : memref<1x128xi32, #tpu.memory_space<vmem>> -> memref<128xi32, #tpu.memory_space<vmem>>
    %dma_start3A_258 = arith.constant 0 : i32
    %dma_start3A_259 = arith.constant 0 : i32
    %dma_start3A_260 = tpu.memref_slice %arg3[%dma_start3A_258, %dma_start3A_259] : memref<100000x64xf32, #tpu.memory_space<hbm>> -> memref<100000x64xf32, #tpu.memory_space<hbm>>
    tpu.enqueue_indirect_dma source(%dma_start3A_260 : memref<100000x64xf32, #tpu.memory_space<hbm>>) target(%dma_start3A_254 : memref<128x64xf32, #tpu.memory_space<vmem>>) offsets(%dma_start3A_257 : memref<128xi32, #tpu.memory_space<vmem>>) semaphore(%arg9 : memref<!tpu.dma_semaphore, #tpu.memory_space<semaphore_mem>>)
    %dma_start3A_261 = arith.constant 2 : i32
    %dma_start3A_262 = arith.constant 2 : i32
    %dma_start3A_263 = arith.constant 0 : i32
    %dma_start3A_264 = arith.constant 0 : i32
    %dma_start3A_265 = tpu.memref_slice %arg6[%dma_start3A_262, %dma_start3A_263, %dma_start3A_264] : memref<5x128x64xf32, #tpu.memory_space<vmem>> -> memref<1x128x64xf32, #tpu.memory_space<vmem>>
    %dma_start3A_266 = tpu.memref_squeeze %dma_start3A_265 : memref<1x128x64xf32, #tpu.memory_space<vmem>> -> memref<128x64xf32, #tpu.memory_space<vmem>>
    %dma_start3A_267 = arith.constant 0 : i32
    %dma_start3A_268 = tpu.memref_slice %arg5[%dma_start3A_261, %dma_start3A_267] : memref<50x128xi32, #tpu.memory_space<vmem>> -> memref<1x128xi32, #tpu.memory_space<vmem>>
    %dma_start3A_269 = tpu.memref_squeeze %dma_start3A_268 : memref<1x128xi32, #tpu.memory_space<vmem>> -> memref<128xi32, #tpu.memory_space<vmem>>
    %dma_start3A_270 = arith.constant 0 : i32
    %dma_start3A_271 = arith.constant 0 : i32
    %dma_start3A_272 = tpu.memref_slice %arg3[%dma_start3A_270, %dma_start3A_271] : memref<100000x64xf32, #tpu.memory_space<hbm>> -> memref<100000x64xf32, #tpu.memory_space<hbm>>
    tpu.enqueue_indirect_dma source(%dma_start3A_272 : memref<100000x64xf32, #tpu.memory_space<hbm>>) target(%dma_start3A_266 : memref<128x64xf32, #tpu.memory_space<vmem>>) offsets(%dma_start3A_269 : memref<128xi32, #tpu.memory_space<vmem>>) semaphore(%arg10 : memref<!tpu.dma_semaphore, #tpu.memory_space<semaphore_mem>>)
    %dma_start3A_273 = arith.constant 3 : i32
    %dma_start3A_274 = arith.constant 3 : i32
    %dma_start3A_275 = arith.constant 0 : i32
    %dma_start3A_276 = arith.constant 0 : i32
    %dma_start3A_277 = tpu.memref_slice %arg6[%dma_start3A_274, %dma_start3A_275, %dma_start3A_276] : memref<5x128x64xf32, #tpu.memory_space<vmem>> -> memref<1x128x64xf32, #tpu.memory_space<vmem>>
    %dma_start3A_278 = tpu.memref_squeeze %dma_start3A_277 : memref<1x128x64xf32, #tpu.memory_space<vmem>> -> memref<128x64xf32, #tpu.memory_space<vmem>>
    %dma_start3A_279 = arith.constant 0 : i32
    %dma_start3A_280 = tpu.memref_slice %arg5[%dma_start3A_273, %dma_start3A_279] : memref<50x128xi32, #tpu.memory_space<vmem>> -> memref<1x128xi32, #tpu.memory_space<vmem>>
    %dma_start3A_281 = tpu.memref_squeeze %dma_start3A_280 : memref<1x128xi32, #tpu.memory_space<vmem>> -> memref<128xi32, #tpu.memory_space<vmem>>
    %dma_start3A_282 = arith.constant 0 : i32
    %dma_start3A_283 = arith.constant 0 : i32
    %dma_start3A_284 = tpu.memref_slice %arg3[%dma_start3A_282, %dma_start3A_283] : memref<100000x64xf32, #tpu.memory_space<hbm>> -> memref<100000x64xf32, #tpu.memory_space<hbm>>
    tpu.enqueue_indirect_dma source(%dma_start3A_284 : memref<100000x64xf32, #tpu.memory_space<hbm>>) target(%dma_start3A_278 : memref<128x64xf32, #tpu.memory_space<vmem>>) offsets(%dma_start3A_281 : memref<128xi32, #tpu.memory_space<vmem>>) semaphore(%arg11 : memref<!tpu.dma_semaphore, #tpu.memory_space<semaphore_mem>>)
    %dma_start3A_285 = arith.constant 4 : i32
    %dma_start3A_286 = arith.constant 4 : i32
    %dma_start3A_287 = arith.constant 0 : i32
    %dma_start3A_288 = arith.constant 0 : i32
    %dma_start3A_289 = tpu.memref_slice %arg6[%dma_start3A_286, %dma_start3A_287, %dma_start3A_288] : memref<5x128x64xf32, #tpu.memory_space<vmem>> -> memref<1x128x64xf32, #tpu.memory_space<vmem>>
    %dma_start3A_290 = tpu.memref_squeeze %dma_start3A_289 : memref<1x128x64xf32, #tpu.memory_space<vmem>> -> memref<128x64xf32, #tpu.memory_space<vmem>>
    %dma_start3A_291 = arith.constant 0 : i32
    %dma_start3A_292 = tpu.memref_slice %arg5[%dma_start3A_285, %dma_start3A_291] : memref<50x128xi32, #tpu.memory_space<vmem>> -> memref<1x128xi32, #tpu.memory_space<vmem>>
    %dma_start3A_293 = tpu.memref_squeeze %dma_start3A_292 : memref<1x128xi32, #tpu.memory_space<vmem>> -> memref<128xi32, #tpu.memory_space<vmem>>
    %dma_start3A_294 = arith.constant 0 : i32
    %dma_start3A_295 = arith.constant 0 : i32
    %dma_start3A_296 = tpu.memref_slice %arg3[%dma_start3A_294, %dma_start3A_295] : memref<100000x64xf32, #tpu.memory_space<hbm>> -> memref<100000x64xf32, #tpu.memory_space<hbm>>
    tpu.enqueue_indirect_dma source(%dma_start3A_296 : memref<100000x64xf32, #tpu.memory_space<hbm>>) target(%dma_start3A_290 : memref<128x64xf32, #tpu.memory_space<vmem>>) offsets(%dma_start3A_293 : memref<128xi32, #tpu.memory_space<vmem>>) semaphore(%arg12 : memref<!tpu.dma_semaphore, #tpu.memory_space<semaphore_mem>>)
    %dma_wait3A = arith.constant 0 : i32
    %dma_wait3A_297 = arith.constant 0 : i32
    %dma_wait3A_298 = arith.constant 0 : i32
    %dma_wait3A_299 = arith.constant 0 : i32
    %dma_wait3A_300 = tpu.memref_slice %arg6[%dma_wait3A_297, %dma_wait3A_298, %dma_wait3A_299] : memref<5x128x64xf32, #tpu.memory_space<vmem>> -> memref<1x128x64xf32, #tpu.memory_space<vmem>>
    %dma_wait3A_301 = tpu.memref_squeeze %dma_wait3A_300 : memref<1x128x64xf32, #tpu.memory_space<vmem>> -> memref<128x64xf32, #tpu.memory_space<vmem>>
    %dma_wait3A_302 = arith.constant 0 : i32
    %dma_wait3A_303 = tpu.memref_slice %arg5[%dma_wait3A, %dma_wait3A_302] : memref<50x128xi32, #tpu.memory_space<vmem>> -> memref<1x128xi32, #tpu.memory_space<vmem>>
    %dma_wait3A_304 = tpu.memref_squeeze %dma_wait3A_303 : memref<1x128xi32, #tpu.memory_space<vmem>> -> memref<128xi32, #tpu.memory_space<vmem>>
    %dma_wait3A_305 = arith.constant 0 : i32
    %dma_wait3A_306 = arith.constant 0 : i32
    %dma_wait3A_307 = tpu.memref_slice %arg3[%dma_wait3A_305, %dma_wait3A_306] : memref<100000x64xf32, #tpu.memory_space<hbm>> -> memref<100000x64xf32, #tpu.memory_space<hbm>>
    tpu.wait_indirect_dma semaphore(%arg8 : memref<!tpu.dma_semaphore, #tpu.memory_space<semaphore_mem>>) src(%dma_wait3A_307 : memref<100000x64xf32, #tpu.memory_space<hbm>>) dst(%dma_wait3A_301 : memref<128x64xf32, #tpu.memory_space<vmem>>)
    %parallel_loop3A = arith.constant 0 : i32
    %parallel_loop3A_308 = arith.constant 128 : i32
    %parallel_loop3A_309 = arith.constant 1 : i32
    scf.for %parallel_loop3A_950 = %parallel_loop3A to %parallel_loop3A_308 step %parallel_loop3A_309  : i32 {
      %parallel_loop3A_951 = vector.broadcast %parallel_loop3A_950 : i32 to vector<16xi32>
      %parallel_loop3A_952 = arith.constant 0 : i32
      %parallel_loop3A_953 = arith.index_cast %parallel_loop3A_952 : i32 to index
      %parallel_loop3A_954 = arith.index_cast %parallel_loop3A_950 : i32 to index
      %parallel_loop3A_955 = arith.constant 0 : index
      %parallel_loop3A_956 = tpu.vector_load %arg6[%parallel_loop3A_953, %parallel_loop3A_954, %parallel_loop3A_955] {strides = array<i32>} : memref<5x128x64xf32, #tpu.memory_space<vmem>>, vector<16xf32>,
      tpu.vector_store_idx %arg7[%broadcast_in_dim3A_229, %select_n3A, %select_n3A_153, %parallel_loop3A_951], %parallel_loop3A_956 : memref<5x8x8x133xf32, #tpu.memory_space<vmem>>[vector<16xi32>, vector<16xi32>, vector<16xi32>, vector<16xi32>], vector<16xf32>,
      %parallel_loop3A_957 = arith.constant 0 : i32
      %parallel_loop3A_958 = arith.index_cast %parallel_loop3A_957 : i32 to index
      %parallel_loop3A_959 = arith.index_cast %parallel_loop3A_950 : i32 to index
      %parallel_loop3A_960 = arith.constant 16 : index
      %parallel_loop3A_961 = tpu.vector_load %arg6[%parallel_loop3A_958, %parallel_loop3A_959, %parallel_loop3A_960] {strides = array<i32>} : memref<5x128x64xf32, #tpu.memory_space<vmem>>, vector<16xf32>,
      tpu.vector_store_idx %arg7[%broadcast_in_dim3A_229, %select_n3A_62, %select_n3A_178, %parallel_loop3A_951], %parallel_loop3A_961 : memref<5x8x8x133xf32, #tpu.memory_space<vmem>>[vector<16xi32>, vector<16xi32>, vector<16xi32>, vector<16xi32>], vector<16xf32>,
      %parallel_loop3A_962 = arith.constant 0 : i32
      %parallel_loop3A_963 = arith.index_cast %parallel_loop3A_962 : i32 to index
      %parallel_loop3A_964 = arith.index_cast %parallel_loop3A_950 : i32 to index
      %parallel_loop3A_965 = arith.constant 32 : index
      %parallel_loop3A_966 = tpu.vector_load %arg6[%parallel_loop3A_963, %parallel_loop3A_964, %parallel_loop3A_965] {strides = array<i32>} : memref<5x128x64xf32, #tpu.memory_space<vmem>>, vector<16xf32>,
      tpu.vector_store_idx %arg7[%broadcast_in_dim3A_229, %select_n3A_96, %select_n3A_203, %parallel_loop3A_951], %parallel_loop3A_966 : memref<5x8x8x133xf32, #tpu.memory_space<vmem>>[vector<16xi32>, vector<16xi32>, vector<16xi32>, vector<16xi32>], vector<16xf32>,
      %parallel_loop3A_967 = arith.constant 0 : i32
      %parallel_loop3A_968 = arith.index_cast %parallel_loop3A_967 : i32 to index
      %parallel_loop3A_969 = arith.index_cast %parallel_loop3A_950 : i32 to index
      %parallel_loop3A_970 = arith.constant 48 : index
      %parallel_loop3A_971 = tpu.vector_load %arg6[%parallel_loop3A_968, %parallel_loop3A_969, %parallel_loop3A_970] {strides = array<i32>} : memref<5x128x64xf32, #tpu.memory_space<vmem>>, vector<16xf32>,
      tpu.vector_store_idx %arg7[%broadcast_in_dim3A_229, %select_n3A_130, %select_n3A_228, %parallel_loop3A_951], %parallel_loop3A_971 : memref<5x8x8x133xf32, #tpu.memory_space<vmem>>[vector<16xi32>, vector<16xi32>, vector<16xi32>, vector<16xi32>], vector<16xf32>,
    } {sc.loop_unroll_factor = 4 : i64, sc.parallel_access}
    %dma_start3A_310 = arith.constant 0 : i32
    %dma_start3A_311 = arith.constant 0 : i32
    %dma_start3A_312 = arith.constant 0 : i32
    %dma_start3A_313 = arith.constant 0 : i32
    %dma_start3A_314 = arith.constant 0 : i32
    %dma_start3A_315 = tpu.memref_slice %arg7[%dma_start3A_310, %dma_start3A_312, %dma_start3A_313, %dma_start3A_314] : memref<5x8x8x133xf32, #tpu.memory_space<vmem>> -> memref<1x8x8x128xf32, #tpu.memory_space<vmem>>
    %dma_start3A_316 = tpu.memref_squeeze %dma_start3A_315 : memref<1x8x8x128xf32, #tpu.memory_space<vmem>> -> memref<8x8x128xf32, #tpu.memory_space<vmem>>
    %dma_start3A_317 = arith.constant 0 : i32
    %dma_start3A_318 = arith.constant 0 : i32
    %dma_start3A_319 = arith.constant 0 : i32
    %dma_start3A_320 = tpu.memref_slice %arg4[%dma_start3A_311, %dma_start3A_317, %add3A, %dma_start3A_318, %dma_start3A_319] : memref<50x8x32x8x128xf32, #tpu.memory_space<hbm>> -> memref<1x8x1x8x128xf32, #tpu.memory_space<hbm>>
    %dma_start3A_321 = tpu.memref_squeeze %dma_start3A_320 : memref<1x8x1x8x128xf32, #tpu.memory_space<hbm>> -> memref<8x8x128xf32, #tpu.memory_space<hbm>>
    %dma_start3A_322 = arith.constant 0 : i32
    %dma_start3A_323 = arith.constant 0 : i32
    %dma_start3A_324 = arith.constant 0 : i32
    %dma_start3A_325 = tpu.memref_slice %arg4[%dma_start3A_311, %dma_start3A_322, %add3A, %dma_start3A_323, %dma_start3A_324] : memref<50x8x32x8x128xf32, #tpu.memory_space<hbm>> -> memref<1x8x1x8x128xf32, #tpu.memory_space<hbm>>
    %dma_start3A_326 = tpu.memref_squeeze %dma_start3A_325 : memref<1x8x1x8x128xf32, #tpu.memory_space<hbm>> -> memref<8x8x128xf32, #tpu.memory_space<hbm>>
    %dma_start3A_327 = arith.constant 0 : i32
    %dma_start3A_328 = arith.constant 0 : i32
    %dma_start3A_329 = arith.constant 0 : i32
    %dma_start3A_330 = tpu.memref_slice %arg7[%dma_start3A_310, %dma_start3A_327, %dma_start3A_328, %dma_start3A_329] : memref<5x8x8x133xf32, #tpu.memory_space<vmem>> -> memref<1x8x8x128xf32, #tpu.memory_space<vmem>>
    %dma_start3A_331 = tpu.memref_squeeze %dma_start3A_330 : memref<1x8x8x128xf32, #tpu.memory_space<vmem>> -> memref<8x8x128xf32, #tpu.memory_space<vmem>>
    tpu.enqueue_dma source(%dma_start3A_331 : memref<8x8x128xf32, #tpu.memory_space<vmem>>) target(%dma_start3A_326 : memref<8x8x128xf32, #tpu.memory_space<hbm>>) target_semaphore(%arg13 : memref<!tpu.dma_semaphore, #tpu.memory_space<semaphore_mem>>)
    %dma_start3A_332 = arith.constant 5 : i32
    %dma_start3A_333 = arith.constant 0 : i32
    %dma_start3A_334 = arith.constant 0 : i32
    %dma_start3A_335 = arith.constant 0 : i32
    %dma_start3A_336 = tpu.memref_slice %arg6[%dma_start3A_333, %dma_start3A_334, %dma_start3A_335] : memref<5x128x64xf32, #tpu.memory_space<vmem>> -> memref<1x128x64xf32, #tpu.memory_space<vmem>>
    %dma_start3A_337 = tpu.memref_squeeze %dma_start3A_336 : memref<1x128x64xf32, #tpu.memory_space<vmem>> -> memref<128x64xf32, #tpu.memory_space<vmem>>
    %dma_start3A_338 = arith.constant 0 : i32
    %dma_start3A_339 = tpu.memref_slice %arg5[%dma_start3A_332, %dma_start3A_338] : memref<50x128xi32, #tpu.memory_space<vmem>> -> memref<1x128xi32, #tpu.memory_space<vmem>>
    %dma_start3A_340 = tpu.memref_squeeze %dma_start3A_339 : memref<1x128xi32, #tpu.memory_space<vmem>> -> memref<128xi32, #tpu.memory_space<vmem>>
    %dma_start3A_341 = arith.constant 0 : i32
    %dma_start3A_342 = arith.constant 0 : i32
    %dma_start3A_343 = tpu.memref_slice %arg3[%dma_start3A_341, %dma_start3A_342] : memref<100000x64xf32, #tpu.memory_space<hbm>> -> memref<100000x64xf32, #tpu.memory_space<hbm>>
    tpu.enqueue_indirect_dma source(%dma_start3A_343 : memref<100000x64xf32, #tpu.memory_space<hbm>>) target(%dma_start3A_337 : memref<128x64xf32, #tpu.memory_space<vmem>>) offsets(%dma_start3A_340 : memref<128xi32, #tpu.memory_space<vmem>>) semaphore(%arg8 : memref<!tpu.dma_semaphore, #tpu.memory_space<semaphore_mem>>)
    %dma_wait3A_344 = arith.constant 1 : i32
    %dma_wait3A_345 = arith.constant 1 : i32
    %dma_wait3A_346 = arith.constant 0 : i32
    %dma_wait3A_347 = arith.constant 0 : i32
    %dma_wait3A_348 = tpu.memref_slice %arg6[%dma_wait3A_345, %dma_wait3A_346, %dma_wait3A_347] : memref<5x128x64xf32, #tpu.memory_space<vmem>> -> memref<1x128x64xf32, #tpu.memory_space<vmem>>
    %dma_wait3A_349 = tpu.memref_squeeze %dma_wait3A_348 : memref<1x128x64xf32, #tpu.memory_space<vmem>> -> memref<128x64xf32, #tpu.memory_space<vmem>>
    %dma_wait3A_350 = arith.constant 0 : i32
    %dma_wait3A_351 = tpu.memref_slice %arg5[%dma_wait3A_344, %dma_wait3A_350] : memref<50x128xi32, #tpu.memory_space<vmem>> -> memref<1x128xi32, #tpu.memory_space<vmem>>
    %dma_wait3A_352 = tpu.memref_squeeze %dma_wait3A_351 : memref<1x128xi32, #tpu.memory_space<vmem>> -> memref<128xi32, #tpu.memory_space<vmem>>
    %dma_wait3A_353 = arith.constant 0 : i32
    %dma_wait3A_354 = arith.constant 0 : i32
    %dma_wait3A_355 = tpu.memref_slice %arg3[%dma_wait3A_353, %dma_wait3A_354] : memref<100000x64xf32, #tpu.memory_space<hbm>> -> memref<100000x64xf32, #tpu.memory_space<hbm>>
    tpu.wait_indirect_dma semaphore(%arg9 : memref<!tpu.dma_semaphore, #tpu.memory_space<semaphore_mem>>) src(%dma_wait3A_355 : memref<100000x64xf32, #tpu.memory_space<hbm>>) dst(%dma_wait3A_349 : memref<128x64xf32, #tpu.memory_space<vmem>>)
    %parallel_loop3A_356 = arith.constant 0 : i32
    %parallel_loop3A_357 = arith.constant 128 : i32
    %parallel_loop3A_358 = arith.constant 1 : i32
    scf.for %parallel_loop3A_950 = %parallel_loop3A_356 to %parallel_loop3A_357 step %parallel_loop3A_358  : i32 {
      %parallel_loop3A_951 = vector.broadcast %parallel_loop3A_950 : i32 to vector<16xi32>
      %parallel_loop3A_952 = arith.constant 1 : i32
      %parallel_loop3A_953 = arith.index_cast %parallel_loop3A_952 : i32 to index
      %parallel_loop3A_954 = arith.index_cast %parallel_loop3A_950 : i32 to index
      %parallel_loop3A_955 = arith.constant 0 : index
      %parallel_loop3A_956 = tpu.vector_load %arg6[%parallel_loop3A_953, %parallel_loop3A_954, %parallel_loop3A_955] {strides = array<i32>} : memref<5x128x64xf32, #tpu.memory_space<vmem>>, vector<16xf32>,
      tpu.vector_store_idx %arg7[%broadcast_in_dim3A_231, %select_n3A, %select_n3A_153, %parallel_loop3A_951], %parallel_loop3A_956 : memref<5x8x8x133xf32, #tpu.memory_space<vmem>>[vector<16xi32>, vector<16xi32>, vector<16xi32>, vector<16xi32>], vector<16xf32>,
      %parallel_loop3A_957 = arith.constant 1 : i32
      %parallel_loop3A_958 = arith.index_cast %parallel_loop3A_957 : i32 to index
      %parallel_loop3A_959 = arith.index_cast %parallel_loop3A_950 : i32 to index
      %parallel_loop3A_960 = arith.constant 16 : index
      %parallel_loop3A_961 = tpu.vector_load %arg6[%parallel_loop3A_958, %parallel_loop3A_959, %parallel_loop3A_960] {strides = array<i32>} : memref<5x128x64xf32, #tpu.memory_space<vmem>>, vector<16xf32>,
      tpu.vector_store_idx %arg7[%broadcast_in_dim3A_231, %select_n3A_62, %select_n3A_178, %parallel_loop3A_951], %parallel_loop3A_961 : memref<5x8x8x133xf32, #tpu.memory_space<vmem>>[vector<16xi32>, vector<16xi32>, vector<16xi32>, vector<16xi32>], vector<16xf32>,
      %parallel_loop3A_962 = arith.constant 1 : i32
      %parallel_loop3A_963 = arith.index_cast %parallel_loop3A_962 : i32 to index
      %parallel_loop3A_964 = arith.index_cast %parallel_loop3A_950 : i32 to index
      %parallel_loop3A_965 = arith.constant 32 : index
      %parallel_loop3A_966 = tpu.vector_load %arg6[%parallel_loop3A_963, %parallel_loop3A_964, %parallel_loop3A_965] {strides = array<i32>} : memref<5x128x64xf32, #tpu.memory_space<vmem>>, vector<16xf32>,
      tpu.vector_store_idx %arg7[%broadcast_in_dim3A_231, %select_n3A_96, %select_n3A_203, %parallel_loop3A_951], %parallel_loop3A_966 : memref<5x8x8x133xf32, #tpu.memory_space<vmem>>[vector<16xi32>, vector<16xi32>, vector<16xi32>, vector<16xi32>], vector<16xf32>,
      %parallel_loop3A_967 = arith.constant 1 : i32
      %parallel_loop3A_968 = arith.index_cast %parallel_loop3A_967 : i32 to index
      %parallel_loop3A_969 = arith.index_cast %parallel_loop3A_950 : i32 to index
      %parallel_loop3A_970 = arith.constant 48 : index
      %parallel_loop3A_971 = tpu.vector_load %arg6[%parallel_loop3A_968, %parallel_loop3A_969, %parallel_loop3A_970] {strides = array<i32>} : memref<5x128x64xf32, #tpu.memory_space<vmem>>, vector<16xf32>,
      tpu.vector_store_idx %arg7[%broadcast_in_dim3A_231, %select_n3A_130, %select_n3A_228, %parallel_loop3A_951], %parallel_loop3A_971 : memref<5x8x8x133xf32, #tpu.memory_space<vmem>>[vector<16xi32>, vector<16xi32>, vector<16xi32>, vector<16xi32>], vector<16xf32>,
    } {sc.loop_unroll_factor = 4 : i64, sc.parallel_access}
    %dma_start3A_359 = arith.constant 1 : i32
    %dma_start3A_360 = arith.constant 1 : i32
    %dma_start3A_361 = arith.constant 0 : i32
    %dma_start3A_362 = arith.constant 0 : i32
    %dma_start3A_363 = arith.constant 0 : i32
    %dma_start3A_364 = tpu.memref_slice %arg7[%dma_start3A_359, %dma_start3A_361, %dma_start3A_362, %dma_start3A_363] : memref<5x8x8x133xf32, #tpu.memory_space<vmem>> -> memref<1x8x8x128xf32, #tpu.memory_space<vmem>>
    %dma_start3A_365 = tpu.memref_squeeze %dma_start3A_364 : memref<1x8x8x128xf32, #tpu.memory_space<vmem>> -> memref<8x8x128xf32, #tpu.memory_space<vmem>>
    %dma_start3A_366 = arith.constant 0 : i32
    %dma_start3A_367 = arith.constant 0 : i32
    %dma_start3A_368 = arith.constant 0 : i32
    %dma_start3A_369 = tpu.memref_slice %arg4[%dma_start3A_360, %dma_start3A_366, %add3A, %dma_start3A_367, %dma_start3A_368] : memref<50x8x32x8x128xf32, #tpu.memory_space<hbm>> -> memref<1x8x1x8x128xf32, #tpu.memory_space<hbm>>
    %dma_start3A_370 = tpu.memref_squeeze %dma_start3A_369 : memref<1x8x1x8x128xf32, #tpu.memory_space<hbm>> -> memref<8x8x128xf32, #tpu.memory_space<hbm>>
    %dma_start3A_371 = arith.constant 0 : i32
    %dma_start3A_372 = arith.constant 0 : i32
    %dma_start3A_373 = arith.constant 0 : i32
    %dma_start3A_374 = tpu.memref_slice %arg4[%dma_start3A_360, %dma_start3A_371, %add3A, %dma_start3A_372, %dma_start3A_373] : memref<50x8x32x8x128xf32, #tpu.memory_space<hbm>> -> memref<1x8x1x8x128xf32, #tpu.memory_space<hbm>>
    %dma_start3A_375 = tpu.memref_squeeze %dma_start3A_374 : memref<1x8x1x8x128xf32, #tpu.memory_space<hbm>> -> memref<8x8x128xf32, #tpu.memory_space<hbm>>
    %dma_start3A_376 = arith.constant 0 : i32
    %dma_start3A_377 = arith.constant 0 : i32
    %dma_start3A_378 = arith.constant 0 : i32
    %dma_start3A_379 = tpu.memref_slice %arg7[%dma_start3A_359, %dma_start3A_376, %dma_start3A_377, %dma_start3A_378] : memref<5x8x8x133xf32, #tpu.memory_space<vmem>> -> memref<1x8x8x128xf32, #tpu.memory_space<vmem>>
    %dma_start3A_380 = tpu.memref_squeeze %dma_start3A_379 : memref<1x8x8x128xf32, #tpu.memory_space<vmem>> -> memref<8x8x128xf32, #tpu.memory_space<vmem>>
    tpu.enqueue_dma source(%dma_start3A_380 : memref<8x8x128xf32, #tpu.memory_space<vmem>>) target(%dma_start3A_375 : memref<8x8x128xf32, #tpu.memory_space<hbm>>) target_semaphore(%arg14 : memref<!tpu.dma_semaphore, #tpu.memory_space<semaphore_mem>>)
    %dma_start3A_381 = arith.constant 6 : i32
    %dma_start3A_382 = arith.constant 1 : i32
    %dma_start3A_383 = arith.constant 0 : i32
    %dma_start3A_384 = arith.constant 0 : i32
    %dma_start3A_385 = tpu.memref_slice %arg6[%dma_start3A_382, %dma_start3A_383, %dma_start3A_384] : memref<5x128x64xf32, #tpu.memory_space<vmem>> -> memref<1x128x64xf32, #tpu.memory_space<vmem>>
    %dma_start3A_386 = tpu.memref_squeeze %dma_start3A_385 : memref<1x128x64xf32, #tpu.memory_space<vmem>> -> memref<128x64xf32, #tpu.memory_space<vmem>>
    %dma_start3A_387 = arith.constant 0 : i32
    %dma_start3A_388 = tpu.memref_slice %arg5[%dma_start3A_381, %dma_start3A_387] : memref<50x128xi32, #tpu.memory_space<vmem>> -> memref<1x128xi32, #tpu.memory_space<vmem>>
    %dma_start3A_389 = tpu.memref_squeeze %dma_start3A_388 : memref<1x128xi32, #tpu.memory_space<vmem>> -> memref<128xi32, #tpu.memory_space<vmem>>
    %dma_start3A_390 = arith.constant 0 : i32
    %dma_start3A_391 = arith.constant 0 : i32
    %dma_start3A_392 = tpu.memref_slice %arg3[%dma_start3A_390, %dma_start3A_391] : memref<100000x64xf32, #tpu.memory_space<hbm>> -> memref<100000x64xf32, #tpu.memory_space<hbm>>
    tpu.enqueue_indirect_dma source(%dma_start3A_392 : memref<100000x64xf32, #tpu.memory_space<hbm>>) target(%dma_start3A_386 : memref<128x64xf32, #tpu.memory_space<vmem>>) offsets(%dma_start3A_389 : memref<128xi32, #tpu.memory_space<vmem>>) semaphore(%arg9 : memref<!tpu.dma_semaphore, #tpu.memory_space<semaphore_mem>>)
    %dma_wait3A_393 = arith.constant 2 : i32
    %dma_wait3A_394 = arith.constant 2 : i32
    %dma_wait3A_395 = arith.constant 0 : i32
    %dma_wait3A_396 = arith.constant 0 : i32
    %dma_wait3A_397 = tpu.memref_slice %arg6[%dma_wait3A_394, %dma_wait3A_395, %dma_wait3A_396] : memref<5x128x64xf32, #tpu.memory_space<vmem>> -> memref<1x128x64xf32, #tpu.memory_space<vmem>>
    %dma_wait3A_398 = tpu.memref_squeeze %dma_wait3A_397 : memref<1x128x64xf32, #tpu.memory_space<vmem>> -> memref<128x64xf32, #tpu.memory_space<vmem>>
    %dma_wait3A_399 = arith.constant 0 : i32
    %dma_wait3A_400 = tpu.memref_slice %arg5[%dma_wait3A_393, %dma_wait3A_399] : memref<50x128xi32, #tpu.memory_space<vmem>> -> memref<1x128xi32, #tpu.memory_space<vmem>>
    %dma_wait3A_401 = tpu.memref_squeeze %dma_wait3A_400 : memref<1x128xi32, #tpu.memory_space<vmem>> -> memref<128xi32, #tpu.memory_space<vmem>>
    %dma_wait3A_402 = arith.constant 0 : i32
    %dma_wait3A_403 = arith.constant 0 : i32
    %dma_wait3A_404 = tpu.memref_slice %arg3[%dma_wait3A_402, %dma_wait3A_403] : memref<100000x64xf32, #tpu.memory_space<hbm>> -> memref<100000x64xf32, #tpu.memory_space<hbm>>
    tpu.wait_indirect_dma semaphore(%arg10 : memref<!tpu.dma_semaphore, #tpu.memory_space<semaphore_mem>>) src(%dma_wait3A_404 : memref<100000x64xf32, #tpu.memory_space<hbm>>) dst(%dma_wait3A_398 : memref<128x64xf32, #tpu.memory_space<vmem>>)
    %parallel_loop3A_405 = arith.constant 0 : i32
    %parallel_loop3A_406 = arith.constant 128 : i32
    %parallel_loop3A_407 = arith.constant 1 : i32
    scf.for %parallel_loop3A_950 = %parallel_loop3A_405 to %parallel_loop3A_406 step %parallel_loop3A_407  : i32 {
      %parallel_loop3A_951 = vector.broadcast %parallel_loop3A_950 : i32 to vector<16xi32>
      %parallel_loop3A_952 = arith.constant 2 : i32
      %parallel_loop3A_953 = arith.index_cast %parallel_loop3A_952 : i32 to index
      %parallel_loop3A_954 = arith.index_cast %parallel_loop3A_950 : i32 to index
      %parallel_loop3A_955 = arith.constant 0 : index
      %parallel_loop3A_956 = tpu.vector_load %arg6[%parallel_loop3A_953, %parallel_loop3A_954, %parallel_loop3A_955] {strides = array<i32>} : memref<5x128x64xf32, #tpu.memory_space<vmem>>, vector<16xf32>,
      tpu.vector_store_idx %arg7[%broadcast_in_dim3A_233, %select_n3A, %select_n3A_153, %parallel_loop3A_951], %parallel_loop3A_956 : memref<5x8x8x133xf32, #tpu.memory_space<vmem>>[vector<16xi32>, vector<16xi32>, vector<16xi32>, vector<16xi32>], vector<16xf32>,
      %parallel_loop3A_957 = arith.constant 2 : i32
      %parallel_loop3A_958 = arith.index_cast %parallel_loop3A_957 : i32 to index
      %parallel_loop3A_959 = arith.index_cast %parallel_loop3A_950 : i32 to index
      %parallel_loop3A_960 = arith.constant 16 : index
      %parallel_loop3A_961 = tpu.vector_load %arg6[%parallel_loop3A_958, %parallel_loop3A_959, %parallel_loop3A_960] {strides = array<i32>} : memref<5x128x64xf32, #tpu.memory_space<vmem>>, vector<16xf32>,
      tpu.vector_store_idx %arg7[%broadcast_in_dim3A_233, %select_n3A_62, %select_n3A_178, %parallel_loop3A_951], %parallel_loop3A_961 : memref<5x8x8x133xf32, #tpu.memory_space<vmem>>[vector<16xi32>, vector<16xi32>, vector<16xi32>, vector<16xi32>], vector<16xf32>,
      %parallel_loop3A_962 = arith.constant 2 : i32
      %parallel_loop3A_963 = arith.index_cast %parallel_loop3A_962 : i32 to index
      %parallel_loop3A_964 = arith.index_cast %parallel_loop3A_950 : i32 to index
      %parallel_loop3A_965 = arith.constant 32 : index
      %parallel_loop3A_966 = tpu.vector_load %arg6[%parallel_loop3A_963, %parallel_loop3A_964, %parallel_loop3A_965] {strides = array<i32>} : memref<5x128x64xf32, #tpu.memory_space<vmem>>, vector<16xf32>,
      tpu.vector_store_idx %arg7[%broadcast_in_dim3A_233, %select_n3A_96, %select_n3A_203, %parallel_loop3A_951], %parallel_loop3A_966 : memref<5x8x8x133xf32, #tpu.memory_space<vmem>>[vector<16xi32>, vector<16xi32>, vector<16xi32>, vector<16xi32>], vector<16xf32>,
      %parallel_loop3A_967 = arith.constant 2 : i32
      %parallel_loop3A_968 = arith.index_cast %parallel_loop3A_967 : i32 to index
      %parallel_loop3A_969 = arith.index_cast %parallel_loop3A_950 : i32 to index
      %parallel_loop3A_970 = arith.constant 48 : index
      %parallel_loop3A_971 = tpu.vector_load %arg6[%parallel_loop3A_968, %parallel_loop3A_969, %parallel_loop3A_970] {strides = array<i32>} : memref<5x128x64xf32, #tpu.memory_space<vmem>>, vector<16xf32>,
      tpu.vector_store_idx %arg7[%broadcast_in_dim3A_233, %select_n3A_130, %select_n3A_228, %parallel_loop3A_951], %parallel_loop3A_971 : memref<5x8x8x133xf32, #tpu.memory_space<vmem>>[vector<16xi32>, vector<16xi32>, vector<16xi32>, vector<16xi32>], vector<16xf32>,
    } {sc.loop_unroll_factor = 4 : i64, sc.parallel_access}
    %dma_start3A_408 = arith.constant 2 : i32
    %dma_start3A_409 = arith.constant 2 : i32
    %dma_start3A_410 = arith.constant 0 : i32
    %dma_start3A_411 = arith.constant 0 : i32
    %dma_start3A_412 = arith.constant 0 : i32
    %dma_start3A_413 = tpu.memref_slice %arg7[%dma_start3A_408, %dma_start3A_410, %dma_start3A_411, %dma_start3A_412] : memref<5x8x8x133xf32, #tpu.memory_space<vmem>> -> memref<1x8x8x128xf32, #tpu.memory_space<vmem>>
    %dma_start3A_414 = tpu.memref_squeeze %dma_start3A_413 : memref<1x8x8x128xf32, #tpu.memory_space<vmem>> -> memref<8x8x128xf32, #tpu.memory_space<vmem>>
    %dma_start3A_415 = arith.constant 0 : i32
    %dma_start3A_416 = arith.constant 0 : i32
    %dma_start3A_417 = arith.constant 0 : i32
    %dma_start3A_418 = tpu.memref_slice %arg4[%dma_start3A_409, %dma_start3A_415, %add3A, %dma_start3A_416, %dma_start3A_417] : memref<50x8x32x8x128xf32, #tpu.memory_space<hbm>> -> memref<1x8x1x8x128xf32, #tpu.memory_space<hbm>>
    %dma_start3A_419 = tpu.memref_squeeze %dma_start3A_418 : memref<1x8x1x8x128xf32, #tpu.memory_space<hbm>> -> memref<8x8x128xf32, #tpu.memory_space<hbm>>
    %dma_start3A_420 = arith.constant 0 : i32
    %dma_start3A_421 = arith.constant 0 : i32
    %dma_start3A_422 = arith.constant 0 : i32
    %dma_start3A_423 = tpu.memref_slice %arg4[%dma_start3A_409, %dma_start3A_420, %add3A, %dma_start3A_421, %dma_start3A_422] : memref<50x8x32x8x128xf32, #tpu.memory_space<hbm>> -> memref<1x8x1x8x128xf32, #tpu.memory_space<hbm>>
    %dma_start3A_424 = tpu.memref_squeeze %dma_start3A_423 : memref<1x8x1x8x128xf32, #tpu.memory_space<hbm>> -> memref<8x8x128xf32, #tpu.memory_space<hbm>>
    %dma_start3A_425 = arith.constant 0 : i32
    %dma_start3A_426 = arith.constant 0 : i32
    %dma_start3A_427 = arith.constant 0 : i32
    %dma_start3A_428 = tpu.memref_slice %arg7[%dma_start3A_408, %dma_start3A_425, %dma_start3A_426, %dma_start3A_427] : memref<5x8x8x133xf32, #tpu.memory_space<vmem>> -> memref<1x8x8x128xf32, #tpu.memory_space<vmem>>
    %dma_start3A_429 = tpu.memref_squeeze %dma_start3A_428 : memref<1x8x8x128xf32, #tpu.memory_space<vmem>> -> memref<8x8x128xf32, #tpu.memory_space<vmem>>
    tpu.enqueue_dma source(%dma_start3A_429 : memref<8x8x128xf32, #tpu.memory_space<vmem>>) target(%dma_start3A_424 : memref<8x8x128xf32, #tpu.memory_space<hbm>>) target_semaphore(%arg15 : memref<!tpu.dma_semaphore, #tpu.memory_space<semaphore_mem>>)
    %dma_start3A_430 = arith.constant 7 : i32
    %dma_start3A_431 = arith.constant 2 : i32
    %dma_start3A_432 = arith.constant 0 : i32
    %dma_start3A_433 = arith.constant 0 : i32
    %dma_start3A_434 = tpu.memref_slice %arg6[%dma_start3A_431, %dma_start3A_432, %dma_start3A_433] : memref<5x128x64xf32, #tpu.memory_space<vmem>> -> memref<1x128x64xf32, #tpu.memory_space<vmem>>
    %dma_start3A_435 = tpu.memref_squeeze %dma_start3A_434 : memref<1x128x64xf32, #tpu.memory_space<vmem>> -> memref<128x64xf32, #tpu.memory_space<vmem>>
    %dma_start3A_436 = arith.constant 0 : i32
    %dma_start3A_437 = tpu.memref_slice %arg5[%dma_start3A_430, %dma_start3A_436] : memref<50x128xi32, #tpu.memory_space<vmem>> -> memref<1x128xi32, #tpu.memory_space<vmem>>
    %dma_start3A_438 = tpu.memref_squeeze %dma_start3A_437 : memref<1x128xi32, #tpu.memory_space<vmem>> -> memref<128xi32, #tpu.memory_space<vmem>>
    %dma_start3A_439 = arith.constant 0 : i32
    %dma_start3A_440 = arith.constant 0 : i32
    %dma_start3A_441 = tpu.memref_slice %arg3[%dma_start3A_439, %dma_start3A_440] : memref<100000x64xf32, #tpu.memory_space<hbm>> -> memref<100000x64xf32, #tpu.memory_space<hbm>>
    tpu.enqueue_indirect_dma source(%dma_start3A_441 : memref<100000x64xf32, #tpu.memory_space<hbm>>) target(%dma_start3A_435 : memref<128x64xf32, #tpu.memory_space<vmem>>) offsets(%dma_start3A_438 : memref<128xi32, #tpu.memory_space<vmem>>) semaphore(%arg10 : memref<!tpu.dma_semaphore, #tpu.memory_space<semaphore_mem>>)
    %dma_wait3A_442 = arith.constant 3 : i32
    %dma_wait3A_443 = arith.constant 3 : i32
    %dma_wait3A_444 = arith.constant 0 : i32
    %dma_wait3A_445 = arith.constant 0 : i32
    %dma_wait3A_446 = tpu.memref_slice %arg6[%dma_wait3A_443, %dma_wait3A_444, %dma_wait3A_445] : memref<5x128x64xf32, #tpu.memory_space<vmem>> -> memref<1x128x64xf32, #tpu.memory_space<vmem>>
    %dma_wait3A_447 = tpu.memref_squeeze %dma_wait3A_446 : memref<1x128x64xf32, #tpu.memory_space<vmem>> -> memref<128x64xf32, #tpu.memory_space<vmem>>
    %dma_wait3A_448 = arith.constant 0 : i32
    %dma_wait3A_449 = tpu.memref_slice %arg5[%dma_wait3A_442, %dma_wait3A_448] : memref<50x128xi32, #tpu.memory_space<vmem>> -> memref<1x128xi32, #tpu.memory_space<vmem>>
    %dma_wait3A_450 = tpu.memref_squeeze %dma_wait3A_449 : memref<1x128xi32, #tpu.memory_space<vmem>> -> memref<128xi32, #tpu.memory_space<vmem>>
    %dma_wait3A_451 = arith.constant 0 : i32
    %dma_wait3A_452 = arith.constant 0 : i32
    %dma_wait3A_453 = tpu.memref_slice %arg3[%dma_wait3A_451, %dma_wait3A_452] : memref<100000x64xf32, #tpu.memory_space<hbm>> -> memref<100000x64xf32, #tpu.memory_space<hbm>>
    tpu.wait_indirect_dma semaphore(%arg11 : memref<!tpu.dma_semaphore, #tpu.memory_space<semaphore_mem>>) src(%dma_wait3A_453 : memref<100000x64xf32, #tpu.memory_space<hbm>>) dst(%dma_wait3A_447 : memref<128x64xf32, #tpu.memory_space<vmem>>)
    %parallel_loop3A_454 = arith.constant 0 : i32
    %parallel_loop3A_455 = arith.constant 128 : i32
    %parallel_loop3A_456 = arith.constant 1 : i32
    scf.for %parallel_loop3A_950 = %parallel_loop3A_454 to %parallel_loop3A_455 step %parallel_loop3A_456  : i32 {
      %parallel_loop3A_951 = vector.broadcast %parallel_loop3A_950 : i32 to vector<16xi32>
      %parallel_loop3A_952 = arith.constant 3 : i32
      %parallel_loop3A_953 = arith.index_cast %parallel_loop3A_952 : i32 to index
      %parallel_loop3A_954 = arith.index_cast %parallel_loop3A_950 : i32 to index
      %parallel_loop3A_955 = arith.constant 0 : index
      %parallel_loop3A_956 = tpu.vector_load %arg6[%parallel_loop3A_953, %parallel_loop3A_954, %parallel_loop3A_955] {strides = array<i32>} : memref<5x128x64xf32, #tpu.memory_space<vmem>>, vector<16xf32>,
      tpu.vector_store_idx %arg7[%broadcast_in_dim3A_235, %select_n3A, %select_n3A_153, %parallel_loop3A_951], %parallel_loop3A_956 : memref<5x8x8x133xf32, #tpu.memory_space<vmem>>[vector<16xi32>, vector<16xi32>, vector<16xi32>, vector<16xi32>], vector<16xf32>,
      %parallel_loop3A_957 = arith.constant 3 : i32
      %parallel_loop3A_958 = arith.index_cast %parallel_loop3A_957 : i32 to index
      %parallel_loop3A_959 = arith.index_cast %parallel_loop3A_950 : i32 to index
      %parallel_loop3A_960 = arith.constant 16 : index
      %parallel_loop3A_961 = tpu.vector_load %arg6[%parallel_loop3A_958, %parallel_loop3A_959, %parallel_loop3A_960] {strides = array<i32>} : memref<5x128x64xf32, #tpu.memory_space<vmem>>, vector<16xf32>,
      tpu.vector_store_idx %arg7[%broadcast_in_dim3A_235, %select_n3A_62, %select_n3A_178, %parallel_loop3A_951], %parallel_loop3A_961 : memref<5x8x8x133xf32, #tpu.memory_space<vmem>>[vector<16xi32>, vector<16xi32>, vector<16xi32>, vector<16xi32>], vector<16xf32>,
      %parallel_loop3A_962 = arith.constant 3 : i32
      %parallel_loop3A_963 = arith.index_cast %parallel_loop3A_962 : i32 to index
      %parallel_loop3A_964 = arith.index_cast %parallel_loop3A_950 : i32 to index
      %parallel_loop3A_965 = arith.constant 32 : index
      %parallel_loop3A_966 = tpu.vector_load %arg6[%parallel_loop3A_963, %parallel_loop3A_964, %parallel_loop3A_965] {strides = array<i32>} : memref<5x128x64xf32, #tpu.memory_space<vmem>>, vector<16xf32>,
      tpu.vector_store_idx %arg7[%broadcast_in_dim3A_235, %select_n3A_96, %select_n3A_203, %parallel_loop3A_951], %parallel_loop3A_966 : memref<5x8x8x133xf32, #tpu.memory_space<vmem>>[vector<16xi32>, vector<16xi32>, vector<16xi32>, vector<16xi32>], vector<16xf32>,
      %parallel_loop3A_967 = arith.constant 3 : i32
      %parallel_loop3A_968 = arith.index_cast %parallel_loop3A_967 : i32 to index
      %parallel_loop3A_969 = arith.index_cast %parallel_loop3A_950 : i32 to index
      %parallel_loop3A_970 = arith.constant 48 : index
      %parallel_loop3A_971 = tpu.vector_load %arg6[%parallel_loop3A_968, %parallel_loop3A_969, %parallel_loop3A_970] {strides = array<i32>} : memref<5x128x64xf32, #tpu.memory_space<vmem>>, vector<16xf32>,
      tpu.vector_store_idx %arg7[%broadcast_in_dim3A_235, %select_n3A_130, %select_n3A_228, %parallel_loop3A_951], %parallel_loop3A_971 : memref<5x8x8x133xf32, #tpu.memory_space<vmem>>[vector<16xi32>, vector<16xi32>, vector<16xi32>, vector<16xi32>], vector<16xf32>,
    } {sc.loop_unroll_factor = 4 : i64, sc.parallel_access}
    %dma_start3A_457 = arith.constant 3 : i32
    %dma_start3A_458 = arith.constant 3 : i32
    %dma_start3A_459 = arith.constant 0 : i32
    %dma_start3A_460 = arith.constant 0 : i32
    %dma_start3A_461 = arith.constant 0 : i32
    %dma_start3A_462 = tpu.memref_slice %arg7[%dma_start3A_457, %dma_start3A_459, %dma_start3A_460, %dma_start3A_461] : memref<5x8x8x133xf32, #tpu.memory_space<vmem>> -> memref<1x8x8x128xf32, #tpu.memory_space<vmem>>
    %dma_start3A_463 = tpu.memref_squeeze %dma_start3A_462 : memref<1x8x8x128xf32, #tpu.memory_space<vmem>> -> memref<8x8x128xf32, #tpu.memory_space<vmem>>
    %dma_start3A_464 = arith.constant 0 : i32
    %dma_start3A_465 = arith.constant 0 : i32
    %dma_start3A_466 = arith.constant 0 : i32
    %dma_start3A_467 = tpu.memref_slice %arg4[%dma_start3A_458, %dma_start3A_464, %add3A, %dma_start3A_465, %dma_start3A_466] : memref<50x8x32x8x128xf32, #tpu.memory_space<hbm>> -> memref<1x8x1x8x128xf32, #tpu.memory_space<hbm>>
    %dma_start3A_468 = tpu.memref_squeeze %dma_start3A_467 : memref<1x8x1x8x128xf32, #tpu.memory_space<hbm>> -> memref<8x8x128xf32, #tpu.memory_space<hbm>>
    %dma_start3A_469 = arith.constant 0 : i32
    %dma_start3A_470 = arith.constant 0 : i32
    %dma_start3A_471 = arith.constant 0 : i32
    %dma_start3A_472 = tpu.memref_slice %arg4[%dma_start3A_458, %dma_start3A_469, %add3A, %dma_start3A_470, %dma_start3A_471] : memref<50x8x32x8x128xf32, #tpu.memory_space<hbm>> -> memref<1x8x1x8x128xf32, #tpu.memory_space<hbm>>
    %dma_start3A_473 = tpu.memref_squeeze %dma_start3A_472 : memref<1x8x1x8x128xf32, #tpu.memory_space<hbm>> -> memref<8x8x128xf32, #tpu.memory_space<hbm>>
    %dma_start3A_474 = arith.constant 0 : i32
    %dma_start3A_475 = arith.constant 0 : i32
    %dma_start3A_476 = arith.constant 0 : i32
    %dma_start3A_477 = tpu.memref_slice %arg7[%dma_start3A_457, %dma_start3A_474, %dma_start3A_475, %dma_start3A_476] : memref<5x8x8x133xf32, #tpu.memory_space<vmem>> -> memref<1x8x8x128xf32, #tpu.memory_space<vmem>>
    %dma_start3A_478 = tpu.memref_squeeze %dma_start3A_477 : memref<1x8x8x128xf32, #tpu.memory_space<vmem>> -> memref<8x8x128xf32, #tpu.memory_space<vmem>>
    tpu.enqueue_dma source(%dma_start3A_478 : memref<8x8x128xf32, #tpu.memory_space<vmem>>) target(%dma_start3A_473 : memref<8x8x128xf32, #tpu.memory_space<hbm>>) target_semaphore(%arg16 : memref<!tpu.dma_semaphore, #tpu.memory_space<semaphore_mem>>)
    %dma_start3A_479 = arith.constant 8 : i32
    %dma_start3A_480 = arith.constant 3 : i32
    %dma_start3A_481 = arith.constant 0 : i32
    %dma_start3A_482 = arith.constant 0 : i32
    %dma_start3A_483 = tpu.memref_slice %arg6[%dma_start3A_480, %dma_start3A_481, %dma_start3A_482] : memref<5x128x64xf32, #tpu.memory_space<vmem>> -> memref<1x128x64xf32, #tpu.memory_space<vmem>>
    %dma_start3A_484 = tpu.memref_squeeze %dma_start3A_483 : memref<1x128x64xf32, #tpu.memory_space<vmem>> -> memref<128x64xf32, #tpu.memory_space<vmem>>
    %dma_start3A_485 = arith.constant 0 : i32
    %dma_start3A_486 = tpu.memref_slice %arg5[%dma_start3A_479, %dma_start3A_485] : memref<50x128xi32, #tpu.memory_space<vmem>> -> memref<1x128xi32, #tpu.memory_space<vmem>>
    %dma_start3A_487 = tpu.memref_squeeze %dma_start3A_486 : memref<1x128xi32, #tpu.memory_space<vmem>> -> memref<128xi32, #tpu.memory_space<vmem>>
    %dma_start3A_488 = arith.constant 0 : i32
    %dma_start3A_489 = arith.constant 0 : i32
    %dma_start3A_490 = tpu.memref_slice %arg3[%dma_start3A_488, %dma_start3A_489] : memref<100000x64xf32, #tpu.memory_space<hbm>> -> memref<100000x64xf32, #tpu.memory_space<hbm>>
    tpu.enqueue_indirect_dma source(%dma_start3A_490 : memref<100000x64xf32, #tpu.memory_space<hbm>>) target(%dma_start3A_484 : memref<128x64xf32, #tpu.memory_space<vmem>>) offsets(%dma_start3A_487 : memref<128xi32, #tpu.memory_space<vmem>>) semaphore(%arg11 : memref<!tpu.dma_semaphore, #tpu.memory_space<semaphore_mem>>)
    %dma_wait3A_491 = arith.constant 4 : i32
    %dma_wait3A_492 = arith.constant 4 : i32
    %dma_wait3A_493 = arith.constant 0 : i32
    %dma_wait3A_494 = arith.constant 0 : i32
    %dma_wait3A_495 = tpu.memref_slice %arg6[%dma_wait3A_492, %dma_wait3A_493, %dma_wait3A_494] : memref<5x128x64xf32, #tpu.memory_space<vmem>> -> memref<1x128x64xf32, #tpu.memory_space<vmem>>
    %dma_wait3A_496 = tpu.memref_squeeze %dma_wait3A_495 : memref<1x128x64xf32, #tpu.memory_space<vmem>> -> memref<128x64xf32, #tpu.memory_space<vmem>>
    %dma_wait3A_497 = arith.constant 0 : i32
    %dma_wait3A_498 = tpu.memref_slice %arg5[%dma_wait3A_491, %dma_wait3A_497] : memref<50x128xi32, #tpu.memory_space<vmem>> -> memref<1x128xi32, #tpu.memory_space<vmem>>
    %dma_wait3A_499 = tpu.memref_squeeze %dma_wait3A_498 : memref<1x128xi32, #tpu.memory_space<vmem>> -> memref<128xi32, #tpu.memory_space<vmem>>
    %dma_wait3A_500 = arith.constant 0 : i32
    %dma_wait3A_501 = arith.constant 0 : i32
    %dma_wait3A_502 = tpu.memref_slice %arg3[%dma_wait3A_500, %dma_wait3A_501] : memref<100000x64xf32, #tpu.memory_space<hbm>> -> memref<100000x64xf32, #tpu.memory_space<hbm>>
    tpu.wait_indirect_dma semaphore(%arg12 : memref<!tpu.dma_semaphore, #tpu.memory_space<semaphore_mem>>) src(%dma_wait3A_502 : memref<100000x64xf32, #tpu.memory_space<hbm>>) dst(%dma_wait3A_496 : memref<128x64xf32, #tpu.memory_space<vmem>>)
    %parallel_loop3A_503 = arith.constant 0 : i32
    %parallel_loop3A_504 = arith.constant 128 : i32
    %parallel_loop3A_505 = arith.constant 1 : i32
    scf.for %parallel_loop3A_950 = %parallel_loop3A_503 to %parallel_loop3A_504 step %parallel_loop3A_505  : i32 {
      %parallel_loop3A_951 = vector.broadcast %parallel_loop3A_950 : i32 to vector<16xi32>
      %parallel_loop3A_952 = arith.constant 4 : i32
      %parallel_loop3A_953 = arith.index_cast %parallel_loop3A_952 : i32 to index
      %parallel_loop3A_954 = arith.index_cast %parallel_loop3A_950 : i32 to index
      %parallel_loop3A_955 = arith.constant 0 : index
      %parallel_loop3A_956 = tpu.vector_load %arg6[%parallel_loop3A_953, %parallel_loop3A_954, %parallel_loop3A_955] {strides = array<i32>} : memref<5x128x64xf32, #tpu.memory_space<vmem>>, vector<16xf32>,
      tpu.vector_store_idx %arg7[%broadcast_in_dim3A_237, %select_n3A, %select_n3A_153, %parallel_loop3A_951], %parallel_loop3A_956 : memref<5x8x8x133xf32, #tpu.memory_space<vmem>>[vector<16xi32>, vector<16xi32>, vector<16xi32>, vector<16xi32>], vector<16xf32>,
      %parallel_loop3A_957 = arith.constant 4 : i32
      %parallel_loop3A_958 = arith.index_cast %parallel_loop3A_957 : i32 to index
      %parallel_loop3A_959 = arith.index_cast %parallel_loop3A_950 : i32 to index
      %parallel_loop3A_960 = arith.constant 16 : index
      %parallel_loop3A_961 = tpu.vector_load %arg6[%parallel_loop3A_958, %parallel_loop3A_959, %parallel_loop3A_960] {strides = array<i32>} : memref<5x128x64xf32, #tpu.memory_space<vmem>>, vector<16xf32>,
      tpu.vector_store_idx %arg7[%broadcast_in_dim3A_237, %select_n3A_62, %select_n3A_178, %parallel_loop3A_951], %parallel_loop3A_961 : memref<5x8x8x133xf32, #tpu.memory_space<vmem>>[vector<16xi32>, vector<16xi32>, vector<16xi32>, vector<16xi32>], vector<16xf32>,
      %parallel_loop3A_962 = arith.constant 4 : i32
      %parallel_loop3A_963 = arith.index_cast %parallel_loop3A_962 : i32 to index
      %parallel_loop3A_964 = arith.index_cast %parallel_loop3A_950 : i32 to index
      %parallel_loop3A_965 = arith.constant 32 : index
      %parallel_loop3A_966 = tpu.vector_load %arg6[%parallel_loop3A_963, %parallel_loop3A_964, %parallel_loop3A_965] {strides = array<i32>} : memref<5x128x64xf32, #tpu.memory_space<vmem>>, vector<16xf32>,
      tpu.vector_store_idx %arg7[%broadcast_in_dim3A_237, %select_n3A_96, %select_n3A_203, %parallel_loop3A_951], %parallel_loop3A_966 : memref<5x8x8x133xf32, #tpu.memory_space<vmem>>[vector<16xi32>, vector<16xi32>, vector<16xi32>, vector<16xi32>], vector<16xf32>,
      %parallel_loop3A_967 = arith.constant 4 : i32
      %parallel_loop3A_968 = arith.index_cast %parallel_loop3A_967 : i32 to index
      %parallel_loop3A_969 = arith.index_cast %parallel_loop3A_950 : i32 to index
      %parallel_loop3A_970 = arith.constant 48 : index
      %parallel_loop3A_971 = tpu.vector_load %arg6[%parallel_loop3A_968, %parallel_loop3A_969, %parallel_loop3A_970] {strides = array<i32>} : memref<5x128x64xf32, #tpu.memory_space<vmem>>, vector<16xf32>,
      tpu.vector_store_idx %arg7[%broadcast_in_dim3A_237, %select_n3A_130, %select_n3A_228, %parallel_loop3A_951], %parallel_loop3A_971 : memref<5x8x8x133xf32, #tpu.memory_space<vmem>>[vector<16xi32>, vector<16xi32>, vector<16xi32>, vector<16xi32>], vector<16xf32>,
    } {sc.loop_unroll_factor = 4 : i64, sc.parallel_access}
    %dma_start3A_506 = arith.constant 4 : i32
    %dma_start3A_507 = arith.constant 4 : i32
    %dma_start3A_508 = arith.constant 0 : i32
    %dma_start3A_509 = arith.constant 0 : i32
    %dma_start3A_510 = arith.constant 0 : i32
    %dma_start3A_511 = tpu.memref_slice %arg7[%dma_start3A_506, %dma_start3A_508, %dma_start3A_509, %dma_start3A_510] : memref<5x8x8x133xf32, #tpu.memory_space<vmem>> -> memref<1x8x8x128xf32, #tpu.memory_space<vmem>>
    %dma_start3A_512 = tpu.memref_squeeze %dma_start3A_511 : memref<1x8x8x128xf32, #tpu.memory_space<vmem>> -> memref<8x8x128xf32, #tpu.memory_space<vmem>>
    %dma_start3A_513 = arith.constant 0 : i32
    %dma_start3A_514 = arith.constant 0 : i32
    %dma_start3A_515 = arith.constant 0 : i32
    %dma_start3A_516 = tpu.memref_slice %arg4[%dma_start3A_507, %dma_start3A_513, %add3A, %dma_start3A_514, %dma_start3A_515] : memref<50x8x32x8x128xf32, #tpu.memory_space<hbm>> -> memref<1x8x1x8x128xf32, #tpu.memory_space<hbm>>
    %dma_start3A_517 = tpu.memref_squeeze %dma_start3A_516 : memref<1x8x1x8x128xf32, #tpu.memory_space<hbm>> -> memref<8x8x128xf32, #tpu.memory_space<hbm>>
    %dma_start3A_518 = arith.constant 0 : i32
    %dma_start3A_519 = arith.constant 0 : i32
    %dma_start3A_520 = arith.constant 0 : i32
    %dma_start3A_521 = tpu.memref_slice %arg4[%dma_start3A_507, %dma_start3A_518, %add3A, %dma_start3A_519, %dma_start3A_520] : memref<50x8x32x8x128xf32, #tpu.memory_space<hbm>> -> memref<1x8x1x8x128xf32, #tpu.memory_space<hbm>>
    %dma_start3A_522 = tpu.memref_squeeze %dma_start3A_521 : memref<1x8x1x8x128xf32, #tpu.memory_space<hbm>> -> memref<8x8x128xf32, #tpu.memory_space<hbm>>
    %dma_start3A_523 = arith.constant 0 : i32
    %dma_start3A_524 = arith.constant 0 : i32
    %dma_start3A_525 = arith.constant 0 : i32
    %dma_start3A_526 = tpu.memref_slice %arg7[%dma_start3A_506, %dma_start3A_523, %dma_start3A_524, %dma_start3A_525] : memref<5x8x8x133xf32, #tpu.memory_space<vmem>> -> memref<1x8x8x128xf32, #tpu.memory_space<vmem>>
    %dma_start3A_527 = tpu.memref_squeeze %dma_start3A_526 : memref<1x8x8x128xf32, #tpu.memory_space<vmem>> -> memref<8x8x128xf32, #tpu.memory_space<vmem>>
    tpu.enqueue_dma source(%dma_start3A_527 : memref<8x8x128xf32, #tpu.memory_space<vmem>>) target(%dma_start3A_522 : memref<8x8x128xf32, #tpu.memory_space<hbm>>) target_semaphore(%arg17 : memref<!tpu.dma_semaphore, #tpu.memory_space<semaphore_mem>>)
    %dma_start3A_528 = arith.constant 9 : i32
    %dma_start3A_529 = arith.constant 4 : i32
    %dma_start3A_530 = arith.constant 0 : i32
    %dma_start3A_531 = arith.constant 0 : i32
    %dma_start3A_532 = tpu.memref_slice %arg6[%dma_start3A_529, %dma_start3A_530, %dma_start3A_531] : memref<5x128x64xf32, #tpu.memory_space<vmem>> -> memref<1x128x64xf32, #tpu.memory_space<vmem>>
    %dma_start3A_533 = tpu.memref_squeeze %dma_start3A_532 : memref<1x128x64xf32, #tpu.memory_space<vmem>> -> memref<128x64xf32, #tpu.memory_space<vmem>>
    %dma_start3A_534 = arith.constant 0 : i32
    %dma_start3A_535 = tpu.memref_slice %arg5[%dma_start3A_528, %dma_start3A_534] : memref<50x128xi32, #tpu.memory_space<vmem>> -> memref<1x128xi32, #tpu.memory_space<vmem>>
    %dma_start3A_536 = tpu.memref_squeeze %dma_start3A_535 : memref<1x128xi32, #tpu.memory_space<vmem>> -> memref<128xi32, #tpu.memory_space<vmem>>
    %dma_start3A_537 = arith.constant 0 : i32
    %dma_start3A_538 = arith.constant 0 : i32
    %dma_start3A_539 = tpu.memref_slice %arg3[%dma_start3A_537, %dma_start3A_538] : memref<100000x64xf32, #tpu.memory_space<hbm>> -> memref<100000x64xf32, #tpu.memory_space<hbm>>
    tpu.enqueue_indirect_dma source(%dma_start3A_539 : memref<100000x64xf32, #tpu.memory_space<hbm>>) target(%dma_start3A_533 : memref<128x64xf32, #tpu.memory_space<vmem>>) offsets(%dma_start3A_536 : memref<128xi32, #tpu.memory_space<vmem>>) semaphore(%arg12 : memref<!tpu.dma_semaphore, #tpu.memory_space<semaphore_mem>>)
    %scan3A = arith.constant 0 : i32
    %scan3A_540 = arith.constant 1 : i32
    %scan3A_541 = arith.constant 8 : i32
    %scan3A_542 = arith.addi %scan3A_540, %scan3A_541 : i32
    %scan3A_543 = arith.constant 1 : i32
    scf.for %scan3A_950 = %scan3A_540 to %scan3A_542 step %scan3A_543  : i32 {
      %mul3A_951 = arith.constant 5 : i32
      %mul3A_952 = arith.muli %scan3A_950, %mul3A_951 : i32
      %add3A_953 = arith.constant 0 : i32
      %add3A_954 = arith.addi %mul3A_952, %add3A_953 : i32
      %dma_wait3A_955 = arith.constant 0 : i32
      %dma_wait3A_956 = arith.constant 0 : i32
      %dma_wait3A_957 = arith.constant 0 : i32
      %dma_wait3A_958 = tpu.memref_slice %arg6[%dma_wait3A_955, %dma_wait3A_956, %dma_wait3A_957] : memref<5x128x64xf32, #tpu.memory_space<vmem>> -> memref<1x128x64xf32, #tpu.memory_space<vmem>>
      %dma_wait3A_959 = tpu.memref_squeeze %dma_wait3A_958 : memref<1x128x64xf32, #tpu.memory_space<vmem>> -> memref<128x64xf32, #tpu.memory_space<vmem>>
      %dma_wait3A_960 = arith.constant 0 : i32
      %dma_wait3A_961 = tpu.memref_slice %arg5[%add3A_954, %dma_wait3A_960] : memref<50x128xi32, #tpu.memory_space<vmem>> -> memref<1x128xi32, #tpu.memory_space<vmem>>
      %dma_wait3A_962 = tpu.memref_squeeze %dma_wait3A_961 : memref<1x128xi32, #tpu.memory_space<vmem>> -> memref<128xi32, #tpu.memory_space<vmem>>
      %dma_wait3A_963 = arith.constant 0 : i32
      %dma_wait3A_964 = arith.constant 0 : i32
      %dma_wait3A_965 = tpu.memref_slice %arg3[%dma_wait3A_963, %dma_wait3A_964] : memref<100000x64xf32, #tpu.memory_space<hbm>> -> memref<100000x64xf32, #tpu.memory_space<hbm>>
      tpu.wait_indirect_dma semaphore(%arg8 : memref<!tpu.dma_semaphore, #tpu.memory_space<semaphore_mem>>) src(%dma_wait3A_965 : memref<100000x64xf32, #tpu.memory_space<hbm>>) dst(%dma_wait3A_959 : memref<128x64xf32, #tpu.memory_space<vmem>>)
      %sub3A_966 = arith.constant 5 : i32
      %sub3A_967 = arith.subi %add3A_954, %sub3A_966 : i32
      %dma_wait3A_968 = arith.constant 0 : i32
      %dma_wait3A_969 = arith.constant 0 : i32
      %dma_wait3A_970 = arith.constant 0 : i32
      %dma_wait3A_971 = arith.constant 0 : i32
      %dma_wait3A_972 = tpu.memref_slice %arg7[%dma_wait3A_968, %dma_wait3A_969, %dma_wait3A_970, %dma_wait3A_971] : memref<5x8x8x133xf32, #tpu.memory_space<vmem>> -> memref<1x8x8x128xf32, #tpu.memory_space<vmem>>
      %dma_wait3A_973 = tpu.memref_squeeze %dma_wait3A_972 : memref<1x8x8x128xf32, #tpu.memory_space<vmem>> -> memref<8x8x128xf32, #tpu.memory_space<vmem>>
      %dma_wait3A_974 = arith.constant 0 : i32
      %dma_wait3A_975 = arith.constant 0 : i32
      %dma_wait3A_976 = arith.constant 0 : i32
      %dma_wait3A_977 = tpu.memref_slice %arg4[%sub3A_967, %dma_wait3A_974, %add3A, %dma_wait3A_975, %dma_wait3A_976] : memref<50x8x32x8x128xf32, #tpu.memory_space<hbm>> -> memref<1x8x1x8x128xf32, #tpu.memory_space<hbm>>
      %dma_wait3A_978 = tpu.memref_squeeze %dma_wait3A_977 : memref<1x8x1x8x128xf32, #tpu.memory_space<hbm>> -> memref<8x8x128xf32, #tpu.memory_space<hbm>>
      %dma_wait3A_979 = arith.constant 0 : i32
      %dma_wait3A_980 = arith.constant 0 : i32
      %dma_wait3A_981 = arith.constant 0 : i32
      %dma_wait3A_982 = tpu.memref_slice %arg4[%sub3A_967, %dma_wait3A_979, %add3A, %dma_wait3A_980, %dma_wait3A_981] : memref<50x8x32x8x128xf32, #tpu.memory_space<hbm>> -> memref<1x8x1x8x128xf32, #tpu.memory_space<hbm>>
      %dma_wait3A_983 = tpu.memref_squeeze %dma_wait3A_982 : memref<1x8x1x8x128xf32, #tpu.memory_space<hbm>> -> memref<8x8x128xf32, #tpu.memory_space<hbm>>
      %dma_wait3A_984 = arith.constant 0 : i32
      %dma_wait3A_985 = arith.constant 0 : i32
      %dma_wait3A_986 = arith.constant 0 : i32
      %dma_wait3A_987 = tpu.memref_slice %arg7[%dma_wait3A_968, %dma_wait3A_984, %dma_wait3A_985, %dma_wait3A_986] : memref<5x8x8x133xf32, #tpu.memory_space<vmem>> -> memref<1x8x8x128xf32, #tpu.memory_space<vmem>>
      %dma_wait3A_988 = tpu.memref_squeeze %dma_wait3A_987 : memref<1x8x8x128xf32, #tpu.memory_space<vmem>> -> memref<8x8x128xf32, #tpu.memory_space<vmem>>
      tpu.wait_dma2 semaphore(%arg13 : memref<!tpu.dma_semaphore, #tpu.memory_space<semaphore_mem>>) src(%dma_wait3A_988 : memref<8x8x128xf32, #tpu.memory_space<vmem>>) dst(%dma_wait3A_983 : memref<8x8x128xf32, #tpu.memory_space<hbm>>)
      %parallel_loop3A_989 = arith.constant 0 : i32
      %parallel_loop3A_990 = arith.constant 128 : i32
      %parallel_loop3A_991 = arith.constant 1 : i32
      scf.for %parallel_loop3A_1318 = %parallel_loop3A_989 to %parallel_loop3A_990 step %parallel_loop3A_991  : i32 {
        %parallel_loop3A_1319 = vector.broadcast %parallel_loop3A_1318 : i32 to vector<16xi32>
        %parallel_loop3A_1320 = arith.constant 0 : i32
        %parallel_loop3A_1321 = arith.index_cast %parallel_loop3A_1320 : i32 to index
        %parallel_loop3A_1322 = arith.index_cast %parallel_loop3A_1318 : i32 to index
        %parallel_loop3A_1323 = arith.constant 0 : index
        %parallel_loop3A_1324 = tpu.vector_load %arg6[%parallel_loop3A_1321, %parallel_loop3A_1322, %parallel_loop3A_1323] {strides = array<i32>} : memref<5x128x64xf32, #tpu.memory_space<vmem>>, vector<16xf32>,
        tpu.vector_store_idx %arg7[%broadcast_in_dim3A_229, %select_n3A, %select_n3A_153, %parallel_loop3A_1319], %parallel_loop3A_1324 : memref<5x8x8x133xf32, #tpu.memory_space<vmem>>[vector<16xi32>, vector<16xi32>, vector<16xi32>, vector<16xi32>], vector<16xf32>,
        %parallel_loop3A_1325 = arith.constant 0 : i32
        %parallel_loop3A_1326 = arith.index_cast %parallel_loop3A_1325 : i32 to index
        %parallel_loop3A_1327 = arith.index_cast %parallel_loop3A_1318 : i32 to index
        %parallel_loop3A_1328 = arith.constant 16 : index
        %parallel_loop3A_1329 = tpu.vector_load %arg6[%parallel_loop3A_1326, %parallel_loop3A_1327, %parallel_loop3A_1328] {strides = array<i32>} : memref<5x128x64xf32, #tpu.memory_space<vmem>>, vector<16xf32>,
        tpu.vector_store_idx %arg7[%broadcast_in_dim3A_229, %select_n3A_62, %select_n3A_178, %parallel_loop3A_1319], %parallel_loop3A_1329 : memref<5x8x8x133xf32, #tpu.memory_space<vmem>>[vector<16xi32>, vector<16xi32>, vector<16xi32>, vector<16xi32>], vector<16xf32>,
        %parallel_loop3A_1330 = arith.constant 0 : i32
        %parallel_loop3A_1331 = arith.index_cast %parallel_loop3A_1330 : i32 to index
        %parallel_loop3A_1332 = arith.index_cast %parallel_loop3A_1318 : i32 to index
        %parallel_loop3A_1333 = arith.constant 32 : index
        %parallel_loop3A_1334 = tpu.vector_load %arg6[%parallel_loop3A_1331, %parallel_loop3A_1332, %parallel_loop3A_1333] {strides = array<i32>} : memref<5x128x64xf32, #tpu.memory_space<vmem>>, vector<16xf32>,
        tpu.vector_store_idx %arg7[%broadcast_in_dim3A_229, %select_n3A_96, %select_n3A_203, %parallel_loop3A_1319], %parallel_loop3A_1334 : memref<5x8x8x133xf32, #tpu.memory_space<vmem>>[vector<16xi32>, vector<16xi32>, vector<16xi32>, vector<16xi32>], vector<16xf32>,
        %parallel_loop3A_1335 = arith.constant 0 : i32
        %parallel_loop3A_1336 = arith.index_cast %parallel_loop3A_1335 : i32 to index
        %parallel_loop3A_1337 = arith.index_cast %parallel_loop3A_1318 : i32 to index
        %parallel_loop3A_1338 = arith.constant 48 : index
        %parallel_loop3A_1339 = tpu.vector_load %arg6[%parallel_loop3A_1336, %parallel_loop3A_1337, %parallel_loop3A_1338] {strides = array<i32>} : memref<5x128x64xf32, #tpu.memory_space<vmem>>, vector<16xf32>,
        tpu.vector_store_idx %arg7[%broadcast_in_dim3A_229, %select_n3A_130, %select_n3A_228, %parallel_loop3A_1319], %parallel_loop3A_1339 : memref<5x8x8x133xf32, #tpu.memory_space<vmem>>[vector<16xi32>, vector<16xi32>, vector<16xi32>, vector<16xi32>], vector<16xf32>,
      } {sc.loop_unroll_factor = 4 : i64, sc.parallel_access}
      %dma_start3A_992 = arith.constant 0 : i32
      %dma_start3A_993 = arith.constant 0 : i32
      %dma_start3A_994 = arith.constant 0 : i32
      %dma_start3A_995 = arith.constant 0 : i32
      %dma_start3A_996 = tpu.memref_slice %arg7[%dma_start3A_992, %dma_start3A_993, %dma_start3A_994, %dma_start3A_995] : memref<5x8x8x133xf32, #tpu.memory_space<vmem>> -> memref<1x8x8x128xf32, #tpu.memory_space<vmem>>
      %dma_start3A_997 = tpu.memref_squeeze %dma_start3A_996 : memref<1x8x8x128xf32, #tpu.memory_space<vmem>> -> memref<8x8x128xf32, #tpu.memory_space<vmem>>
      %dma_start3A_998 = arith.constant 0 : i32
      %dma_start3A_999 = arith.constant 0 : i32
      %dma_start3A_1000 = arith.constant 0 : i32
      %dma_start3A_1001 = tpu.memref_slice %arg4[%add3A_954, %dma_start3A_998, %add3A, %dma_start3A_999, %dma_start3A_1000] : memref<50x8x32x8x128xf32, #tpu.memory_space<hbm>> -> memref<1x8x1x8x128xf32, #tpu.memory_space<hbm>>
      %dma_start3A_1002 = tpu.memref_squeeze %dma_start3A_1001 : memref<1x8x1x8x128xf32, #tpu.memory_space<hbm>> -> memref<8x8x128xf32, #tpu.memory_space<hbm>>
      %dma_start3A_1003 = arith.constant 0 : i32
      %dma_start3A_1004 = arith.constant 0 : i32
      %dma_start3A_1005 = arith.constant 0 : i32
      %dma_start3A_1006 = tpu.memref_slice %arg4[%add3A_954, %dma_start3A_1003, %add3A, %dma_start3A_1004, %dma_start3A_1005] : memref<50x8x32x8x128xf32, #tpu.memory_space<hbm>> -> memref<1x8x1x8x128xf32, #tpu.memory_space<hbm>>
      %dma_start3A_1007 = tpu.memref_squeeze %dma_start3A_1006 : memref<1x8x1x8x128xf32, #tpu.memory_space<hbm>> -> memref<8x8x128xf32, #tpu.memory_space<hbm>>
      %dma_start3A_1008 = arith.constant 0 : i32
      %dma_start3A_1009 = arith.constant 0 : i32
      %dma_start3A_1010 = arith.constant 0 : i32
      %dma_start3A_1011 = tpu.memref_slice %arg7[%dma_start3A_992, %dma_start3A_1008, %dma_start3A_1009, %dma_start3A_1010] : memref<5x8x8x133xf32, #tpu.memory_space<vmem>> -> memref<1x8x8x128xf32, #tpu.memory_space<vmem>>
      %dma_start3A_1012 = tpu.memref_squeeze %dma_start3A_1011 : memref<1x8x8x128xf32, #tpu.memory_space<vmem>> -> memref<8x8x128xf32, #tpu.memory_space<vmem>>
      tpu.enqueue_dma source(%dma_start3A_1012 : memref<8x8x128xf32, #tpu.memory_space<vmem>>) target(%dma_start3A_1007 : memref<8x8x128xf32, #tpu.memory_space<hbm>>) target_semaphore(%arg13 : memref<!tpu.dma_semaphore, #tpu.memory_space<semaphore_mem>>)
      %add3A_1013 = arith.constant 5 : i32
      %add3A_1014 = arith.addi %add3A_954, %add3A_1013 : i32
      %dma_start3A_1015 = arith.constant 0 : i32
      %dma_start3A_1016 = arith.constant 0 : i32
      %dma_start3A_1017 = arith.constant 0 : i32
      %dma_start3A_1018 = tpu.memref_slice %arg6[%dma_start3A_1015, %dma_start3A_1016, %dma_start3A_1017] : memref<5x128x64xf32, #tpu.memory_space<vmem>> -> memref<1x128x64xf32, #tpu.memory_space<vmem>>
      %dma_start3A_1019 = tpu.memref_squeeze %dma_start3A_1018 : memref<1x128x64xf32, #tpu.memory_space<vmem>> -> memref<128x64xf32, #tpu.memory_space<vmem>>
      %dma_start3A_1020 = arith.constant 0 : i32
      %dma_start3A_1021 = tpu.memref_slice %arg5[%add3A_1014, %dma_start3A_1020] : memref<50x128xi32, #tpu.memory_space<vmem>> -> memref<1x128xi32, #tpu.memory_space<vmem>>
      %dma_start3A_1022 = tpu.memref_squeeze %dma_start3A_1021 : memref<1x128xi32, #tpu.memory_space<vmem>> -> memref<128xi32, #tpu.memory_space<vmem>>
      %dma_start3A_1023 = arith.constant 0 : i32
      %dma_start3A_1024 = arith.constant 0 : i32
      %dma_start3A_1025 = tpu.memref_slice %arg3[%dma_start3A_1023, %dma_start3A_1024] : memref<100000x64xf32, #tpu.memory_space<hbm>> -> memref<100000x64xf32, #tpu.memory_space<hbm>>
      tpu.enqueue_indirect_dma source(%dma_start3A_1025 : memref<100000x64xf32, #tpu.memory_space<hbm>>) target(%dma_start3A_1019 : memref<128x64xf32, #tpu.memory_space<vmem>>) offsets(%dma_start3A_1022 : memref<128xi32, #tpu.memory_space<vmem>>) semaphore(%arg8 : memref<!tpu.dma_semaphore, #tpu.memory_space<semaphore_mem>>)
      %add3A_1026 = arith.constant 1 : i32
      %add3A_1027 = arith.addi %mul3A_952, %add3A_1026 : i32
      %dma_wait3A_1028 = arith.constant 1 : i32
      %dma_wait3A_1029 = arith.constant 0 : i32
      %dma_wait3A_1030 = arith.constant 0 : i32
      %dma_wait3A_1031 = tpu.memref_slice %arg6[%dma_wait3A_1028, %dma_wait3A_1029, %dma_wait3A_1030] : memref<5x128x64xf32, #tpu.memory_space<vmem>> -> memref<1x128x64xf32, #tpu.memory_space<vmem>>
      %dma_wait3A_1032 = tpu.memref_squeeze %dma_wait3A_1031 : memref<1x128x64xf32, #tpu.memory_space<vmem>> -> memref<128x64xf32, #tpu.memory_space<vmem>>
      %dma_wait3A_1033 = arith.constant 0 : i32
      %dma_wait3A_1034 = tpu.memref_slice %arg5[%add3A_1027, %dma_wait3A_1033] : memref<50x128xi32, #tpu.memory_space<vmem>> -> memref<1x128xi32, #tpu.memory_space<vmem>>
      %dma_wait3A_1035 = tpu.memref_squeeze %dma_wait3A_1034 : memref<1x128xi32, #tpu.memory_space<vmem>> -> memref<128xi32, #tpu.memory_space<vmem>>
      %dma_wait3A_1036 = arith.constant 0 : i32
      %dma_wait3A_1037 = arith.constant 0 : i32
      %dma_wait3A_1038 = tpu.memref_slice %arg3[%dma_wait3A_1036, %dma_wait3A_1037] : memref<100000x64xf32, #tpu.memory_space<hbm>> -> memref<100000x64xf32, #tpu.memory_space<hbm>>
      tpu.wait_indirect_dma semaphore(%arg9 : memref<!tpu.dma_semaphore, #tpu.memory_space<semaphore_mem>>) src(%dma_wait3A_1038 : memref<100000x64xf32, #tpu.memory_space<hbm>>) dst(%dma_wait3A_1032 : memref<128x64xf32, #tpu.memory_space<vmem>>)
      %sub3A_1039 = arith.constant 5 : i32
      %sub3A_1040 = arith.subi %add3A_1027, %sub3A_1039 : i32
      %dma_wait3A_1041 = arith.constant 1 : i32
      %dma_wait3A_1042 = arith.constant 0 : i32
      %dma_wait3A_1043 = arith.constant 0 : i32
      %dma_wait3A_1044 = arith.constant 0 : i32
      %dma_wait3A_1045 = tpu.memref_slice %arg7[%dma_wait3A_1041, %dma_wait3A_1042, %dma_wait3A_1043, %dma_wait3A_1044] : memref<5x8x8x133xf32, #tpu.memory_space<vmem>> -> memref<1x8x8x128xf32, #tpu.memory_space<vmem>>
      %dma_wait3A_1046 = tpu.memref_squeeze %dma_wait3A_1045 : memref<1x8x8x128xf32, #tpu.memory_space<vmem>> -> memref<8x8x128xf32, #tpu.memory_space<vmem>>
      %dma_wait3A_1047 = arith.constant 0 : i32
      %dma_wait3A_1048 = arith.constant 0 : i32
      %dma_wait3A_1049 = arith.constant 0 : i32
      %dma_wait3A_1050 = tpu.memref_slice %arg4[%sub3A_1040, %dma_wait3A_1047, %add3A, %dma_wait3A_1048, %dma_wait3A_1049] : memref<50x8x32x8x128xf32, #tpu.memory_space<hbm>> -> memref<1x8x1x8x128xf32, #tpu.memory_space<hbm>>
      %dma_wait3A_1051 = tpu.memref_squeeze %dma_wait3A_1050 : memref<1x8x1x8x128xf32, #tpu.memory_space<hbm>> -> memref<8x8x128xf32, #tpu.memory_space<hbm>>
      %dma_wait3A_1052 = arith.constant 0 : i32
      %dma_wait3A_1053 = arith.constant 0 : i32
      %dma_wait3A_1054 = arith.constant 0 : i32
      %dma_wait3A_1055 = tpu.memref_slice %arg4[%sub3A_1040, %dma_wait3A_1052, %add3A, %dma_wait3A_1053, %dma_wait3A_1054] : memref<50x8x32x8x128xf32, #tpu.memory_space<hbm>> -> memref<1x8x1x8x128xf32, #tpu.memory_space<hbm>>
      %dma_wait3A_1056 = tpu.memref_squeeze %dma_wait3A_1055 : memref<1x8x1x8x128xf32, #tpu.memory_space<hbm>> -> memref<8x8x128xf32, #tpu.memory_space<hbm>>
      %dma_wait3A_1057 = arith.constant 0 : i32
      %dma_wait3A_1058 = arith.constant 0 : i32
      %dma_wait3A_1059 = arith.constant 0 : i32
      %dma_wait3A_1060 = tpu.memref_slice %arg7[%dma_wait3A_1041, %dma_wait3A_1057, %dma_wait3A_1058, %dma_wait3A_1059] : memref<5x8x8x133xf32, #tpu.memory_space<vmem>> -> memref<1x8x8x128xf32, #tpu.memory_space<vmem>>
      %dma_wait3A_1061 = tpu.memref_squeeze %dma_wait3A_1060 : memref<1x8x8x128xf32, #tpu.memory_space<vmem>> -> memref<8x8x128xf32, #tpu.memory_space<vmem>>
      tpu.wait_dma2 semaphore(%arg14 : memref<!tpu.dma_semaphore, #tpu.memory_space<semaphore_mem>>) src(%dma_wait3A_1061 : memref<8x8x128xf32, #tpu.memory_space<vmem>>) dst(%dma_wait3A_1056 : memref<8x8x128xf32, #tpu.memory_space<hbm>>)
      %parallel_loop3A_1062 = arith.constant 0 : i32
      %parallel_loop3A_1063 = arith.constant 128 : i32
      %parallel_loop3A_1064 = arith.constant 1 : i32
      scf.for %parallel_loop3A_1318 = %parallel_loop3A_1062 to %parallel_loop3A_1063 step %parallel_loop3A_1064  : i32 {
        %parallel_loop3A_1319 = vector.broadcast %parallel_loop3A_1318 : i32 to vector<16xi32>
        %parallel_loop3A_1320 = arith.constant 1 : i32
        %parallel_loop3A_1321 = arith.index_cast %parallel_loop3A_1320 : i32 to index
        %parallel_loop3A_1322 = arith.index_cast %parallel_loop3A_1318 : i32 to index
        %parallel_loop3A_1323 = arith.constant 0 : index
        %parallel_loop3A_1324 = tpu.vector_load %arg6[%parallel_loop3A_1321, %parallel_loop3A_1322, %parallel_loop3A_1323] {strides = array<i32>} : memref<5x128x64xf32, #tpu.memory_space<vmem>>, vector<16xf32>,
        tpu.vector_store_idx %arg7[%broadcast_in_dim3A_231, %select_n3A, %select_n3A_153, %parallel_loop3A_1319], %parallel_loop3A_1324 : memref<5x8x8x133xf32, #tpu.memory_space<vmem>>[vector<16xi32>, vector<16xi32>, vector<16xi32>, vector<16xi32>], vector<16xf32>,
        %parallel_loop3A_1325 = arith.constant 1 : i32
        %parallel_loop3A_1326 = arith.index_cast %parallel_loop3A_1325 : i32 to index
        %parallel_loop3A_1327 = arith.index_cast %parallel_loop3A_1318 : i32 to index
        %parallel_loop3A_1328 = arith.constant 16 : index
        %parallel_loop3A_1329 = tpu.vector_load %arg6[%parallel_loop3A_1326, %parallel_loop3A_1327, %parallel_loop3A_1328] {strides = array<i32>} : memref<5x128x64xf32, #tpu.memory_space<vmem>>, vector<16xf32>,
        tpu.vector_store_idx %arg7[%broadcast_in_dim3A_231, %select_n3A_62, %select_n3A_178, %parallel_loop3A_1319], %parallel_loop3A_1329 : memref<5x8x8x133xf32, #tpu.memory_space<vmem>>[vector<16xi32>, vector<16xi32>, vector<16xi32>, vector<16xi32>], vector<16xf32>,
        %parallel_loop3A_1330 = arith.constant 1 : i32
        %parallel_loop3A_1331 = arith.index_cast %parallel_loop3A_1330 : i32 to index
        %parallel_loop3A_1332 = arith.index_cast %parallel_loop3A_1318 : i32 to index
        %parallel_loop3A_1333 = arith.constant 32 : index
        %parallel_loop3A_1334 = tpu.vector_load %arg6[%parallel_loop3A_1331, %parallel_loop3A_1332, %parallel_loop3A_1333] {strides = array<i32>} : memref<5x128x64xf32, #tpu.memory_space<vmem>>, vector<16xf32>,
        tpu.vector_store_idx %arg7[%broadcast_in_dim3A_231, %select_n3A_96, %select_n3A_203, %parallel_loop3A_1319], %parallel_loop3A_1334 : memref<5x8x8x133xf32, #tpu.memory_space<vmem>>[vector<16xi32>, vector<16xi32>, vector<16xi32>, vector<16xi32>], vector<16xf32>,
        %parallel_loop3A_1335 = arith.constant 1 : i32
        %parallel_loop3A_1336 = arith.index_cast %parallel_loop3A_1335 : i32 to index
        %parallel_loop3A_1337 = arith.index_cast %parallel_loop3A_1318 : i32 to index
        %parallel_loop3A_1338 = arith.constant 48 : index
        %parallel_loop3A_1339 = tpu.vector_load %arg6[%parallel_loop3A_1336, %parallel_loop3A_1337, %parallel_loop3A_1338] {strides = array<i32>} : memref<5x128x64xf32, #tpu.memory_space<vmem>>, vector<16xf32>,
        tpu.vector_store_idx %arg7[%broadcast_in_dim3A_231, %select_n3A_130, %select_n3A_228, %parallel_loop3A_1319], %parallel_loop3A_1339 : memref<5x8x8x133xf32, #tpu.memory_space<vmem>>[vector<16xi32>, vector<16xi32>, vector<16xi32>, vector<16xi32>], vector<16xf32>,
      } {sc.loop_unroll_factor = 4 : i64, sc.parallel_access}
      %dma_start3A_1065 = arith.constant 1 : i32
      %dma_start3A_1066 = arith.constant 0 : i32
      %dma_start3A_1067 = arith.constant 0 : i32
      %dma_start3A_1068 = arith.constant 0 : i32
      %dma_start3A_1069 = tpu.memref_slice %arg7[%dma_start3A_1065, %dma_start3A_1066, %dma_start3A_1067, %dma_start3A_1068] : memref<5x8x8x133xf32, #tpu.memory_space<vmem>> -> memref<1x8x8x128xf32, #tpu.memory_space<vmem>>
      %dma_start3A_1070 = tpu.memref_squeeze %dma_start3A_1069 : memref<1x8x8x128xf32, #tpu.memory_space<vmem>> -> memref<8x8x128xf32, #tpu.memory_space<vmem>>
      %dma_start3A_1071 = arith.constant 0 : i32
      %dma_start3A_1072 = arith.constant 0 : i32
      %dma_start3A_1073 = arith.constant 0 : i32
      %dma_start3A_1074 = tpu.memref_slice %arg4[%add3A_1027, %dma_start3A_1071, %add3A, %dma_start3A_1072, %dma_start3A_1073] : memref<50x8x32x8x128xf32, #tpu.memory_space<hbm>> -> memref<1x8x1x8x128xf32, #tpu.memory_space<hbm>>
      %dma_start3A_1075 = tpu.memref_squeeze %dma_start3A_1074 : memref<1x8x1x8x128xf32, #tpu.memory_space<hbm>> -> memref<8x8x128xf32, #tpu.memory_space<hbm>>
      %dma_start3A_1076 = arith.constant 0 : i32
      %dma_start3A_1077 = arith.constant 0 : i32
      %dma_start3A_1078 = arith.constant 0 : i32
      %dma_start3A_1079 = tpu.memref_slice %arg4[%add3A_1027, %dma_start3A_1076, %add3A, %dma_start3A_1077, %dma_start3A_1078] : memref<50x8x32x8x128xf32, #tpu.memory_space<hbm>> -> memref<1x8x1x8x128xf32, #tpu.memory_space<hbm>>
      %dma_start3A_1080 = tpu.memref_squeeze %dma_start3A_1079 : memref<1x8x1x8x128xf32, #tpu.memory_space<hbm>> -> memref<8x8x128xf32, #tpu.memory_space<hbm>>
      %dma_start3A_1081 = arith.constant 0 : i32
      %dma_start3A_1082 = arith.constant 0 : i32
      %dma_start3A_1083 = arith.constant 0 : i32
      %dma_start3A_1084 = tpu.memref_slice %arg7[%dma_start3A_1065, %dma_start3A_1081, %dma_start3A_1082, %dma_start3A_1083] : memref<5x8x8x133xf32, #tpu.memory_space<vmem>> -> memref<1x8x8x128xf32, #tpu.memory_space<vmem>>
      %dma_start3A_1085 = tpu.memref_squeeze %dma_start3A_1084 : memref<1x8x8x128xf32, #tpu.memory_space<vmem>> -> memref<8x8x128xf32, #tpu.memory_space<vmem>>
      tpu.enqueue_dma source(%dma_start3A_1085 : memref<8x8x128xf32, #tpu.memory_space<vmem>>) target(%dma_start3A_1080 : memref<8x8x128xf32, #tpu.memory_space<hbm>>) target_semaphore(%arg14 : memref<!tpu.dma_semaphore, #tpu.memory_space<semaphore_mem>>)
      %add3A_1086 = arith.constant 5 : i32
      %add3A_1087 = arith.addi %add3A_1027, %add3A_1086 : i32
      %dma_start3A_1088 = arith.constant 1 : i32
      %dma_start3A_1089 = arith.constant 0 : i32
      %dma_start3A_1090 = arith.constant 0 : i32
      %dma_start3A_1091 = tpu.memref_slice %arg6[%dma_start3A_1088, %dma_start3A_1089, %dma_start3A_1090] : memref<5x128x64xf32, #tpu.memory_space<vmem>> -> memref<1x128x64xf32, #tpu.memory_space<vmem>>
      %dma_start3A_1092 = tpu.memref_squeeze %dma_start3A_1091 : memref<1x128x64xf32, #tpu.memory_space<vmem>> -> memref<128x64xf32, #tpu.memory_space<vmem>>
      %dma_start3A_1093 = arith.constant 0 : i32
      %dma_start3A_1094 = tpu.memref_slice %arg5[%add3A_1087, %dma_start3A_1093] : memref<50x128xi32, #tpu.memory_space<vmem>> -> memref<1x128xi32, #tpu.memory_space<vmem>>
      %dma_start3A_1095 = tpu.memref_squeeze %dma_start3A_1094 : memref<1x128xi32, #tpu.memory_space<vmem>> -> memref<128xi32, #tpu.memory_space<vmem>>
      %dma_start3A_1096 = arith.constant 0 : i32
      %dma_start3A_1097 = arith.constant 0 : i32
      %dma_start3A_1098 = tpu.memref_slice %arg3[%dma_start3A_1096, %dma_start3A_1097] : memref<100000x64xf32, #tpu.memory_space<hbm>> -> memref<100000x64xf32, #tpu.memory_space<hbm>>
      tpu.enqueue_indirect_dma source(%dma_start3A_1098 : memref<100000x64xf32, #tpu.memory_space<hbm>>) target(%dma_start3A_1092 : memref<128x64xf32, #tpu.memory_space<vmem>>) offsets(%dma_start3A_1095 : memref<128xi32, #tpu.memory_space<vmem>>) semaphore(%arg9 : memref<!tpu.dma_semaphore, #tpu.memory_space<semaphore_mem>>)
      %add3A_1099 = arith.constant 2 : i32
      %add3A_1100 = arith.addi %mul3A_952, %add3A_1099 : i32
      %dma_wait3A_1101 = arith.constant 2 : i32
      %dma_wait3A_1102 = arith.constant 0 : i32
      %dma_wait3A_1103 = arith.constant 0 : i32
      %dma_wait3A_1104 = tpu.memref_slice %arg6[%dma_wait3A_1101, %dma_wait3A_1102, %dma_wait3A_1103] : memref<5x128x64xf32, #tpu.memory_space<vmem>> -> memref<1x128x64xf32, #tpu.memory_space<vmem>>
      %dma_wait3A_1105 = tpu.memref_squeeze %dma_wait3A_1104 : memref<1x128x64xf32, #tpu.memory_space<vmem>> -> memref<128x64xf32, #tpu.memory_space<vmem>>
      %dma_wait3A_1106 = arith.constant 0 : i32
      %dma_wait3A_1107 = tpu.memref_slice %arg5[%add3A_1100, %dma_wait3A_1106] : memref<50x128xi32, #tpu.memory_space<vmem>> -> memref<1x128xi32, #tpu.memory_space<vmem>>
      %dma_wait3A_1108 = tpu.memref_squeeze %dma_wait3A_1107 : memref<1x128xi32, #tpu.memory_space<vmem>> -> memref<128xi32, #tpu.memory_space<vmem>>
      %dma_wait3A_1109 = arith.constant 0 : i32
      %dma_wait3A_1110 = arith.constant 0 : i32
      %dma_wait3A_1111 = tpu.memref_slice %arg3[%dma_wait3A_1109, %dma_wait3A_1110] : memref<100000x64xf32, #tpu.memory_space<hbm>> -> memref<100000x64xf32, #tpu.memory_space<hbm>>
      tpu.wait_indirect_dma semaphore(%arg10 : memref<!tpu.dma_semaphore, #tpu.memory_space<semaphore_mem>>) src(%dma_wait3A_1111 : memref<100000x64xf32, #tpu.memory_space<hbm>>) dst(%dma_wait3A_1105 : memref<128x64xf32, #tpu.memory_space<vmem>>)
      %sub3A_1112 = arith.constant 5 : i32
      %sub3A_1113 = arith.subi %add3A_1100, %sub3A_1112 : i32
      %dma_wait3A_1114 = arith.constant 2 : i32
      %dma_wait3A_1115 = arith.constant 0 : i32
      %dma_wait3A_1116 = arith.constant 0 : i32
      %dma_wait3A_1117 = arith.constant 0 : i32
      %dma_wait3A_1118 = tpu.memref_slice %arg7[%dma_wait3A_1114, %dma_wait3A_1115, %dma_wait3A_1116, %dma_wait3A_1117] : memref<5x8x8x133xf32, #tpu.memory_space<vmem>> -> memref<1x8x8x128xf32, #tpu.memory_space<vmem>>
      %dma_wait3A_1119 = tpu.memref_squeeze %dma_wait3A_1118 : memref<1x8x8x128xf32, #tpu.memory_space<vmem>> -> memref<8x8x128xf32, #tpu.memory_space<vmem>>
      %dma_wait3A_1120 = arith.constant 0 : i32
      %dma_wait3A_1121 = arith.constant 0 : i32
      %dma_wait3A_1122 = arith.constant 0 : i32
      %dma_wait3A_1123 = tpu.memref_slice %arg4[%sub3A_1113, %dma_wait3A_1120, %add3A, %dma_wait3A_1121, %dma_wait3A_1122] : memref<50x8x32x8x128xf32, #tpu.memory_space<hbm>> -> memref<1x8x1x8x128xf32, #tpu.memory_space<hbm>>
      %dma_wait3A_1124 = tpu.memref_squeeze %dma_wait3A_1123 : memref<1x8x1x8x128xf32, #tpu.memory_space<hbm>> -> memref<8x8x128xf32, #tpu.memory_space<hbm>>
      %dma_wait3A_1125 = arith.constant 0 : i32
      %dma_wait3A_1126 = arith.constant 0 : i32
      %dma_wait3A_1127 = arith.constant 0 : i32
      %dma_wait3A_1128 = tpu.memref_slice %arg4[%sub3A_1113, %dma_wait3A_1125, %add3A, %dma_wait3A_1126, %dma_wait3A_1127] : memref<50x8x32x8x128xf32, #tpu.memory_space<hbm>> -> memref<1x8x1x8x128xf32, #tpu.memory_space<hbm>>
      %dma_wait3A_1129 = tpu.memref_squeeze %dma_wait3A_1128 : memref<1x8x1x8x128xf32, #tpu.memory_space<hbm>> -> memref<8x8x128xf32, #tpu.memory_space<hbm>>
      %dma_wait3A_1130 = arith.constant 0 : i32
      %dma_wait3A_1131 = arith.constant 0 : i32
      %dma_wait3A_1132 = arith.constant 0 : i32
      %dma_wait3A_1133 = tpu.memref_slice %arg7[%dma_wait3A_1114, %dma_wait3A_1130, %dma_wait3A_1131, %dma_wait3A_1132] : memref<5x8x8x133xf32, #tpu.memory_space<vmem>> -> memref<1x8x8x128xf32, #tpu.memory_space<vmem>>
      %dma_wait3A_1134 = tpu.memref_squeeze %dma_wait3A_1133 : memref<1x8x8x128xf32, #tpu.memory_space<vmem>> -> memref<8x8x128xf32, #tpu.memory_space<vmem>>
      tpu.wait_dma2 semaphore(%arg15 : memref<!tpu.dma_semaphore, #tpu.memory_space<semaphore_mem>>) src(%dma_wait3A_1134 : memref<8x8x128xf32, #tpu.memory_space<vmem>>) dst(%dma_wait3A_1129 : memref<8x8x128xf32, #tpu.memory_space<hbm>>)
      %parallel_loop3A_1135 = arith.constant 0 : i32
      %parallel_loop3A_1136 = arith.constant 128 : i32
      %parallel_loop3A_1137 = arith.constant 1 : i32
      scf.for %parallel_loop3A_1318 = %parallel_loop3A_1135 to %parallel_loop3A_1136 step %parallel_loop3A_1137  : i32 {
        %parallel_loop3A_1319 = vector.broadcast %parallel_loop3A_1318 : i32 to vector<16xi32>
        %parallel_loop3A_1320 = arith.constant 2 : i32
        %parallel_loop3A_1321 = arith.index_cast %parallel_loop3A_1320 : i32 to index
        %parallel_loop3A_1322 = arith.index_cast %parallel_loop3A_1318 : i32 to index
        %parallel_loop3A_1323 = arith.constant 0 : index
        %parallel_loop3A_1324 = tpu.vector_load %arg6[%parallel_loop3A_1321, %parallel_loop3A_1322, %parallel_loop3A_1323] {strides = array<i32>} : memref<5x128x64xf32, #tpu.memory_space<vmem>>, vector<16xf32>,
        tpu.vector_store_idx %arg7[%broadcast_in_dim3A_233, %select_n3A, %select_n3A_153, %parallel_loop3A_1319], %parallel_loop3A_1324 : memref<5x8x8x133xf32, #tpu.memory_space<vmem>>[vector<16xi32>, vector<16xi32>, vector<16xi32>, vector<16xi32>], vector<16xf32>,
        %parallel_loop3A_1325 = arith.constant 2 : i32
        %parallel_loop3A_1326 = arith.index_cast %parallel_loop3A_1325 : i32 to index
        %parallel_loop3A_1327 = arith.index_cast %parallel_loop3A_1318 : i32 to index
        %parallel_loop3A_1328 = arith.constant 16 : index
        %parallel_loop3A_1329 = tpu.vector_load %arg6[%parallel_loop3A_1326, %parallel_loop3A_1327, %parallel_loop3A_1328] {strides = array<i32>} : memref<5x128x64xf32, #tpu.memory_space<vmem>>, vector<16xf32>,
        tpu.vector_store_idx %arg7[%broadcast_in_dim3A_233, %select_n3A_62, %select_n3A_178, %parallel_loop3A_1319], %parallel_loop3A_1329 : memref<5x8x8x133xf32, #tpu.memory_space<vmem>>[vector<16xi32>, vector<16xi32>, vector<16xi32>, vector<16xi32>], vector<16xf32>,
        %parallel_loop3A_1330 = arith.constant 2 : i32
        %parallel_loop3A_1331 = arith.index_cast %parallel_loop3A_1330 : i32 to index
        %parallel_loop3A_1332 = arith.index_cast %parallel_loop3A_1318 : i32 to index
        %parallel_loop3A_1333 = arith.constant 32 : index
        %parallel_loop3A_1334 = tpu.vector_load %arg6[%parallel_loop3A_1331, %parallel_loop3A_1332, %parallel_loop3A_1333] {strides = array<i32>} : memref<5x128x64xf32, #tpu.memory_space<vmem>>, vector<16xf32>,
        tpu.vector_store_idx %arg7[%broadcast_in_dim3A_233, %select_n3A_96, %select_n3A_203, %parallel_loop3A_1319], %parallel_loop3A_1334 : memref<5x8x8x133xf32, #tpu.memory_space<vmem>>[vector<16xi32>, vector<16xi32>, vector<16xi32>, vector<16xi32>], vector<16xf32>,
        %parallel_loop3A_1335 = arith.constant 2 : i32
        %parallel_loop3A_1336 = arith.index_cast %parallel_loop3A_1335 : i32 to index
        %parallel_loop3A_1337 = arith.index_cast %parallel_loop3A_1318 : i32 to index
        %parallel_loop3A_1338 = arith.constant 48 : index
        %parallel_loop3A_1339 = tpu.vector_load %arg6[%parallel_loop3A_1336, %parallel_loop3A_1337, %parallel_loop3A_1338] {strides = array<i32>} : memref<5x128x64xf32, #tpu.memory_space<vmem>>, vector<16xf32>,
        tpu.vector_store_idx %arg7[%broadcast_in_dim3A_233, %select_n3A_130, %select_n3A_228, %parallel_loop3A_1319], %parallel_loop3A_1339 : memref<5x8x8x133xf32, #tpu.memory_space<vmem>>[vector<16xi32>, vector<16xi32>, vector<16xi32>, vector<16xi32>], vector<16xf32>,
      } {sc.loop_unroll_factor = 4 : i64, sc.parallel_access}
      %dma_start3A_1138 = arith.constant 2 : i32
      %dma_start3A_1139 = arith.constant 0 : i32
      %dma_start3A_1140 = arith.constant 0 : i32
      %dma_start3A_1141 = arith.constant 0 : i32
      %dma_start3A_1142 = tpu.memref_slice %arg7[%dma_start3A_1138, %dma_start3A_1139, %dma_start3A_1140, %dma_start3A_1141] : memref<5x8x8x133xf32, #tpu.memory_space<vmem>> -> memref<1x8x8x128xf32, #tpu.memory_space<vmem>>
      %dma_start3A_1143 = tpu.memref_squeeze %dma_start3A_1142 : memref<1x8x8x128xf32, #tpu.memory_space<vmem>> -> memref<8x8x128xf32, #tpu.memory_space<vmem>>
      %dma_start3A_1144 = arith.constant 0 : i32
      %dma_start3A_1145 = arith.constant 0 : i32
      %dma_start3A_1146 = arith.constant 0 : i32
      %dma_start3A_1147 = tpu.memref_slice %arg4[%add3A_1100, %dma_start3A_1144, %add3A, %dma_start3A_1145, %dma_start3A_1146] : memref<50x8x32x8x128xf32, #tpu.memory_space<hbm>> -> memref<1x8x1x8x128xf32, #tpu.memory_space<hbm>>
      %dma_start3A_1148 = tpu.memref_squeeze %dma_start3A_1147 : memref<1x8x1x8x128xf32, #tpu.memory_space<hbm>> -> memref<8x8x128xf32, #tpu.memory_space<hbm>>
      %dma_start3A_1149 = arith.constant 0 : i32
      %dma_start3A_1150 = arith.constant 0 : i32
      %dma_start3A_1151 = arith.constant 0 : i32
      %dma_start3A_1152 = tpu.memref_slice %arg4[%add3A_1100, %dma_start3A_1149, %add3A, %dma_start3A_1150, %dma_start3A_1151] : memref<50x8x32x8x128xf32, #tpu.memory_space<hbm>> -> memref<1x8x1x8x128xf32, #tpu.memory_space<hbm>>
      %dma_start3A_1153 = tpu.memref_squeeze %dma_start3A_1152 : memref<1x8x1x8x128xf32, #tpu.memory_space<hbm>> -> memref<8x8x128xf32, #tpu.memory_space<hbm>>
      %dma_start3A_1154 = arith.constant 0 : i32
      %dma_start3A_1155 = arith.constant 0 : i32
      %dma_start3A_1156 = arith.constant 0 : i32
      %dma_start3A_1157 = tpu.memref_slice %arg7[%dma_start3A_1138, %dma_start3A_1154, %dma_start3A_1155, %dma_start3A_1156] : memref<5x8x8x133xf32, #tpu.memory_space<vmem>> -> memref<1x8x8x128xf32, #tpu.memory_space<vmem>>
      %dma_start3A_1158 = tpu.memref_squeeze %dma_start3A_1157 : memref<1x8x8x128xf32, #tpu.memory_space<vmem>> -> memref<8x8x128xf32, #tpu.memory_space<vmem>>
      tpu.enqueue_dma source(%dma_start3A_1158 : memref<8x8x128xf32, #tpu.memory_space<vmem>>) target(%dma_start3A_1153 : memref<8x8x128xf32, #tpu.memory_space<hbm>>) target_semaphore(%arg15 : memref<!tpu.dma_semaphore, #tpu.memory_space<semaphore_mem>>)
      %add3A_1159 = arith.constant 5 : i32
      %add3A_1160 = arith.addi %add3A_1100, %add3A_1159 : i32
      %dma_start3A_1161 = arith.constant 2 : i32
      %dma_start3A_1162 = arith.constant 0 : i32
      %dma_start3A_1163 = arith.constant 0 : i32
      %dma_start3A_1164 = tpu.memref_slice %arg6[%dma_start3A_1161, %dma_start3A_1162, %dma_start3A_1163] : memref<5x128x64xf32, #tpu.memory_space<vmem>> -> memref<1x128x64xf32, #tpu.memory_space<vmem>>
      %dma_start3A_1165 = tpu.memref_squeeze %dma_start3A_1164 : memref<1x128x64xf32, #tpu.memory_space<vmem>> -> memref<128x64xf32, #tpu.memory_space<vmem>>
      %dma_start3A_1166 = arith.constant 0 : i32
      %dma_start3A_1167 = tpu.memref_slice %arg5[%add3A_1160, %dma_start3A_1166] : memref<50x128xi32, #tpu.memory_space<vmem>> -> memref<1x128xi32, #tpu.memory_space<vmem>>
      %dma_start3A_1168 = tpu.memref_squeeze %dma_start3A_1167 : memref<1x128xi32, #tpu.memory_space<vmem>> -> memref<128xi32, #tpu.memory_space<vmem>>
      %dma_start3A_1169 = arith.constant 0 : i32
      %dma_start3A_1170 = arith.constant 0 : i32
      %dma_start3A_1171 = tpu.memref_slice %arg3[%dma_start3A_1169, %dma_start3A_1170] : memref<100000x64xf32, #tpu.memory_space<hbm>> -> memref<100000x64xf32, #tpu.memory_space<hbm>>
      tpu.enqueue_indirect_dma source(%dma_start3A_1171 : memref<100000x64xf32, #tpu.memory_space<hbm>>) target(%dma_start3A_1165 : memref<128x64xf32, #tpu.memory_space<vmem>>) offsets(%dma_start3A_1168 : memref<128xi32, #tpu.memory_space<vmem>>) semaphore(%arg10 : memref<!tpu.dma_semaphore, #tpu.memory_space<semaphore_mem>>)
      %add3A_1172 = arith.constant 3 : i32
      %add3A_1173 = arith.addi %mul3A_952, %add3A_1172 : i32
      %dma_wait3A_1174 = arith.constant 3 : i32
      %dma_wait3A_1175 = arith.constant 0 : i32
      %dma_wait3A_1176 = arith.constant 0 : i32
      %dma_wait3A_1177 = tpu.memref_slice %arg6[%dma_wait3A_1174, %dma_wait3A_1175, %dma_wait3A_1176] : memref<5x128x64xf32, #tpu.memory_space<vmem>> -> memref<1x128x64xf32, #tpu.memory_space<vmem>>
      %dma_wait3A_1178 = tpu.memref_squeeze %dma_wait3A_1177 : memref<1x128x64xf32, #tpu.memory_space<vmem>> -> memref<128x64xf32, #tpu.memory_space<vmem>>
      %dma_wait3A_1179 = arith.constant 0 : i32
      %dma_wait3A_1180 = tpu.memref_slice %arg5[%add3A_1173, %dma_wait3A_1179] : memref<50x128xi32, #tpu.memory_space<vmem>> -> memref<1x128xi32, #tpu.memory_space<vmem>>
      %dma_wait3A_1181 = tpu.memref_squeeze %dma_wait3A_1180 : memref<1x128xi32, #tpu.memory_space<vmem>> -> memref<128xi32, #tpu.memory_space<vmem>>
      %dma_wait3A_1182 = arith.constant 0 : i32
      %dma_wait3A_1183 = arith.constant 0 : i32
      %dma_wait3A_1184 = tpu.memref_slice %arg3[%dma_wait3A_1182, %dma_wait3A_1183] : memref<100000x64xf32, #tpu.memory_space<hbm>> -> memref<100000x64xf32, #tpu.memory_space<hbm>>
      tpu.wait_indirect_dma semaphore(%arg11 : memref<!tpu.dma_semaphore, #tpu.memory_space<semaphore_mem>>) src(%dma_wait3A_1184 : memref<100000x64xf32, #tpu.memory_space<hbm>>) dst(%dma_wait3A_1178 : memref<128x64xf32, #tpu.memory_space<vmem>>)
      %sub3A_1185 = arith.constant 5 : i32
      %sub3A_1186 = arith.subi %add3A_1173, %sub3A_1185 : i32
      %dma_wait3A_1187 = arith.constant 3 : i32
      %dma_wait3A_1188 = arith.constant 0 : i32
      %dma_wait3A_1189 = arith.constant 0 : i32
      %dma_wait3A_1190 = arith.constant 0 : i32
      %dma_wait3A_1191 = tpu.memref_slice %arg7[%dma_wait3A_1187, %dma_wait3A_1188, %dma_wait3A_1189, %dma_wait3A_1190] : memref<5x8x8x133xf32, #tpu.memory_space<vmem>> -> memref<1x8x8x128xf32, #tpu.memory_space<vmem>>
      %dma_wait3A_1192 = tpu.memref_squeeze %dma_wait3A_1191 : memref<1x8x8x128xf32, #tpu.memory_space<vmem>> -> memref<8x8x128xf32, #tpu.memory_space<vmem>>
      %dma_wait3A_1193 = arith.constant 0 : i32
      %dma_wait3A_1194 = arith.constant 0 : i32
      %dma_wait3A_1195 = arith.constant 0 : i32
      %dma_wait3A_1196 = tpu.memref_slice %arg4[%sub3A_1186, %dma_wait3A_1193, %add3A, %dma_wait3A_1194, %dma_wait3A_1195] : memref<50x8x32x8x128xf32, #tpu.memory_space<hbm>> -> memref<1x8x1x8x128xf32, #tpu.memory_space<hbm>>
      %dma_wait3A_1197 = tpu.memref_squeeze %dma_wait3A_1196 : memref<1x8x1x8x128xf32, #tpu.memory_space<hbm>> -> memref<8x8x128xf32, #tpu.memory_space<hbm>>
      %dma_wait3A_1198 = arith.constant 0 : i32
      %dma_wait3A_1199 = arith.constant 0 : i32
      %dma_wait3A_1200 = arith.constant 0 : i32
      %dma_wait3A_1201 = tpu.memref_slice %arg4[%sub3A_1186, %dma_wait3A_1198, %add3A, %dma_wait3A_1199, %dma_wait3A_1200] : memref<50x8x32x8x128xf32, #tpu.memory_space<hbm>> -> memref<1x8x1x8x128xf32, #tpu.memory_space<hbm>>
      %dma_wait3A_1202 = tpu.memref_squeeze %dma_wait3A_1201 : memref<1x8x1x8x128xf32, #tpu.memory_space<hbm>> -> memref<8x8x128xf32, #tpu.memory_space<hbm>>
      %dma_wait3A_1203 = arith.constant 0 : i32
      %dma_wait3A_1204 = arith.constant 0 : i32
      %dma_wait3A_1205 = arith.constant 0 : i32
      %dma_wait3A_1206 = tpu.memref_slice %arg7[%dma_wait3A_1187, %dma_wait3A_1203, %dma_wait3A_1204, %dma_wait3A_1205] : memref<5x8x8x133xf32, #tpu.memory_space<vmem>> -> memref<1x8x8x128xf32, #tpu.memory_space<vmem>>
      %dma_wait3A_1207 = tpu.memref_squeeze %dma_wait3A_1206 : memref<1x8x8x128xf32, #tpu.memory_space<vmem>> -> memref<8x8x128xf32, #tpu.memory_space<vmem>>
      tpu.wait_dma2 semaphore(%arg16 : memref<!tpu.dma_semaphore, #tpu.memory_space<semaphore_mem>>) src(%dma_wait3A_1207 : memref<8x8x128xf32, #tpu.memory_space<vmem>>) dst(%dma_wait3A_1202 : memref<8x8x128xf32, #tpu.memory_space<hbm>>)
      %parallel_loop3A_1208 = arith.constant 0 : i32
      %parallel_loop3A_1209 = arith.constant 128 : i32
      %parallel_loop3A_1210 = arith.constant 1 : i32
      scf.for %parallel_loop3A_1318 = %parallel_loop3A_1208 to %parallel_loop3A_1209 step %parallel_loop3A_1210  : i32 {
        %parallel_loop3A_1319 = vector.broadcast %parallel_loop3A_1318 : i32 to vector<16xi32>
        %parallel_loop3A_1320 = arith.constant 3 : i32
        %parallel_loop3A_1321 = arith.index_cast %parallel_loop3A_1320 : i32 to index
        %parallel_loop3A_1322 = arith.index_cast %parallel_loop3A_1318 : i32 to index
        %parallel_loop3A_1323 = arith.constant 0 : index
        %parallel_loop3A_1324 = tpu.vector_load %arg6[%parallel_loop3A_1321, %parallel_loop3A_1322, %parallel_loop3A_1323] {strides = array<i32>} : memref<5x128x64xf32, #tpu.memory_space<vmem>>, vector<16xf32>,
        tpu.vector_store_idx %arg7[%broadcast_in_dim3A_235, %select_n3A, %select_n3A_153, %parallel_loop3A_1319], %parallel_loop3A_1324 : memref<5x8x8x133xf32, #tpu.memory_space<vmem>>[vector<16xi32>, vector<16xi32>, vector<16xi32>, vector<16xi32>], vector<16xf32>,
        %parallel_loop3A_1325 = arith.constant 3 : i32
        %parallel_loop3A_1326 = arith.index_cast %parallel_loop3A_1325 : i32 to index
        %parallel_loop3A_1327 = arith.index_cast %parallel_loop3A_1318 : i32 to index
        %parallel_loop3A_1328 = arith.constant 16 : index
        %parallel_loop3A_1329 = tpu.vector_load %arg6[%parallel_loop3A_1326, %parallel_loop3A_1327, %parallel_loop3A_1328] {strides = array<i32>} : memref<5x128x64xf32, #tpu.memory_space<vmem>>, vector<16xf32>,
        tpu.vector_store_idx %arg7[%broadcast_in_dim3A_235, %select_n3A_62, %select_n3A_178, %parallel_loop3A_1319], %parallel_loop3A_1329 : memref<5x8x8x133xf32, #tpu.memory_space<vmem>>[vector<16xi32>, vector<16xi32>, vector<16xi32>, vector<16xi32>], vector<16xf32>,
        %parallel_loop3A_1330 = arith.constant 3 : i32
        %parallel_loop3A_1331 = arith.index_cast %parallel_loop3A_1330 : i32 to index
        %parallel_loop3A_1332 = arith.index_cast %parallel_loop3A_1318 : i32 to index
        %parallel_loop3A_1333 = arith.constant 32 : index
        %parallel_loop3A_1334 = tpu.vector_load %arg6[%parallel_loop3A_1331, %parallel_loop3A_1332, %parallel_loop3A_1333] {strides = array<i32>} : memref<5x128x64xf32, #tpu.memory_space<vmem>>, vector<16xf32>,
        tpu.vector_store_idx %arg7[%broadcast_in_dim3A_235, %select_n3A_96, %select_n3A_203, %parallel_loop3A_1319], %parallel_loop3A_1334 : memref<5x8x8x133xf32, #tpu.memory_space<vmem>>[vector<16xi32>, vector<16xi32>, vector<16xi32>, vector<16xi32>], vector<16xf32>,
        %parallel_loop3A_1335 = arith.constant 3 : i32
        %parallel_loop3A_1336 = arith.index_cast %parallel_loop3A_1335 : i32 to index
        %parallel_loop3A_1337 = arith.index_cast %parallel_loop3A_1318 : i32 to index
        %parallel_loop3A_1338 = arith.constant 48 : index
        %parallel_loop3A_1339 = tpu.vector_load %arg6[%parallel_loop3A_1336, %parallel_loop3A_1337, %parallel_loop3A_1338] {strides = array<i32>} : memref<5x128x64xf32, #tpu.memory_space<vmem>>, vector<16xf32>,
        tpu.vector_store_idx %arg7[%broadcast_in_dim3A_235, %select_n3A_130, %select_n3A_228, %parallel_loop3A_1319], %parallel_loop3A_1339 : memref<5x8x8x133xf32, #tpu.memory_space<vmem>>[vector<16xi32>, vector<16xi32>, vector<16xi32>, vector<16xi32>], vector<16xf32>,
      } {sc.loop_unroll_factor = 4 : i64, sc.parallel_access}
      %dma_start3A_1211 = arith.constant 3 : i32
      %dma_start3A_1212 = arith.constant 0 : i32
      %dma_start3A_1213 = arith.constant 0 : i32
      %dma_start3A_1214 = arith.constant 0 : i32
      %dma_start3A_1215 = tpu.memref_slice %arg7[%dma_start3A_1211, %dma_start3A_1212, %dma_start3A_1213, %dma_start3A_1214] : memref<5x8x8x133xf32, #tpu.memory_space<vmem>> -> memref<1x8x8x128xf32, #tpu.memory_space<vmem>>
      %dma_start3A_1216 = tpu.memref_squeeze %dma_start3A_1215 : memref<1x8x8x128xf32, #tpu.memory_space<vmem>> -> memref<8x8x128xf32, #tpu.memory_space<vmem>>
      %dma_start3A_1217 = arith.constant 0 : i32
      %dma_start3A_1218 = arith.constant 0 : i32
      %dma_start3A_1219 = arith.constant 0 : i32
      %dma_start3A_1220 = tpu.memref_slice %arg4[%add3A_1173, %dma_start3A_1217, %add3A, %dma_start3A_1218, %dma_start3A_1219] : memref<50x8x32x8x128xf32, #tpu.memory_space<hbm>> -> memref<1x8x1x8x128xf32, #tpu.memory_space<hbm>>
      %dma_start3A_1221 = tpu.memref_squeeze %dma_start3A_1220 : memref<1x8x1x8x128xf32, #tpu.memory_space<hbm>> -> memref<8x8x128xf32, #tpu.memory_space<hbm>>
      %dma_start3A_1222 = arith.constant 0 : i32
      %dma_start3A_1223 = arith.constant 0 : i32
      %dma_start3A_1224 = arith.constant 0 : i32
      %dma_start3A_1225 = tpu.memref_slice %arg4[%add3A_1173, %dma_start3A_1222, %add3A, %dma_start3A_1223, %dma_start3A_1224] : memref<50x8x32x8x128xf32, #tpu.memory_space<hbm>> -> memref<1x8x1x8x128xf32, #tpu.memory_space<hbm>>
      %dma_start3A_1226 = tpu.memref_squeeze %dma_start3A_1225 : memref<1x8x1x8x128xf32, #tpu.memory_space<hbm>> -> memref<8x8x128xf32, #tpu.memory_space<hbm>>
      %dma_start3A_1227 = arith.constant 0 : i32
      %dma_start3A_1228 = arith.constant 0 : i32
      %dma_start3A_1229 = arith.constant 0 : i32
      %dma_start3A_1230 = tpu.memref_slice %arg7[%dma_start3A_1211, %dma_start3A_1227, %dma_start3A_1228, %dma_start3A_1229] : memref<5x8x8x133xf32, #tpu.memory_space<vmem>> -> memref<1x8x8x128xf32, #tpu.memory_space<vmem>>
      %dma_start3A_1231 = tpu.memref_squeeze %dma_start3A_1230 : memref<1x8x8x128xf32, #tpu.memory_space<vmem>> -> memref<8x8x128xf32, #tpu.memory_space<vmem>>
      tpu.enqueue_dma source(%dma_start3A_1231 : memref<8x8x128xf32, #tpu.memory_space<vmem>>) target(%dma_start3A_1226 : memref<8x8x128xf32, #tpu.memory_space<hbm>>) target_semaphore(%arg16 : memref<!tpu.dma_semaphore, #tpu.memory_space<semaphore_mem>>)
      %add3A_1232 = arith.constant 5 : i32
      %add3A_1233 = arith.addi %add3A_1173, %add3A_1232 : i32
      %dma_start3A_1234 = arith.constant 3 : i32
      %dma_start3A_1235 = arith.constant 0 : i32
      %dma_start3A_1236 = arith.constant 0 : i32
      %dma_start3A_1237 = tpu.memref_slice %arg6[%dma_start3A_1234, %dma_start3A_1235, %dma_start3A_1236] : memref<5x128x64xf32, #tpu.memory_space<vmem>> -> memref<1x128x64xf32, #tpu.memory_space<vmem>>
      %dma_start3A_1238 = tpu.memref_squeeze %dma_start3A_1237 : memref<1x128x64xf32, #tpu.memory_space<vmem>> -> memref<128x64xf32, #tpu.memory_space<vmem>>
      %dma_start3A_1239 = arith.constant 0 : i32
      %dma_start3A_1240 = tpu.memref_slice %arg5[%add3A_1233, %dma_start3A_1239] : memref<50x128xi32, #tpu.memory_space<vmem>> -> memref<1x128xi32, #tpu.memory_space<vmem>>
      %dma_start3A_1241 = tpu.memref_squeeze %dma_start3A_1240 : memref<1x128xi32, #tpu.memory_space<vmem>> -> memref<128xi32, #tpu.memory_space<vmem>>
      %dma_start3A_1242 = arith.constant 0 : i32
      %dma_start3A_1243 = arith.constant 0 : i32
      %dma_start3A_1244 = tpu.memref_slice %arg3[%dma_start3A_1242, %dma_start3A_1243] : memref<100000x64xf32, #tpu.memory_space<hbm>> -> memref<100000x64xf32, #tpu.memory_space<hbm>>
      tpu.enqueue_indirect_dma source(%dma_start3A_1244 : memref<100000x64xf32, #tpu.memory_space<hbm>>) target(%dma_start3A_1238 : memref<128x64xf32, #tpu.memory_space<vmem>>) offsets(%dma_start3A_1241 : memref<128xi32, #tpu.memory_space<vmem>>) semaphore(%arg11 : memref<!tpu.dma_semaphore, #tpu.memory_space<semaphore_mem>>)
      %add3A_1245 = arith.constant 4 : i32
      %add3A_1246 = arith.addi %mul3A_952, %add3A_1245 : i32
      %dma_wait3A_1247 = arith.constant 4 : i32
      %dma_wait3A_1248 = arith.constant 0 : i32
      %dma_wait3A_1249 = arith.constant 0 : i32
      %dma_wait3A_1250 = tpu.memref_slice %arg6[%dma_wait3A_1247, %dma_wait3A_1248, %dma_wait3A_1249] : memref<5x128x64xf32, #tpu.memory_space<vmem>> -> memref<1x128x64xf32, #tpu.memory_space<vmem>>
      %dma_wait3A_1251 = tpu.memref_squeeze %dma_wait3A_1250 : memref<1x128x64xf32, #tpu.memory_space<vmem>> -> memref<128x64xf32, #tpu.memory_space<vmem>>
      %dma_wait3A_1252 = arith.constant 0 : i32
      %dma_wait3A_1253 = tpu.memref_slice %arg5[%add3A_1246, %dma_wait3A_1252] : memref<50x128xi32, #tpu.memory_space<vmem>> -> memref<1x128xi32, #tpu.memory_space<vmem>>
      %dma_wait3A_1254 = tpu.memref_squeeze %dma_wait3A_1253 : memref<1x128xi32, #tpu.memory_space<vmem>> -> memref<128xi32, #tpu.memory_space<vmem>>
      %dma_wait3A_1255 = arith.constant 0 : i32
      %dma_wait3A_1256 = arith.constant 0 : i32
      %dma_wait3A_1257 = tpu.memref_slice %arg3[%dma_wait3A_1255, %dma_wait3A_1256] : memref<100000x64xf32, #tpu.memory_space<hbm>> -> memref<100000x64xf32, #tpu.memory_space<hbm>>
      tpu.wait_indirect_dma semaphore(%arg12 : memref<!tpu.dma_semaphore, #tpu.memory_space<semaphore_mem>>) src(%dma_wait3A_1257 : memref<100000x64xf32, #tpu.memory_space<hbm>>) dst(%dma_wait3A_1251 : memref<128x64xf32, #tpu.memory_space<vmem>>)
      %sub3A_1258 = arith.constant 5 : i32
      %sub3A_1259 = arith.subi %add3A_1246, %sub3A_1258 : i32
      %dma_wait3A_1260 = arith.constant 4 : i32
      %dma_wait3A_1261 = arith.constant 0 : i32
      %dma_wait3A_1262 = arith.constant 0 : i32
      %dma_wait3A_1263 = arith.constant 0 : i32
      %dma_wait3A_1264 = tpu.memref_slice %arg7[%dma_wait3A_1260, %dma_wait3A_1261, %dma_wait3A_1262, %dma_wait3A_1263] : memref<5x8x8x133xf32, #tpu.memory_space<vmem>> -> memref<1x8x8x128xf32, #tpu.memory_space<vmem>>
      %dma_wait3A_1265 = tpu.memref_squeeze %dma_wait3A_1264 : memref<1x8x8x128xf32, #tpu.memory_space<vmem>> -> memref<8x8x128xf32, #tpu.memory_space<vmem>>
      %dma_wait3A_1266 = arith.constant 0 : i32
      %dma_wait3A_1267 = arith.constant 0 : i32
      %dma_wait3A_1268 = arith.constant 0 : i32
      %dma_wait3A_1269 = tpu.memref_slice %arg4[%sub3A_1259, %dma_wait3A_1266, %add3A, %dma_wait3A_1267, %dma_wait3A_1268] : memref<50x8x32x8x128xf32, #tpu.memory_space<hbm>> -> memref<1x8x1x8x128xf32, #tpu.memory_space<hbm>>
      %dma_wait3A_1270 = tpu.memref_squeeze %dma_wait3A_1269 : memref<1x8x1x8x128xf32, #tpu.memory_space<hbm>> -> memref<8x8x128xf32, #tpu.memory_space<hbm>>
      %dma_wait3A_1271 = arith.constant 0 : i32
      %dma_wait3A_1272 = arith.constant 0 : i32
      %dma_wait3A_1273 = arith.constant 0 : i32
      %dma_wait3A_1274 = tpu.memref_slice %arg4[%sub3A_1259, %dma_wait3A_1271, %add3A, %dma_wait3A_1272, %dma_wait3A_1273] : memref<50x8x32x8x128xf32, #tpu.memory_space<hbm>> -> memref<1x8x1x8x128xf32, #tpu.memory_space<hbm>>
      %dma_wait3A_1275 = tpu.memref_squeeze %dma_wait3A_1274 : memref<1x8x1x8x128xf32, #tpu.memory_space<hbm>> -> memref<8x8x128xf32, #tpu.memory_space<hbm>>
      %dma_wait3A_1276 = arith.constant 0 : i32
      %dma_wait3A_1277 = arith.constant 0 : i32
      %dma_wait3A_1278 = arith.constant 0 : i32
      %dma_wait3A_1279 = tpu.memref_slice %arg7[%dma_wait3A_1260, %dma_wait3A_1276, %dma_wait3A_1277, %dma_wait3A_1278] : memref<5x8x8x133xf32, #tpu.memory_space<vmem>> -> memref<1x8x8x128xf32, #tpu.memory_space<vmem>>
      %dma_wait3A_1280 = tpu.memref_squeeze %dma_wait3A_1279 : memref<1x8x8x128xf32, #tpu.memory_space<vmem>> -> memref<8x8x128xf32, #tpu.memory_space<vmem>>
      tpu.wait_dma2 semaphore(%arg17 : memref<!tpu.dma_semaphore, #tpu.memory_space<semaphore_mem>>) src(%dma_wait3A_1280 : memref<8x8x128xf32, #tpu.memory_space<vmem>>) dst(%dma_wait3A_1275 : memref<8x8x128xf32, #tpu.memory_space<hbm>>)
      %parallel_loop3A_1281 = arith.constant 0 : i32
      %parallel_loop3A_1282 = arith.constant 128 : i32
      %parallel_loop3A_1283 = arith.constant 1 : i32
      scf.for %parallel_loop3A_1318 = %parallel_loop3A_1281 to %parallel_loop3A_1282 step %parallel_loop3A_1283  : i32 {
        %parallel_loop3A_1319 = vector.broadcast %parallel_loop3A_1318 : i32 to vector<16xi32>
        %parallel_loop3A_1320 = arith.constant 4 : i32
        %parallel_loop3A_1321 = arith.index_cast %parallel_loop3A_1320 : i32 to index
        %parallel_loop3A_1322 = arith.index_cast %parallel_loop3A_1318 : i32 to index
        %parallel_loop3A_1323 = arith.constant 0 : index
        %parallel_loop3A_1324 = tpu.vector_load %arg6[%parallel_loop3A_1321, %parallel_loop3A_1322, %parallel_loop3A_1323] {strides = array<i32>} : memref<5x128x64xf32, #tpu.memory_space<vmem>>, vector<16xf32>,
        tpu.vector_store_idx %arg7[%broadcast_in_dim3A_237, %select_n3A, %select_n3A_153, %parallel_loop3A_1319], %parallel_loop3A_1324 : memref<5x8x8x133xf32, #tpu.memory_space<vmem>>[vector<16xi32>, vector<16xi32>, vector<16xi32>, vector<16xi32>], vector<16xf32>,
        %parallel_loop3A_1325 = arith.constant 4 : i32
        %parallel_loop3A_1326 = arith.index_cast %parallel_loop3A_1325 : i32 to index
        %parallel_loop3A_1327 = arith.index_cast %parallel_loop3A_1318 : i32 to index
        %parallel_loop3A_1328 = arith.constant 16 : index
        %parallel_loop3A_1329 = tpu.vector_load %arg6[%parallel_loop3A_1326, %parallel_loop3A_1327, %parallel_loop3A_1328] {strides = array<i32>} : memref<5x128x64xf32, #tpu.memory_space<vmem>>, vector<16xf32>,
        tpu.vector_store_idx %arg7[%broadcast_in_dim3A_237, %select_n3A_62, %select_n3A_178, %parallel_loop3A_1319], %parallel_loop3A_1329 : memref<5x8x8x133xf32, #tpu.memory_space<vmem>>[vector<16xi32>, vector<16xi32>, vector<16xi32>, vector<16xi32>], vector<16xf32>,
        %parallel_loop3A_1330 = arith.constant 4 : i32
        %parallel_loop3A_1331 = arith.index_cast %parallel_loop3A_1330 : i32 to index
        %parallel_loop3A_1332 = arith.index_cast %parallel_loop3A_1318 : i32 to index
        %parallel_loop3A_1333 = arith.constant 32 : index
        %parallel_loop3A_1334 = tpu.vector_load %arg6[%parallel_loop3A_1331, %parallel_loop3A_1332, %parallel_loop3A_1333] {strides = array<i32>} : memref<5x128x64xf32, #tpu.memory_space<vmem>>, vector<16xf32>,
        tpu.vector_store_idx %arg7[%broadcast_in_dim3A_237, %select_n3A_96, %select_n3A_203, %parallel_loop3A_1319], %parallel_loop3A_1334 : memref<5x8x8x133xf32, #tpu.memory_space<vmem>>[vector<16xi32>, vector<16xi32>, vector<16xi32>, vector<16xi32>], vector<16xf32>,
        %parallel_loop3A_1335 = arith.constant 4 : i32
        %parallel_loop3A_1336 = arith.index_cast %parallel_loop3A_1335 : i32 to index
        %parallel_loop3A_1337 = arith.index_cast %parallel_loop3A_1318 : i32 to index
        %parallel_loop3A_1338 = arith.constant 48 : index
        %parallel_loop3A_1339 = tpu.vector_load %arg6[%parallel_loop3A_1336, %parallel_loop3A_1337, %parallel_loop3A_1338] {strides = array<i32>} : memref<5x128x64xf32, #tpu.memory_space<vmem>>, vector<16xf32>,
        tpu.vector_store_idx %arg7[%broadcast_in_dim3A_237, %select_n3A_130, %select_n3A_228, %parallel_loop3A_1319], %parallel_loop3A_1339 : memref<5x8x8x133xf32, #tpu.memory_space<vmem>>[vector<16xi32>, vector<16xi32>, vector<16xi32>, vector<16xi32>], vector<16xf32>,
      } {sc.loop_unroll_factor = 4 : i64, sc.parallel_access}
      %dma_start3A_1284 = arith.constant 4 : i32
      %dma_start3A_1285 = arith.constant 0 : i32
      %dma_start3A_1286 = arith.constant 0 : i32
      %dma_start3A_1287 = arith.constant 0 : i32
      %dma_start3A_1288 = tpu.memref_slice %arg7[%dma_start3A_1284, %dma_start3A_1285, %dma_start3A_1286, %dma_start3A_1287] : memref<5x8x8x133xf32, #tpu.memory_space<vmem>> -> memref<1x8x8x128xf32, #tpu.memory_space<vmem>>
      %dma_start3A_1289 = tpu.memref_squeeze %dma_start3A_1288 : memref<1x8x8x128xf32, #tpu.memory_space<vmem>> -> memref<8x8x128xf32, #tpu.memory_space<vmem>>
      %dma_start3A_1290 = arith.constant 0 : i32
      %dma_start3A_1291 = arith.constant 0 : i32
      %dma_start3A_1292 = arith.constant 0 : i32
      %dma_start3A_1293 = tpu.memref_slice %arg4[%add3A_1246, %dma_start3A_1290, %add3A, %dma_start3A_1291, %dma_start3A_1292] : memref<50x8x32x8x128xf32, #tpu.memory_space<hbm>> -> memref<1x8x1x8x128xf32, #tpu.memory_space<hbm>>
      %dma_start3A_1294 = tpu.memref_squeeze %dma_start3A_1293 : memref<1x8x1x8x128xf32, #tpu.memory_space<hbm>> -> memref<8x8x128xf32, #tpu.memory_space<hbm>>
      %dma_start3A_1295 = arith.constant 0 : i32
      %dma_start3A_1296 = arith.constant 0 : i32
      %dma_start3A_1297 = arith.constant 0 : i32
      %dma_start3A_1298 = tpu.memref_slice %arg4[%add3A_1246, %dma_start3A_1295, %add3A, %dma_start3A_1296, %dma_start3A_1297] : memref<50x8x32x8x128xf32, #tpu.memory_space<hbm>> -> memref<1x8x1x8x128xf32, #tpu.memory_space<hbm>>
      %dma_start3A_1299 = tpu.memref_squeeze %dma_start3A_1298 : memref<1x8x1x8x128xf32, #tpu.memory_space<hbm>> -> memref<8x8x128xf32, #tpu.memory_space<hbm>>
      %dma_start3A_1300 = arith.constant 0 : i32
      %dma_start3A_1301 = arith.constant 0 : i32
      %dma_start3A_1302 = arith.constant 0 : i32
      %dma_start3A_1303 = tpu.memref_slice %arg7[%dma_start3A_1284, %dma_start3A_1300, %dma_start3A_1301, %dma_start3A_1302] : memref<5x8x8x133xf32, #tpu.memory_space<vmem>> -> memref<1x8x8x128xf32, #tpu.memory_space<vmem>>
      %dma_start3A_1304 = tpu.memref_squeeze %dma_start3A_1303 : memref<1x8x8x128xf32, #tpu.memory_space<vmem>> -> memref<8x8x128xf32, #tpu.memory_space<vmem>>
      tpu.enqueue_dma source(%dma_start3A_1304 : memref<8x8x128xf32, #tpu.memory_space<vmem>>) target(%dma_start3A_1299 : memref<8x8x128xf32, #tpu.memory_space<hbm>>) target_semaphore(%arg17 : memref<!tpu.dma_semaphore, #tpu.memory_space<semaphore_mem>>)
      %add3A_1305 = arith.constant 5 : i32
      %add3A_1306 = arith.addi %add3A_1246, %add3A_1305 : i32
      %dma_start3A_1307 = arith.constant 4 : i32
      %dma_start3A_1308 = arith.constant 0 : i32
      %dma_start3A_1309 = arith.constant 0 : i32
      %dma_start3A_1310 = tpu.memref_slice %arg6[%dma_start3A_1307, %dma_start3A_1308, %dma_start3A_1309] : memref<5x128x64xf32, #tpu.memory_space<vmem>> -> memref<1x128x64xf32, #tpu.memory_space<vmem>>
      %dma_start3A_1311 = tpu.memref_squeeze %dma_start3A_1310 : memref<1x128x64xf32, #tpu.memory_space<vmem>> -> memref<128x64xf32, #tpu.memory_space<vmem>>
      %dma_start3A_1312 = arith.constant 0 : i32
      %dma_start3A_1313 = tpu.memref_slice %arg5[%add3A_1306, %dma_start3A_1312] : memref<50x128xi32, #tpu.memory_space<vmem>> -> memref<1x128xi32, #tpu.memory_space<vmem>>
      %dma_start3A_1314 = tpu.memref_squeeze %dma_start3A_1313 : memref<1x128xi32, #tpu.memory_space<vmem>> -> memref<128xi32, #tpu.memory_space<vmem>>
      %dma_start3A_1315 = arith.constant 0 : i32
      %dma_start3A_1316 = arith.constant 0 : i32
      %dma_start3A_1317 = tpu.memref_slice %arg3[%dma_start3A_1315, %dma_start3A_1316] : memref<100000x64xf32, #tpu.memory_space<hbm>> -> memref<100000x64xf32, #tpu.memory_space<hbm>>
      tpu.enqueue_indirect_dma source(%dma_start3A_1317 : memref<100000x64xf32, #tpu.memory_space<hbm>>) target(%dma_start3A_1311 : memref<128x64xf32, #tpu.memory_space<vmem>>) offsets(%dma_start3A_1314 : memref<128xi32, #tpu.memory_space<vmem>>) semaphore(%arg12 : memref<!tpu.dma_semaphore, #tpu.memory_space<semaphore_mem>>)
    }
    %scan3A_544 = arith.constant 8 : i32
    %dma_wait3A_545 = arith.constant 45 : i32
    %dma_wait3A_546 = arith.constant 0 : i32
    %dma_wait3A_547 = arith.constant 0 : i32
    %dma_wait3A_548 = arith.constant 0 : i32
    %dma_wait3A_549 = tpu.memref_slice %arg6[%dma_wait3A_546, %dma_wait3A_547, %dma_wait3A_548] : memref<5x128x64xf32, #tpu.memory_space<vmem>> -> memref<1x128x64xf32, #tpu.memory_space<vmem>>
    %dma_wait3A_550 = tpu.memref_squeeze %dma_wait3A_549 : memref<1x128x64xf32, #tpu.memory_space<vmem>> -> memref<128x64xf32, #tpu.memory_space<vmem>>
    %dma_wait3A_551 = arith.constant 0 : i32
    %dma_wait3A_552 = tpu.memref_slice %arg5[%dma_wait3A_545, %dma_wait3A_551] : memref<50x128xi32, #tpu.memory_space<vmem>> -> memref<1x128xi32, #tpu.memory_space<vmem>>
    %dma_wait3A_553 = tpu.memref_squeeze %dma_wait3A_552 : memref<1x128xi32, #tpu.memory_space<vmem>> -> memref<128xi32, #tpu.memory_space<vmem>>
    %dma_wait3A_554 = arith.constant 0 : i32
    %dma_wait3A_555 = arith.constant 0 : i32
    %dma_wait3A_556 = tpu.memref_slice %arg3[%dma_wait3A_554, %dma_wait3A_555] : memref<100000x64xf32, #tpu.memory_space<hbm>> -> memref<100000x64xf32, #tpu.memory_space<hbm>>
    tpu.wait_indirect_dma semaphore(%arg8 : memref<!tpu.dma_semaphore, #tpu.memory_space<semaphore_mem>>) src(%dma_wait3A_556 : memref<100000x64xf32, #tpu.memory_space<hbm>>) dst(%dma_wait3A_550 : memref<128x64xf32, #tpu.memory_space<vmem>>)
    %dma_wait3A_557 = arith.constant 0 : i32
    %dma_wait3A_558 = arith.constant 40 : i32
    %dma_wait3A_559 = arith.constant 0 : i32
    %dma_wait3A_560 = arith.constant 0 : i32
    %dma_wait3A_561 = arith.constant 0 : i32
    %dma_wait3A_562 = tpu.memref_slice %arg7[%dma_wait3A_557, %dma_wait3A_559, %dma_wait3A_560, %dma_wait3A_561] : memref<5x8x8x133xf32, #tpu.memory_space<vmem>> -> memref<1x8x8x128xf32, #tpu.memory_space<vmem>>
    %dma_wait3A_563 = tpu.memref_squeeze %dma_wait3A_562 : memref<1x8x8x128xf32, #tpu.memory_space<vmem>> -> memref<8x8x128xf32, #tpu.memory_space<vmem>>
    %dma_wait3A_564 = arith.constant 0 : i32
    %dma_wait3A_565 = arith.constant 0 : i32
    %dma_wait3A_566 = arith.constant 0 : i32
    %dma_wait3A_567 = tpu.memref_slice %arg4[%dma_wait3A_558, %dma_wait3A_564, %add3A, %dma_wait3A_565, %dma_wait3A_566] : memref<50x8x32x8x128xf32, #tpu.memory_space<hbm>> -> memref<1x8x1x8x128xf32, #tpu.memory_space<hbm>>
    %dma_wait3A_568 = tpu.memref_squeeze %dma_wait3A_567 : memref<1x8x1x8x128xf32, #tpu.memory_space<hbm>> -> memref<8x8x128xf32, #tpu.memory_space<hbm>>
    %dma_wait3A_569 = arith.constant 0 : i32
    %dma_wait3A_570 = arith.constant 0 : i32
    %dma_wait3A_571 = arith.constant 0 : i32
    %dma_wait3A_572 = tpu.memref_slice %arg4[%dma_wait3A_558, %dma_wait3A_569, %add3A, %dma_wait3A_570, %dma_wait3A_571] : memref<50x8x32x8x128xf32, #tpu.memory_space<hbm>> -> memref<1x8x1x8x128xf32, #tpu.memory_space<hbm>>
    %dma_wait3A_573 = tpu.memref_squeeze %dma_wait3A_572 : memref<1x8x1x8x128xf32, #tpu.memory_space<hbm>> -> memref<8x8x128xf32, #tpu.memory_space<hbm>>
    %dma_wait3A_574 = arith.constant 0 : i32
    %dma_wait3A_575 = arith.constant 0 : i32
    %dma_wait3A_576 = arith.constant 0 : i32
    %dma_wait3A_577 = tpu.memref_slice %arg7[%dma_wait3A_557, %dma_wait3A_574, %dma_wait3A_575, %dma_wait3A_576] : memref<5x8x8x133xf32, #tpu.memory_space<vmem>> -> memref<1x8x8x128xf32, #tpu.memory_space<vmem>>
    %dma_wait3A_578 = tpu.memref_squeeze %dma_wait3A_577 : memref<1x8x8x128xf32, #tpu.memory_space<vmem>> -> memref<8x8x128xf32, #tpu.memory_space<vmem>>
    tpu.wait_dma2 semaphore(%arg13 : memref<!tpu.dma_semaphore, #tpu.memory_space<semaphore_mem>>) src(%dma_wait3A_578 : memref<8x8x128xf32, #tpu.memory_space<vmem>>) dst(%dma_wait3A_573 : memref<8x8x128xf32, #tpu.memory_space<hbm>>)
    %parallel_loop3A_579 = arith.constant 0 : i32
    %parallel_loop3A_580 = arith.constant 128 : i32
    %parallel_loop3A_581 = arith.constant 1 : i32
    scf.for %parallel_loop3A_950 = %parallel_loop3A_579 to %parallel_loop3A_580 step %parallel_loop3A_581  : i32 {
      %parallel_loop3A_951 = vector.broadcast %parallel_loop3A_950 : i32 to vector<16xi32>
      %parallel_loop3A_952 = arith.constant 0 : i32
      %parallel_loop3A_953 = arith.index_cast %parallel_loop3A_952 : i32 to index
      %parallel_loop3A_954 = arith.index_cast %parallel_loop3A_950 : i32 to index
      %parallel_loop3A_955 = arith.constant 0 : index
      %parallel_loop3A_956 = tpu.vector_load %arg6[%parallel_loop3A_953, %parallel_loop3A_954, %parallel_loop3A_955] {strides = array<i32>} : memref<5x128x64xf32, #tpu.memory_space<vmem>>, vector<16xf32>,
      tpu.vector_store_idx %arg7[%broadcast_in_dim3A_229, %select_n3A, %select_n3A_153, %parallel_loop3A_951], %parallel_loop3A_956 : memref<5x8x8x133xf32, #tpu.memory_space<vmem>>[vector<16xi32>, vector<16xi32>, vector<16xi32>, vector<16xi32>], vector<16xf32>,
      %parallel_loop3A_957 = arith.constant 0 : i32
      %parallel_loop3A_958 = arith.index_cast %parallel_loop3A_957 : i32 to index
      %parallel_loop3A_959 = arith.index_cast %parallel_loop3A_950 : i32 to index
      %parallel_loop3A_960 = arith.constant 16 : index
      %parallel_loop3A_961 = tpu.vector_load %arg6[%parallel_loop3A_958, %parallel_loop3A_959, %parallel_loop3A_960] {strides = array<i32>} : memref<5x128x64xf32, #tpu.memory_space<vmem>>, vector<16xf32>,
      tpu.vector_store_idx %arg7[%broadcast_in_dim3A_229, %select_n3A_62, %select_n3A_178, %parallel_loop3A_951], %parallel_loop3A_961 : memref<5x8x8x133xf32, #tpu.memory_space<vmem>>[vector<16xi32>, vector<16xi32>, vector<16xi32>, vector<16xi32>], vector<16xf32>,
      %parallel_loop3A_962 = arith.constant 0 : i32
      %parallel_loop3A_963 = arith.index_cast %parallel_loop3A_962 : i32 to index
      %parallel_loop3A_964 = arith.index_cast %parallel_loop3A_950 : i32 to index
      %parallel_loop3A_965 = arith.constant 32 : index
      %parallel_loop3A_966 = tpu.vector_load %arg6[%parallel_loop3A_963, %parallel_loop3A_964, %parallel_loop3A_965] {strides = array<i32>} : memref<5x128x64xf32, #tpu.memory_space<vmem>>, vector<16xf32>,
      tpu.vector_store_idx %arg7[%broadcast_in_dim3A_229, %select_n3A_96, %select_n3A_203, %parallel_loop3A_951], %parallel_loop3A_966 : memref<5x8x8x133xf32, #tpu.memory_space<vmem>>[vector<16xi32>, vector<16xi32>, vector<16xi32>, vector<16xi32>], vector<16xf32>,
      %parallel_loop3A_967 = arith.constant 0 : i32
      %parallel_loop3A_968 = arith.index_cast %parallel_loop3A_967 : i32 to index
      %parallel_loop3A_969 = arith.index_cast %parallel_loop3A_950 : i32 to index
      %parallel_loop3A_970 = arith.constant 48 : index
      %parallel_loop3A_971 = tpu.vector_load %arg6[%parallel_loop3A_968, %parallel_loop3A_969, %parallel_loop3A_970] {strides = array<i32>} : memref<5x128x64xf32, #tpu.memory_space<vmem>>, vector<16xf32>,
      tpu.vector_store_idx %arg7[%broadcast_in_dim3A_229, %select_n3A_130, %select_n3A_228, %parallel_loop3A_951], %parallel_loop3A_971 : memref<5x8x8x133xf32, #tpu.memory_space<vmem>>[vector<16xi32>, vector<16xi32>, vector<16xi32>, vector<16xi32>], vector<16xf32>,
    } {sc.loop_unroll_factor = 4 : i64, sc.parallel_access}
    %dma_start3A_582 = arith.constant 0 : i32
    %dma_start3A_583 = arith.constant 45 : i32
    %dma_start3A_584 = arith.constant 0 : i32
    %dma_start3A_585 = arith.constant 0 : i32
    %dma_start3A_586 = arith.constant 0 : i32
    %dma_start3A_587 = tpu.memref_slice %arg7[%dma_start3A_582, %dma_start3A_584, %dma_start3A_585, %dma_start3A_586] : memref<5x8x8x133xf32, #tpu.memory_space<vmem>> -> memref<1x8x8x128xf32, #tpu.memory_space<vmem>>
    %dma_start3A_588 = tpu.memref_squeeze %dma_start3A_587 : memref<1x8x8x128xf32, #tpu.memory_space<vmem>> -> memref<8x8x128xf32, #tpu.memory_space<vmem>>
    %dma_start3A_589 = arith.constant 0 : i32
    %dma_start3A_590 = arith.constant 0 : i32
    %dma_start3A_591 = arith.constant 0 : i32
    %dma_start3A_592 = tpu.memref_slice %arg4[%dma_start3A_583, %dma_start3A_589, %add3A, %dma_start3A_590, %dma_start3A_591] : memref<50x8x32x8x128xf32, #tpu.memory_space<hbm>> -> memref<1x8x1x8x128xf32, #tpu.memory_space<hbm>>
    %dma_start3A_593 = tpu.memref_squeeze %dma_start3A_592 : memref<1x8x1x8x128xf32, #tpu.memory_space<hbm>> -> memref<8x8x128xf32, #tpu.memory_space<hbm>>
    %dma_start3A_594 = arith.constant 0 : i32
    %dma_start3A_595 = arith.constant 0 : i32
    %dma_start3A_596 = arith.constant 0 : i32
    %dma_start3A_597 = tpu.memref_slice %arg4[%dma_start3A_583, %dma_start3A_594, %add3A, %dma_start3A_595, %dma_start3A_596] : memref<50x8x32x8x128xf32, #tpu.memory_space<hbm>> -> memref<1x8x1x8x128xf32, #tpu.memory_space<hbm>>
    %dma_start3A_598 = tpu.memref_squeeze %dma_start3A_597 : memref<1x8x1x8x128xf32, #tpu.memory_space<hbm>> -> memref<8x8x128xf32, #tpu.memory_space<hbm>>
    %dma_start3A_599 = arith.constant 0 : i32
    %dma_start3A_600 = arith.constant 0 : i32
    %dma_start3A_601 = arith.constant 0 : i32
    %dma_start3A_602 = tpu.memref_slice %arg7[%dma_start3A_582, %dma_start3A_599, %dma_start3A_600, %dma_start3A_601] : memref<5x8x8x133xf32, #tpu.memory_space<vmem>> -> memref<1x8x8x128xf32, #tpu.memory_space<vmem>>
    %dma_start3A_603 = tpu.memref_squeeze %dma_start3A_602 : memref<1x8x8x128xf32, #tpu.memory_space<vmem>> -> memref<8x8x128xf32, #tpu.memory_space<vmem>>
    tpu.enqueue_dma source(%dma_start3A_603 : memref<8x8x128xf32, #tpu.memory_space<vmem>>) target(%dma_start3A_598 : memref<8x8x128xf32, #tpu.memory_space<hbm>>) target_semaphore(%arg13 : memref<!tpu.dma_semaphore, #tpu.memory_space<semaphore_mem>>)
    %dma_wait3A_604 = arith.constant 46 : i32
    %dma_wait3A_605 = arith.constant 1 : i32
    %dma_wait3A_606 = arith.constant 0 : i32
    %dma_wait3A_607 = arith.constant 0 : i32
    %dma_wait3A_608 = tpu.memref_slice %arg6[%dma_wait3A_605, %dma_wait3A_606, %dma_wait3A_607] : memref<5x128x64xf32, #tpu.memory_space<vmem>> -> memref<1x128x64xf32, #tpu.memory_space<vmem>>
    %dma_wait3A_609 = tpu.memref_squeeze %dma_wait3A_608 : memref<1x128x64xf32, #tpu.memory_space<vmem>> -> memref<128x64xf32, #tpu.memory_space<vmem>>
    %dma_wait3A_610 = arith.constant 0 : i32
    %dma_wait3A_611 = tpu.memref_slice %arg5[%dma_wait3A_604, %dma_wait3A_610] : memref<50x128xi32, #tpu.memory_space<vmem>> -> memref<1x128xi32, #tpu.memory_space<vmem>>
    %dma_wait3A_612 = tpu.memref_squeeze %dma_wait3A_611 : memref<1x128xi32, #tpu.memory_space<vmem>> -> memref<128xi32, #tpu.memory_space<vmem>>
    %dma_wait3A_613 = arith.constant 0 : i32
    %dma_wait3A_614 = arith.constant 0 : i32
    %dma_wait3A_615 = tpu.memref_slice %arg3[%dma_wait3A_613, %dma_wait3A_614] : memref<100000x64xf32, #tpu.memory_space<hbm>> -> memref<100000x64xf32, #tpu.memory_space<hbm>>
    tpu.wait_indirect_dma semaphore(%arg9 : memref<!tpu.dma_semaphore, #tpu.memory_space<semaphore_mem>>) src(%dma_wait3A_615 : memref<100000x64xf32, #tpu.memory_space<hbm>>) dst(%dma_wait3A_609 : memref<128x64xf32, #tpu.memory_space<vmem>>)
    %dma_wait3A_616 = arith.constant 1 : i32
    %dma_wait3A_617 = arith.constant 41 : i32
    %dma_wait3A_618 = arith.constant 0 : i32
    %dma_wait3A_619 = arith.constant 0 : i32
    %dma_wait3A_620 = arith.constant 0 : i32
    %dma_wait3A_621 = tpu.memref_slice %arg7[%dma_wait3A_616, %dma_wait3A_618, %dma_wait3A_619, %dma_wait3A_620] : memref<5x8x8x133xf32, #tpu.memory_space<vmem>> -> memref<1x8x8x128xf32, #tpu.memory_space<vmem>>
    %dma_wait3A_622 = tpu.memref_squeeze %dma_wait3A_621 : memref<1x8x8x128xf32, #tpu.memory_space<vmem>> -> memref<8x8x128xf32, #tpu.memory_space<vmem>>
    %dma_wait3A_623 = arith.constant 0 : i32
    %dma_wait3A_624 = arith.constant 0 : i32
    %dma_wait3A_625 = arith.constant 0 : i32
    %dma_wait3A_626 = tpu.memref_slice %arg4[%dma_wait3A_617, %dma_wait3A_623, %add3A, %dma_wait3A_624, %dma_wait3A_625] : memref<50x8x32x8x128xf32, #tpu.memory_space<hbm>> -> memref<1x8x1x8x128xf32, #tpu.memory_space<hbm>>
    %dma_wait3A_627 = tpu.memref_squeeze %dma_wait3A_626 : memref<1x8x1x8x128xf32, #tpu.memory_space<hbm>> -> memref<8x8x128xf32, #tpu.memory_space<hbm>>
    %dma_wait3A_628 = arith.constant 0 : i32
    %dma_wait3A_629 = arith.constant 0 : i32
    %dma_wait3A_630 = arith.constant 0 : i32
    %dma_wait3A_631 = tpu.memref_slice %arg4[%dma_wait3A_617, %dma_wait3A_628, %add3A, %dma_wait3A_629, %dma_wait3A_630] : memref<50x8x32x8x128xf32, #tpu.memory_space<hbm>> -> memref<1x8x1x8x128xf32, #tpu.memory_space<hbm>>
    %dma_wait3A_632 = tpu.memref_squeeze %dma_wait3A_631 : memref<1x8x1x8x128xf32, #tpu.memory_space<hbm>> -> memref<8x8x128xf32, #tpu.memory_space<hbm>>
    %dma_wait3A_633 = arith.constant 0 : i32
    %dma_wait3A_634 = arith.constant 0 : i32
    %dma_wait3A_635 = arith.constant 0 : i32
    %dma_wait3A_636 = tpu.memref_slice %arg7[%dma_wait3A_616, %dma_wait3A_633, %dma_wait3A_634, %dma_wait3A_635] : memref<5x8x8x133xf32, #tpu.memory_space<vmem>> -> memref<1x8x8x128xf32, #tpu.memory_space<vmem>>
    %dma_wait3A_637 = tpu.memref_squeeze %dma_wait3A_636 : memref<1x8x8x128xf32, #tpu.memory_space<vmem>> -> memref<8x8x128xf32, #tpu.memory_space<vmem>>
    tpu.wait_dma2 semaphore(%arg14 : memref<!tpu.dma_semaphore, #tpu.memory_space<semaphore_mem>>) src(%dma_wait3A_637 : memref<8x8x128xf32, #tpu.memory_space<vmem>>) dst(%dma_wait3A_632 : memref<8x8x128xf32, #tpu.memory_space<hbm>>)
    %parallel_loop3A_638 = arith.constant 0 : i32
    %parallel_loop3A_639 = arith.constant 128 : i32
    %parallel_loop3A_640 = arith.constant 1 : i32
    scf.for %parallel_loop3A_950 = %parallel_loop3A_638 to %parallel_loop3A_639 step %parallel_loop3A_640  : i32 {
      %parallel_loop3A_951 = vector.broadcast %parallel_loop3A_950 : i32 to vector<16xi32>
      %parallel_loop3A_952 = arith.constant 1 : i32
      %parallel_loop3A_953 = arith.index_cast %parallel_loop3A_952 : i32 to index
      %parallel_loop3A_954 = arith.index_cast %parallel_loop3A_950 : i32 to index
      %parallel_loop3A_955 = arith.constant 0 : index
      %parallel_loop3A_956 = tpu.vector_load %arg6[%parallel_loop3A_953, %parallel_loop3A_954, %parallel_loop3A_955] {strides = array<i32>} : memref<5x128x64xf32, #tpu.memory_space<vmem>>, vector<16xf32>,
      tpu.vector_store_idx %arg7[%broadcast_in_dim3A_231, %select_n3A, %select_n3A_153, %parallel_loop3A_951], %parallel_loop3A_956 : memref<5x8x8x133xf32, #tpu.memory_space<vmem>>[vector<16xi32>, vector<16xi32>, vector<16xi32>, vector<16xi32>], vector<16xf32>,
      %parallel_loop3A_957 = arith.constant 1 : i32
      %parallel_loop3A_958 = arith.index_cast %parallel_loop3A_957 : i32 to index
      %parallel_loop3A_959 = arith.index_cast %parallel_loop3A_950 : i32 to index
      %parallel_loop3A_960 = arith.constant 16 : index
      %parallel_loop3A_961 = tpu.vector_load %arg6[%parallel_loop3A_958, %parallel_loop3A_959, %parallel_loop3A_960] {strides = array<i32>} : memref<5x128x64xf32, #tpu.memory_space<vmem>>, vector<16xf32>,
      tpu.vector_store_idx %arg7[%broadcast_in_dim3A_231, %select_n3A_62, %select_n3A_178, %parallel_loop3A_951], %parallel_loop3A_961 : memref<5x8x8x133xf32, #tpu.memory_space<vmem>>[vector<16xi32>, vector<16xi32>, vector<16xi32>, vector<16xi32>], vector<16xf32>,
      %parallel_loop3A_962 = arith.constant 1 : i32
      %parallel_loop3A_963 = arith.index_cast %parallel_loop3A_962 : i32 to index
      %parallel_loop3A_964 = arith.index_cast %parallel_loop3A_950 : i32 to index
      %parallel_loop3A_965 = arith.constant 32 : index
      %parallel_loop3A_966 = tpu.vector_load %arg6[%parallel_loop3A_963, %parallel_loop3A_964, %parallel_loop3A_965] {strides = array<i32>} : memref<5x128x64xf32, #tpu.memory_space<vmem>>, vector<16xf32>,
      tpu.vector_store_idx %arg7[%broadcast_in_dim3A_231, %select_n3A_96, %select_n3A_203, %parallel_loop3A_951], %parallel_loop3A_966 : memref<5x8x8x133xf32, #tpu.memory_space<vmem>>[vector<16xi32>, vector<16xi32>, vector<16xi32>, vector<16xi32>], vector<16xf32>,
      %parallel_loop3A_967 = arith.constant 1 : i32
      %parallel_loop3A_968 = arith.index_cast %parallel_loop3A_967 : i32 to index
      %parallel_loop3A_969 = arith.index_cast %parallel_loop3A_950 : i32 to index
      %parallel_loop3A_970 = arith.constant 48 : index
      %parallel_loop3A_971 = tpu.vector_load %arg6[%parallel_loop3A_968, %parallel_loop3A_969, %parallel_loop3A_970] {strides = array<i32>} : memref<5x128x64xf32, #tpu.memory_space<vmem>>, vector<16xf32>,
      tpu.vector_store_idx %arg7[%broadcast_in_dim3A_231, %select_n3A_130, %select_n3A_228, %parallel_loop3A_951], %parallel_loop3A_971 : memref<5x8x8x133xf32, #tpu.memory_space<vmem>>[vector<16xi32>, vector<16xi32>, vector<16xi32>, vector<16xi32>], vector<16xf32>,
    } {sc.loop_unroll_factor = 4 : i64, sc.parallel_access}
    %dma_start3A_641 = arith.constant 1 : i32
    %dma_start3A_642 = arith.constant 46 : i32
    %dma_start3A_643 = arith.constant 0 : i32
    %dma_start3A_644 = arith.constant 0 : i32
    %dma_start3A_645 = arith.constant 0 : i32
    %dma_start3A_646 = tpu.memref_slice %arg7[%dma_start3A_641, %dma_start3A_643, %dma_start3A_644, %dma_start3A_645] : memref<5x8x8x133xf32, #tpu.memory_space<vmem>> -> memref<1x8x8x128xf32, #tpu.memory_space<vmem>>
    %dma_start3A_647 = tpu.memref_squeeze %dma_start3A_646 : memref<1x8x8x128xf32, #tpu.memory_space<vmem>> -> memref<8x8x128xf32, #tpu.memory_space<vmem>>
    %dma_start3A_648 = arith.constant 0 : i32
    %dma_start3A_649 = arith.constant 0 : i32
    %dma_start3A_650 = arith.constant 0 : i32
    %dma_start3A_651 = tpu.memref_slice %arg4[%dma_start3A_642, %dma_start3A_648, %add3A, %dma_start3A_649, %dma_start3A_650] : memref<50x8x32x8x128xf32, #tpu.memory_space<hbm>> -> memref<1x8x1x8x128xf32, #tpu.memory_space<hbm>>
    %dma_start3A_652 = tpu.memref_squeeze %dma_start3A_651 : memref<1x8x1x8x128xf32, #tpu.memory_space<hbm>> -> memref<8x8x128xf32, #tpu.memory_space<hbm>>
    %dma_start3A_653 = arith.constant 0 : i32
    %dma_start3A_654 = arith.constant 0 : i32
    %dma_start3A_655 = arith.constant 0 : i32
    %dma_start3A_656 = tpu.memref_slice %arg4[%dma_start3A_642, %dma_start3A_653, %add3A, %dma_start3A_654, %dma_start3A_655] : memref<50x8x32x8x128xf32, #tpu.memory_space<hbm>> -> memref<1x8x1x8x128xf32, #tpu.memory_space<hbm>>
    %dma_start3A_657 = tpu.memref_squeeze %dma_start3A_656 : memref<1x8x1x8x128xf32, #tpu.memory_space<hbm>> -> memref<8x8x128xf32, #tpu.memory_space<hbm>>
    %dma_start3A_658 = arith.constant 0 : i32
    %dma_start3A_659 = arith.constant 0 : i32
    %dma_start3A_660 = arith.constant 0 : i32
    %dma_start3A_661 = tpu.memref_slice %arg7[%dma_start3A_641, %dma_start3A_658, %dma_start3A_659, %dma_start3A_660] : memref<5x8x8x133xf32, #tpu.memory_space<vmem>> -> memref<1x8x8x128xf32, #tpu.memory_space<vmem>>
    %dma_start3A_662 = tpu.memref_squeeze %dma_start3A_661 : memref<1x8x8x128xf32, #tpu.memory_space<vmem>> -> memref<8x8x128xf32, #tpu.memory_space<vmem>>
    tpu.enqueue_dma source(%dma_start3A_662 : memref<8x8x128xf32, #tpu.memory_space<vmem>>) target(%dma_start3A_657 : memref<8x8x128xf32, #tpu.memory_space<hbm>>) target_semaphore(%arg14 : memref<!tpu.dma_semaphore, #tpu.memory_space<semaphore_mem>>)
    %dma_wait3A_663 = arith.constant 47 : i32
    %dma_wait3A_664 = arith.constant 2 : i32
    %dma_wait3A_665 = arith.constant 0 : i32
    %dma_wait3A_666 = arith.constant 0 : i32
    %dma_wait3A_667 = tpu.memref_slice %arg6[%dma_wait3A_664, %dma_wait3A_665, %dma_wait3A_666] : memref<5x128x64xf32, #tpu.memory_space<vmem>> -> memref<1x128x64xf32, #tpu.memory_space<vmem>>
    %dma_wait3A_668 = tpu.memref_squeeze %dma_wait3A_667 : memref<1x128x64xf32, #tpu.memory_space<vmem>> -> memref<128x64xf32, #tpu.memory_space<vmem>>
    %dma_wait3A_669 = arith.constant 0 : i32
    %dma_wait3A_670 = tpu.memref_slice %arg5[%dma_wait3A_663, %dma_wait3A_669] : memref<50x128xi32, #tpu.memory_space<vmem>> -> memref<1x128xi32, #tpu.memory_space<vmem>>
    %dma_wait3A_671 = tpu.memref_squeeze %dma_wait3A_670 : memref<1x128xi32, #tpu.memory_space<vmem>> -> memref<128xi32, #tpu.memory_space<vmem>>
    %dma_wait3A_672 = arith.constant 0 : i32
    %dma_wait3A_673 = arith.constant 0 : i32
    %dma_wait3A_674 = tpu.memref_slice %arg3[%dma_wait3A_672, %dma_wait3A_673] : memref<100000x64xf32, #tpu.memory_space<hbm>> -> memref<100000x64xf32, #tpu.memory_space<hbm>>
    tpu.wait_indirect_dma semaphore(%arg10 : memref<!tpu.dma_semaphore, #tpu.memory_space<semaphore_mem>>) src(%dma_wait3A_674 : memref<100000x64xf32, #tpu.memory_space<hbm>>) dst(%dma_wait3A_668 : memref<128x64xf32, #tpu.memory_space<vmem>>)
    %dma_wait3A_675 = arith.constant 2 : i32
    %dma_wait3A_676 = arith.constant 42 : i32
    %dma_wait3A_677 = arith.constant 0 : i32
    %dma_wait3A_678 = arith.constant 0 : i32
    %dma_wait3A_679 = arith.constant 0 : i32
    %dma_wait3A_680 = tpu.memref_slice %arg7[%dma_wait3A_675, %dma_wait3A_677, %dma_wait3A_678, %dma_wait3A_679] : memref<5x8x8x133xf32, #tpu.memory_space<vmem>> -> memref<1x8x8x128xf32, #tpu.memory_space<vmem>>
    %dma_wait3A_681 = tpu.memref_squeeze %dma_wait3A_680 : memref<1x8x8x128xf32, #tpu.memory_space<vmem>> -> memref<8x8x128xf32, #tpu.memory_space<vmem>>
    %dma_wait3A_682 = arith.constant 0 : i32
    %dma_wait3A_683 = arith.constant 0 : i32
    %dma_wait3A_684 = arith.constant 0 : i32
    %dma_wait3A_685 = tpu.memref_slice %arg4[%dma_wait3A_676, %dma_wait3A_682, %add3A, %dma_wait3A_683, %dma_wait3A_684] : memref<50x8x32x8x128xf32, #tpu.memory_space<hbm>> -> memref<1x8x1x8x128xf32, #tpu.memory_space<hbm>>
    %dma_wait3A_686 = tpu.memref_squeeze %dma_wait3A_685 : memref<1x8x1x8x128xf32, #tpu.memory_space<hbm>> -> memref<8x8x128xf32, #tpu.memory_space<hbm>>
    %dma_wait3A_687 = arith.constant 0 : i32
    %dma_wait3A_688 = arith.constant 0 : i32
    %dma_wait3A_689 = arith.constant 0 : i32
    %dma_wait3A_690 = tpu.memref_slice %arg4[%dma_wait3A_676, %dma_wait3A_687, %add3A, %dma_wait3A_688, %dma_wait3A_689] : memref<50x8x32x8x128xf32, #tpu.memory_space<hbm>> -> memref<1x8x1x8x128xf32, #tpu.memory_space<hbm>>
    %dma_wait3A_691 = tpu.memref_squeeze %dma_wait3A_690 : memref<1x8x1x8x128xf32, #tpu.memory_space<hbm>> -> memref<8x8x128xf32, #tpu.memory_space<hbm>>
    %dma_wait3A_692 = arith.constant 0 : i32
    %dma_wait3A_693 = arith.constant 0 : i32
    %dma_wait3A_694 = arith.constant 0 : i32
    %dma_wait3A_695 = tpu.memref_slice %arg7[%dma_wait3A_675, %dma_wait3A_692, %dma_wait3A_693, %dma_wait3A_694] : memref<5x8x8x133xf32, #tpu.memory_space<vmem>> -> memref<1x8x8x128xf32, #tpu.memory_space<vmem>>
    %dma_wait3A_696 = tpu.memref_squeeze %dma_wait3A_695 : memref<1x8x8x128xf32, #tpu.memory_space<vmem>> -> memref<8x8x128xf32, #tpu.memory_space<vmem>>
    tpu.wait_dma2 semaphore(%arg15 : memref<!tpu.dma_semaphore, #tpu.memory_space<semaphore_mem>>) src(%dma_wait3A_696 : memref<8x8x128xf32, #tpu.memory_space<vmem>>) dst(%dma_wait3A_691 : memref<8x8x128xf32, #tpu.memory_space<hbm>>)
    %parallel_loop3A_697 = arith.constant 0 : i32
    %parallel_loop3A_698 = arith.constant 128 : i32
    %parallel_loop3A_699 = arith.constant 1 : i32
    scf.for %parallel_loop3A_950 = %parallel_loop3A_697 to %parallel_loop3A_698 step %parallel_loop3A_699  : i32 {
      %parallel_loop3A_951 = vector.broadcast %parallel_loop3A_950 : i32 to vector<16xi32>
      %parallel_loop3A_952 = arith.constant 2 : i32
      %parallel_loop3A_953 = arith.index_cast %parallel_loop3A_952 : i32 to index
      %parallel_loop3A_954 = arith.index_cast %parallel_loop3A_950 : i32 to index
      %parallel_loop3A_955 = arith.constant 0 : index
      %parallel_loop3A_956 = tpu.vector_load %arg6[%parallel_loop3A_953, %parallel_loop3A_954, %parallel_loop3A_955] {strides = array<i32>} : memref<5x128x64xf32, #tpu.memory_space<vmem>>, vector<16xf32>,
      tpu.vector_store_idx %arg7[%broadcast_in_dim3A_233, %select_n3A, %select_n3A_153, %parallel_loop3A_951], %parallel_loop3A_956 : memref<5x8x8x133xf32, #tpu.memory_space<vmem>>[vector<16xi32>, vector<16xi32>, vector<16xi32>, vector<16xi32>], vector<16xf32>,
      %parallel_loop3A_957 = arith.constant 2 : i32
      %parallel_loop3A_958 = arith.index_cast %parallel_loop3A_957 : i32 to index
      %parallel_loop3A_959 = arith.index_cast %parallel_loop3A_950 : i32 to index
      %parallel_loop3A_960 = arith.constant 16 : index
      %parallel_loop3A_961 = tpu.vector_load %arg6[%parallel_loop3A_958, %parallel_loop3A_959, %parallel_loop3A_960] {strides = array<i32>} : memref<5x128x64xf32, #tpu.memory_space<vmem>>, vector<16xf32>,
      tpu.vector_store_idx %arg7[%broadcast_in_dim3A_233, %select_n3A_62, %select_n3A_178, %parallel_loop3A_951], %parallel_loop3A_961 : memref<5x8x8x133xf32, #tpu.memory_space<vmem>>[vector<16xi32>, vector<16xi32>, vector<16xi32>, vector<16xi32>], vector<16xf32>,
      %parallel_loop3A_962 = arith.constant 2 : i32
      %parallel_loop3A_963 = arith.index_cast %parallel_loop3A_962 : i32 to index
      %parallel_loop3A_964 = arith.index_cast %parallel_loop3A_950 : i32 to index
      %parallel_loop3A_965 = arith.constant 32 : index
      %parallel_loop3A_966 = tpu.vector_load %arg6[%parallel_loop3A_963, %parallel_loop3A_964, %parallel_loop3A_965] {strides = array<i32>} : memref<5x128x64xf32, #tpu.memory_space<vmem>>, vector<16xf32>,
      tpu.vector_store_idx %arg7[%broadcast_in_dim3A_233, %select_n3A_96, %select_n3A_203, %parallel_loop3A_951], %parallel_loop3A_966 : memref<5x8x8x133xf32, #tpu.memory_space<vmem>>[vector<16xi32>, vector<16xi32>, vector<16xi32>, vector<16xi32>], vector<16xf32>,
      %parallel_loop3A_967 = arith.constant 2 : i32
      %parallel_loop3A_968 = arith.index_cast %parallel_loop3A_967 : i32 to index
      %parallel_loop3A_969 = arith.index_cast %parallel_loop3A_950 : i32 to index
      %parallel_loop3A_970 = arith.constant 48 : index
      %parallel_loop3A_971 = tpu.vector_load %arg6[%parallel_loop3A_968, %parallel_loop3A_969, %parallel_loop3A_970] {strides = array<i32>} : memref<5x128x64xf32, #tpu.memory_space<vmem>>, vector<16xf32>,
      tpu.vector_store_idx %arg7[%broadcast_in_dim3A_233, %select_n3A_130, %select_n3A_228, %parallel_loop3A_951], %parallel_loop3A_971 : memref<5x8x8x133xf32, #tpu.memory_space<vmem>>[vector<16xi32>, vector<16xi32>, vector<16xi32>, vector<16xi32>], vector<16xf32>,
    } {sc.loop_unroll_factor = 4 : i64, sc.parallel_access}
    %dma_start3A_700 = arith.constant 2 : i32
    %dma_start3A_701 = arith.constant 47 : i32
    %dma_start3A_702 = arith.constant 0 : i32
    %dma_start3A_703 = arith.constant 0 : i32
    %dma_start3A_704 = arith.constant 0 : i32
    %dma_start3A_705 = tpu.memref_slice %arg7[%dma_start3A_700, %dma_start3A_702, %dma_start3A_703, %dma_start3A_704] : memref<5x8x8x133xf32, #tpu.memory_space<vmem>> -> memref<1x8x8x128xf32, #tpu.memory_space<vmem>>
    %dma_start3A_706 = tpu.memref_squeeze %dma_start3A_705 : memref<1x8x8x128xf32, #tpu.memory_space<vmem>> -> memref<8x8x128xf32, #tpu.memory_space<vmem>>
    %dma_start3A_707 = arith.constant 0 : i32
    %dma_start3A_708 = arith.constant 0 : i32
    %dma_start3A_709 = arith.constant 0 : i32
    %dma_start3A_710 = tpu.memref_slice %arg4[%dma_start3A_701, %dma_start3A_707, %add3A, %dma_start3A_708, %dma_start3A_709] : memref<50x8x32x8x128xf32, #tpu.memory_space<hbm>> -> memref<1x8x1x8x128xf32, #tpu.memory_space<hbm>>
    %dma_start3A_711 = tpu.memref_squeeze %dma_start3A_710 : memref<1x8x1x8x128xf32, #tpu.memory_space<hbm>> -> memref<8x8x128xf32, #tpu.memory_space<hbm>>
    %dma_start3A_712 = arith.constant 0 : i32
    %dma_start3A_713 = arith.constant 0 : i32
    %dma_start3A_714 = arith.constant 0 : i32
    %dma_start3A_715 = tpu.memref_slice %arg4[%dma_start3A_701, %dma_start3A_712, %add3A, %dma_start3A_713, %dma_start3A_714] : memref<50x8x32x8x128xf32, #tpu.memory_space<hbm>> -> memref<1x8x1x8x128xf32, #tpu.memory_space<hbm>>
    %dma_start3A_716 = tpu.memref_squeeze %dma_start3A_715 : memref<1x8x1x8x128xf32, #tpu.memory_space<hbm>> -> memref<8x8x128xf32, #tpu.memory_space<hbm>>
    %dma_start3A_717 = arith.constant 0 : i32
    %dma_start3A_718 = arith.constant 0 : i32
    %dma_start3A_719 = arith.constant 0 : i32
    %dma_start3A_720 = tpu.memref_slice %arg7[%dma_start3A_700, %dma_start3A_717, %dma_start3A_718, %dma_start3A_719] : memref<5x8x8x133xf32, #tpu.memory_space<vmem>> -> memref<1x8x8x128xf32, #tpu.memory_space<vmem>>
    %dma_start3A_721 = tpu.memref_squeeze %dma_start3A_720 : memref<1x8x8x128xf32, #tpu.memory_space<vmem>> -> memref<8x8x128xf32, #tpu.memory_space<vmem>>
    tpu.enqueue_dma source(%dma_start3A_721 : memref<8x8x128xf32, #tpu.memory_space<vmem>>) target(%dma_start3A_716 : memref<8x8x128xf32, #tpu.memory_space<hbm>>) target_semaphore(%arg15 : memref<!tpu.dma_semaphore, #tpu.memory_space<semaphore_mem>>)
    %dma_wait3A_722 = arith.constant 48 : i32
    %dma_wait3A_723 = arith.constant 3 : i32
    %dma_wait3A_724 = arith.constant 0 : i32
    %dma_wait3A_725 = arith.constant 0 : i32
    %dma_wait3A_726 = tpu.memref_slice %arg6[%dma_wait3A_723, %dma_wait3A_724, %dma_wait3A_725] : memref<5x128x64xf32, #tpu.memory_space<vmem>> -> memref<1x128x64xf32, #tpu.memory_space<vmem>>
    %dma_wait3A_727 = tpu.memref_squeeze %dma_wait3A_726 : memref<1x128x64xf32, #tpu.memory_space<vmem>> -> memref<128x64xf32, #tpu.memory_space<vmem>>
    %dma_wait3A_728 = arith.constant 0 : i32
    %dma_wait3A_729 = tpu.memref_slice %arg5[%dma_wait3A_722, %dma_wait3A_728] : memref<50x128xi32, #tpu.memory_space<vmem>> -> memref<1x128xi32, #tpu.memory_space<vmem>>
    %dma_wait3A_730 = tpu.memref_squeeze %dma_wait3A_729 : memref<1x128xi32, #tpu.memory_space<vmem>> -> memref<128xi32, #tpu.memory_space<vmem>>
    %dma_wait3A_731 = arith.constant 0 : i32
    %dma_wait3A_732 = arith.constant 0 : i32
    %dma_wait3A_733 = tpu.memref_slice %arg3[%dma_wait3A_731, %dma_wait3A_732] : memref<100000x64xf32, #tpu.memory_space<hbm>> -> memref<100000x64xf32, #tpu.memory_space<hbm>>
    tpu.wait_indirect_dma semaphore(%arg11 : memref<!tpu.dma_semaphore, #tpu.memory_space<semaphore_mem>>) src(%dma_wait3A_733 : memref<100000x64xf32, #tpu.memory_space<hbm>>) dst(%dma_wait3A_727 : memref<128x64xf32, #tpu.memory_space<vmem>>)
    %dma_wait3A_734 = arith.constant 3 : i32
    %dma_wait3A_735 = arith.constant 43 : i32
    %dma_wait3A_736 = arith.constant 0 : i32
    %dma_wait3A_737 = arith.constant 0 : i32
    %dma_wait3A_738 = arith.constant 0 : i32
    %dma_wait3A_739 = tpu.memref_slice %arg7[%dma_wait3A_734, %dma_wait3A_736, %dma_wait3A_737, %dma_wait3A_738] : memref<5x8x8x133xf32, #tpu.memory_space<vmem>> -> memref<1x8x8x128xf32, #tpu.memory_space<vmem>>
    %dma_wait3A_740 = tpu.memref_squeeze %dma_wait3A_739 : memref<1x8x8x128xf32, #tpu.memory_space<vmem>> -> memref<8x8x128xf32, #tpu.memory_space<vmem>>
    %dma_wait3A_741 = arith.constant 0 : i32
    %dma_wait3A_742 = arith.constant 0 : i32
    %dma_wait3A_743 = arith.constant 0 : i32
    %dma_wait3A_744 = tpu.memref_slice %arg4[%dma_wait3A_735, %dma_wait3A_741, %add3A, %dma_wait3A_742, %dma_wait3A_743] : memref<50x8x32x8x128xf32, #tpu.memory_space<hbm>> -> memref<1x8x1x8x128xf32, #tpu.memory_space<hbm>>
    %dma_wait3A_745 = tpu.memref_squeeze %dma_wait3A_744 : memref<1x8x1x8x128xf32, #tpu.memory_space<hbm>> -> memref<8x8x128xf32, #tpu.memory_space<hbm>>
    %dma_wait3A_746 = arith.constant 0 : i32
    %dma_wait3A_747 = arith.constant 0 : i32
    %dma_wait3A_748 = arith.constant 0 : i32
    %dma_wait3A_749 = tpu.memref_slice %arg4[%dma_wait3A_735, %dma_wait3A_746, %add3A, %dma_wait3A_747, %dma_wait3A_748] : memref<50x8x32x8x128xf32, #tpu.memory_space<hbm>> -> memref<1x8x1x8x128xf32, #tpu.memory_space<hbm>>
    %dma_wait3A_750 = tpu.memref_squeeze %dma_wait3A_749 : memref<1x8x1x8x128xf32, #tpu.memory_space<hbm>> -> memref<8x8x128xf32, #tpu.memory_space<hbm>>
    %dma_wait3A_751 = arith.constant 0 : i32
    %dma_wait3A_752 = arith.constant 0 : i32
    %dma_wait3A_753 = arith.constant 0 : i32
    %dma_wait3A_754 = tpu.memref_slice %arg7[%dma_wait3A_734, %dma_wait3A_751, %dma_wait3A_752, %dma_wait3A_753] : memref<5x8x8x133xf32, #tpu.memory_space<vmem>> -> memref<1x8x8x128xf32, #tpu.memory_space<vmem>>
    %dma_wait3A_755 = tpu.memref_squeeze %dma_wait3A_754 : memref<1x8x8x128xf32, #tpu.memory_space<vmem>> -> memref<8x8x128xf32, #tpu.memory_space<vmem>>
    tpu.wait_dma2 semaphore(%arg16 : memref<!tpu.dma_semaphore, #tpu.memory_space<semaphore_mem>>) src(%dma_wait3A_755 : memref<8x8x128xf32, #tpu.memory_space<vmem>>) dst(%dma_wait3A_750 : memref<8x8x128xf32, #tpu.memory_space<hbm>>)
    %parallel_loop3A_756 = arith.constant 0 : i32
    %parallel_loop3A_757 = arith.constant 128 : i32
    %parallel_loop3A_758 = arith.constant 1 : i32
    scf.for %parallel_loop3A_950 = %parallel_loop3A_756 to %parallel_loop3A_757 step %parallel_loop3A_758  : i32 {
      %parallel_loop3A_951 = vector.broadcast %parallel_loop3A_950 : i32 to vector<16xi32>
      %parallel_loop3A_952 = arith.constant 3 : i32
      %parallel_loop3A_953 = arith.index_cast %parallel_loop3A_952 : i32 to index
      %parallel_loop3A_954 = arith.index_cast %parallel_loop3A_950 : i32 to index
      %parallel_loop3A_955 = arith.constant 0 : index
      %parallel_loop3A_956 = tpu.vector_load %arg6[%parallel_loop3A_953, %parallel_loop3A_954, %parallel_loop3A_955] {strides = array<i32>} : memref<5x128x64xf32, #tpu.memory_space<vmem>>, vector<16xf32>,
      tpu.vector_store_idx %arg7[%broadcast_in_dim3A_235, %select_n3A, %select_n3A_153, %parallel_loop3A_951], %parallel_loop3A_956 : memref<5x8x8x133xf32, #tpu.memory_space<vmem>>[vector<16xi32>, vector<16xi32>, vector<16xi32>, vector<16xi32>], vector<16xf32>,
      %parallel_loop3A_957 = arith.constant 3 : i32
      %parallel_loop3A_958 = arith.index_cast %parallel_loop3A_957 : i32 to index
      %parallel_loop3A_959 = arith.index_cast %parallel_loop3A_950 : i32 to index
      %parallel_loop3A_960 = arith.constant 16 : index
      %parallel_loop3A_961 = tpu.vector_load %arg6[%parallel_loop3A_958, %parallel_loop3A_959, %parallel_loop3A_960] {strides = array<i32>} : memref<5x128x64xf32, #tpu.memory_space<vmem>>, vector<16xf32>,
      tpu.vector_store_idx %arg7[%broadcast_in_dim3A_235, %select_n3A_62, %select_n3A_178, %parallel_loop3A_951], %parallel_loop3A_961 : memref<5x8x8x133xf32, #tpu.memory_space<vmem>>[vector<16xi32>, vector<16xi32>, vector<16xi32>, vector<16xi32>], vector<16xf32>,
      %parallel_loop3A_962 = arith.constant 3 : i32
      %parallel_loop3A_963 = arith.index_cast %parallel_loop3A_962 : i32 to index
      %parallel_loop3A_964 = arith.index_cast %parallel_loop3A_950 : i32 to index
      %parallel_loop3A_965 = arith.constant 32 : index
      %parallel_loop3A_966 = tpu.vector_load %arg6[%parallel_loop3A_963, %parallel_loop3A_964, %parallel_loop3A_965] {strides = array<i32>} : memref<5x128x64xf32, #tpu.memory_space<vmem>>, vector<16xf32>,
      tpu.vector_store_idx %arg7[%broadcast_in_dim3A_235, %select_n3A_96, %select_n3A_203, %parallel_loop3A_951], %parallel_loop3A_966 : memref<5x8x8x133xf32, #tpu.memory_space<vmem>>[vector<16xi32>, vector<16xi32>, vector<16xi32>, vector<16xi32>], vector<16xf32>,
      %parallel_loop3A_967 = arith.constant 3 : i32
      %parallel_loop3A_968 = arith.index_cast %parallel_loop3A_967 : i32 to index
      %parallel_loop3A_969 = arith.index_cast %parallel_loop3A_950 : i32 to index
      %parallel_loop3A_970 = arith.constant 48 : index
      %parallel_loop3A_971 = tpu.vector_load %arg6[%parallel_loop3A_968, %parallel_loop3A_969, %parallel_loop3A_970] {strides = array<i32>} : memref<5x128x64xf32, #tpu.memory_space<vmem>>, vector<16xf32>,
      tpu.vector_store_idx %arg7[%broadcast_in_dim3A_235, %select_n3A_130, %select_n3A_228, %parallel_loop3A_951], %parallel_loop3A_971 : memref<5x8x8x133xf32, #tpu.memory_space<vmem>>[vector<16xi32>, vector<16xi32>, vector<16xi32>, vector<16xi32>], vector<16xf32>,
    } {sc.loop_unroll_factor = 4 : i64, sc.parallel_access}
    %dma_start3A_759 = arith.constant 3 : i32
    %dma_start3A_760 = arith.constant 48 : i32
    %dma_start3A_761 = arith.constant 0 : i32
    %dma_start3A_762 = arith.constant 0 : i32
    %dma_start3A_763 = arith.constant 0 : i32
    %dma_start3A_764 = tpu.memref_slice %arg7[%dma_start3A_759, %dma_start3A_761, %dma_start3A_762, %dma_start3A_763] : memref<5x8x8x133xf32, #tpu.memory_space<vmem>> -> memref<1x8x8x128xf32, #tpu.memory_space<vmem>>
    %dma_start3A_765 = tpu.memref_squeeze %dma_start3A_764 : memref<1x8x8x128xf32, #tpu.memory_space<vmem>> -> memref<8x8x128xf32, #tpu.memory_space<vmem>>
    %dma_start3A_766 = arith.constant 0 : i32
    %dma_start3A_767 = arith.constant 0 : i32
    %dma_start3A_768 = arith.constant 0 : i32
    %dma_start3A_769 = tpu.memref_slice %arg4[%dma_start3A_760, %dma_start3A_766, %add3A, %dma_start3A_767, %dma_start3A_768] : memref<50x8x32x8x128xf32, #tpu.memory_space<hbm>> -> memref<1x8x1x8x128xf32, #tpu.memory_space<hbm>>
    %dma_start3A_770 = tpu.memref_squeeze %dma_start3A_769 : memref<1x8x1x8x128xf32, #tpu.memory_space<hbm>> -> memref<8x8x128xf32, #tpu.memory_space<hbm>>
    %dma_start3A_771 = arith.constant 0 : i32
    %dma_start3A_772 = arith.constant 0 : i32
    %dma_start3A_773 = arith.constant 0 : i32
    %dma_start3A_774 = tpu.memref_slice %arg4[%dma_start3A_760, %dma_start3A_771, %add3A, %dma_start3A_772, %dma_start3A_773] : memref<50x8x32x8x128xf32, #tpu.memory_space<hbm>> -> memref<1x8x1x8x128xf32, #tpu.memory_space<hbm>>
    %dma_start3A_775 = tpu.memref_squeeze %dma_start3A_774 : memref<1x8x1x8x128xf32, #tpu.memory_space<hbm>> -> memref<8x8x128xf32, #tpu.memory_space<hbm>>
    %dma_start3A_776 = arith.constant 0 : i32
    %dma_start3A_777 = arith.constant 0 : i32
    %dma_start3A_778 = arith.constant 0 : i32
    %dma_start3A_779 = tpu.memref_slice %arg7[%dma_start3A_759, %dma_start3A_776, %dma_start3A_777, %dma_start3A_778] : memref<5x8x8x133xf32, #tpu.memory_space<vmem>> -> memref<1x8x8x128xf32, #tpu.memory_space<vmem>>
    %dma_start3A_780 = tpu.memref_squeeze %dma_start3A_779 : memref<1x8x8x128xf32, #tpu.memory_space<vmem>> -> memref<8x8x128xf32, #tpu.memory_space<vmem>>
    tpu.enqueue_dma source(%dma_start3A_780 : memref<8x8x128xf32, #tpu.memory_space<vmem>>) target(%dma_start3A_775 : memref<8x8x128xf32, #tpu.memory_space<hbm>>) target_semaphore(%arg16 : memref<!tpu.dma_semaphore, #tpu.memory_space<semaphore_mem>>)
    %dma_wait3A_781 = arith.constant 49 : i32
    %dma_wait3A_782 = arith.constant 4 : i32
    %dma_wait3A_783 = arith.constant 0 : i32
    %dma_wait3A_784 = arith.constant 0 : i32
    %dma_wait3A_785 = tpu.memref_slice %arg6[%dma_wait3A_782, %dma_wait3A_783, %dma_wait3A_784] : memref<5x128x64xf32, #tpu.memory_space<vmem>> -> memref<1x128x64xf32, #tpu.memory_space<vmem>>
    %dma_wait3A_786 = tpu.memref_squeeze %dma_wait3A_785 : memref<1x128x64xf32, #tpu.memory_space<vmem>> -> memref<128x64xf32, #tpu.memory_space<vmem>>
    %dma_wait3A_787 = arith.constant 0 : i32
    %dma_wait3A_788 = tpu.memref_slice %arg5[%dma_wait3A_781, %dma_wait3A_787] : memref<50x128xi32, #tpu.memory_space<vmem>> -> memref<1x128xi32, #tpu.memory_space<vmem>>
    %dma_wait3A_789 = tpu.memref_squeeze %dma_wait3A_788 : memref<1x128xi32, #tpu.memory_space<vmem>> -> memref<128xi32, #tpu.memory_space<vmem>>
    %dma_wait3A_790 = arith.constant 0 : i32
    %dma_wait3A_791 = arith.constant 0 : i32
    %dma_wait3A_792 = tpu.memref_slice %arg3[%dma_wait3A_790, %dma_wait3A_791] : memref<100000x64xf32, #tpu.memory_space<hbm>> -> memref<100000x64xf32, #tpu.memory_space<hbm>>
    tpu.wait_indirect_dma semaphore(%arg12 : memref<!tpu.dma_semaphore, #tpu.memory_space<semaphore_mem>>) src(%dma_wait3A_792 : memref<100000x64xf32, #tpu.memory_space<hbm>>) dst(%dma_wait3A_786 : memref<128x64xf32, #tpu.memory_space<vmem>>)
    %dma_wait3A_793 = arith.constant 4 : i32
    %dma_wait3A_794 = arith.constant 44 : i32
    %dma_wait3A_795 = arith.constant 0 : i32
    %dma_wait3A_796 = arith.constant 0 : i32
    %dma_wait3A_797 = arith.constant 0 : i32
    %dma_wait3A_798 = tpu.memref_slice %arg7[%dma_wait3A_793, %dma_wait3A_795, %dma_wait3A_796, %dma_wait3A_797] : memref<5x8x8x133xf32, #tpu.memory_space<vmem>> -> memref<1x8x8x128xf32, #tpu.memory_space<vmem>>
    %dma_wait3A_799 = tpu.memref_squeeze %dma_wait3A_798 : memref<1x8x8x128xf32, #tpu.memory_space<vmem>> -> memref<8x8x128xf32, #tpu.memory_space<vmem>>
    %dma_wait3A_800 = arith.constant 0 : i32
    %dma_wait3A_801 = arith.constant 0 : i32
    %dma_wait3A_802 = arith.constant 0 : i32
    %dma_wait3A_803 = tpu.memref_slice %arg4[%dma_wait3A_794, %dma_wait3A_800, %add3A, %dma_wait3A_801, %dma_wait3A_802] : memref<50x8x32x8x128xf32, #tpu.memory_space<hbm>> -> memref<1x8x1x8x128xf32, #tpu.memory_space<hbm>>
    %dma_wait3A_804 = tpu.memref_squeeze %dma_wait3A_803 : memref<1x8x1x8x128xf32, #tpu.memory_space<hbm>> -> memref<8x8x128xf32, #tpu.memory_space<hbm>>
    %dma_wait3A_805 = arith.constant 0 : i32
    %dma_wait3A_806 = arith.constant 0 : i32
    %dma_wait3A_807 = arith.constant 0 : i32
    %dma_wait3A_808 = tpu.memref_slice %arg4[%dma_wait3A_794, %dma_wait3A_805, %add3A, %dma_wait3A_806, %dma_wait3A_807] : memref<50x8x32x8x128xf32, #tpu.memory_space<hbm>> -> memref<1x8x1x8x128xf32, #tpu.memory_space<hbm>>
    %dma_wait3A_809 = tpu.memref_squeeze %dma_wait3A_808 : memref<1x8x1x8x128xf32, #tpu.memory_space<hbm>> -> memref<8x8x128xf32, #tpu.memory_space<hbm>>
    %dma_wait3A_810 = arith.constant 0 : i32
    %dma_wait3A_811 = arith.constant 0 : i32
    %dma_wait3A_812 = arith.constant 0 : i32
    %dma_wait3A_813 = tpu.memref_slice %arg7[%dma_wait3A_793, %dma_wait3A_810, %dma_wait3A_811, %dma_wait3A_812] : memref<5x8x8x133xf32, #tpu.memory_space<vmem>> -> memref<1x8x8x128xf32, #tpu.memory_space<vmem>>
    %dma_wait3A_814 = tpu.memref_squeeze %dma_wait3A_813 : memref<1x8x8x128xf32, #tpu.memory_space<vmem>> -> memref<8x8x128xf32, #tpu.memory_space<vmem>>
    tpu.wait_dma2 semaphore(%arg17 : memref<!tpu.dma_semaphore, #tpu.memory_space<semaphore_mem>>) src(%dma_wait3A_814 : memref<8x8x128xf32, #tpu.memory_space<vmem>>) dst(%dma_wait3A_809 : memref<8x8x128xf32, #tpu.memory_space<hbm>>)
    %parallel_loop3A_815 = arith.constant 0 : i32
    %parallel_loop3A_816 = arith.constant 128 : i32
    %parallel_loop3A_817 = arith.constant 1 : i32
    scf.for %parallel_loop3A_950 = %parallel_loop3A_815 to %parallel_loop3A_816 step %parallel_loop3A_817  : i32 {
      %parallel_loop3A_951 = vector.broadcast %parallel_loop3A_950 : i32 to vector<16xi32>
      %parallel_loop3A_952 = arith.constant 4 : i32
      %parallel_loop3A_953 = arith.index_cast %parallel_loop3A_952 : i32 to index
      %parallel_loop3A_954 = arith.index_cast %parallel_loop3A_950 : i32 to index
      %parallel_loop3A_955 = arith.constant 0 : index
      %parallel_loop3A_956 = tpu.vector_load %arg6[%parallel_loop3A_953, %parallel_loop3A_954, %parallel_loop3A_955] {strides = array<i32>} : memref<5x128x64xf32, #tpu.memory_space<vmem>>, vector<16xf32>,
      tpu.vector_store_idx %arg7[%broadcast_in_dim3A_237, %select_n3A, %select_n3A_153, %parallel_loop3A_951], %parallel_loop3A_956 : memref<5x8x8x133xf32, #tpu.memory_space<vmem>>[vector<16xi32>, vector<16xi32>, vector<16xi32>, vector<16xi32>], vector<16xf32>,
      %parallel_loop3A_957 = arith.constant 4 : i32
      %parallel_loop3A_958 = arith.index_cast %parallel_loop3A_957 : i32 to index
      %parallel_loop3A_959 = arith.index_cast %parallel_loop3A_950 : i32 to index
      %parallel_loop3A_960 = arith.constant 16 : index
      %parallel_loop3A_961 = tpu.vector_load %arg6[%parallel_loop3A_958, %parallel_loop3A_959, %parallel_loop3A_960] {strides = array<i32>} : memref<5x128x64xf32, #tpu.memory_space<vmem>>, vector<16xf32>,
      tpu.vector_store_idx %arg7[%broadcast_in_dim3A_237, %select_n3A_62, %select_n3A_178, %parallel_loop3A_951], %parallel_loop3A_961 : memref<5x8x8x133xf32, #tpu.memory_space<vmem>>[vector<16xi32>, vector<16xi32>, vector<16xi32>, vector<16xi32>], vector<16xf32>,
      %parallel_loop3A_962 = arith.constant 4 : i32
      %parallel_loop3A_963 = arith.index_cast %parallel_loop3A_962 : i32 to index
      %parallel_loop3A_964 = arith.index_cast %parallel_loop3A_950 : i32 to index
      %parallel_loop3A_965 = arith.constant 32 : index
      %parallel_loop3A_966 = tpu.vector_load %arg6[%parallel_loop3A_963, %parallel_loop3A_964, %parallel_loop3A_965] {strides = array<i32>} : memref<5x128x64xf32, #tpu.memory_space<vmem>>, vector<16xf32>,
      tpu.vector_store_idx %arg7[%broadcast_in_dim3A_237, %select_n3A_96, %select_n3A_203, %parallel_loop3A_951], %parallel_loop3A_966 : memref<5x8x8x133xf32, #tpu.memory_space<vmem>>[vector<16xi32>, vector<16xi32>, vector<16xi32>, vector<16xi32>], vector<16xf32>,
      %parallel_loop3A_967 = arith.constant 4 : i32
      %parallel_loop3A_968 = arith.index_cast %parallel_loop3A_967 : i32 to index
      %parallel_loop3A_969 = arith.index_cast %parallel_loop3A_950 : i32 to index
      %parallel_loop3A_970 = arith.constant 48 : index
      %parallel_loop3A_971 = tpu.vector_load %arg6[%parallel_loop3A_968, %parallel_loop3A_969, %parallel_loop3A_970] {strides = array<i32>} : memref<5x128x64xf32, #tpu.memory_space<vmem>>, vector<16xf32>,
      tpu.vector_store_idx %arg7[%broadcast_in_dim3A_237, %select_n3A_130, %select_n3A_228, %parallel_loop3A_951], %parallel_loop3A_971 : memref<5x8x8x133xf32, #tpu.memory_space<vmem>>[vector<16xi32>, vector<16xi32>, vector<16xi32>, vector<16xi32>], vector<16xf32>,
    } {sc.loop_unroll_factor = 4 : i64, sc.parallel_access}
    %dma_start3A_818 = arith.constant 4 : i32
    %dma_start3A_819 = arith.constant 49 : i32
    %dma_start3A_820 = arith.constant 0 : i32
    %dma_start3A_821 = arith.constant 0 : i32
    %dma_start3A_822 = arith.constant 0 : i32
    %dma_start3A_823 = tpu.memref_slice %arg7[%dma_start3A_818, %dma_start3A_820, %dma_start3A_821, %dma_start3A_822] : memref<5x8x8x133xf32, #tpu.memory_space<vmem>> -> memref<1x8x8x128xf32, #tpu.memory_space<vmem>>
    %dma_start3A_824 = tpu.memref_squeeze %dma_start3A_823 : memref<1x8x8x128xf32, #tpu.memory_space<vmem>> -> memref<8x8x128xf32, #tpu.memory_space<vmem>>
    %dma_start3A_825 = arith.constant 0 : i32
    %dma_start3A_826 = arith.constant 0 : i32
    %dma_start3A_827 = arith.constant 0 : i32
    %dma_start3A_828 = tpu.memref_slice %arg4[%dma_start3A_819, %dma_start3A_825, %add3A, %dma_start3A_826, %dma_start3A_827] : memref<50x8x32x8x128xf32, #tpu.memory_space<hbm>> -> memref<1x8x1x8x128xf32, #tpu.memory_space<hbm>>
    %dma_start3A_829 = tpu.memref_squeeze %dma_start3A_828 : memref<1x8x1x8x128xf32, #tpu.memory_space<hbm>> -> memref<8x8x128xf32, #tpu.memory_space<hbm>>
    %dma_start3A_830 = arith.constant 0 : i32
    %dma_start3A_831 = arith.constant 0 : i32
    %dma_start3A_832 = arith.constant 0 : i32
    %dma_start3A_833 = tpu.memref_slice %arg4[%dma_start3A_819, %dma_start3A_830, %add3A, %dma_start3A_831, %dma_start3A_832] : memref<50x8x32x8x128xf32, #tpu.memory_space<hbm>> -> memref<1x8x1x8x128xf32, #tpu.memory_space<hbm>>
    %dma_start3A_834 = tpu.memref_squeeze %dma_start3A_833 : memref<1x8x1x8x128xf32, #tpu.memory_space<hbm>> -> memref<8x8x128xf32, #tpu.memory_space<hbm>>
    %dma_start3A_835 = arith.constant 0 : i32
    %dma_start3A_836 = arith.constant 0 : i32
    %dma_start3A_837 = arith.constant 0 : i32
    %dma_start3A_838 = tpu.memref_slice %arg7[%dma_start3A_818, %dma_start3A_835, %dma_start3A_836, %dma_start3A_837] : memref<5x8x8x133xf32, #tpu.memory_space<vmem>> -> memref<1x8x8x128xf32, #tpu.memory_space<vmem>>
    %dma_start3A_839 = tpu.memref_squeeze %dma_start3A_838 : memref<1x8x8x128xf32, #tpu.memory_space<vmem>> -> memref<8x8x128xf32, #tpu.memory_space<vmem>>
    tpu.enqueue_dma source(%dma_start3A_839 : memref<8x8x128xf32, #tpu.memory_space<vmem>>) target(%dma_start3A_834 : memref<8x8x128xf32, #tpu.memory_space<hbm>>) target_semaphore(%arg17 : memref<!tpu.dma_semaphore, #tpu.memory_space<semaphore_mem>>)
    %dma_wait3A_840 = arith.constant 0 : i32
    %dma_wait3A_841 = arith.constant 45 : i32
    %dma_wait3A_842 = arith.constant 0 : i32
    %dma_wait3A_843 = arith.constant 0 : i32
    %dma_wait3A_844 = arith.constant 0 : i32
    %dma_wait3A_845 = tpu.memref_slice %arg7[%dma_wait3A_840, %dma_wait3A_842, %dma_wait3A_843, %dma_wait3A_844] : memref<5x8x8x133xf32, #tpu.memory_space<vmem>> -> memref<1x8x8x128xf32, #tpu.memory_space<vmem>>
    %dma_wait3A_846 = tpu.memref_squeeze %dma_wait3A_845 : memref<1x8x8x128xf32, #tpu.memory_space<vmem>> -> memref<8x8x128xf32, #tpu.memory_space<vmem>>
    %dma_wait3A_847 = arith.constant 0 : i32
    %dma_wait3A_848 = arith.constant 0 : i32
    %dma_wait3A_849 = arith.constant 0 : i32
    %dma_wait3A_850 = tpu.memref_slice %arg4[%dma_wait3A_841, %dma_wait3A_847, %add3A, %dma_wait3A_848, %dma_wait3A_849] : memref<50x8x32x8x128xf32, #tpu.memory_space<hbm>> -> memref<1x8x1x8x128xf32, #tpu.memory_space<hbm>>
    %dma_wait3A_851 = tpu.memref_squeeze %dma_wait3A_850 : memref<1x8x1x8x128xf32, #tpu.memory_space<hbm>> -> memref<8x8x128xf32, #tpu.memory_space<hbm>>
    %dma_wait3A_852 = arith.constant 0 : i32
    %dma_wait3A_853 = arith.constant 0 : i32
    %dma_wait3A_854 = arith.constant 0 : i32
    %dma_wait3A_855 = tpu.memref_slice %arg4[%dma_wait3A_841, %dma_wait3A_852, %add3A, %dma_wait3A_853, %dma_wait3A_854] : memref<50x8x32x8x128xf32, #tpu.memory_space<hbm>> -> memref<1x8x1x8x128xf32, #tpu.memory_space<hbm>>
    %dma_wait3A_856 = tpu.memref_squeeze %dma_wait3A_855 : memref<1x8x1x8x128xf32, #tpu.memory_space<hbm>> -> memref<8x8x128xf32, #tpu.memory_space<hbm>>
    %dma_wait3A_857 = arith.constant 0 : i32
    %dma_wait3A_858 = arith.constant 0 : i32
    %dma_wait3A_859 = arith.constant 0 : i32
    %dma_wait3A_860 = tpu.memref_slice %arg7[%dma_wait3A_840, %dma_wait3A_857, %dma_wait3A_858, %dma_wait3A_859] : memref<5x8x8x133xf32, #tpu.memory_space<vmem>> -> memref<1x8x8x128xf32, #tpu.memory_space<vmem>>
    %dma_wait3A_861 = tpu.memref_squeeze %dma_wait3A_860 : memref<1x8x8x128xf32, #tpu.memory_space<vmem>> -> memref<8x8x128xf32, #tpu.memory_space<vmem>>
    tpu.wait_dma2 semaphore(%arg13 : memref<!tpu.dma_semaphore, #tpu.memory_space<semaphore_mem>>) src(%dma_wait3A_861 : memref<8x8x128xf32, #tpu.memory_space<vmem>>) dst(%dma_wait3A_856 : memref<8x8x128xf32, #tpu.memory_space<hbm>>)
    %dma_wait3A_862 = arith.constant 1 : i32
    %dma_wait3A_863 = arith.constant 46 : i32
    %dma_wait3A_864 = arith.constant 0 : i32
    %dma_wait3A_865 = arith.constant 0 : i32
    %dma_wait3A_866 = arith.constant 0 : i32
    %dma_wait3A_867 = tpu.memref_slice %arg7[%dma_wait3A_862, %dma_wait3A_864, %dma_wait3A_865, %dma_wait3A_866] : memref<5x8x8x133xf32, #tpu.memory_space<vmem>> -> memref<1x8x8x128xf32, #tpu.memory_space<vmem>>
    %dma_wait3A_868 = tpu.memref_squeeze %dma_wait3A_867 : memref<1x8x8x128xf32, #tpu.memory_space<vmem>> -> memref<8x8x128xf32, #tpu.memory_space<vmem>>
    %dma_wait3A_869 = arith.constant 0 : i32
    %dma_wait3A_870 = arith.constant 0 : i32
    %dma_wait3A_871 = arith.constant 0 : i32
    %dma_wait3A_872 = tpu.memref_slice %arg4[%dma_wait3A_863, %dma_wait3A_869, %add3A, %dma_wait3A_870, %dma_wait3A_871] : memref<50x8x32x8x128xf32, #tpu.memory_space<hbm>> -> memref<1x8x1x8x128xf32, #tpu.memory_space<hbm>>
    %dma_wait3A_873 = tpu.memref_squeeze %dma_wait3A_872 : memref<1x8x1x8x128xf32, #tpu.memory_space<hbm>> -> memref<8x8x128xf32, #tpu.memory_space<hbm>>
    %dma_wait3A_874 = arith.constant 0 : i32
    %dma_wait3A_875 = arith.constant 0 : i32
    %dma_wait3A_876 = arith.constant 0 : i32
    %dma_wait3A_877 = tpu.memref_slice %arg4[%dma_wait3A_863, %dma_wait3A_874, %add3A, %dma_wait3A_875, %dma_wait3A_876] : memref<50x8x32x8x128xf32, #tpu.memory_space<hbm>> -> memref<1x8x1x8x128xf32, #tpu.memory_space<hbm>>
    %dma_wait3A_878 = tpu.memref_squeeze %dma_wait3A_877 : memref<1x8x1x8x128xf32, #tpu.memory_space<hbm>> -> memref<8x8x128xf32, #tpu.memory_space<hbm>>
    %dma_wait3A_879 = arith.constant 0 : i32
    %dma_wait3A_880 = arith.constant 0 : i32
    %dma_wait3A_881 = arith.constant 0 : i32
    %dma_wait3A_882 = tpu.memref_slice %arg7[%dma_wait3A_862, %dma_wait3A_879, %dma_wait3A_880, %dma_wait3A_881] : memref<5x8x8x133xf32, #tpu.memory_space<vmem>> -> memref<1x8x8x128xf32, #tpu.memory_space<vmem>>
    %dma_wait3A_883 = tpu.memref_squeeze %dma_wait3A_882 : memref<1x8x8x128xf32, #tpu.memory_space<vmem>> -> memref<8x8x128xf32, #tpu.memory_space<vmem>>
    tpu.wait_dma2 semaphore(%arg14 : memref<!tpu.dma_semaphore, #tpu.memory_space<semaphore_mem>>) src(%dma_wait3A_883 : memref<8x8x128xf32, #tpu.memory_space<vmem>>) dst(%dma_wait3A_878 : memref<8x8x128xf32, #tpu.memory_space<hbm>>)
    %dma_wait3A_884 = arith.constant 2 : i32
    %dma_wait3A_885 = arith.constant 47 : i32
    %dma_wait3A_886 = arith.constant 0 : i32
    %dma_wait3A_887 = arith.constant 0 : i32
    %dma_wait3A_888 = arith.constant 0 : i32
    %dma_wait3A_889 = tpu.memref_slice %arg7[%dma_wait3A_884, %dma_wait3A_886, %dma_wait3A_887, %dma_wait3A_888] : memref<5x8x8x133xf32, #tpu.memory_space<vmem>> -> memref<1x8x8x128xf32, #tpu.memory_space<vmem>>
    %dma_wait3A_890 = tpu.memref_squeeze %dma_wait3A_889 : memref<1x8x8x128xf32, #tpu.memory_space<vmem>> -> memref<8x8x128xf32, #tpu.memory_space<vmem>>
    %dma_wait3A_891 = arith.constant 0 : i32
    %dma_wait3A_892 = arith.constant 0 : i32
    %dma_wait3A_893 = arith.constant 0 : i32
    %dma_wait3A_894 = tpu.memref_slice %arg4[%dma_wait3A_885, %dma_wait3A_891, %add3A, %dma_wait3A_892, %dma_wait3A_893] : memref<50x8x32x8x128xf32, #tpu.memory_space<hbm>> -> memref<1x8x1x8x128xf32, #tpu.memory_space<hbm>>
    %dma_wait3A_895 = tpu.memref_squeeze %dma_wait3A_894 : memref<1x8x1x8x128xf32, #tpu.memory_space<hbm>> -> memref<8x8x128xf32, #tpu.memory_space<hbm>>
    %dma_wait3A_896 = arith.constant 0 : i32
    %dma_wait3A_897 = arith.constant 0 : i32
    %dma_wait3A_898 = arith.constant 0 : i32
    %dma_wait3A_899 = tpu.memref_slice %arg4[%dma_wait3A_885, %dma_wait3A_896, %add3A, %dma_wait3A_897, %dma_wait3A_898] : memref<50x8x32x8x128xf32, #tpu.memory_space<hbm>> -> memref<1x8x1x8x128xf32, #tpu.memory_space<hbm>>
    %dma_wait3A_900 = tpu.memref_squeeze %dma_wait3A_899 : memref<1x8x1x8x128xf32, #tpu.memory_space<hbm>> -> memref<8x8x128xf32, #tpu.memory_space<hbm>>
    %dma_wait3A_901 = arith.constant 0 : i32
    %dma_wait3A_902 = arith.constant 0 : i32
    %dma_wait3A_903 = arith.constant 0 : i32
    %dma_wait3A_904 = tpu.memref_slice %arg7[%dma_wait3A_884, %dma_wait3A_901, %dma_wait3A_902, %dma_wait3A_903] : memref<5x8x8x133xf32, #tpu.memory_space<vmem>> -> memref<1x8x8x128xf32, #tpu.memory_space<vmem>>
    %dma_wait3A_905 = tpu.memref_squeeze %dma_wait3A_904 : memref<1x8x8x128xf32, #tpu.memory_space<vmem>> -> memref<8x8x128xf32, #tpu.memory_space<vmem>>
    tpu.wait_dma2 semaphore(%arg15 : memref<!tpu.dma_semaphore, #tpu.memory_space<semaphore_mem>>) src(%dma_wait3A_905 : memref<8x8x128xf32, #tpu.memory_space<vmem>>) dst(%dma_wait3A_900 : memref<8x8x128xf32, #tpu.memory_space<hbm>>)
    %dma_wait3A_906 = arith.constant 3 : i32
    %dma_wait3A_907 = arith.constant 48 : i32
    %dma_wait3A_908 = arith.constant 0 : i32
    %dma_wait3A_909 = arith.constant 0 : i32
    %dma_wait3A_910 = arith.constant 0 : i32
    %dma_wait3A_911 = tpu.memref_slice %arg7[%dma_wait3A_906, %dma_wait3A_908, %dma_wait3A_909, %dma_wait3A_910] : memref<5x8x8x133xf32, #tpu.memory_space<vmem>> -> memref<1x8x8x128xf32, #tpu.memory_space<vmem>>
    %dma_wait3A_912 = tpu.memref_squeeze %dma_wait3A_911 : memref<1x8x8x128xf32, #tpu.memory_space<vmem>> -> memref<8x8x128xf32, #tpu.memory_space<vmem>>
    %dma_wait3A_913 = arith.constant 0 : i32
    %dma_wait3A_914 = arith.constant 0 : i32
    %dma_wait3A_915 = arith.constant 0 : i32
    %dma_wait3A_916 = tpu.memref_slice %arg4[%dma_wait3A_907, %dma_wait3A_913, %add3A, %dma_wait3A_914, %dma_wait3A_915] : memref<50x8x32x8x128xf32, #tpu.memory_space<hbm>> -> memref<1x8x1x8x128xf32, #tpu.memory_space<hbm>>
    %dma_wait3A_917 = tpu.memref_squeeze %dma_wait3A_916 : memref<1x8x1x8x128xf32, #tpu.memory_space<hbm>> -> memref<8x8x128xf32, #tpu.memory_space<hbm>>
    %dma_wait3A_918 = arith.constant 0 : i32
    %dma_wait3A_919 = arith.constant 0 : i32
    %dma_wait3A_920 = arith.constant 0 : i32
    %dma_wait3A_921 = tpu.memref_slice %arg4[%dma_wait3A_907, %dma_wait3A_918, %add3A, %dma_wait3A_919, %dma_wait3A_920] : memref<50x8x32x8x128xf32, #tpu.memory_space<hbm>> -> memref<1x8x1x8x128xf32, #tpu.memory_space<hbm>>
    %dma_wait3A_922 = tpu.memref_squeeze %dma_wait3A_921 : memref<1x8x1x8x128xf32, #tpu.memory_space<hbm>> -> memref<8x8x128xf32, #tpu.memory_space<hbm>>
    %dma_wait3A_923 = arith.constant 0 : i32
    %dma_wait3A_924 = arith.constant 0 : i32
    %dma_wait3A_925 = arith.constant 0 : i32
    %dma_wait3A_926 = tpu.memref_slice %arg7[%dma_wait3A_906, %dma_wait3A_923, %dma_wait3A_924, %dma_wait3A_925] : memref<5x8x8x133xf32, #tpu.memory_space<vmem>> -> memref<1x8x8x128xf32, #tpu.memory_space<vmem>>
    %dma_wait3A_927 = tpu.memref_squeeze %dma_wait3A_926 : memref<1x8x8x128xf32, #tpu.memory_space<vmem>> -> memref<8x8x128xf32, #tpu.memory_space<vmem>>
    tpu.wait_dma2 semaphore(%arg16 : memref<!tpu.dma_semaphore, #tpu.memory_space<semaphore_mem>>) src(%dma_wait3A_927 : memref<8x8x128xf32, #tpu.memory_space<vmem>>) dst(%dma_wait3A_922 : memref<8x8x128xf32, #tpu.memory_space<hbm>>)
    %dma_wait3A_928 = arith.constant 4 : i32
    %dma_wait3A_929 = arith.constant 49 : i32
    %dma_wait3A_930 = arith.constant 0 : i32
    %dma_wait3A_931 = arith.constant 0 : i32
    %dma_wait3A_932 = arith.constant 0 : i32
    %dma_wait3A_933 = tpu.memref_slice %arg7[%dma_wait3A_928, %dma_wait3A_930, %dma_wait3A_931, %dma_wait3A_932] : memref<5x8x8x133xf32, #tpu.memory_space<vmem>> -> memref<1x8x8x128xf32, #tpu.memory_space<vmem>>
    %dma_wait3A_934 = tpu.memref_squeeze %dma_wait3A_933 : memref<1x8x8x128xf32, #tpu.memory_space<vmem>> -> memref<8x8x128xf32, #tpu.memory_space<vmem>>
    %dma_wait3A_935 = arith.constant 0 : i32
    %dma_wait3A_936 = arith.constant 0 : i32
    %dma_wait3A_937 = arith.constant 0 : i32
    %dma_wait3A_938 = tpu.memref_slice %arg4[%dma_wait3A_929, %dma_wait3A_935, %add3A, %dma_wait3A_936, %dma_wait3A_937] : memref<50x8x32x8x128xf32, #tpu.memory_space<hbm>> -> memref<1x8x1x8x128xf32, #tpu.memory_space<hbm>>
    %dma_wait3A_939 = tpu.memref_squeeze %dma_wait3A_938 : memref<1x8x1x8x128xf32, #tpu.memory_space<hbm>> -> memref<8x8x128xf32, #tpu.memory_space<hbm>>
    %dma_wait3A_940 = arith.constant 0 : i32
    %dma_wait3A_941 = arith.constant 0 : i32
    %dma_wait3A_942 = arith.constant 0 : i32
    %dma_wait3A_943 = tpu.memref_slice %arg4[%dma_wait3A_929, %dma_wait3A_940, %add3A, %dma_wait3A_941, %dma_wait3A_942] : memref<50x8x32x8x128xf32, #tpu.memory_space<hbm>> -> memref<1x8x1x8x128xf32, #tpu.memory_space<hbm>>
    %dma_wait3A_944 = tpu.memref_squeeze %dma_wait3A_943 : memref<1x8x1x8x128xf32, #tpu.memory_space<hbm>> -> memref<8x8x128xf32, #tpu.memory_space<hbm>>
    %dma_wait3A_945 = arith.constant 0 : i32
    %dma_wait3A_946 = arith.constant 0 : i32
    %dma_wait3A_947 = arith.constant 0 : i32
    %dma_wait3A_948 = tpu.memref_slice %arg7[%dma_wait3A_928, %dma_wait3A_945, %dma_wait3A_946, %dma_wait3A_947] : memref<5x8x8x133xf32, #tpu.memory_space<vmem>> -> memref<1x8x8x128xf32, #tpu.memory_space<vmem>>
    %dma_wait3A_949 = tpu.memref_squeeze %dma_wait3A_948 : memref<1x8x8x128xf32, #tpu.memory_space<vmem>> -> memref<8x8x128xf32, #tpu.memory_space<vmem>>
    tpu.wait_dma2 semaphore(%arg17 : memref<!tpu.dma_semaphore, #tpu.memory_space<semaphore_mem>>) src(%dma_wait3A_949 : memref<8x8x128xf32, #tpu.memory_space<vmem>>) dst(%dma_wait3A_944 : memref<8x8x128xf32, #tpu.memory_space<hbm>>)
    return
  }
}

</mosaic_0001>

<sc_bundles>
// kernel: kernel.3.cloned.1.call-start
scs
__scs_entry_jumppad:
0x0: {  	(pc) =	sbr.rel $0x88, $3  }
0x1: {  	(tag) =	ssettag $0x0;
	lr =	simm.s32 $0x1  }
0x2: {  	[smem:$0x3F9F] =	sst lr;
	_ =	strace $0xD0000000  }
0x3: {  	_ = 	snop  }
0x4: {  	_ = 	snop  }
0x5: {  	_ = 	snop  }
0x6: {  	_ = 	snop  }
0x7: {  	_ = 	snop  }
__scs_overlays_trampoline_lowered:
0x8: {  	[smem:$0x3FAE] =	sst s0  }
0x9: {  	[smem:$0x3FAF] =	sst s1  }
0xa: {  	[smem:$0x3FB0] =	sst s2  }
0xb: {  	[smem:$0x3FB1] =	sst s3  }
0xc: {  	[smem:$0x3FB2] =	sst s4  }
0xd: {  	[smem:$0x3FB3] =	sst s5  }
0xe: {  	[smem:$0x3FB4] =	sst s6  }
0xf: {  	[smem:$0x3FB5] =	sst s7  }
0x10: {  	[smem:$0x3FB6] =	sst s8  }
0x11: {  	[smem:$0x3FB7] =	sst s9;
	s0 =	simm.s32 @!p0 $0x0  }
0x12: {  	s1 =	sld [smem:$0x3F9D];
	s0 =	simm.s32 @p0 $0x1  }
0x13: {  	[smem:$0x3FB8] =	sst s0;
	s0 =	simm.s32 @!p1 $0x0  }
0x14: {  	s2 =	sld [smem:$0x3F9C];
	s0 =	simm.s32 @p1 $0x1  }
0x15: {  	[smem:$0x3FB9] =	sst s0;
	s0 =	simm.s32 @!p2 $0x0  }
0x16: {  	s3 =	sld [smem:$0x3FDB];
	s0 =	simm.s32 @p2 $0x1  }
0x17: {  	s4 =	simm.s32 $0x1BF5;
	[smem:$0x3FBB] =	sst s0  }
0x18: {  	s0 =	sld [smem:$0x3F9E];
	_ =	swait.ge [sflag:s4], $0x0  }
0x19: {  	s7 =	sld [smem:$0x3F9F]  }
0x1a: {  	s8 =	sadd.s32 $0xFFFFE003, lr  }
0x1b: {  	s9 =	sadd.s32 $0xFFFFFEF7, lr;
	s5 =	simm.s32 $0xFFFFFFFF;
	p2 =	slt.u32 s8, $0xFFFFF086  }
0x1c: {  	p1 =	slt.u32 s9, $0xF7A;
	s5 =	simm.s32 @!p2 $0x0  }
0x1d: {  	s5 =	simm.s32 @p1 $0x1;
	p0 =	seq.s32 s7, s2  }
0x1e: {  	s7 =	smul.u32 @!p0 $0xF7A, s2;
	p2 =	seq.s32 @!p0 s5, $0x0  }
0x1f: {  	s9 =	smul.u32 $0xF7A, s1;
	s8 =	simm.s32 @!p0 $0x1BF5;
	p2 =	por !p2, p0  }
0x20: {  	[sflag:s8] =	ssyncset.s32 @!p0 $0xFFFFF086;
	s6 =	sadd.s32 @!p0 s3, s7;
	s7 =	simm.s32 @!p0 $0x108  }
0x21: {  	s3 =	sadd.s32 s3, s9;
	s6 =	sadd.s32 @!p0 $0x88, s6;
	s7 =	simm.s32 @p2 $0x1082  }
0x22: {  	[simem:s7], [sflag:s8] =	dma.local @!p0 [hbm:s6], $0xF7A  }
0x23: {  	s9 =	sor.u32 $0xD0000000, s2;
	s6 =	simm.s32 $0x108;
	_ =	swait.ge @!p0 [sflag:s8], $0x0  }
0x24: {  	s3 =	sadd.s32 $0x88, s3;
	s6 =	simm.s32 @!p1 $0x1082;
	[sflag:s4] =	ssyncset.s32 $0xFFFFF086  }
0x25: {  	[simem:s6], [sflag:s4] =	dma.local [hbm:s3], $0xF7A  }
0x26: {  	[smem:$0x3F9F] =	sst s1;
	(tag) =	ssettag s2;
	_ =	strace s9  }
0x27: {  	s1 =	sld [smem:$0x3FAF]  }
0x28: {  	s2 =	sld [smem:$0x3FB0]  }
0x29: {  	s4 =	sld [smem:$0x3FB2]  }
0x2a: {  	p0 =	seq.s32 s5, $0x0;
	s5 =	sld [smem:$0x3FB3]  }
0x2b: {  	s6 =	sld [smem:$0x3FB4]  }
0x2c: {  	s7 =	sld [smem:$0x3FB5]  }
0x2d: {  	s3 =	simm.s32 $0x108;
	s8 =	sld [smem:$0x3FB6]  }
0x2e: {  	s3 =	simm.s32 @!p0 $0x1082;
	s9 =	sld [smem:$0x3FB7]  }
0x2f: {  	lr =	sadd.s32 s0, s3;
	s0 =	sld [smem:$0x3FAE]  }
0x30: {  	s3 =	sld [smem:$0x3FB1]  }
0x31: {  	[smem:$0x3FBA] =	sst s10  }
0x32: {  	s10 =	sld [smem:$0x3FB8];
	_ =	sdelay $0x3  }
0x33: {  	p0 =	seq.s32 s10, $0x1;
	s10 =	sld [smem:$0x3FBA];
	_ =	sdelay $0x3  }
0x34: {  	[smem:$0x3FBA] =	sst s10  }
0x35: {  	s10 =	sld [smem:$0x3FB9];
	_ =	sdelay $0x3  }
0x36: {  	p1 =	seq.s32 s10, $0x1;
	s10 =	sld [smem:$0x3FBA];
	_ =	sdelay $0x3  }
0x37: {  	[smem:$0x3FBA] =	sst s10  }
0x38: {  	s10 =	sld [smem:$0x3FBB]  }
0x39: {  	_ = 	snop;
	(pc) =	sbr.ind lr, $3  }
0x3a: {  	_ = 	snop  }
0x3b: {  	_ = 	snop  }
0x3c: {  	p2 =	seq.s32 s10, $0x1;
	s10 =	sld [smem:$0x3FBA]  }
0x3d: {  	_ =	shalt  }
0x3e: {  	_ =	shalt  }
0x3f: {  	_ =	shalt  }
0x40: {  	_ =	shalt  }
0x41: {  	_ =	shalt  }
0x42: {  	_ =	shalt  }
0x43: {  	_ =	shalt  }
0x44: {  	_ =	shalt  }
0x45: {  	_ =	shalt  }
0x46: {  	_ =	shalt  }
0x47: {  	_ =	shalt  }
0x48: {  	_ =	shalt  }
0x49: {  	_ =	shalt  }
0x4a: {  	_ =	shalt  }
0x4b: {  	_ =	shalt  }
0x4c: {  	_ =	shalt  }
0x4d: {  	_ =	shalt  }
0x4e: {  	_ =	shalt  }
0x4f: {  	_ =	shalt  }
0x50: {  	_ =	shalt  }
0x51: {  	_ =	shalt  }
0x52: {  	_ =	shalt  }
0x53: {  	_ =	shalt  }
0x54: {  	_ =	shalt  }
0x55: {  	_ =	shalt  }
0x56: {  	_ =	shalt  }
0x57: {  	_ =	shalt  }
0x58: {  	_ =	shalt  }
0x59: {  	_ =	shalt  }
0x5a: {  	_ =	shalt  }
0x5b: {  	_ =	shalt  }
0x5c: {  	_ =	shalt  }
0x5d: {  	_ =	shalt  }
0x5e: {  	_ =	shalt  }
0x5f: {  	_ =	shalt  }
0x60: {  	_ =	shalt  }
0x61: {  	_ =	shalt  }
0x62: {  	_ =	shalt  }
0x63: {  	_ =	shalt  }
0x64: {  	_ =	shalt  }
0x65: {  	_ =	shalt  }
0x66: {  	_ =	shalt  }
0x67: {  	_ =	shalt  }
0x68: {  	_ =	shalt  }
0x69: {  	_ =	shalt  }
0x6a: {  	_ =	shalt  }
0x6b: {  	_ =	shalt  }
0x6c: {  	_ =	shalt  }
0x6d: {  	_ =	shalt  }
0x6e: {  	_ =	shalt  }
0x6f: {  	_ =	shalt  }
0x70: {  	_ =	shalt  }
0x71: {  	_ =	shalt  }
0x72: {  	_ =	shalt  }
0x73: {  	_ =	shalt  }
0x74: {  	_ =	shalt  }
0x75: {  	_ =	shalt  }
0x76: {  	_ =	shalt  }
0x77: {  	_ =	shalt  }
0x78: {  	_ =	shalt  }
0x79: {  	_ =	shalt  }
0x7a: {  	_ =	shalt  }
0x7b: {  	_ =	shalt  }
0x7c: {  	_ =	shalt  }
0x7d: {  	_ =	shalt  }
0x7e: {  	_ =	shalt  }
0x7f: {  	_ =	shalt  }
0x80: {  	_ =	shalt  }
0x81: {  	_ =	shalt  }
0x82: {  	_ =	shalt  }
0x83: {  	_ =	shalt  }
0x84: {  	_ =	shalt  }
0x85: {  	_ =	shalt  }
0x86: {  	_ =	shalt  }
0x87: {  	_ =	shalt  }
.Lfunc_end0:
.L_simem_size_0:
called_computation_lowered:
.L_overlay_start_0:
0x88: {  	s2 =	sld [smem:$0x3FD9]  }
0x89: {  	s3 =	sld [smem:$0x3FFE];
	_ =	sdelay $0x1  }
0x8a: {  	s1 =	srdreg.scid  }
0x8b: {  	s0 =	sand.u32 $0x1, s1  }
0x8c: {  	s17 =	sshll.u32 s0, $0xA;
	s2 =	sadd.s32 s3, s2  }
0x8d: {  	s2 =	sadd.s32 s2, s17  }
0x8e: {  	[smem:$0x3FC6] =	sst s2  }
0x8f: {  	_ = 	snop  }
0x90: {  	s2 =	sld [smem:$0x3FD0];
	(tm) =	ssettm $0x1  }
0x91: {  	s18 =	sld [smem:$0x3FFB];
	_ =	sdelay $0x3  }
0x92: {  	_ =	strace s18  }
0x93: {  	s3 =	sld [smem:$0x3FFC];
	_ =	sdelay $0x3  }
0x94: {  	_ =	strace s3  }
0x95: {  	s3 =	sld [smem:$0x3FFD];
	_ =	sdelay $0x3  }
0x96: {  	_ =	strace s3  }
0x97: {  	_ =	strace $0x8FFFFFFF  }
0x98: {  	s19 =	sld [smem:$0x3FDB];
	_ =	sdelay $0x1  }
0x99: {  	s4 =	simm.s32 $_scs_section_size  }
0x9a: {  	s5 =	simm.s32 $_size__tile_overlayer_lowered;
	s6 =	simm.s32 $_tile_overlayer_lowered  }
0x9b: {  	s22 =	simm.s32 $0x1BFF;
	s21 =	sshll.u32 s6, $0x1;
	s3 =	sadd.s32 s4, s19  }
0x9c: {  	s7 =	simm.s32 $0x0;
	s20 =	sshll.u32 s5, $0x1;
	s5 =	sadd.s32 s21, s3  }
0x9d: {  	[timem:s7], [sflag:s22] =	dma.local [hbm:s5], s20  }
0x9e: {  	_ =	swait.ge [sflag:s22], s20  }
0x9f: {  	s4 =	ssub.s32 $0x0, s20;
	[sflag:s22] =	ssyncset.done $0x0  }
0xa0: {  	[sflag:s22] =	ssyncadd.s32 s4;
	_ =	sdelay $0x1  }
0xa1: {  	s23 =	simm.s32 $0x1B8B  }
0xa2: {  	_ =	swait.ge [sflag:s23], $0x1  }
0xa3: {  	[sflag:s23] =	ssyncset.done $0x0  }
0xa4: {  	s25 =	simm.s32 $0x1B8E;
	s24 =	sld [smem:$0x3FFE];
	[sflag:s23] =	ssyncadd.s32 $0xFFFFFFFF  }
0xa5: {  	s26 =	simm.s32 $execute0_lowered;
	[smem:$0x3FD2] =	sst s25  }
0xa6: {  	s5 =	sshll.u32 s26, $0x1;
	_ =	strace $0x80000046;
	[dreg:$0x1] =	wrdreg $0xFFFFFFFF  }
0xa7: {  	s28 =	simm.s32 $_size_execute0_lowered;
	s3 =	sadd.s32 s3, s5;
	[dreg:$0x0] =	wrdreg $0x0  }
0xa8: {  	s5 =	sshll.u32 s28, $0x1;
	[dreg:$0x2] =	wrdreg s3  }
0xa9: {  	[dreg:$0x3] =	wrdreg s5  }
0xaa: {  	[dreg:$0x4] =	wrdreg $0xC0  }
0xab: {  	_ =	task [dreg:s7], $0x5FFFF  }
0xac: {  	[dreg:$0x1] =	wrdreg $0xFFFFFFFF  }
0xad: {  	[dreg:$0x0] =	wrdreg $0x60  }
0xae: {  	[dreg:$0x2] =	wrdreg s24  }
0xaf: {  	[dreg:$0x3] =	wrdreg s2  }
0xb0: {  	[dreg:$0x4] =	wrdreg $0x9  }
0xb1: {  	_ =	task.clear_ibuf [dreg:s7], $0x5FFFF;
	_ =	strace $0x90000046  }
0xb2: {  	s29 =	simm.s32 $0x9;
	_ =	strace $0x80000048  }
0xb3: {  	_ =	swait.ge [sflag:s29], $0x1  }
0xb4: {  	[sflag:s29] =	ssyncadd.s32 $0xFFFFFFFF  }
0xb5: {  	_ =	strace $0x90000048  }
0xb6: {  	_ =	sfence  }
0xb7: {  	s30 =	sld [smem:$0x0];
	_ =	sdelay $0x2  }
0xb8: {  	s31 =	sshll.u32 s1, $0xD;
	s1 =	sshrl.u32 s1, $0x2  }
0xb9: {  	s3 =	sand.u32 $0x4000, s31;
	s1 =	sadd.s32 s1, s30  }
0xba: {  	s0 =	sor.u32 s3, s0;
	s1 =	sshll.u32 s1, $0x11  }
0xbb: {  	s0 =	sor.u32 s1, s0  }
0xbc: {  	s0 =	sadd.s32 $0x8F2B, s0  }
0xbd: {  	[sflag:s0] =	ssyncadd.remote.s32 $0x1  }
0xbe: {  	_ =	sfence.sel $0xFFFF  }
0xbf: {  	[dreg:$0x0] =	wrdreg $0xFFFFFFFF;
	(pc) =	sbr.abs _section_cstart, $3  }
0xc0: {  	[dreg:$0x1] =	wrdreg $0xFFFFFFFF  }
0xc1: {  	_ =	task.clear_ibuf [dreg:s7], $0x2FFFF;
	_ =	strace $0x9FFFFFFF  }
0xc2: {  	(tm) =	ssettm $0x7FFFFFFF  }
0xc3: {  	_ =	shalt  }
tec
execute0_lowered:
.L_overlay_start_1:
0x0: {  	(tag) =	ssettag $0x1  }
0x1: {  	s0 =	rddreg [dreg:$0x0];
	s1 =	srdreg.scid  }
0x2: {  	s3 =	stileid.u32;
	s2 =	rddreg [dreg:$0x1]  }
0x3: {  	s1 =	sand.u32 $0x1, s1;
	s4 =	sshll.u32 s3, $0x1;
	s3 =	simm.s32 $0x0  }
0x4: {  	s5 =	sor.u32 s1, s4;
	[smem:$0x7FF] =	sst s3;
	s1 =	ssub.s32 $0x2, s1  }
0x5: {  	s4 =	sshll.u32 s5, $0x4;
	s7 =	sshrl.u32 s1, $0x1;
	s19 =	sshll.u32 s5, $0x7  }
0x6: {  	s6 =	sadd.s32 s4, s0;
	s18 =	ssub.s32 s1, s7;
	s1 =	sadd.s32 s2, s19  }
0x7: {  	_ =	strace $0x80000047;
	s6 =	sadd.s32 $0x400, s6;
	[dreg:$0x4] =	wrdreg s1  }
0x8: {  	s31 =	simm.s32 $0x7900;
	s20 =	sadd.s32 $0x8000, s1;
	[dreg:$0x3] =	wrdreg s6  }
0x9: {  	s28 =	simm.s32 $0xB900;
	s21 =	sadd.s32 $0x10000, s1;
	[dreg:$0x5] =	wrdreg s20  }
0xa: {  	s30 =	simm.s32 $0x3;
	s22 =	sadd.s32 $0x18000, s1;
	[dreg:$0x6] =	wrdreg s21  }
0xb: {  	s8 =	simm.s32 $0x7;
	s23 =	sadd.s32 $0x20000, s1;
	[dreg:$0x7] =	wrdreg s22  }
0xc: {  	v0 =	vlaneseq.u32;
	s9 =	simm.s32 $0x8;
	s24 =	sadd.s32 $0x168000, s1;
	[dreg:$0x8] =	wrdreg s23  }
0xd: {  	s10 =	simm.s32 $0x9;
	v0 =	vmul.u32 $0x88, v0;
	s25 =	sadd.s32 $0x170000, s1;
	[dreg:$0x9] =	wrdreg s24  }
0xe: {  	s11 =	simm.s32 $0xA;
	s26 =	sadd.s32 $0x178000, s1;
	[dreg:$0xa] =	wrdreg s25  }
0xf: {  	s16 =	simm.s32 $0x0;
	v1 =	vadd.s32 $0x880, v0;
	s29 =	sadd.s32 $0x180000, s1;
	[dreg:$0xb] =	wrdreg s26  }
0x10: {  	v2 =	vadd.s32 $0x1100, v0;
	v3 =	vadd.s32 $0x1980, v0;
	v4 =	vadd.s32 $0x2200, v0;
	s4 =	sadd.s32 $0x6800, s0;
	s1 =	sadd.s32 $0x188000, s1;
	[dreg:$0xc] =	wrdreg s29  }
0x11: {  	v5 =	vadd.s32 $0x2A80, v0;
	v6 =	vadd.s32 $0x3300, v0;
	v7 =	vadd.s32 $0x3B80, v0;
	s0 =	smax.u32 s18, $0x1;
	s6 =	sshll.u32 s5, $0xA;
	[dreg:$0xd] =	wrdreg s1  }
0x12: {  	v8 =	vadd.s32 $0x4400, v0;
	v9 =	vadd.s32 $0x4C80, v0;
	v10 =	vadd.s32 $0x5500, v0;
	[dreg:$0xe] =	wrdreg s0;
	s22 =	simm.s32 $0x80;
	s0 =	simm.s32 $0x9900  }
0x13: {  	v11 =	vadd.s32 $0x5D80, v0;
	v12 =	vadd.s32 $0x6600, v0;
	v13 =	vadd.s32 $0x6E80, v0;
	s23 =	simm.s32 $0x1;
	s1 =	simm.s32 $0x2;
	s5 =	simm.s32 $0x4  }
0x14: {  	v14 =	vadd.s32 $0x7700, v0;
	v15 =	vadd.s32 $0x7F80, v0;
	v16 =	vor.u32 $0x8800, v0;
	s21 =	simm.s32 $0x5;
	s24 =	simm.s32 $0x6;
	s12 =	sor.u32 $0x40000, s6  }
0x15: {  	v17 =	vadd.s32 $0x9080, v0;
	v18 =	vadd.s32 $0x9900, v0;
	v19 =	vadd.s32 $0xA180, v0;
	s13 =	sor.u32 $0x80000, s6;
	s14 =	sor.u32 $0xC0000, s6;
	s15 =	sor.u32 $0x100000, s6  }
.LBB2_1:
0x16: {  	[dreg:$0xf] =	wrdreg s16  }
0x17: {  	s7 =	rddreg [dreg:$0x3];
	s17 =	simm.s32 $0x1000;
	s18 =	simm.s32 $0xB  }
0x18: {  	[tilespmem:s3], [sflag:$0xB] =	stream.strided.gather [hbm4b:s7+s22], $0x1900, s17, s22, $0x38;
	[tilespmem:$0x16300] =	vst v63  }
0x19: {  	_ =	swait.ge [sflag:s18], $0x1900  }
0x1a: {  	[sflag:s18] =	ssyncset.done $0x0  }
0x1b: {  	s19 =	simm.s32 $0x1900;
	[sflag:s18] =	ssyncadd.s32 $0xFFFFE700  }
0x1c: {  	[tilespmem:s19], [sflag:$0x1] =	stream.indirect.gather [hbm4b:s4+s22], $0x40, s3, s22, $0xb8;
	[tilespmem:$0x16300] =	vst v63  }
0x1d: {  	s20 =	simm.s32 $0x3900  }
0x1e: {  	[tilespmem:s20], [sflag:$0x2] =	stream.indirect.gather [hbm4b:s4+s22], $0x40, s22, s22, $0xb8;
	[tilespmem:$0x16300] =	vst v63  }
0x1f: {  	s25 =	simm.s32 $0x100;
	s26 =	simm.s32 $0x5900  }
0x20: {  	[tilespmem:s26], [sflag:$0x3] =	stream.indirect.gather [hbm4b:s4+s22], $0x40, s25, s22, $0xb8;
	[tilespmem:$0x16300] =	vst v63  }
0x21: {  	s29 =	simm.s32 $0x180  }
0x22: {  	[tilespmem:s31], [sflag:$0x4] =	stream.indirect.gather [hbm4b:s4+s22], $0x40, s29, s22, $0xb8;
	[tilespmem:$0x16300] =	vst v63  }
0x23: {  	s16 =	simm.s32 $0x200;
	s17 =	simm.s32 $0x3  }
0x24: {  	[tilespmem:s0], [sflag:$0x5] =	stream.indirect.gather [hbm4b:s4+s22], $0x40, s16, s22, $0xb8;
	[tilespmem:$0x16300] =	vst v63  }
0x25: {  	v20 =	vmov s17;
	_ =	swait.ge [sflag:s23], $0x2000  }
0x26: {  	v21 =	vand.u32 $0x7F, v20;
	v20 =	vmov s3;
	s18 =	simm.s32 $0x1;
	[sflag:s23] =	ssyncset.done $0x0  }
0x27: {  	s17 =	simm.s32 $0x1980;
	v22 =	vand.u32 $0x7C, v20;
	v20 =	vmov s18;
	[sflag:s23] =	ssyncadd.s32 $0xFFFFE000  }
0x28: {  	v24 =	vadd.s32 v0, v21;
	v27 =	vand.u32 $0x7D, v20;
	v23 =	vld [tilespmem:s17+$0x40]  }
0x29: {  	v28 =	vadd.s32 v0, v27;
	v20 =	vld [tilespmem:s17+$0xFFFFFFC0]  }
0x2a: {  	v26 =	vadd.s32 v0, v22;
	s19 =	simm.s32 $0x2;
	v25 =	vld [tilespmem:s17+$0xFFFFFF80]  }
0x2b: {  	v29 =	vmov s19  }
0x2c: {  	v29 =	vand.u32 $0x7E, v29  }
0x2d: {  	v31 =	vadd.s32 v0, v29;
	v30 =	vld [tilespmem:s17+$0x0];
	[tilespmem:v24+s28+$0x0] =	vst.idx.msk $0xffff, v23  }
0x2e: {  	v24 =	vadd.s32 v1, v21;
	[tilespmem:v28+s28+$0x0] =	vst.idx.msk $0xffff, v20;
	v23 =	vld [tilespmem:s17+$0x50]  }
0x2f: {  	[tilespmem:v26+s28+$0x0] =	vst.idx.msk $0xffff, v25;
	v28 =	vadd.s32 v1, v27;
	v20 =	vld [tilespmem:s17+$0xFFFFFFD0]  }
0x30: {  	v26 =	vadd.s32 v1, v22;
	v25 =	vld [tilespmem:s17+$0xFFFFFF90];
	_ =	sdelay $0x1  }
0x31: {  	[tilespmem:v31+s28+$0x0] =	vst.idx.msk $0xffff, v30  }
0x32: {  	v32 =	vadd.s32 v1, v29;
	v31 =	vld [tilespmem:s17+$0x10];
	[tilespmem:v24+s28+$0x0] =	vst.idx.msk $0xffff, v23  }
0x33: {  	v30 =	vadd.s32 v2, v21;
	[tilespmem:v28+s28+$0x0] =	vst.idx.msk $0xffff, v20;
	v23 =	vld [tilespmem:s17+$0x60]  }
0x34: {  	s20 =	simm.s32 $0x7;
	v33 =	vadd.s32 v2, v27;
	[tilespmem:v26+s28+$0x0] =	vst.idx.msk $0xffff, v25;
	v28 =	vld [tilespmem:s17+$0xFFFFFFE0]  }
0x35: {  	s25 =	simm.s32 $0x4;
	v26 =	vadd.s32 v2, v22;
	v24 =	vmov s20;
	v25 =	vld [tilespmem:s17+$0xFFFFFFA0]  }
0x36: {  	s16 =	simm.s32 $0x1A80;
	v20 =	vmov s25;
	v24 =	vand.u32 $0x7F, v24  }
0x37: {  	s26 =	simm.s32 $0x5;
	v34 =	vld [tilespmem:s16+$0x40];
	[tilespmem:v32+s28+$0x0] =	vst.idx.msk $0xffff, v31;
	v20 =	vand.u32 $0x7C, v20;
	v35 =	vadd.s32 v0, v24  }
0x38: {  	v38 =	vmov s26;
	s29 =	simm.s32 $0x6;
	v36 =	vld [tilespmem:s16+$0xFFFFFF80];
	v37 =	vadd.s32 v0, v20;
	[tilespmem:v30+s28+$0x0] =	vst.idx.msk $0xffff, v23  }
0x39: {  	v62 =	vadd.s32 v2, v29;
	v23 =	vand.u32 $0x7D, v38;
	v30 =	vmov s29;
	[tilespmem:v33+s28+$0x0] =	vst.idx.msk $0xffff, v28;
	v28 =	vld [tilespmem:s17+$0x20]  }
0x3a: {  	v60 =	vadd.s32 v3, v21;
	[tilespmem:v26+s28+$0x0] =	vst.idx.msk $0xffff, v25;
	v25 =	vld [tilespmem:s16+$0xFFFFFFC0];
	v26 =	vadd.s32 v0, v23;
	v21 =	vand.u32 $0x7E, v30  }
0x3b: {  	v30 =	vld [tilespmem:s16+$0x0];
	v61 =	vadd.s32 v0, v21  }
0x3c: {  	v31 =	vld [tilespmem:s17+$0x70];
	[tilespmem:v35+s28+$0x0] =	vst.idx.msk $0xffff, v34  }
0x3d: {  	v63 =	vadd.s32 v1, v24;
	[tilespmem:v37+s28+$0x0] =	vst.idx.msk $0xffff, v36;
	v35 =	vld [tilespmem:s16+$0x50]  }
0x3e: {  	v39 =	vadd.s32 v1, v20;
	v37 =	vld [tilespmem:s16+$0xFFFFFF90];
	[tilespmem:v62+s28+$0x0] =	vst.idx.msk $0xffff, v28  }
0x3f: {  	v41 =	vadd.s32 v3, v27;
	v40 =	vld [tilespmem:s17+$0xFFFFFFF0];
	[tilespmem:v26+s28+$0x0] =	vst.idx.msk $0xffff, v25  }
0x40: {  	v34 =	vadd.s32 v1, v23;
	v33 =	vld [tilespmem:s16+$0xFFFFFFD0];
	[tilespmem:v61+s28+$0x0] =	vst.idx.msk $0xffff, v30  }
0x41: {  	v32 =	vadd.s32 v1, v21;
	[tilespmem:v60+s28+$0x0] =	vst.idx.msk $0xffff, v31;
	v31 =	vld [tilespmem:s16+$0x10]  }
0x42: {  	v27 =	vld [tilespmem:s17+$0x30];
	[tilespmem:v63+s28+$0x0] =	vst.idx.msk $0xffff, v35;
	v30 =	vadd.s32 v3, v29  }
0x43: {  	v28 =	vadd.s32 v2, v24;
	[tilespmem:v39+s28+$0x0] =	vst.idx.msk $0xffff, v37;
	v25 =	vld [tilespmem:s16+$0x60]  }
0x44: {  	s7 =	simm.s32 $0xC;
	s18 =	simm.s32 $0x8;
	s19 =	simm.s32 $0xB;
	[tilespmem:v41+s28+$0x0] =	vst.idx.msk $0xffff, v40;
	v29 =	vadd.s32 v2, v20;
	v26 =	vld [tilespmem:s16+$0xFFFFFFA0]  }
.LBB2_2:
0x45: {  	p0 =	slt.u32 s7, $0x7C;
	v35 =	vmov s19;
	[tilespmem:v34+s28+$0x0] =	vst.idx.msk $0xffff, v33;
	v33 =	vld [tilespmem:s17+$0xFFFFFFB0];
	v34 =	vadd.s32 v3, v22;
	v22 =	vmov v20;
	s17 =	smov.u32 s16  }
0x46: {  	v20 =	vmov s18;
	v37 =	vadd.s32 v2, v23;
	s16 =	sadd.s32 $0x100, s16;
	v35 =	vand.u32 $0x7F, v35;
	v36 =	vld [tilespmem:s17+$0xFFFFFFE0];
	[tilespmem:v32+s28+$0x0] =	vst.idx.msk $0xffff, v31  }
0x47: {  	s19 =	sadd.s32 $0x1, s18;
	v20 =	vand.u32 $0x7C, v20;
	v31 =	vld [tilespmem:s16+$0x40];
	v32 =	vadd.s32 v0, v35;
	[tilespmem:v30+s28+$0x0] =	vst.idx.msk $0xffff, v27  }
0x48: {  	v38 =	vmov s19;
	s19 =	sadd.s32 $0x2, s18;
	s18 =	smov.u32 s7;
	v30 =	vadd.s32 v0, v20;
	v27 =	vld [tilespmem:s16+$0xFFFFFF80];
	[tilespmem:v28+s28+$0x0] =	vst.idx.msk $0xffff, v25  }
0x49: {  	v25 =	vand.u32 $0x7D, v38;
	v28 =	vmov s19;
	[tilespmem:v29+s28+$0x0] =	vst.idx.msk $0xffff, v26;
	v26 =	vld [tilespmem:s17+$0x70];
	v29 =	vadd.s32 v3, v24;
	v24 =	vmovc v35  }
0x4a: {  	v38 =	vadd.s32 v0, v25;
	v28 =	vand.u32 $0x7E, v28;
	v35 =	vld [tilespmem:s16+$0xFFFFFFC0];
	[tilespmem:v34+s28+$0x0] =	vst.idx.msk $0xffff, v33  }
0x4b: {  	v40 =	vadd.s32 v0, v28;
	v39 =	vld [tilespmem:s16+$0x0];
	[tilespmem:v37+s28+$0x0] =	vst.idx.msk $0xffff, v36  }
0x4c: {  	v37 =	vadd.s32 v2, v21;
	[tilespmem:v32+s28+$0x0] =	vst.idx.msk $0xffff, v31;
	v36 =	vld [tilespmem:s17+$0x20]  }
0x4d: {  	[tilespmem:v30+s28+$0x0] =	vst.idx.msk $0xffff, v27;
	v27 =	vld [tilespmem:s16+$0x50];
	v30 =	vadd.s32 v1, v24  }
0x4e: {  	v42 =	vadd.s32 v1, v20;
	v41 =	vld [tilespmem:s16+$0xFFFFFF90];
	[tilespmem:v29+s28+$0x0] =	vst.idx.msk $0xffff, v26  }
0x4f: {  	[tilespmem:v38+s28+$0x0] =	vst.idx.msk $0xffff, v35;
	v35 =	vld [tilespmem:s17+$0xFFFFFFF0];
	v38 =	vadd.s32 v3, v23;
	v23 =	vmov v25  }
.Ltmp0:
0x50: {  	v33 =	vld [tilespmem:s16+$0xFFFFFFD0];
	v34 =	vadd.s32 v1, v23;
	[tilespmem:v40+s28+$0x0] =	vst.idx.msk $0xffff, v39;
	(pc) =	sbr.rel @p0 .LBB2_2-.Ltmp0, $4  }
0x51: {  	v32 =	vadd.s32 v1, v28;
	v31 =	vld [tilespmem:s16+$0x10];
	[tilespmem:v37+s28+$0x0] =	vst.idx.msk $0xffff, v36  }
0x52: {  	[tilespmem:v30+s28+$0x0] =	vst.idx.msk $0xffff, v27;
	v27 =	vld [tilespmem:s17+$0x30];
	v30 =	vadd.s32 v3, v21;
	v21 =	vmov v28  }
0x53: {  	v28 =	vadd.s32 v2, v24;
	[tilespmem:v42+s28+$0x0] =	vst.idx.msk $0xffff, v41;
	v25 =	vld [tilespmem:s16+$0x60]  }
0x54: {  	s7 =	sadd.s32 $0x4, s7;
	s19 =	sadd.s32 $0x3, s18;
	v29 =	vadd.s32 v2, v20;
	v26 =	vld [tilespmem:s16+$0xFFFFFFA0];
	[tilespmem:v38+s28+$0x0] =	vst.idx.msk $0xffff, v35  }
0x55: {  	_ =	sdelay $0x2  }
0x56: {  	v35 =	vmov s19  }
0x57: {  	s26 =	sadd.s32 $0x1, s18;
	[tilespmem:v34+s28+$0x0] =	vst.idx.msk $0xffff, v33;
	v54 =	vld [tilespmem:s17+$0xFFFFFFB0];
	v22 =	vadd.s32 v3, v22;
	s7 =	sadd.s32 $0x100, s16;
	v37 =	vmov s18;
	v34 =	vand.u32 $0x7F, v35  }
0x58: {  	s29 =	sadd.s32 $0x2, s18;
	v55 =	vmov s26;
	[tilespmem:v32+s28+$0x0] =	vst.idx.msk $0xffff, v31;
	v56 =	vld [tilespmem:s7+$0x40];
	v37 =	vand.u32 $0x7C, v37;
	v57 =	vadd.s32 v0, v34  }
0x59: {  	v36 =	vmov s29;
	v38 =	vld [tilespmem:s7+$0xFFFFFF80];
	v35 =	vand.u32 $0x7D, v55;
	[tilespmem:v30+s28+$0x0] =	vst.idx.msk $0xffff, v27;
	v62 =	vadd.s32 v0, v37  }
0x5a: {  	v58 =	vld [tilespmem:s7+$0xFFFFFFC0];
	v36 =	vand.u32 $0x7E, v36;
	v59 =	vadd.s32 v0, v35;
	[tilespmem:v28+s28+$0x0] =	vst.idx.msk $0xffff, v25  }
0x5b: {  	v60 =	vld [tilespmem:s7+$0x0];
	v61 =	vadd.s32 v0, v36;
	[tilespmem:v29+s28+$0x0] =	vst.idx.msk $0xffff, v26  }
0x5c: {  	v39 =	vadd.s32 v2, v23;
	v63 =	vld [tilespmem:s16+$0xFFFFFFE0];
	[tilespmem:v22+s28+$0x0] =	vst.idx.msk $0xffff, v54  }
0x5d: {  	v47 =	vadd.s32 v2, v21;
	v46 =	vld [tilespmem:s16+$0x20];
	[tilespmem:v57+s28+$0x0] =	vst.idx.msk $0xffff, v56  }
0x5e: {  	v41 =	vadd.s32 v1, v34;
	[tilespmem:v62+s28+$0x0] =	vst.idx.msk $0xffff, v38;
	v31 =	vld [tilespmem:s7+$0x50]  }
0x5f: {  	v45 =	vadd.s32 v1, v37;
	[tilespmem:v59+s28+$0x0] =	vst.idx.msk $0xffff, v58;
	v44 =	vld [tilespmem:s7+$0xFFFFFF90]  }
0x60: {  	v42 =	vadd.s32 v1, v35;
	[tilespmem:v61+s28+$0x0] =	vst.idx.msk $0xffff, v60;
	v27 =	vld [tilespmem:s7+$0xFFFFFFD0]  }
0x61: {  	v43 =	vadd.s32 v1, v36;
	[tilespmem:v39+s28+$0x0] =	vst.idx.msk $0xffff, v63;
	v25 =	vld [tilespmem:s7+$0x10]  }
0x62: {  	v24 =	vadd.s32 v3, v24;
	v40 =	vld [tilespmem:s16+$0x70];
	[tilespmem:v47+s28+$0x0] =	vst.idx.msk $0xffff, v46  }
0x63: {  	v49 =	vadd.s32 v3, v23;
	v48 =	vld [tilespmem:s16+$0xFFFFFFF0];
	[tilespmem:v41+s28+$0x0] =	vst.idx.msk $0xffff, v31  }
0x64: {  	v50 =	vadd.s32 v2, v34;
	[tilespmem:v45+s28+$0x0] =	vst.idx.msk $0xffff, v44;
	v31 =	vld [tilespmem:s7+$0x60]  }
0x65: {  	v55 =	vadd.s32 v2, v37;
	[tilespmem:v42+s28+$0x0] =	vst.idx.msk $0xffff, v27;
	v54 =	vld [tilespmem:s7+$0xFFFFFFA0]  }
0x66: {  	v51 =	vadd.s32 v2, v35;
	[tilespmem:v43+s28+$0x0] =	vst.idx.msk $0xffff, v25;
	v27 =	vld [tilespmem:s7+$0xFFFFFFE0]  }
0x67: {  	v53 =	vadd.s32 v2, v36;
	[tilespmem:v24+s28+$0x0] =	vst.idx.msk $0xffff, v40;
	v52 =	vld [tilespmem:s7+$0x20]  }
0x68: {  	v20 =	vadd.s32 v3, v20;
	v57 =	vld [tilespmem:s16+$0xFFFFFFB0];
	[tilespmem:v49+s28+$0x0] =	vst.idx.msk $0xffff, v48  }
0x69: {  	v56 =	vadd.s32 v3, v21;
	v29 =	vld [tilespmem:s16+$0x30];
	[tilespmem:v50+s28+$0x0] =	vst.idx.msk $0xffff, v31  }
0x6a: {  	v59 =	vadd.s32 v3, v34;
	[tilespmem:v55+s28+$0x0] =	vst.idx.msk $0xffff, v54;
	v58 =	vld [tilespmem:s7+$0x70]  }
0x6b: {  	v63 =	vadd.s32 v3, v37;
	[tilespmem:v51+s28+$0x0] =	vst.idx.msk $0xffff, v27;
	v62 =	vld [tilespmem:s7+$0xFFFFFFB0]  }
0x6c: {  	v60 =	vadd.s32 v3, v35;
	[tilespmem:v53+s28+$0x0] =	vst.idx.msk $0xffff, v52;
	v27 =	vld [tilespmem:s7+$0xFFFFFFF0]  }
0x6d: {  	v61 =	vadd.s32 v3, v36;
	[tilespmem:v20+s28+$0x0] =	vst.idx.msk $0xffff, v57;
	v22 =	vld [tilespmem:s7+$0x30]  }
0x6e: {  	[tilespmem:v56+s28+$0x0] =	vst.idx.msk $0xffff, v29  }
0x6f: {  	[tilespmem:v59+s28+$0x0] =	vst.idx.msk $0xffff, v58  }
0x70: {  	[tilespmem:v63+s28+$0x0] =	vst.idx.msk $0xffff, v62  }
0x71: {  	[tilespmem:v60+s28+$0x0] =	vst.idx.msk $0xffff, v27  }
0x72: {  	[tilespmem:v61+s28+$0x0] =	vst.idx.msk $0xffff, v22  }
0x73: {  	s16 =	simm.s32 $0xB900;
	s20 =	rddreg [dreg:$0x4]  }
0x74: {  	[hbm4b:s20+s3] =	stream.linear.scatter [tilespmem:s16], [sflag:$0x6], $0x80, $0x38;
	[tilespmem:$0x16300] =	vst v63  }
0x75: {  	s17 =	simm.s32 $0xB988;
	s18 =	sadd.s32 $0x10, s20  }
0x76: {  	[hbm4b:s18+s3] =	stream.linear.scatter [tilespmem:s17], [sflag:$0x6], $0x80, $0x38;
	[tilespmem:$0x16300] =	vst v63  }
0x77: {  	s19 =	simm.s32 $0xBA10;
	s26 =	simm.s32 $0xBA98;
	s25 =	sadd.s32 $0x20, s20  }
0x78: {  	[hbm4b:s25+s3] =	stream.linear.scatter [tilespmem:s19], [sflag:$0x6], $0x80, $0x38;
	[tilespmem:$0x16300] =	vst v63  }
0x79: {  	s7 =	simm.s32 $0x440;
	s29 =	sadd.s32 $0x30, s20;
	s16 =	sadd.s32 $0x1000, s20  }
0x7a: {  	[hbm4b:s29+s3] =	stream.linear.scatter [tilespmem:s26], [sflag:$0x6], $0x80, $0x38;
	[tilespmem:$0x16300] =	vst v63  }
0x7b: {  	s17 =	simm.s32 $0xBB20;
	s18 =	sadd.s32 $0x40, s20;
	s19 =	simm.s32 $0xBBA8  }
0x7c: {  	[hbm4b:s18+s3] =	stream.linear.scatter [tilespmem:s17], [sflag:$0x6], $0x80, $0x38;
	[tilespmem:$0x16300] =	vst v63  }
0x7d: {  	s25 =	sadd.s32 $0x50, s20;
	s26 =	simm.s32 $0xBC30;
	s29 =	sadd.s32 $0x60, s20  }
0x7e: {  	[hbm4b:s25+s3] =	stream.linear.scatter [tilespmem:s19], [sflag:$0x6], $0x80, $0x38;
	[tilespmem:$0x16300] =	vst v63  }
0x7f: {  	s17 =	simm.s32 $0x2200;
	s18 =	simm.s32 $0xBCB8;
	s19 =	sadd.s32 $0x70, s20  }
0x80: {  	[hbm4b:s29+s3] =	stream.linear.scatter [tilespmem:s26], [sflag:$0x6], $0x80, $0x38;
	[tilespmem:$0x16300] =	vst v63  }
.LBB2_4:
0x81: {  	[hbm4b:s19+s3] =	stream.linear.scatter [tilespmem:s18], [sflag:$0x6], $0x80, $0x38;
	[tilespmem:$0x16300] =	vst v63  }
0x82: {  	s18 =	smov.u32 s7;
	s7 =	smov.u32 s17  }
0x83: {  	s20 =	sadd.s32 $0x1100, s17;
	s7 =	sshra.s32 s7, $0x2;
	s19 =	sadd.s32 $0xB900, s18  }
0x84: {  	[hbm4b:s16+s3] =	stream.linear.scatter [tilespmem:s19], [sflag:$0x6], $0x80, $0x38;
	[tilespmem:$0x16300] =	vst v63  }
0x85: {  	p0 =	sne.s32 s17, $0x7700;
	s17 =	sadd.s32 $0xB988, s18;
	s19 =	sadd.s32 $0x10, s16  }
0x86: {  	[hbm4b:s19+s3] =	stream.linear.scatter [tilespmem:s17], [sflag:$0x6], $0x80, $0x38;
	[tilespmem:$0x16300] =	vst v63  }
0x87: {  	s17 =	sadd.s32 $0xBA10, s18;
	s19 =	sadd.s32 $0x20, s16  }
0x88: {  	[hbm4b:s19+s3] =	stream.linear.scatter [tilespmem:s17], [sflag:$0x6], $0x80, $0x38;
	[tilespmem:$0x16300] =	vst v63  }
0x89: {  	s17 =	sadd.s32 $0xBA98, s18;
	s19 =	sadd.s32 $0x30, s16  }
0x8a: {  	[hbm4b:s19+s3] =	stream.linear.scatter [tilespmem:s17], [sflag:$0x6], $0x80, $0x38;
	[tilespmem:$0x16300] =	vst v63  }
0x8b: {  	s17 =	sadd.s32 $0xBB20, s18;
	s19 =	sadd.s32 $0x40, s16  }
0x8c: {  	[hbm4b:s19+s3] =	stream.linear.scatter [tilespmem:s17], [sflag:$0x6], $0x80, $0x38;
	[tilespmem:$0x16300] =	vst v63  }
.Ltmp1:
0x8d: {  	s17 =	sadd.s32 $0xBBA8, s18;
	s19 =	sadd.s32 $0x50, s16;
	(pc) =	sbr.rel @p0 .LBB2_4-.Ltmp1, $4  }
0x8e: {  	[hbm4b:s19+s3] =	stream.linear.scatter [tilespmem:s17], [sflag:$0x6], $0x80, $0x38;
	[tilespmem:$0x16300] =	vst v63  }
0x8f: {  	s17 =	sadd.s32 $0xBC30, s18;
	s19 =	sadd.s32 $0x60, s16;
	s18 =	sadd.s32 $0xBCB8, s18  }
0x90: {  	[hbm4b:s19+s3] =	stream.linear.scatter [tilespmem:s17], [sflag:$0x6], $0x80, $0x38;
	[tilespmem:$0x16300] =	vst v63  }
0x91: {  	s19 =	sadd.s32 $0x70, s16;
	s16 =	sadd.s32 $0x1000, s16;
	s17 =	smov.u32 s20  }
0x92: {  	[hbm4b:s19+s3] =	stream.linear.scatter [tilespmem:s18], [sflag:$0x6], $0x80, $0x38;
	[tilespmem:$0x16300] =	vst v63  }
0x93: {  	s17 =	sadd.s32 $0xB900, s7  }
0x94: {  	[hbm4b:s16+s3] =	stream.linear.scatter [tilespmem:s17], [sflag:$0x6], $0x80, $0x38;
	[tilespmem:$0x16300] =	vst v63  }
0x95: {  	s18 =	sadd.s32 $0xB988, s7;
	s19 =	sadd.s32 $0x10, s16  }
0x96: {  	[hbm4b:s19+s3] =	stream.linear.scatter [tilespmem:s18], [sflag:$0x6], $0x80, $0x38;
	[tilespmem:$0x16300] =	vst v63  }
0x97: {  	s20 =	sadd.s32 $0xBA10, s7;
	s25 =	sadd.s32 $0x20, s16  }
0x98: {  	[hbm4b:s25+s3] =	stream.linear.scatter [tilespmem:s20], [sflag:$0x6], $0x80, $0x38;
	[tilespmem:$0x16300] =	vst v63  }
0x99: {  	s26 =	sadd.s32 $0xBA98, s7;
	s29 =	sadd.s32 $0x30, s16  }
0x9a: {  	[hbm4b:s29+s3] =	stream.linear.scatter [tilespmem:s26], [sflag:$0x6], $0x80, $0x38;
	[tilespmem:$0x16300] =	vst v63  }
0x9b: {  	s18 =	sadd.s32 $0xBB20, s7;
	s19 =	sadd.s32 $0x40, s16  }
0x9c: {  	[hbm4b:s19+s3] =	stream.linear.scatter [tilespmem:s18], [sflag:$0x6], $0x80, $0x38;
	[tilespmem:$0x16300] =	vst v63  }
0x9d: {  	s20 =	sadd.s32 $0xBBA8, s7;
	s25 =	sadd.s32 $0x50, s16  }
0x9e: {  	[hbm4b:s25+s3] =	stream.linear.scatter [tilespmem:s20], [sflag:$0x6], $0x80, $0x38;
	[tilespmem:$0x16300] =	vst v63  }
0x9f: {  	s26 =	sadd.s32 $0xBC30, s7;
	s29 =	sadd.s32 $0x60, s16  }
0xa0: {  	[hbm4b:s29+s3] =	stream.linear.scatter [tilespmem:s26], [sflag:$0x6], $0x80, $0x38;
	[tilespmem:$0x16300] =	vst v63  }
0xa1: {  	s19 =	sadd.s32 $0xBCB8, s7;
	s20 =	sadd.s32 $0x70, s16  }
0xa2: {  	[hbm4b:s20+s3] =	stream.linear.scatter [tilespmem:s19], [sflag:$0x6], $0x80, $0x38;
	[tilespmem:$0x16300] =	vst v63  }
0xa3: {  	s25 =	simm.s32 $0x1900;
	s26 =	simm.s32 $0x280;
	s29 =	simm.s32 $0x3  }
0xa4: {  	[tilespmem:s25], [sflag:$0x1] =	stream.indirect.gather [hbm4b:s4+s22], $0x40, s26, s22, $0xb8;
	[tilespmem:$0x16300] =	vst v63  }
0xa5: {  	s16 =	simm.s32 $0x0;
	v20 =	vmov s29;
	_ =	swait.ge [sflag:s1], $0x2000  }
0xa6: {  	s18 =	simm.s32 $0x1;
	v21 =	vand.u32 $0x7F, v20;
	v20 =	vmov s16;
	[sflag:s1] =	ssyncset.done $0x0  }
0xa7: {  	s17 =	simm.s32 $0x39F0;
	v22 =	vand.u32 $0x7C, v20;
	v20 =	vmov s18;
	[sflag:s1] =	ssyncadd.s32 $0xFFFFE000  }
0xa8: {  	v24 =	vadd.s32 v4, v21;
	v27 =	vand.u32 $0x7D, v20;
	v23 =	vld [tilespmem:s17+$0xFFFFFFD0]  }
0xa9: {  	v28 =	vadd.s32 v4, v27;
	v20 =	vld [tilespmem:s17+$0xFFFFFF50]  }
0xaa: {  	s19 =	simm.s32 $0x2;
	v26 =	vadd.s32 v4, v22;
	v25 =	vld [tilespmem:s17+$0xFFFFFF10]  }
0xab: {  	v29 =	vmov s19  }
0xac: {  	v29 =	vand.u32 $0x7E, v29  }
0xad: {  	v31 =	vadd.s32 v4, v29;
	v30 =	vld [tilespmem:s17+$0xFFFFFF90];
	[tilespmem:v24+s28+$0x0] =	vst.idx.msk $0xffff, v23  }
0xae: {  	v24 =	vadd.s32 v5, v21;
	[tilespmem:v28+s28+$0x0] =	vst.idx.msk $0xffff, v20;
	v23 =	vld [tilespmem:s17+$0xFFFFFFE0]  }
0xaf: {  	[tilespmem:v26+s28+$0x0] =	vst.idx.msk $0xffff, v25;
	v28 =	vadd.s32 v5, v27;
	v20 =	vld [tilespmem:s17+$0xFFFFFF60]  }
0xb0: {  	v26 =	vadd.s32 v5, v22;
	v25 =	vld [tilespmem:s17+$0xFFFFFF20];
	_ =	sdelay $0x1  }
0xb1: {  	[tilespmem:v31+s28+$0x0] =	vst.idx.msk $0xffff, v30  }
0xb2: {  	v32 =	vadd.s32 v5, v29;
	v31 =	vld [tilespmem:s17+$0xFFFFFFA0];
	[tilespmem:v24+s28+$0x0] =	vst.idx.msk $0xffff, v23  }
0xb3: {  	v30 =	vadd.s32 v6, v21;
	[tilespmem:v28+s28+$0x0] =	vst.idx.msk $0xffff, v20;
	v23 =	vld [tilespmem:s17+$0xFFFFFFF0]  }
0xb4: {  	s20 =	simm.s32 $0x7;
	v33 =	vadd.s32 v6, v27;
	[tilespmem:v26+s28+$0x0] =	vst.idx.msk $0xffff, v25;
	v28 =	vld [tilespmem:s17+$0xFFFFFF70]  }
0xb5: {  	s25 =	simm.s32 $0x4;
	v26 =	vadd.s32 v6, v22;
	v24 =	vmov s20;
	v25 =	vld [tilespmem:s17+$0xFFFFFF30]  }
0xb6: {  	s16 =	simm.s32 $0x3AF0;
	v20 =	vmov s25;
	v24 =	vand.u32 $0x7F, v24  }
0xb7: {  	s26 =	simm.s32 $0x5;
	v34 =	vld [tilespmem:s16+$0xFFFFFFD0];
	[tilespmem:v32+s28+$0x0] =	vst.idx.msk $0xffff, v31;
	v20 =	vand.u32 $0x7C, v20;
	v35 =	vadd.s32 v4, v24  }
0xb8: {  	s29 =	simm.s32 $0x6;
	v38 =	vmov s26;
	v36 =	vld [tilespmem:s16+$0xFFFFFF10];
	v37 =	vadd.s32 v4, v20;
	[tilespmem:v30+s28+$0x0] =	vst.idx.msk $0xffff, v23  }
0xb9: {  	v62 =	vadd.s32 v6, v29;
	v23 =	vand.u32 $0x7D, v38;
	v30 =	vmov s29;
	[tilespmem:v33+s28+$0x0] =	vst.idx.msk $0xffff, v28;
	v28 =	vld [tilespmem:s17+$0xFFFFFFB0]  }
0xba: {  	v60 =	vadd.s32 v7, v21;
	[tilespmem:v26+s28+$0x0] =	vst.idx.msk $0xffff, v25;
	v25 =	vld [tilespmem:s16+$0xFFFFFF50];
	v26 =	vadd.s32 v4, v23;
	v21 =	vand.u32 $0x7E, v30  }
0xbb: {  	v30 =	vld [tilespmem:s16+$0xFFFFFF90];
	v61 =	vadd.s32 v4, v21  }
0xbc: {  	v31 =	vld [tilespmem:s17+$0x0];
	[tilespmem:v35+s28+$0x0] =	vst.idx.msk $0xffff, v34  }
0xbd: {  	v63 =	vadd.s32 v5, v24;
	[tilespmem:v37+s28+$0x0] =	vst.idx.msk $0xffff, v36;
	v35 =	vld [tilespmem:s16+$0xFFFFFFE0]  }
0xbe: {  	v39 =	vadd.s32 v5, v20;
	v37 =	vld [tilespmem:s16+$0xFFFFFF20];
	[tilespmem:v62+s28+$0x0] =	vst.idx.msk $0xffff, v28  }
0xbf: {  	v41 =	vadd.s32 v7, v27;
	v40 =	vld [tilespmem:s17+$0xFFFFFF80];
	[tilespmem:v26+s28+$0x0] =	vst.idx.msk $0xffff, v25  }
0xc0: {  	v34 =	vadd.s32 v5, v23;
	v33 =	vld [tilespmem:s16+$0xFFFFFF60];
	[tilespmem:v61+s28+$0x0] =	vst.idx.msk $0xffff, v30  }
0xc1: {  	v32 =	vadd.s32 v5, v21;
	[tilespmem:v60+s28+$0x0] =	vst.idx.msk $0xffff, v31;
	v31 =	vld [tilespmem:s16+$0xFFFFFFA0]  }
0xc2: {  	v27 =	vld [tilespmem:s17+$0xFFFFFFC0];
	[tilespmem:v63+s28+$0x0] =	vst.idx.msk $0xffff, v35;
	v30 =	vadd.s32 v7, v29  }
0xc3: {  	v28 =	vadd.s32 v6, v24;
	[tilespmem:v39+s28+$0x0] =	vst.idx.msk $0xffff, v37;
	v25 =	vld [tilespmem:s16+$0xFFFFFFF0]  }
0xc4: {  	s7 =	simm.s32 $0xC;
	s18 =	simm.s32 $0x8;
	s19 =	simm.s32 $0xB;
	[tilespmem:v41+s28+$0x0] =	vst.idx.msk $0xffff, v40;
	v29 =	vadd.s32 v6, v20;
	v26 =	vld [tilespmem:s16+$0xFFFFFF30]  }
.LBB2_6:
0xc5: {  	p0 =	slt.u32 s7, $0x7C;
	v35 =	vmov s19;
	[tilespmem:v34+s28+$0x0] =	vst.idx.msk $0xffff, v33;
	v33 =	vld [tilespmem:s17+$0xFFFFFF40];
	v34 =	vadd.s32 v7, v22;
	v22 =	vmov v20;
	s17 =	smov.u32 s16  }
0xc6: {  	v20 =	vmov s18;
	v37 =	vadd.s32 v6, v23;
	s16 =	sadd.s32 $0x100, s16;
	v35 =	vand.u32 $0x7F, v35;
	v36 =	vld [tilespmem:s17+$0xFFFFFF70];
	[tilespmem:v32+s28+$0x0] =	vst.idx.msk $0xffff, v31  }
0xc7: {  	s19 =	sadd.s32 $0x1, s18;
	v20 =	vand.u32 $0x7C, v20;
	v31 =	vld [tilespmem:s16+$0xFFFFFFD0];
	v32 =	vadd.s32 v4, v35;
	[tilespmem:v30+s28+$0x0] =	vst.idx.msk $0xffff, v27  }
0xc8: {  	v38 =	vmov s19;
	s19 =	sadd.s32 $0x2, s18;
	s18 =	smov.u32 s7;
	v30 =	vadd.s32 v4, v20;
	v27 =	vld [tilespmem:s16+$0xFFFFFF10];
	[tilespmem:v28+s28+$0x0] =	vst.idx.msk $0xffff, v25  }
0xc9: {  	v25 =	vand.u32 $0x7D, v38;
	v28 =	vmov s19;
	[tilespmem:v29+s28+$0x0] =	vst.idx.msk $0xffff, v26;
	v26 =	vld [tilespmem:s17+$0x0];
	v29 =	vadd.s32 v7, v24;
	v24 =	vmovc v35  }
0xca: {  	v38 =	vadd.s32 v4, v25;
	v28 =	vand.u32 $0x7E, v28;
	v35 =	vld [tilespmem:s16+$0xFFFFFF50];
	[tilespmem:v34+s28+$0x0] =	vst.idx.msk $0xffff, v33  }
0xcb: {  	v40 =	vadd.s32 v4, v28;
	v39 =	vld [tilespmem:s16+$0xFFFFFF90];
	[tilespmem:v37+s28+$0x0] =	vst.idx.msk $0xffff, v36  }
0xcc: {  	v37 =	vadd.s32 v6, v21;
	[tilespmem:v32+s28+$0x0] =	vst.idx.msk $0xffff, v31;
	v36 =	vld [tilespmem:s17+$0xFFFFFFB0]  }
0xcd: {  	[tilespmem:v30+s28+$0x0] =	vst.idx.msk $0xffff, v27;
	v27 =	vld [tilespmem:s16+$0xFFFFFFE0];
	v30 =	vadd.s32 v5, v24  }
0xce: {  	v42 =	vadd.s32 v5, v20;
	v41 =	vld [tilespmem:s16+$0xFFFFFF20];
	[tilespmem:v29+s28+$0x0] =	vst.idx.msk $0xffff, v26  }
0xcf: {  	[tilespmem:v38+s28+$0x0] =	vst.idx.msk $0xffff, v35;
	v35 =	vld [tilespmem:s17+$0xFFFFFF80];
	v38 =	vadd.s32 v7, v23;
	v23 =	vmov v25  }
.Ltmp2:
0xd0: {  	v33 =	vld [tilespmem:s16+$0xFFFFFF60];
	v34 =	vadd.s32 v5, v23;
	[tilespmem:v40+s28+$0x0] =	vst.idx.msk $0xffff, v39;
	(pc) =	sbr.rel @p0 .LBB2_6-.Ltmp2, $4  }
0xd1: {  	v32 =	vadd.s32 v5, v28;
	v31 =	vld [tilespmem:s16+$0xFFFFFFA0];
	[tilespmem:v37+s28+$0x0] =	vst.idx.msk $0xffff, v36  }
0xd2: {  	[tilespmem:v30+s28+$0x0] =	vst.idx.msk $0xffff, v27;
	v27 =	vld [tilespmem:s17+$0xFFFFFFC0];
	v30 =	vadd.s32 v7, v21;
	v21 =	vmov v28  }
0xd3: {  	v28 =	vadd.s32 v6, v24;
	[tilespmem:v42+s28+$0x0] =	vst.idx.msk $0xffff, v41;
	v25 =	vld [tilespmem:s16+$0xFFFFFFF0]  }
0xd4: {  	s7 =	sadd.s32 $0x4, s7;
	s19 =	sadd.s32 $0x3, s18;
	v29 =	vadd.s32 v6, v20;
	v26 =	vld [tilespmem:s16+$0xFFFFFF30];
	[tilespmem:v38+s28+$0x0] =	vst.idx.msk $0xffff, v35  }
0xd5: {  	_ =	sdelay $0x2  }
0xd6: {  	v35 =	vmov s19  }
0xd7: {  	s26 =	sadd.s32 $0x1, s18;
	[tilespmem:v34+s28+$0x0] =	vst.idx.msk $0xffff, v33;
	v54 =	vld [tilespmem:s17+$0xFFFFFF40];
	v22 =	vadd.s32 v7, v22;
	s7 =	sadd.s32 $0x100, s16;
	v37 =	vmov s18;
	v34 =	vand.u32 $0x7F, v35  }
0xd8: {  	s29 =	sadd.s32 $0x2, s18;
	v55 =	vmov s26;
	[tilespmem:v32+s28+$0x0] =	vst.idx.msk $0xffff, v31;
	v56 =	vld [tilespmem:s7+$0xFFFFFFD0];
	v37 =	vand.u32 $0x7C, v37;
	v57 =	vadd.s32 v4, v34  }
0xd9: {  	v36 =	vmov s29;
	v38 =	vld [tilespmem:s7+$0xFFFFFF10];
	v35 =	vand.u32 $0x7D, v55;
	[tilespmem:v30+s28+$0x0] =	vst.idx.msk $0xffff, v27;
	v62 =	vadd.s32 v4, v37  }
0xda: {  	v58 =	vld [tilespmem:s7+$0xFFFFFF50];
	v36 =	vand.u32 $0x7E, v36;
	v59 =	vadd.s32 v4, v35;
	[tilespmem:v28+s28+$0x0] =	vst.idx.msk $0xffff, v25  }
0xdb: {  	v60 =	vld [tilespmem:s7+$0xFFFFFF90];
	v61 =	vadd.s32 v4, v36;
	[tilespmem:v29+s28+$0x0] =	vst.idx.msk $0xffff, v26  }
0xdc: {  	v39 =	vadd.s32 v6, v23;
	v63 =	vld [tilespmem:s16+$0xFFFFFF70];
	[tilespmem:v22+s28+$0x0] =	vst.idx.msk $0xffff, v54  }
0xdd: {  	v47 =	vadd.s32 v6, v21;
	v46 =	vld [tilespmem:s16+$0xFFFFFFB0];
	[tilespmem:v57+s28+$0x0] =	vst.idx.msk $0xffff, v56  }
0xde: {  	v41 =	vadd.s32 v5, v34;
	[tilespmem:v62+s28+$0x0] =	vst.idx.msk $0xffff, v38;
	v31 =	vld [tilespmem:s7+$0xFFFFFFE0]  }
0xdf: {  	v45 =	vadd.s32 v5, v37;
	[tilespmem:v59+s28+$0x0] =	vst.idx.msk $0xffff, v58;
	v44 =	vld [tilespmem:s7+$0xFFFFFF20]  }
0xe0: {  	v42 =	vadd.s32 v5, v35;
	[tilespmem:v61+s28+$0x0] =	vst.idx.msk $0xffff, v60;
	v27 =	vld [tilespmem:s7+$0xFFFFFF60]  }
0xe1: {  	v43 =	vadd.s32 v5, v36;
	[tilespmem:v39+s28+$0x0] =	vst.idx.msk $0xffff, v63;
	v25 =	vld [tilespmem:s7+$0xFFFFFFA0]  }
0xe2: {  	v24 =	vadd.s32 v7, v24;
	v40 =	vld [tilespmem:s16+$0x0];
	[tilespmem:v47+s28+$0x0] =	vst.idx.msk $0xffff, v46  }
0xe3: {  	v49 =	vadd.s32 v7, v23;
	v48 =	vld [tilespmem:s16+$0xFFFFFF80];
	[tilespmem:v41+s28+$0x0] =	vst.idx.msk $0xffff, v31  }
0xe4: {  	v50 =	vadd.s32 v6, v34;
	[tilespmem:v45+s28+$0x0] =	vst.idx.msk $0xffff, v44;
	v31 =	vld [tilespmem:s7+$0xFFFFFFF0]  }
0xe5: {  	v55 =	vadd.s32 v6, v37;
	[tilespmem:v42+s28+$0x0] =	vst.idx.msk $0xffff, v27;
	v54 =	vld [tilespmem:s7+$0xFFFFFF30]  }
0xe6: {  	v51 =	vadd.s32 v6, v35;
	[tilespmem:v43+s28+$0x0] =	vst.idx.msk $0xffff, v25;
	v27 =	vld [tilespmem:s7+$0xFFFFFF70]  }
0xe7: {  	v53 =	vadd.s32 v6, v36;
	[tilespmem:v24+s28+$0x0] =	vst.idx.msk $0xffff, v40;
	v52 =	vld [tilespmem:s7+$0xFFFFFFB0]  }
0xe8: {  	v20 =	vadd.s32 v7, v20;
	v57 =	vld [tilespmem:s16+$0xFFFFFF40];
	[tilespmem:v49+s28+$0x0] =	vst.idx.msk $0xffff, v48  }
0xe9: {  	v56 =	vadd.s32 v7, v21;
	v29 =	vld [tilespmem:s16+$0xFFFFFFC0];
	[tilespmem:v50+s28+$0x0] =	vst.idx.msk $0xffff, v31  }
0xea: {  	v59 =	vadd.s32 v7, v34;
	[tilespmem:v55+s28+$0x0] =	vst.idx.msk $0xffff, v54;
	v58 =	vld [tilespmem:s7+$0x0]  }
0xeb: {  	v63 =	vadd.s32 v7, v37;
	[tilespmem:v51+s28+$0x0] =	vst.idx.msk $0xffff, v27;
	v62 =	vld [tilespmem:s7+$0xFFFFFF40]  }
0xec: {  	v60 =	vadd.s32 v7, v35;
	[tilespmem:v53+s28+$0x0] =	vst.idx.msk $0xffff, v52;
	v27 =	vld [tilespmem:s7+$0xFFFFFF80]  }
0xed: {  	v61 =	vadd.s32 v7, v36;
	[tilespmem:v20+s28+$0x0] =	vst.idx.msk $0xffff, v57;
	v22 =	vld [tilespmem:s7+$0xFFFFFFC0]  }
0xee: {  	[tilespmem:v56+s28+$0x0] =	vst.idx.msk $0xffff, v29  }
0xef: {  	[tilespmem:v59+s28+$0x0] =	vst.idx.msk $0xffff, v58  }
0xf0: {  	[tilespmem:v63+s28+$0x0] =	vst.idx.msk $0xffff, v62  }
0xf1: {  	[tilespmem:v60+s28+$0x0] =	vst.idx.msk $0xffff, v27  }
0xf2: {  	[tilespmem:v61+s28+$0x0] =	vst.idx.msk $0xffff, v22  }
0xf3: {  	s16 =	simm.s32 $0xDB00;
	s20 =	rddreg [dreg:$0x5]  }
0xf4: {  	[hbm4b:s20+s3] =	stream.linear.scatter [tilespmem:s16], [sflag:$0x7], $0x80, $0x38;
	[tilespmem:$0x16300] =	vst v63  }
0xf5: {  	s17 =	simm.s32 $0xDB88;
	s18 =	sadd.s32 $0x10, s20  }
0xf6: {  	[hbm4b:s18+s3] =	stream.linear.scatter [tilespmem:s17], [sflag:$0x7], $0x80, $0x38;
	[tilespmem:$0x16300] =	vst v63  }
0xf7: {  	s19 =	simm.s32 $0xDC10;
	s26 =	simm.s32 $0xDC98;
	s25 =	sadd.s32 $0x20, s20  }
0xf8: {  	[hbm4b:s25+s3] =	stream.linear.scatter [tilespmem:s19], [sflag:$0x7], $0x80, $0x38;
	[tilespmem:$0x16300] =	vst v63  }
0xf9: {  	s7 =	simm.s32 $0x440;
	s29 =	sadd.s32 $0x30, s20;
	s16 =	sadd.s32 $0x1000, s20  }
0xfa: {  	[hbm4b:s29+s3] =	stream.linear.scatter [tilespmem:s26], [sflag:$0x7], $0x80, $0x38;
	[tilespmem:$0x16300] =	vst v63  }
0xfb: {  	s17 =	simm.s32 $0xDD20;
	s18 =	sadd.s32 $0x40, s20;
	s19 =	simm.s32 $0xDDA8  }
0xfc: {  	[hbm4b:s18+s3] =	stream.linear.scatter [tilespmem:s17], [sflag:$0x7], $0x80, $0x38;
	[tilespmem:$0x16300] =	vst v63  }
0xfd: {  	s25 =	sadd.s32 $0x50, s20;
	s26 =	simm.s32 $0xDE30;
	s29 =	sadd.s32 $0x60, s20  }
0xfe: {  	[hbm4b:s25+s3] =	stream.linear.scatter [tilespmem:s19], [sflag:$0x7], $0x80, $0x38;
	[tilespmem:$0x16300] =	vst v63  }
0xff: {  	s17 =	simm.s32 $0x2200;
	s18 =	simm.s32 $0xDEB8;
	s19 =	sadd.s32 $0x70, s20  }
0x100: {  	[hbm4b:s29+s3] =	stream.linear.scatter [tilespmem:s26], [sflag:$0x7], $0x80, $0x38;
	[tilespmem:$0x16300] =	vst v63  }
.LBB2_8:
0x101: {  	[hbm4b:s19+s3] =	stream.linear.scatter [tilespmem:s18], [sflag:$0x7], $0x80, $0x38;
	[tilespmem:$0x16300] =	vst v63  }
0x102: {  	s18 =	smov.u32 s7;
	s7 =	smov.u32 s17  }
0x103: {  	s20 =	sadd.s32 $0x1100, s17;
	s7 =	sshra.s32 s7, $0x2;
	s19 =	sadd.s32 $0xDB00, s18  }
0x104: {  	[hbm4b:s16+s3] =	stream.linear.scatter [tilespmem:s19], [sflag:$0x7], $0x80, $0x38;
	[tilespmem:$0x16300] =	vst v63  }
0x105: {  	p0 =	sne.s32 s17, $0x7700;
	s17 =	sadd.s32 $0xDB88, s18;
	s19 =	sadd.s32 $0x10, s16  }
0x106: {  	[hbm4b:s19+s3] =	stream.linear.scatter [tilespmem:s17], [sflag:$0x7], $0x80, $0x38;
	[tilespmem:$0x16300] =	vst v63  }
0x107: {  	s17 =	sadd.s32 $0xDC10, s18;
	s19 =	sadd.s32 $0x20, s16  }
0x108: {  	[hbm4b:s19+s3] =	stream.linear.scatter [tilespmem:s17], [sflag:$0x7], $0x80, $0x38;
	[tilespmem:$0x16300] =	vst v63  }
0x109: {  	s17 =	sadd.s32 $0xDC98, s18;
	s19 =	sadd.s32 $0x30, s16  }
0x10a: {  	[hbm4b:s19+s3] =	stream.linear.scatter [tilespmem:s17], [sflag:$0x7], $0x80, $0x38;
	[tilespmem:$0x16300] =	vst v63  }
0x10b: {  	s17 =	sadd.s32 $0xDD20, s18;
	s19 =	sadd.s32 $0x40, s16  }
0x10c: {  	[hbm4b:s19+s3] =	stream.linear.scatter [tilespmem:s17], [sflag:$0x7], $0x80, $0x38;
	[tilespmem:$0x16300] =	vst v63  }
.Ltmp3:
0x10d: {  	s17 =	sadd.s32 $0xDDA8, s18;
	s19 =	sadd.s32 $0x50, s16;
	(pc) =	sbr.rel @p0 .LBB2_8-.Ltmp3, $4  }
0x10e: {  	[hbm4b:s19+s3] =	stream.linear.scatter [tilespmem:s17], [sflag:$0x7], $0x80, $0x38;
	[tilespmem:$0x16300] =	vst v63  }
0x10f: {  	s17 =	sadd.s32 $0xDE30, s18;
	s19 =	sadd.s32 $0x60, s16;
	s18 =	sadd.s32 $0xDEB8, s18  }
0x110: {  	[hbm4b:s19+s3] =	stream.linear.scatter [tilespmem:s17], [sflag:$0x7], $0x80, $0x38;
	[tilespmem:$0x16300] =	vst v63  }
0x111: {  	s19 =	sadd.s32 $0x70, s16;
	s16 =	sadd.s32 $0x1000, s16;
	s17 =	smov.u32 s20  }
0x112: {  	[hbm4b:s19+s3] =	stream.linear.scatter [tilespmem:s18], [sflag:$0x7], $0x80, $0x38;
	[tilespmem:$0x16300] =	vst v63  }
0x113: {  	s17 =	sadd.s32 $0xDB00, s7  }
0x114: {  	[hbm4b:s16+s3] =	stream.linear.scatter [tilespmem:s17], [sflag:$0x7], $0x80, $0x38;
	[tilespmem:$0x16300] =	vst v63  }
0x115: {  	s18 =	sadd.s32 $0xDB88, s7;
	s19 =	sadd.s32 $0x10, s16  }
0x116: {  	[hbm4b:s19+s3] =	stream.linear.scatter [tilespmem:s18], [sflag:$0x7], $0x80, $0x38;
	[tilespmem:$0x16300] =	vst v63  }
0x117: {  	s20 =	sadd.s32 $0xDC10, s7;
	s25 =	sadd.s32 $0x20, s16  }
0x118: {  	[hbm4b:s25+s3] =	stream.linear.scatter [tilespmem:s20], [sflag:$0x7], $0x80, $0x38;
	[tilespmem:$0x16300] =	vst v63  }
0x119: {  	s26 =	sadd.s32 $0xDC98, s7;
	s29 =	sadd.s32 $0x30, s16  }
0x11a: {  	[hbm4b:s29+s3] =	stream.linear.scatter [tilespmem:s26], [sflag:$0x7], $0x80, $0x38;
	[tilespmem:$0x16300] =	vst v63  }
0x11b: {  	s18 =	sadd.s32 $0xDD20, s7;
	s19 =	sadd.s32 $0x40, s16  }
0x11c: {  	[hbm4b:s19+s3] =	stream.linear.scatter [tilespmem:s18], [sflag:$0x7], $0x80, $0x38;
	[tilespmem:$0x16300] =	vst v63  }
0x11d: {  	s20 =	sadd.s32 $0xDDA8, s7;
	s25 =	sadd.s32 $0x50, s16  }
0x11e: {  	[hbm4b:s25+s3] =	stream.linear.scatter [tilespmem:s20], [sflag:$0x7], $0x80, $0x38;
	[tilespmem:$0x16300] =	vst v63  }
0x11f: {  	s26 =	sadd.s32 $0xDE30, s7;
	s29 =	sadd.s32 $0x60, s16  }
0x120: {  	[hbm4b:s29+s3] =	stream.linear.scatter [tilespmem:s26], [sflag:$0x7], $0x80, $0x38;
	[tilespmem:$0x16300] =	vst v63  }
0x121: {  	s19 =	sadd.s32 $0xDEB8, s7;
	s20 =	sadd.s32 $0x70, s16  }
0x122: {  	[hbm4b:s20+s3] =	stream.linear.scatter [tilespmem:s19], [sflag:$0x7], $0x80, $0x38;
	[tilespmem:$0x16300] =	vst v63  }
0x123: {  	s25 =	simm.s32 $0x3900;
	s26 =	simm.s32 $0x300;
	s29 =	simm.s32 $0x3  }
0x124: {  	[tilespmem:s25], [sflag:$0x2] =	stream.indirect.gather [hbm4b:s4+s22], $0x40, s26, s22, $0xb8;
	[tilespmem:$0x16300] =	vst v63  }
0x125: {  	s16 =	simm.s32 $0x0;
	v20 =	vmov s29;
	_ =	swait.ge [sflag:s30], $0x2000  }
0x126: {  	s18 =	simm.s32 $0x1;
	v21 =	vand.u32 $0x7F, v20;
	v20 =	vmov s16;
	[sflag:s30] =	ssyncset.done $0x0  }
0x127: {  	s17 =	simm.s32 $0x59F0;
	v22 =	vand.u32 $0x7C, v20;
	v20 =	vmov s18;
	[sflag:s30] =	ssyncadd.s32 $0xFFFFE000  }
0x128: {  	v24 =	vadd.s32 v8, v21;
	v27 =	vand.u32 $0x7D, v20;
	v23 =	vld [tilespmem:s17+$0xFFFFFFD0]  }
0x129: {  	v28 =	vadd.s32 v8, v27;
	v20 =	vld [tilespmem:s17+$0xFFFFFF50]  }
0x12a: {  	s19 =	simm.s32 $0x2;
	v26 =	vadd.s32 v8, v22;
	v25 =	vld [tilespmem:s17+$0xFFFFFF10]  }
0x12b: {  	v29 =	vmov s19  }
0x12c: {  	v29 =	vand.u32 $0x7E, v29  }
0x12d: {  	v31 =	vadd.s32 v8, v29;
	v30 =	vld [tilespmem:s17+$0xFFFFFF90];
	[tilespmem:v24+s28+$0x0] =	vst.idx.msk $0xffff, v23  }
0x12e: {  	v24 =	vadd.s32 v9, v21;
	[tilespmem:v28+s28+$0x0] =	vst.idx.msk $0xffff, v20;
	v23 =	vld [tilespmem:s17+$0xFFFFFFE0]  }
0x12f: {  	[tilespmem:v26+s28+$0x0] =	vst.idx.msk $0xffff, v25;
	v28 =	vadd.s32 v9, v27;
	v20 =	vld [tilespmem:s17+$0xFFFFFF60]  }
0x130: {  	v26 =	vadd.s32 v9, v22;
	v25 =	vld [tilespmem:s17+$0xFFFFFF20];
	_ =	sdelay $0x1  }
0x131: {  	[tilespmem:v31+s28+$0x0] =	vst.idx.msk $0xffff, v30  }
0x132: {  	v32 =	vadd.s32 v9, v29;
	v31 =	vld [tilespmem:s17+$0xFFFFFFA0];
	[tilespmem:v24+s28+$0x0] =	vst.idx.msk $0xffff, v23  }
0x133: {  	v30 =	vadd.s32 v10, v21;
	[tilespmem:v28+s28+$0x0] =	vst.idx.msk $0xffff, v20;
	v23 =	vld [tilespmem:s17+$0xFFFFFFF0]  }
0x134: {  	s20 =	simm.s32 $0x7;
	v33 =	vadd.s32 v10, v27;
	[tilespmem:v26+s28+$0x0] =	vst.idx.msk $0xffff, v25;
	v28 =	vld [tilespmem:s17+$0xFFFFFF70]  }
0x135: {  	s25 =	simm.s32 $0x4;
	v26 =	vadd.s32 v10, v22;
	v24 =	vmov s20;
	v25 =	vld [tilespmem:s17+$0xFFFFFF30]  }
0x136: {  	s16 =	simm.s32 $0x5AF0;
	v20 =	vmov s25;
	v24 =	vand.u32 $0x7F, v24  }
0x137: {  	s26 =	simm.s32 $0x5;
	v34 =	vld [tilespmem:s16+$0xFFFFFFD0];
	[tilespmem:v32+s28+$0x0] =	vst.idx.msk $0xffff, v31;
	v20 =	vand.u32 $0x7C, v20;
	v35 =	vadd.s32 v8, v24  }
0x138: {  	s29 =	simm.s32 $0x6;
	v38 =	vmov s26;
	v36 =	vld [tilespmem:s16+$0xFFFFFF10];
	v37 =	vadd.s32 v8, v20;
	[tilespmem:v30+s28+$0x0] =	vst.idx.msk $0xffff, v23  }
0x139: {  	v62 =	vadd.s32 v10, v29;
	v23 =	vand.u32 $0x7D, v38;
	v30 =	vmov s29;
	[tilespmem:v33+s28+$0x0] =	vst.idx.msk $0xffff, v28;
	v28 =	vld [tilespmem:s17+$0xFFFFFFB0]  }
0x13a: {  	v60 =	vadd.s32 v11, v21;
	[tilespmem:v26+s28+$0x0] =	vst.idx.msk $0xffff, v25;
	v25 =	vld [tilespmem:s16+$0xFFFFFF50];
	v26 =	vadd.s32 v8, v23;
	v21 =	vand.u32 $0x7E, v30  }
0x13b: {  	v30 =	vld [tilespmem:s16+$0xFFFFFF90];
	v61 =	vadd.s32 v8, v21  }
0x13c: {  	v31 =	vld [tilespmem:s17+$0x0];
	[tilespmem:v35+s28+$0x0] =	vst.idx.msk $0xffff, v34  }
0x13d: {  	v63 =	vadd.s32 v9, v24;
	[tilespmem:v37+s28+$0x0] =	vst.idx.msk $0xffff, v36;
	v35 =	vld [tilespmem:s16+$0xFFFFFFE0]  }
0x13e: {  	v39 =	vadd.s32 v9, v20;
	v37 =	vld [tilespmem:s16+$0xFFFFFF20];
	[tilespmem:v62+s28+$0x0] =	vst.idx.msk $0xffff, v28  }
0x13f: {  	v41 =	vadd.s32 v11, v27;
	v40 =	vld [tilespmem:s17+$0xFFFFFF80];
	[tilespmem:v26+s28+$0x0] =	vst.idx.msk $0xffff, v25  }
0x140: {  	v34 =	vadd.s32 v9, v23;
	v33 =	vld [tilespmem:s16+$0xFFFFFF60];
	[tilespmem:v61+s28+$0x0] =	vst.idx.msk $0xffff, v30  }
0x141: {  	v32 =	vadd.s32 v9, v21;
	[tilespmem:v60+s28+$0x0] =	vst.idx.msk $0xffff, v31;
	v31 =	vld [tilespmem:s16+$0xFFFFFFA0]  }
0x142: {  	v27 =	vld [tilespmem:s17+$0xFFFFFFC0];
	[tilespmem:v63+s28+$0x0] =	vst.idx.msk $0xffff, v35;
	v30 =	vadd.s32 v11, v29  }
0x143: {  	v28 =	vadd.s32 v10, v24;
	[tilespmem:v39+s28+$0x0] =	vst.idx.msk $0xffff, v37;
	v25 =	vld [tilespmem:s16+$0xFFFFFFF0]  }
0x144: {  	s7 =	simm.s32 $0xC;
	s18 =	simm.s32 $0x8;
	s19 =	simm.s32 $0xB;
	[tilespmem:v41+s28+$0x0] =	vst.idx.msk $0xffff, v40;
	v29 =	vadd.s32 v10, v20;
	v26 =	vld [tilespmem:s16+$0xFFFFFF30]  }
.LBB2_10:
0x145: {  	p0 =	slt.u32 s7, $0x7C;
	v35 =	vmov s19;
	[tilespmem:v34+s28+$0x0] =	vst.idx.msk $0xffff, v33;
	v33 =	vld [tilespmem:s17+$0xFFFFFF40];
	v34 =	vadd.s32 v11, v22;
	v22 =	vmov v20;
	s17 =	smov.u32 s16  }
0x146: {  	v20 =	vmov s18;
	v37 =	vadd.s32 v10, v23;
	s16 =	sadd.s32 $0x100, s16;
	v35 =	vand.u32 $0x7F, v35;
	v36 =	vld [tilespmem:s17+$0xFFFFFF70];
	[tilespmem:v32+s28+$0x0] =	vst.idx.msk $0xffff, v31  }
0x147: {  	s19 =	sadd.s32 $0x1, s18;
	v20 =	vand.u32 $0x7C, v20;
	v31 =	vld [tilespmem:s16+$0xFFFFFFD0];
	v32 =	vadd.s32 v8, v35;
	[tilespmem:v30+s28+$0x0] =	vst.idx.msk $0xffff, v27  }
0x148: {  	v38 =	vmov s19;
	s19 =	sadd.s32 $0x2, s18;
	s18 =	smov.u32 s7;
	v30 =	vadd.s32 v8, v20;
	v27 =	vld [tilespmem:s16+$0xFFFFFF10];
	[tilespmem:v28+s28+$0x0] =	vst.idx.msk $0xffff, v25  }
0x149: {  	v25 =	vand.u32 $0x7D, v38;
	v28 =	vmov s19;
	[tilespmem:v29+s28+$0x0] =	vst.idx.msk $0xffff, v26;
	v26 =	vld [tilespmem:s17+$0x0];
	v29 =	vadd.s32 v11, v24;
	v24 =	vmovc v35  }
0x14a: {  	v38 =	vadd.s32 v8, v25;
	v28 =	vand.u32 $0x7E, v28;
	v35 =	vld [tilespmem:s16+$0xFFFFFF50];
	[tilespmem:v34+s28+$0x0] =	vst.idx.msk $0xffff, v33  }
0x14b: {  	v40 =	vadd.s32 v8, v28;
	v39 =	vld [tilespmem:s16+$0xFFFFFF90];
	[tilespmem:v37+s28+$0x0] =	vst.idx.msk $0xffff, v36  }
0x14c: {  	v37 =	vadd.s32 v10, v21;
	[tilespmem:v32+s28+$0x0] =	vst.idx.msk $0xffff, v31;
	v36 =	vld [tilespmem:s17+$0xFFFFFFB0]  }
0x14d: {  	[tilespmem:v30+s28+$0x0] =	vst.idx.msk $0xffff, v27;
	v27 =	vld [tilespmem:s16+$0xFFFFFFE0];
	v30 =	vadd.s32 v9, v24  }
0x14e: {  	v42 =	vadd.s32 v9, v20;
	v41 =	vld [tilespmem:s16+$0xFFFFFF20];
	[tilespmem:v29+s28+$0x0] =	vst.idx.msk $0xffff, v26  }
0x14f: {  	[tilespmem:v38+s28+$0x0] =	vst.idx.msk $0xffff, v35;
	v35 =	vld [tilespmem:s17+$0xFFFFFF80];
	v38 =	vadd.s32 v11, v23;
	v23 =	vmov v25  }
.Ltmp4:
0x150: {  	v33 =	vld [tilespmem:s16+$0xFFFFFF60];
	v34 =	vadd.s32 v9, v23;
	[tilespmem:v40+s28+$0x0] =	vst.idx.msk $0xffff, v39;
	(pc) =	sbr.rel @p0 .LBB2_10-.Ltmp4, $4  }
0x151: {  	v32 =	vadd.s32 v9, v28;
	v31 =	vld [tilespmem:s16+$0xFFFFFFA0];
	[tilespmem:v37+s28+$0x0] =	vst.idx.msk $0xffff, v36  }
0x152: {  	[tilespmem:v30+s28+$0x0] =	vst.idx.msk $0xffff, v27;
	v27 =	vld [tilespmem:s17+$0xFFFFFFC0];
	v30 =	vadd.s32 v11, v21;
	v21 =	vmov v28  }
0x153: {  	v28 =	vadd.s32 v10, v24;
	[tilespmem:v42+s28+$0x0] =	vst.idx.msk $0xffff, v41;
	v25 =	vld [tilespmem:s16+$0xFFFFFFF0]  }
0x154: {  	s7 =	sadd.s32 $0x4, s7;
	s19 =	sadd.s32 $0x3, s18;
	v29 =	vadd.s32 v10, v20;
	v26 =	vld [tilespmem:s16+$0xFFFFFF30];
	[tilespmem:v38+s28+$0x0] =	vst.idx.msk $0xffff, v35  }
0x155: {  	_ =	sdelay $0x2  }
0x156: {  	v35 =	vmov s19  }
0x157: {  	s26 =	sadd.s32 $0x1, s18;
	[tilespmem:v34+s28+$0x0] =	vst.idx.msk $0xffff, v33;
	v54 =	vld [tilespmem:s17+$0xFFFFFF40];
	v22 =	vadd.s32 v11, v22;
	s7 =	sadd.s32 $0x100, s16;
	v37 =	vmov s18;
	v34 =	vand.u32 $0x7F, v35  }
0x158: {  	s29 =	sadd.s32 $0x2, s18;
	v55 =	vmov s26;
	[tilespmem:v32+s28+$0x0] =	vst.idx.msk $0xffff, v31;
	v56 =	vld [tilespmem:s7+$0xFFFFFFD0];
	v37 =	vand.u32 $0x7C, v37;
	v57 =	vadd.s32 v8, v34  }
0x159: {  	v36 =	vmov s29;
	v38 =	vld [tilespmem:s7+$0xFFFFFF10];
	v35 =	vand.u32 $0x7D, v55;
	[tilespmem:v30+s28+$0x0] =	vst.idx.msk $0xffff, v27;
	v62 =	vadd.s32 v8, v37  }
0x15a: {  	v58 =	vld [tilespmem:s7+$0xFFFFFF50];
	v36 =	vand.u32 $0x7E, v36;
	v59 =	vadd.s32 v8, v35;
	[tilespmem:v28+s28+$0x0] =	vst.idx.msk $0xffff, v25  }
0x15b: {  	v60 =	vld [tilespmem:s7+$0xFFFFFF90];
	v61 =	vadd.s32 v8, v36;
	[tilespmem:v29+s28+$0x0] =	vst.idx.msk $0xffff, v26  }
0x15c: {  	v39 =	vadd.s32 v10, v23;
	v63 =	vld [tilespmem:s16+$0xFFFFFF70];
	[tilespmem:v22+s28+$0x0] =	vst.idx.msk $0xffff, v54  }
0x15d: {  	v47 =	vadd.s32 v10, v21;
	v46 =	vld [tilespmem:s16+$0xFFFFFFB0];
	[tilespmem:v57+s28+$0x0] =	vst.idx.msk $0xffff, v56  }
0x15e: {  	v41 =	vadd.s32 v9, v34;
	[tilespmem:v62+s28+$0x0] =	vst.idx.msk $0xffff, v38;
	v31 =	vld [tilespmem:s7+$0xFFFFFFE0]  }
0x15f: {  	v45 =	vadd.s32 v9, v37;
	[tilespmem:v59+s28+$0x0] =	vst.idx.msk $0xffff, v58;
	v44 =	vld [tilespmem:s7+$0xFFFFFF20]  }
0x160: {  	v42 =	vadd.s32 v9, v35;
	[tilespmem:v61+s28+$0x0] =	vst.idx.msk $0xffff, v60;
	v27 =	vld [tilespmem:s7+$0xFFFFFF60]  }
0x161: {  	v43 =	vadd.s32 v9, v36;
	[tilespmem:v39+s28+$0x0] =	vst.idx.msk $0xffff, v63;
	v25 =	vld [tilespmem:s7+$0xFFFFFFA0]  }
0x162: {  	v24 =	vadd.s32 v11, v24;
	v40 =	vld [tilespmem:s16+$0x0];
	[tilespmem:v47+s28+$0x0] =	vst.idx.msk $0xffff, v46  }
0x163: {  	v49 =	vadd.s32 v11, v23;
	v48 =	vld [tilespmem:s16+$0xFFFFFF80];
	[tilespmem:v41+s28+$0x0] =	vst.idx.msk $0xffff, v31  }
0x164: {  	v50 =	vadd.s32 v10, v34;
	[tilespmem:v45+s28+$0x0] =	vst.idx.msk $0xffff, v44;
	v31 =	vld [tilespmem:s7+$0xFFFFFFF0]  }
0x165: {  	v55 =	vadd.s32 v10, v37;
	[tilespmem:v42+s28+$0x0] =	vst.idx.msk $0xffff, v27;
	v54 =	vld [tilespmem:s7+$0xFFFFFF30]  }
0x166: {  	v51 =	vadd.s32 v10, v35;
	[tilespmem:v43+s28+$0x0] =	vst.idx.msk $0xffff, v25;
	v27 =	vld [tilespmem:s7+$0xFFFFFF70]  }
0x167: {  	v53 =	vadd.s32 v10, v36;
	[tilespmem:v24+s28+$0x0] =	vst.idx.msk $0xffff, v40;
	v52 =	vld [tilespmem:s7+$0xFFFFFFB0]  }
0x168: {  	v20 =	vadd.s32 v11, v20;
	v57 =	vld [tilespmem:s16+$0xFFFFFF40];
	[tilespmem:v49+s28+$0x0] =	vst.idx.msk $0xffff, v48  }
0x169: {  	v56 =	vadd.s32 v11, v21;
	v29 =	vld [tilespmem:s16+$0xFFFFFFC0];
	[tilespmem:v50+s28+$0x0] =	vst.idx.msk $0xffff, v31  }
0x16a: {  	v59 =	vadd.s32 v11, v34;
	[tilespmem:v55+s28+$0x0] =	vst.idx.msk $0xffff, v54;
	v58 =	vld [tilespmem:s7+$0x0]  }
0x16b: {  	v63 =	vadd.s32 v11, v37;
	[tilespmem:v51+s28+$0x0] =	vst.idx.msk $0xffff, v27;
	v62 =	vld [tilespmem:s7+$0xFFFFFF40]  }
0x16c: {  	v60 =	vadd.s32 v11, v35;
	[tilespmem:v53+s28+$0x0] =	vst.idx.msk $0xffff, v52;
	v27 =	vld [tilespmem:s7+$0xFFFFFF80]  }
0x16d: {  	v61 =	vadd.s32 v11, v36;
	[tilespmem:v20+s28+$0x0] =	vst.idx.msk $0xffff, v57;
	v22 =	vld [tilespmem:s7+$0xFFFFFFC0]  }
0x16e: {  	[tilespmem:v56+s28+$0x0] =	vst.idx.msk $0xffff, v29  }
0x16f: {  	[tilespmem:v59+s28+$0x0] =	vst.idx.msk $0xffff, v58  }
0x170: {  	[tilespmem:v63+s28+$0x0] =	vst.idx.msk $0xffff, v62  }
0x171: {  	[tilespmem:v60+s28+$0x0] =	vst.idx.msk $0xffff, v27  }
0x172: {  	[tilespmem:v61+s28+$0x0] =	vst.idx.msk $0xffff, v22  }
0x173: {  	s16 =	simm.s32 $0xFD00;
	s20 =	rddreg [dreg:$0x6]  }
0x174: {  	[hbm4b:s20+s3] =	stream.linear.scatter [tilespmem:s16], [sflag:$0x8], $0x80, $0x38;
	[tilespmem:$0x16300] =	vst v63  }
0x175: {  	s17 =	simm.s32 $0xFD88;
	s18 =	sadd.s32 $0x10, s20  }
0x176: {  	[hbm4b:s18+s3] =	stream.linear.scatter [tilespmem:s17], [sflag:$0x8], $0x80, $0x38;
	[tilespmem:$0x16300] =	vst v63  }
0x177: {  	s19 =	simm.s32 $0xFE10;
	s26 =	simm.s32 $0xFE98;
	s25 =	sadd.s32 $0x20, s20  }
0x178: {  	[hbm4b:s25+s3] =	stream.linear.scatter [tilespmem:s19], [sflag:$0x8], $0x80, $0x38;
	[tilespmem:$0x16300] =	vst v63  }
0x179: {  	s7 =	simm.s32 $0x440;
	s29 =	sadd.s32 $0x30, s20;
	s16 =	sadd.s32 $0x1000, s20  }
0x17a: {  	[hbm4b:s29+s3] =	stream.linear.scatter [tilespmem:s26], [sflag:$0x8], $0x80, $0x38;
	[tilespmem:$0x16300] =	vst v63  }
0x17b: {  	s17 =	simm.s32 $0xFF20;
	s18 =	sadd.s32 $0x40, s20;
	s19 =	simm.s32 $0xFFA8  }
0x17c: {  	[hbm4b:s18+s3] =	stream.linear.scatter [tilespmem:s17], [sflag:$0x8], $0x80, $0x38;
	[tilespmem:$0x16300] =	vst v63  }
0x17d: {  	s25 =	sadd.s32 $0x50, s20;
	s26 =	simm.s32 $0x10030;
	s29 =	sadd.s32 $0x60, s20  }
0x17e: {  	[hbm4b:s25+s3] =	stream.linear.scatter [tilespmem:s19], [sflag:$0x8], $0x80, $0x38;
	[tilespmem:$0x16300] =	vst v63  }
0x17f: {  	s17 =	simm.s32 $0x2200;
	s18 =	simm.s32 $0x100B8;
	s19 =	sadd.s32 $0x70, s20  }
0x180: {  	[hbm4b:s29+s3] =	stream.linear.scatter [tilespmem:s26], [sflag:$0x8], $0x80, $0x38;
	[tilespmem:$0x16300] =	vst v63  }
.LBB2_12:
0x181: {  	[hbm4b:s19+s3] =	stream.linear.scatter [tilespmem:s18], [sflag:$0x8], $0x80, $0x38;
	[tilespmem:$0x16300] =	vst v63  }
0x182: {  	s18 =	smov.u32 s7;
	s7 =	smov.u32 s17  }
0x183: {  	s20 =	sadd.s32 $0x1100, s17;
	s7 =	sshra.s32 s7, $0x2;
	s19 =	sadd.s32 $0xFD00, s18  }
0x184: {  	[hbm4b:s16+s3] =	stream.linear.scatter [tilespmem:s19], [sflag:$0x8], $0x80, $0x38;
	[tilespmem:$0x16300] =	vst v63  }
0x185: {  	p0 =	sne.s32 s17, $0x7700;
	s17 =	sadd.s32 $0xFD88, s18;
	s19 =	sadd.s32 $0x10, s16  }
0x186: {  	[hbm4b:s19+s3] =	stream.linear.scatter [tilespmem:s17], [sflag:$0x8], $0x80, $0x38;
	[tilespmem:$0x16300] =	vst v63  }
0x187: {  	s17 =	sadd.s32 $0xFE10, s18;
	s19 =	sadd.s32 $0x20, s16  }
0x188: {  	[hbm4b:s19+s3] =	stream.linear.scatter [tilespmem:s17], [sflag:$0x8], $0x80, $0x38;
	[tilespmem:$0x16300] =	vst v63  }
0x189: {  	s17 =	sadd.s32 $0xFE98, s18;
	s19 =	sadd.s32 $0x30, s16  }
0x18a: {  	[hbm4b:s19+s3] =	stream.linear.scatter [tilespmem:s17], [sflag:$0x8], $0x80, $0x38;
	[tilespmem:$0x16300] =	vst v63  }
0x18b: {  	s17 =	sadd.s32 $0xFF20, s18;
	s19 =	sadd.s32 $0x40, s16  }
0x18c: {  	[hbm4b:s19+s3] =	stream.linear.scatter [tilespmem:s17], [sflag:$0x8], $0x80, $0x38;
	[tilespmem:$0x16300] =	vst v63  }
.Ltmp5:
0x18d: {  	s17 =	sadd.s32 $0xFFA8, s18;
	s19 =	sadd.s32 $0x50, s16;
	(pc) =	sbr.rel @p0 .LBB2_12-.Ltmp5, $4  }
0x18e: {  	[hbm4b:s19+s3] =	stream.linear.scatter [tilespmem:s17], [sflag:$0x8], $0x80, $0x38;
	[tilespmem:$0x16300] =	vst v63  }
0x18f: {  	s17 =	sadd.s32 $0x10030, s18;
	s19 =	sadd.s32 $0x60, s16;
	s18 =	sadd.s32 $0x100B8, s18  }
0x190: {  	[hbm4b:s19+s3] =	stream.linear.scatter [tilespmem:s17], [sflag:$0x8], $0x80, $0x38;
	[tilespmem:$0x16300] =	vst v63  }
0x191: {  	s19 =	sadd.s32 $0x70, s16;
	s16 =	sadd.s32 $0x1000, s16;
	s17 =	smov.u32 s20  }
0x192: {  	[hbm4b:s19+s3] =	stream.linear.scatter [tilespmem:s18], [sflag:$0x8], $0x80, $0x38;
	[tilespmem:$0x16300] =	vst v63  }
0x193: {  	s17 =	sadd.s32 $0xFD00, s7  }
0x194: {  	[hbm4b:s16+s3] =	stream.linear.scatter [tilespmem:s17], [sflag:$0x8], $0x80, $0x38;
	[tilespmem:$0x16300] =	vst v63  }
0x195: {  	s18 =	sadd.s32 $0xFD88, s7;
	s19 =	sadd.s32 $0x10, s16  }
0x196: {  	[hbm4b:s19+s3] =	stream.linear.scatter [tilespmem:s18], [sflag:$0x8], $0x80, $0x38;
	[tilespmem:$0x16300] =	vst v63  }
0x197: {  	s20 =	sadd.s32 $0xFE10, s7;
	s25 =	sadd.s32 $0x20, s16  }
0x198: {  	[hbm4b:s25+s3] =	stream.linear.scatter [tilespmem:s20], [sflag:$0x8], $0x80, $0x38;
	[tilespmem:$0x16300] =	vst v63  }
0x199: {  	s26 =	sadd.s32 $0xFE98, s7;
	s29 =	sadd.s32 $0x30, s16  }
0x19a: {  	[hbm4b:s29+s3] =	stream.linear.scatter [tilespmem:s26], [sflag:$0x8], $0x80, $0x38;
	[tilespmem:$0x16300] =	vst v63  }
0x19b: {  	s18 =	sadd.s32 $0xFF20, s7;
	s19 =	sadd.s32 $0x40, s16  }
0x19c: {  	[hbm4b:s19+s3] =	stream.linear.scatter [tilespmem:s18], [sflag:$0x8], $0x80, $0x38;
	[tilespmem:$0x16300] =	vst v63  }
0x19d: {  	s20 =	sadd.s32 $0xFFA8, s7;
	s25 =	sadd.s32 $0x50, s16  }
0x19e: {  	[hbm4b:s25+s3] =	stream.linear.scatter [tilespmem:s20], [sflag:$0x8], $0x80, $0x38;
	[tilespmem:$0x16300] =	vst v63  }
0x19f: {  	s26 =	sadd.s32 $0x10030, s7;
	s29 =	sadd.s32 $0x60, s16  }
0x1a0: {  	[hbm4b:s29+s3] =	stream.linear.scatter [tilespmem:s26], [sflag:$0x8], $0x80, $0x38;
	[tilespmem:$0x16300] =	vst v63  }
0x1a1: {  	s19 =	sadd.s32 $0x100B8, s7;
	s20 =	sadd.s32 $0x70, s16  }
0x1a2: {  	[hbm4b:s20+s3] =	stream.linear.scatter [tilespmem:s19], [sflag:$0x8], $0x80, $0x38;
	[tilespmem:$0x16300] =	vst v63  }
0x1a3: {  	s25 =	simm.s32 $0x5900;
	s26 =	simm.s32 $0x380;
	s29 =	simm.s32 $0x3  }
0x1a4: {  	[tilespmem:s25], [sflag:$0x3] =	stream.indirect.gather [hbm4b:s4+s22], $0x40, s26, s22, $0xb8;
	[tilespmem:$0x16300] =	vst v63  }
0x1a5: {  	s16 =	simm.s32 $0x0;
	v20 =	vmov s29;
	_ =	swait.ge [sflag:s5], $0x2000  }
0x1a6: {  	s18 =	simm.s32 $0x1;
	v21 =	vand.u32 $0x7F, v20;
	v20 =	vmov s16;
	[sflag:s5] =	ssyncset.done $0x0  }
0x1a7: {  	s17 =	simm.s32 $0x79F0;
	v22 =	vand.u32 $0x7C, v20;
	v20 =	vmov s18;
	[sflag:s5] =	ssyncadd.s32 $0xFFFFE000  }
0x1a8: {  	v24 =	vadd.s32 v12, v21;
	v27 =	vand.u32 $0x7D, v20;
	v23 =	vld [tilespmem:s17+$0xFFFFFFD0]  }
0x1a9: {  	v28 =	vadd.s32 v12, v27;
	v20 =	vld [tilespmem:s17+$0xFFFFFF50]  }
0x1aa: {  	s19 =	simm.s32 $0x2;
	v26 =	vadd.s32 v12, v22;
	v25 =	vld [tilespmem:s17+$0xFFFFFF10]  }
0x1ab: {  	v29 =	vmov s19  }
0x1ac: {  	v29 =	vand.u32 $0x7E, v29  }
0x1ad: {  	v31 =	vadd.s32 v12, v29;
	v30 =	vld [tilespmem:s17+$0xFFFFFF90];
	[tilespmem:v24+s28+$0x0] =	vst.idx.msk $0xffff, v23  }
0x1ae: {  	v24 =	vadd.s32 v13, v21;
	[tilespmem:v28+s28+$0x0] =	vst.idx.msk $0xffff, v20;
	v23 =	vld [tilespmem:s17+$0xFFFFFFE0]  }
0x1af: {  	[tilespmem:v26+s28+$0x0] =	vst.idx.msk $0xffff, v25;
	v28 =	vadd.s32 v13, v27;
	v20 =	vld [tilespmem:s17+$0xFFFFFF60]  }
0x1b0: {  	v26 =	vadd.s32 v13, v22;
	v25 =	vld [tilespmem:s17+$0xFFFFFF20];
	_ =	sdelay $0x1  }
0x1b1: {  	[tilespmem:v31+s28+$0x0] =	vst.idx.msk $0xffff, v30  }
0x1b2: {  	v32 =	vadd.s32 v13, v29;
	v31 =	vld [tilespmem:s17+$0xFFFFFFA0];
	[tilespmem:v24+s28+$0x0] =	vst.idx.msk $0xffff, v23  }
0x1b3: {  	v30 =	vadd.s32 v14, v21;
	[tilespmem:v28+s28+$0x0] =	vst.idx.msk $0xffff, v20;
	v23 =	vld [tilespmem:s17+$0xFFFFFFF0]  }
0x1b4: {  	s20 =	simm.s32 $0x7;
	v33 =	vadd.s32 v14, v27;
	[tilespmem:v26+s28+$0x0] =	vst.idx.msk $0xffff, v25;
	v28 =	vld [tilespmem:s17+$0xFFFFFF70]  }
0x1b5: {  	s25 =	simm.s32 $0x4;
	v26 =	vadd.s32 v14, v22;
	v24 =	vmov s20;
	v25 =	vld [tilespmem:s17+$0xFFFFFF30]  }
0x1b6: {  	s16 =	simm.s32 $0x7AF0;
	v20 =	vmov s25;
	v24 =	vand.u32 $0x7F, v24  }
0x1b7: {  	s26 =	simm.s32 $0x5;
	v34 =	vld [tilespmem:s16+$0xFFFFFFD0];
	[tilespmem:v32+s28+$0x0] =	vst.idx.msk $0xffff, v31;
	v20 =	vand.u32 $0x7C, v20;
	v35 =	vadd.s32 v12, v24  }
0x1b8: {  	s29 =	simm.s32 $0x6;
	v38 =	vmov s26;
	v36 =	vld [tilespmem:s16+$0xFFFFFF10];
	v37 =	vadd.s32 v12, v20;
	[tilespmem:v30+s28+$0x0] =	vst.idx.msk $0xffff, v23  }
0x1b9: {  	v62 =	vadd.s32 v14, v29;
	v23 =	vand.u32 $0x7D, v38;
	v30 =	vmov s29;
	[tilespmem:v33+s28+$0x0] =	vst.idx.msk $0xffff, v28;
	v28 =	vld [tilespmem:s17+$0xFFFFFFB0]  }
0x1ba: {  	v60 =	vadd.s32 v15, v21;
	[tilespmem:v26+s28+$0x0] =	vst.idx.msk $0xffff, v25;
	v25 =	vld [tilespmem:s16+$0xFFFFFF50];
	v26 =	vadd.s32 v12, v23;
	v21 =	vand.u32 $0x7E, v30  }
0x1bb: {  	v30 =	vld [tilespmem:s16+$0xFFFFFF90];
	v61 =	vadd.s32 v12, v21  }
0x1bc: {  	v31 =	vld [tilespmem:s17+$0x0];
	[tilespmem:v35+s28+$0x0] =	vst.idx.msk $0xffff, v34  }
0x1bd: {  	v63 =	vadd.s32 v13, v24;
	[tilespmem:v37+s28+$0x0] =	vst.idx.msk $0xffff, v36;
	v35 =	vld [tilespmem:s16+$0xFFFFFFE0]  }
0x1be: {  	v39 =	vadd.s32 v13, v20;
	v37 =	vld [tilespmem:s16+$0xFFFFFF20];
	[tilespmem:v62+s28+$0x0] =	vst.idx.msk $0xffff, v28  }
0x1bf: {  	v41 =	vadd.s32 v15, v27;
	v40 =	vld [tilespmem:s17+$0xFFFFFF80];
	[tilespmem:v26+s28+$0x0] =	vst.idx.msk $0xffff, v25  }
0x1c0: {  	v34 =	vadd.s32 v13, v23;
	v33 =	vld [tilespmem:s16+$0xFFFFFF60];
	[tilespmem:v61+s28+$0x0] =	vst.idx.msk $0xffff, v30  }
0x1c1: {  	v32 =	vadd.s32 v13, v21;
	[tilespmem:v60+s28+$0x0] =	vst.idx.msk $0xffff, v31;
	v31 =	vld [tilespmem:s16+$0xFFFFFFA0]  }
0x1c2: {  	v27 =	vld [tilespmem:s17+$0xFFFFFFC0];
	[tilespmem:v63+s28+$0x0] =	vst.idx.msk $0xffff, v35;
	v30 =	vadd.s32 v15, v29  }
0x1c3: {  	v28 =	vadd.s32 v14, v24;
	[tilespmem:v39+s28+$0x0] =	vst.idx.msk $0xffff, v37;
	v25 =	vld [tilespmem:s16+$0xFFFFFFF0]  }
0x1c4: {  	s7 =	simm.s32 $0xC;
	s18 =	simm.s32 $0x8;
	s19 =	simm.s32 $0xB;
	[tilespmem:v41+s28+$0x0] =	vst.idx.msk $0xffff, v40;
	v29 =	vadd.s32 v14, v20;
	v26 =	vld [tilespmem:s16+$0xFFFFFF30]  }
.LBB2_14:
0x1c5: {  	p0 =	slt.u32 s7, $0x7C;
	v35 =	vmov s19;
	[tilespmem:v34+s28+$0x0] =	vst.idx.msk $0xffff, v33;
	v33 =	vld [tilespmem:s17+$0xFFFFFF40];
	v34 =	vadd.s32 v15, v22;
	v22 =	vmov v20;
	s17 =	smov.u32 s16  }
0x1c6: {  	v20 =	vmov s18;
	v37 =	vadd.s32 v14, v23;
	s16 =	sadd.s32 $0x100, s16;
	v35 =	vand.u32 $0x7F, v35;
	v36 =	vld [tilespmem:s17+$0xFFFFFF70];
	[tilespmem:v32+s28+$0x0] =	vst.idx.msk $0xffff, v31  }
0x1c7: {  	s19 =	sadd.s32 $0x1, s18;
	v20 =	vand.u32 $0x7C, v20;
	v31 =	vld [tilespmem:s16+$0xFFFFFFD0];
	v32 =	vadd.s32 v12, v35;
	[tilespmem:v30+s28+$0x0] =	vst.idx.msk $0xffff, v27  }
0x1c8: {  	v38 =	vmov s19;
	s19 =	sadd.s32 $0x2, s18;
	s18 =	smov.u32 s7;
	v30 =	vadd.s32 v12, v20;
	v27 =	vld [tilespmem:s16+$0xFFFFFF10];
	[tilespmem:v28+s28+$0x0] =	vst.idx.msk $0xffff, v25  }
0x1c9: {  	v25 =	vand.u32 $0x7D, v38;
	v28 =	vmov s19;
	[tilespmem:v29+s28+$0x0] =	vst.idx.msk $0xffff, v26;
	v26 =	vld [tilespmem:s17+$0x0];
	v29 =	vadd.s32 v15, v24;
	v24 =	vmovc v35  }
0x1ca: {  	v38 =	vadd.s32 v12, v25;
	v28 =	vand.u32 $0x7E, v28;
	v35 =	vld [tilespmem:s16+$0xFFFFFF50];
	[tilespmem:v34+s28+$0x0] =	vst.idx.msk $0xffff, v33  }
0x1cb: {  	v40 =	vadd.s32 v12, v28;
	v39 =	vld [tilespmem:s16+$0xFFFFFF90];
	[tilespmem:v37+s28+$0x0] =	vst.idx.msk $0xffff, v36  }
0x1cc: {  	v37 =	vadd.s32 v14, v21;
	[tilespmem:v32+s28+$0x0] =	vst.idx.msk $0xffff, v31;
	v36 =	vld [tilespmem:s17+$0xFFFFFFB0]  }
0x1cd: {  	[tilespmem:v30+s28+$0x0] =	vst.idx.msk $0xffff, v27;
	v27 =	vld [tilespmem:s16+$0xFFFFFFE0];
	v30 =	vadd.s32 v13, v24  }
0x1ce: {  	v42 =	vadd.s32 v13, v20;
	v41 =	vld [tilespmem:s16+$0xFFFFFF20];
	[tilespmem:v29+s28+$0x0] =	vst.idx.msk $0xffff, v26  }
0x1cf: {  	[tilespmem:v38+s28+$0x0] =	vst.idx.msk $0xffff, v35;
	v35 =	vld [tilespmem:s17+$0xFFFFFF80];
	v38 =	vadd.s32 v15, v23;
	v23 =	vmov v25  }
.Ltmp6:
0x1d0: {  	v33 =	vld [tilespmem:s16+$0xFFFFFF60];
	v34 =	vadd.s32 v13, v23;
	[tilespmem:v40+s28+$0x0] =	vst.idx.msk $0xffff, v39;
	(pc) =	sbr.rel @p0 .LBB2_14-.Ltmp6, $4  }
0x1d1: {  	v32 =	vadd.s32 v13, v28;
	v31 =	vld [tilespmem:s16+$0xFFFFFFA0];
	[tilespmem:v37+s28+$0x0] =	vst.idx.msk $0xffff, v36  }
0x1d2: {  	[tilespmem:v30+s28+$0x0] =	vst.idx.msk $0xffff, v27;
	v27 =	vld [tilespmem:s17+$0xFFFFFFC0];
	v30 =	vadd.s32 v15, v21;
	v21 =	vmov v28  }
0x1d3: {  	v28 =	vadd.s32 v14, v24;
	[tilespmem:v42+s28+$0x0] =	vst.idx.msk $0xffff, v41;
	v25 =	vld [tilespmem:s16+$0xFFFFFFF0]  }
0x1d4: {  	s7 =	sadd.s32 $0x4, s7;
	s19 =	sadd.s32 $0x3, s18;
	v29 =	vadd.s32 v14, v20;
	v26 =	vld [tilespmem:s16+$0xFFFFFF30];
	[tilespmem:v38+s28+$0x0] =	vst.idx.msk $0xffff, v35  }
0x1d5: {  	_ =	sdelay $0x2  }
0x1d6: {  	v35 =	vmov s19  }
0x1d7: {  	s26 =	sadd.s32 $0x1, s18;
	[tilespmem:v34+s28+$0x0] =	vst.idx.msk $0xffff, v33;
	v54 =	vld [tilespmem:s17+$0xFFFFFF40];
	v22 =	vadd.s32 v15, v22;
	s7 =	sadd.s32 $0x100, s16;
	v37 =	vmov s18;
	v34 =	vand.u32 $0x7F, v35  }
0x1d8: {  	s29 =	sadd.s32 $0x2, s18;
	v55 =	vmov s26;
	[tilespmem:v32+s28+$0x0] =	vst.idx.msk $0xffff, v31;
	v56 =	vld [tilespmem:s7+$0xFFFFFFD0];
	v37 =	vand.u32 $0x7C, v37;
	v57 =	vadd.s32 v12, v34  }
0x1d9: {  	v36 =	vmov s29;
	v38 =	vld [tilespmem:s7+$0xFFFFFF10];
	v35 =	vand.u32 $0x7D, v55;
	[tilespmem:v30+s28+$0x0] =	vst.idx.msk $0xffff, v27;
	v62 =	vadd.s32 v12, v37  }
0x1da: {  	v58 =	vld [tilespmem:s7+$0xFFFFFF50];
	v36 =	vand.u32 $0x7E, v36;
	v59 =	vadd.s32 v12, v35;
	[tilespmem:v28+s28+$0x0] =	vst.idx.msk $0xffff, v25  }
0x1db: {  	v60 =	vld [tilespmem:s7+$0xFFFFFF90];
	v61 =	vadd.s32 v12, v36;
	[tilespmem:v29+s28+$0x0] =	vst.idx.msk $0xffff, v26  }
0x1dc: {  	v39 =	vadd.s32 v14, v23;
	v63 =	vld [tilespmem:s16+$0xFFFFFF70];
	[tilespmem:v22+s28+$0x0] =	vst.idx.msk $0xffff, v54  }
0x1dd: {  	v47 =	vadd.s32 v14, v21;
	v46 =	vld [tilespmem:s16+$0xFFFFFFB0];
	[tilespmem:v57+s28+$0x0] =	vst.idx.msk $0xffff, v56  }
0x1de: {  	v41 =	vadd.s32 v13, v34;
	[tilespmem:v62+s28+$0x0] =	vst.idx.msk $0xffff, v38;
	v31 =	vld [tilespmem:s7+$0xFFFFFFE0]  }
0x1df: {  	v45 =	vadd.s32 v13, v37;
	[tilespmem:v59+s28+$0x0] =	vst.idx.msk $0xffff, v58;
	v44 =	vld [tilespmem:s7+$0xFFFFFF20]  }
0x1e0: {  	v42 =	vadd.s32 v13, v35;
	[tilespmem:v61+s28+$0x0] =	vst.idx.msk $0xffff, v60;
	v27 =	vld [tilespmem:s7+$0xFFFFFF60]  }
0x1e1: {  	v43 =	vadd.s32 v13, v36;
	[tilespmem:v39+s28+$0x0] =	vst.idx.msk $0xffff, v63;
	v25 =	vld [tilespmem:s7+$0xFFFFFFA0]  }
0x1e2: {  	v24 =	vadd.s32 v15, v24;
	v40 =	vld [tilespmem:s16+$0x0];
	[tilespmem:v47+s28+$0x0] =	vst.idx.msk $0xffff, v46  }
0x1e3: {  	v49 =	vadd.s32 v15, v23;
	v48 =	vld [tilespmem:s16+$0xFFFFFF80];
	[tilespmem:v41+s28+$0x0] =	vst.idx.msk $0xffff, v31  }
0x1e4: {  	v50 =	vadd.s32 v14, v34;
	[tilespmem:v45+s28+$0x0] =	vst.idx.msk $0xffff, v44;
	v31 =	vld [tilespmem:s7+$0xFFFFFFF0]  }
0x1e5: {  	v55 =	vadd.s32 v14, v37;
	[tilespmem:v42+s28+$0x0] =	vst.idx.msk $0xffff, v27;
	v54 =	vld [tilespmem:s7+$0xFFFFFF30]  }
0x1e6: {  	v51 =	vadd.s32 v14, v35;
	[tilespmem:v43+s28+$0x0] =	vst.idx.msk $0xffff, v25;
	v27 =	vld [tilespmem:s7+$0xFFFFFF70]  }
0x1e7: {  	v53 =	vadd.s32 v14, v36;
	[tilespmem:v24+s28+$0x0] =	vst.idx.msk $0xffff, v40;
	v52 =	vld [tilespmem:s7+$0xFFFFFFB0]  }
0x1e8: {  	v20 =	vadd.s32 v15, v20;
	v57 =	vld [tilespmem:s16+$0xFFFFFF40];
	[tilespmem:v49+s28+$0x0] =	vst.idx.msk $0xffff, v48  }
0x1e9: {  	v56 =	vadd.s32 v15, v21;
	v29 =	vld [tilespmem:s16+$0xFFFFFFC0];
	[tilespmem:v50+s28+$0x0] =	vst.idx.msk $0xffff, v31  }
0x1ea: {  	v59 =	vadd.s32 v15, v34;
	[tilespmem:v55+s28+$0x0] =	vst.idx.msk $0xffff, v54;
	v58 =	vld [tilespmem:s7+$0x0]  }
0x1eb: {  	v63 =	vadd.s32 v15, v37;
	[tilespmem:v51+s28+$0x0] =	vst.idx.msk $0xffff, v27;
	v62 =	vld [tilespmem:s7+$0xFFFFFF40]  }
0x1ec: {  	v60 =	vadd.s32 v15, v35;
	[tilespmem:v53+s28+$0x0] =	vst.idx.msk $0xffff, v52;
	v27 =	vld [tilespmem:s7+$0xFFFFFF80]  }
0x1ed: {  	v61 =	vadd.s32 v15, v36;
	[tilespmem:v20+s28+$0x0] =	vst.idx.msk $0xffff, v57;
	v22 =	vld [tilespmem:s7+$0xFFFFFFC0]  }
0x1ee: {  	[tilespmem:v56+s28+$0x0] =	vst.idx.msk $0xffff, v29  }
0x1ef: {  	[tilespmem:v59+s28+$0x0] =	vst.idx.msk $0xffff, v58  }
0x1f0: {  	[tilespmem:v63+s28+$0x0] =	vst.idx.msk $0xffff, v62  }
0x1f1: {  	[tilespmem:v60+s28+$0x0] =	vst.idx.msk $0xffff, v27  }
0x1f2: {  	[tilespmem:v61+s28+$0x0] =	vst.idx.msk $0xffff, v22  }
0x1f3: {  	s16 =	simm.s32 $0x11F00;
	s20 =	rddreg [dreg:$0x7]  }
0x1f4: {  	[hbm4b:s20+s3] =	stream.linear.scatter [tilespmem:s16], [sflag:$0x9], $0x80, $0x38;
	[tilespmem:$0x16300] =	vst v63  }
0x1f5: {  	s17 =	simm.s32 $0x11F88;
	s18 =	sadd.s32 $0x10, s20  }
0x1f6: {  	[hbm4b:s18+s3] =	stream.linear.scatter [tilespmem:s17], [sflag:$0x9], $0x80, $0x38;
	[tilespmem:$0x16300] =	vst v63  }
0x1f7: {  	s19 =	simm.s32 $0x12010;
	s26 =	simm.s32 $0x12098;
	s25 =	sadd.s32 $0x20, s20  }
0x1f8: {  	[hbm4b:s25+s3] =	stream.linear.scatter [tilespmem:s19], [sflag:$0x9], $0x80, $0x38;
	[tilespmem:$0x16300] =	vst v63  }
0x1f9: {  	s7 =	simm.s32 $0x440;
	s29 =	sadd.s32 $0x30, s20;
	s16 =	sadd.s32 $0x1000, s20  }
0x1fa: {  	[hbm4b:s29+s3] =	stream.linear.scatter [tilespmem:s26], [sflag:$0x9], $0x80, $0x38;
	[tilespmem:$0x16300] =	vst v63  }
0x1fb: {  	s17 =	simm.s32 $0x12120;
	s18 =	sadd.s32 $0x40, s20;
	s19 =	simm.s32 $0x121A8  }
0x1fc: {  	[hbm4b:s18+s3] =	stream.linear.scatter [tilespmem:s17], [sflag:$0x9], $0x80, $0x38;
	[tilespmem:$0x16300] =	vst v63  }
0x1fd: {  	s25 =	sadd.s32 $0x50, s20;
	s26 =	simm.s32 $0x12230;
	s29 =	sadd.s32 $0x60, s20  }
0x1fe: {  	[hbm4b:s25+s3] =	stream.linear.scatter [tilespmem:s19], [sflag:$0x9], $0x80, $0x38;
	[tilespmem:$0x16300] =	vst v63  }
0x1ff: {  	s17 =	simm.s32 $0x2200;
	s18 =	simm.s32 $0x122B8;
	s19 =	sadd.s32 $0x70, s20  }
0x200: {  	[hbm4b:s29+s3] =	stream.linear.scatter [tilespmem:s26], [sflag:$0x9], $0x80, $0x38;
	[tilespmem:$0x16300] =	vst v63  }
.LBB2_16:
0x201: {  	[hbm4b:s19+s3] =	stream.linear.scatter [tilespmem:s18], [sflag:$0x9], $0x80, $0x38;
	[tilespmem:$0x16300] =	vst v63  }
0x202: {  	s18 =	smov.u32 s7;
	s7 =	smov.u32 s17  }
0x203: {  	s20 =	sadd.s32 $0x1100, s17;
	s7 =	sshra.s32 s7, $0x2;
	s19 =	sadd.s32 $0x11F00, s18  }
0x204: {  	[hbm4b:s16+s3] =	stream.linear.scatter [tilespmem:s19], [sflag:$0x9], $0x80, $0x38;
	[tilespmem:$0x16300] =	vst v63  }
0x205: {  	p0 =	sne.s32 s17, $0x7700;
	s17 =	sadd.s32 $0x11F88, s18;
	s19 =	sadd.s32 $0x10, s16  }
0x206: {  	[hbm4b:s19+s3] =	stream.linear.scatter [tilespmem:s17], [sflag:$0x9], $0x80, $0x38;
	[tilespmem:$0x16300] =	vst v63  }
0x207: {  	s17 =	sadd.s32 $0x12010, s18;
	s19 =	sadd.s32 $0x20, s16  }
0x208: {  	[hbm4b:s19+s3] =	stream.linear.scatter [tilespmem:s17], [sflag:$0x9], $0x80, $0x38;
	[tilespmem:$0x16300] =	vst v63  }
0x209: {  	s17 =	sadd.s32 $0x12098, s18;
	s19 =	sadd.s32 $0x30, s16  }
0x20a: {  	[hbm4b:s19+s3] =	stream.linear.scatter [tilespmem:s17], [sflag:$0x9], $0x80, $0x38;
	[tilespmem:$0x16300] =	vst v63  }
0x20b: {  	s17 =	sadd.s32 $0x12120, s18;
	s19 =	sadd.s32 $0x40, s16  }
0x20c: {  	[hbm4b:s19+s3] =	stream.linear.scatter [tilespmem:s17], [sflag:$0x9], $0x80, $0x38;
	[tilespmem:$0x16300] =	vst v63  }
.Ltmp7:
0x20d: {  	s17 =	sadd.s32 $0x121A8, s18;
	s19 =	sadd.s32 $0x50, s16;
	(pc) =	sbr.rel @p0 .LBB2_16-.Ltmp7, $4  }
0x20e: {  	[hbm4b:s19+s3] =	stream.linear.scatter [tilespmem:s17], [sflag:$0x9], $0x80, $0x38;
	[tilespmem:$0x16300] =	vst v63  }
0x20f: {  	s17 =	sadd.s32 $0x12230, s18;
	s19 =	sadd.s32 $0x60, s16;
	s18 =	sadd.s32 $0x122B8, s18  }
0x210: {  	[hbm4b:s19+s3] =	stream.linear.scatter [tilespmem:s17], [sflag:$0x9], $0x80, $0x38;
	[tilespmem:$0x16300] =	vst v63  }
0x211: {  	s19 =	sadd.s32 $0x70, s16;
	s16 =	sadd.s32 $0x1000, s16;
	s17 =	smov.u32 s20  }
0x212: {  	[hbm4b:s19+s3] =	stream.linear.scatter [tilespmem:s18], [sflag:$0x9], $0x80, $0x38;
	[tilespmem:$0x16300] =	vst v63  }
0x213: {  	s17 =	sadd.s32 $0x11F00, s7  }
0x214: {  	[hbm4b:s16+s3] =	stream.linear.scatter [tilespmem:s17], [sflag:$0x9], $0x80, $0x38;
	[tilespmem:$0x16300] =	vst v63  }
0x215: {  	s20 =	sadd.s32 $0x11F88, s7;
	s25 =	sadd.s32 $0x10, s16  }
0x216: {  	[hbm4b:s25+s3] =	stream.linear.scatter [tilespmem:s20], [sflag:$0x9], $0x80, $0x38;
	[tilespmem:$0x16300] =	vst v63  }
0x217: {  	s26 =	sadd.s32 $0x12010, s7;
	s29 =	sadd.s32 $0x20, s16  }
0x218: {  	[hbm4b:s29+s3] =	stream.linear.scatter [tilespmem:s26], [sflag:$0x9], $0x80, $0x38;
	[tilespmem:$0x16300] =	vst v63  }
0x219: {  	s18 =	sadd.s32 $0x12098, s7;
	s19 =	sadd.s32 $0x30, s16  }
0x21a: {  	[hbm4b:s19+s3] =	stream.linear.scatter [tilespmem:s18], [sflag:$0x9], $0x80, $0x38;
	[tilespmem:$0x16300] =	vst v63  }
0x21b: {  	s20 =	sadd.s32 $0x12120, s7;
	s25 =	sadd.s32 $0x40, s16  }
0x21c: {  	[hbm4b:s25+s3] =	stream.linear.scatter [tilespmem:s20], [sflag:$0x9], $0x80, $0x38;
	[tilespmem:$0x16300] =	vst v63  }
0x21d: {  	s26 =	sadd.s32 $0x121A8, s7;
	s29 =	sadd.s32 $0x50, s16  }
0x21e: {  	[hbm4b:s29+s3] =	stream.linear.scatter [tilespmem:s26], [sflag:$0x9], $0x80, $0x38;
	[tilespmem:$0x16300] =	vst v63  }
0x21f: {  	s18 =	sadd.s32 $0x12230, s7;
	s19 =	sadd.s32 $0x60, s16  }
0x220: {  	[hbm4b:s19+s3] =	stream.linear.scatter [tilespmem:s18], [sflag:$0x9], $0x80, $0x38;
	[tilespmem:$0x16300] =	vst v63  }
0x221: {  	s20 =	sadd.s32 $0x122B8, s7;
	s25 =	sadd.s32 $0x70, s16  }
0x222: {  	[hbm4b:s25+s3] =	stream.linear.scatter [tilespmem:s20], [sflag:$0x9], $0x80, $0x38;
	[tilespmem:$0x16300] =	vst v63  }
0x223: {  	s26 =	simm.s32 $0x400;
	s29 =	simm.s32 $0x3  }
0x224: {  	[tilespmem:s31], [sflag:$0x4] =	stream.indirect.gather [hbm4b:s4+s22], $0x40, s26, s22, $0xb8;
	[tilespmem:$0x16300] =	vst v63  }
0x225: {  	s16 =	simm.s32 $0x0;
	v20 =	vmov s29;
	_ =	swait.ge [sflag:s21], $0x2000  }
0x226: {  	v21 =	vand.u32 $0x7F, v20;
	v20 =	vmov s16;
	s18 =	simm.s32 $0x1;
	[sflag:s21] =	ssyncset.done $0x0  }
0x227: {  	s17 =	simm.s32 $0x99F0;
	v22 =	vand.u32 $0x7C, v20;
	v20 =	vmov s18;
	[sflag:s21] =	ssyncadd.s32 $0xFFFFE000  }
0x228: {  	v24 =	vadd.s32 v16, v21;
	v27 =	vand.u32 $0x7D, v20;
	v23 =	vld [tilespmem:s17+$0xFFFFFFD0]  }
0x229: {  	v28 =	vadd.s32 v16, v27;
	v20 =	vld [tilespmem:s17+$0xFFFFFF50]  }
0x22a: {  	s19 =	simm.s32 $0x2;
	v26 =	vadd.s32 v16, v22;
	v25 =	vld [tilespmem:s17+$0xFFFFFF10]  }
0x22b: {  	v29 =	vmov s19  }
0x22c: {  	v29 =	vand.u32 $0x7E, v29  }
0x22d: {  	v31 =	vadd.s32 v16, v29;
	v30 =	vld [tilespmem:s17+$0xFFFFFF90];
	[tilespmem:v24+s28+$0x0] =	vst.idx.msk $0xffff, v23  }
0x22e: {  	v24 =	vadd.s32 v17, v21;
	[tilespmem:v28+s28+$0x0] =	vst.idx.msk $0xffff, v20;
	v23 =	vld [tilespmem:s17+$0xFFFFFFE0]  }
0x22f: {  	[tilespmem:v26+s28+$0x0] =	vst.idx.msk $0xffff, v25;
	v28 =	vadd.s32 v17, v27;
	v20 =	vld [tilespmem:s17+$0xFFFFFF60]  }
0x230: {  	v26 =	vadd.s32 v17, v22;
	v25 =	vld [tilespmem:s17+$0xFFFFFF20];
	_ =	sdelay $0x1  }
0x231: {  	[tilespmem:v31+s28+$0x0] =	vst.idx.msk $0xffff, v30  }
0x232: {  	v32 =	vadd.s32 v17, v29;
	v31 =	vld [tilespmem:s17+$0xFFFFFFA0];
	[tilespmem:v24+s28+$0x0] =	vst.idx.msk $0xffff, v23  }
0x233: {  	v30 =	vadd.s32 v18, v21;
	[tilespmem:v28+s28+$0x0] =	vst.idx.msk $0xffff, v20;
	v23 =	vld [tilespmem:s17+$0xFFFFFFF0]  }
0x234: {  	s20 =	simm.s32 $0x7;
	v33 =	vadd.s32 v18, v27;
	[tilespmem:v26+s28+$0x0] =	vst.idx.msk $0xffff, v25;
	v28 =	vld [tilespmem:s17+$0xFFFFFF70]  }
0x235: {  	s25 =	simm.s32 $0x4;
	v26 =	vadd.s32 v18, v22;
	v24 =	vmov s20;
	v25 =	vld [tilespmem:s17+$0xFFFFFF30]  }
0x236: {  	s16 =	simm.s32 $0x9AF0;
	v20 =	vmov s25;
	v24 =	vand.u32 $0x7F, v24  }
0x237: {  	s26 =	simm.s32 $0x5;
	v34 =	vld [tilespmem:s16+$0xFFFFFFD0];
	[tilespmem:v32+s28+$0x0] =	vst.idx.msk $0xffff, v31;
	v20 =	vand.u32 $0x7C, v20;
	v35 =	vadd.s32 v16, v24  }
0x238: {  	s29 =	simm.s32 $0x6;
	v38 =	vmov s26;
	v36 =	vld [tilespmem:s16+$0xFFFFFF10];
	v37 =	vadd.s32 v16, v20;
	[tilespmem:v30+s28+$0x0] =	vst.idx.msk $0xffff, v23  }
0x239: {  	v62 =	vadd.s32 v18, v29;
	v23 =	vand.u32 $0x7D, v38;
	v30 =	vmov s29;
	[tilespmem:v33+s28+$0x0] =	vst.idx.msk $0xffff, v28;
	v28 =	vld [tilespmem:s17+$0xFFFFFFB0]  }
0x23a: {  	v60 =	vadd.s32 v19, v21;
	[tilespmem:v26+s28+$0x0] =	vst.idx.msk $0xffff, v25;
	v25 =	vld [tilespmem:s16+$0xFFFFFF50];
	v26 =	vadd.s32 v16, v23;
	v21 =	vand.u32 $0x7E, v30  }
0x23b: {  	v30 =	vld [tilespmem:s16+$0xFFFFFF90];
	v61 =	vadd.s32 v16, v21  }
0x23c: {  	v31 =	vld [tilespmem:s17+$0x0];
	[tilespmem:v35+s28+$0x0] =	vst.idx.msk $0xffff, v34  }
0x23d: {  	v63 =	vadd.s32 v17, v24;
	[tilespmem:v37+s28+$0x0] =	vst.idx.msk $0xffff, v36;
	v35 =	vld [tilespmem:s16+$0xFFFFFFE0]  }
0x23e: {  	v39 =	vadd.s32 v17, v20;
	v37 =	vld [tilespmem:s16+$0xFFFFFF20];
	[tilespmem:v62+s28+$0x0] =	vst.idx.msk $0xffff, v28  }
0x23f: {  	v41 =	vadd.s32 v19, v27;
	v40 =	vld [tilespmem:s17+$0xFFFFFF80];
	[tilespmem:v26+s28+$0x0] =	vst.idx.msk $0xffff, v25  }
0x240: {  	v34 =	vadd.s32 v17, v23;
	v33 =	vld [tilespmem:s16+$0xFFFFFF60];
	[tilespmem:v61+s28+$0x0] =	vst.idx.msk $0xffff, v30  }
0x241: {  	v32 =	vadd.s32 v17, v21;
	[tilespmem:v60+s28+$0x0] =	vst.idx.msk $0xffff, v31;
	v31 =	vld [tilespmem:s16+$0xFFFFFFA0]  }
0x242: {  	v27 =	vld [tilespmem:s17+$0xFFFFFFC0];
	[tilespmem:v63+s28+$0x0] =	vst.idx.msk $0xffff, v35;
	v30 =	vadd.s32 v19, v29  }
0x243: {  	v28 =	vadd.s32 v18, v24;
	[tilespmem:v39+s28+$0x0] =	vst.idx.msk $0xffff, v37;
	v25 =	vld [tilespmem:s16+$0xFFFFFFF0]  }
0x244: {  	s7 =	simm.s32 $0xC;
	s18 =	simm.s32 $0x8;
	s19 =	simm.s32 $0xB;
	[tilespmem:v41+s28+$0x0] =	vst.idx.msk $0xffff, v40;
	v29 =	vadd.s32 v18, v20;
	v26 =	vld [tilespmem:s16+$0xFFFFFF30]  }
.LBB2_18:
0x245: {  	p0 =	slt.u32 s7, $0x7C;
	v35 =	vmov s19;
	[tilespmem:v34+s28+$0x0] =	vst.idx.msk $0xffff, v33;
	v33 =	vld [tilespmem:s17+$0xFFFFFF40];
	v34 =	vadd.s32 v19, v22;
	v22 =	vmov v20;
	s17 =	smov.u32 s16  }
0x246: {  	v20 =	vmov s18;
	v37 =	vadd.s32 v18, v23;
	s16 =	sadd.s32 $0x100, s16;
	v35 =	vand.u32 $0x7F, v35;
	v36 =	vld [tilespmem:s17+$0xFFFFFF70];
	[tilespmem:v32+s28+$0x0] =	vst.idx.msk $0xffff, v31  }
0x247: {  	s19 =	sadd.s32 $0x1, s18;
	v20 =	vand.u32 $0x7C, v20;
	v31 =	vld [tilespmem:s16+$0xFFFFFFD0];
	v32 =	vadd.s32 v16, v35;
	[tilespmem:v30+s28+$0x0] =	vst.idx.msk $0xffff, v27  }
0x248: {  	v38 =	vmov s19;
	s19 =	sadd.s32 $0x2, s18;
	s18 =	smov.u32 s7;
	v30 =	vadd.s32 v16, v20;
	v27 =	vld [tilespmem:s16+$0xFFFFFF10];
	[tilespmem:v28+s28+$0x0] =	vst.idx.msk $0xffff, v25  }
0x249: {  	v25 =	vand.u32 $0x7D, v38;
	v28 =	vmov s19;
	[tilespmem:v29+s28+$0x0] =	vst.idx.msk $0xffff, v26;
	v26 =	vld [tilespmem:s17+$0x0];
	v29 =	vadd.s32 v19, v24;
	v24 =	vmovc v35  }
0x24a: {  	v38 =	vadd.s32 v16, v25;
	v28 =	vand.u32 $0x7E, v28;
	v35 =	vld [tilespmem:s16+$0xFFFFFF50];
	[tilespmem:v34+s28+$0x0] =	vst.idx.msk $0xffff, v33  }
0x24b: {  	v40 =	vadd.s32 v16, v28;
	v39 =	vld [tilespmem:s16+$0xFFFFFF90];
	[tilespmem:v37+s28+$0x0] =	vst.idx.msk $0xffff, v36  }
0x24c: {  	v37 =	vadd.s32 v18, v21;
	[tilespmem:v32+s28+$0x0] =	vst.idx.msk $0xffff, v31;
	v36 =	vld [tilespmem:s17+$0xFFFFFFB0]  }
0x24d: {  	[tilespmem:v30+s28+$0x0] =	vst.idx.msk $0xffff, v27;
	v27 =	vld [tilespmem:s16+$0xFFFFFFE0];
	v30 =	vadd.s32 v17, v24  }
0x24e: {  	v42 =	vadd.s32 v17, v20;
	v41 =	vld [tilespmem:s16+$0xFFFFFF20];
	[tilespmem:v29+s28+$0x0] =	vst.idx.msk $0xffff, v26  }
0x24f: {  	[tilespmem:v38+s28+$0x0] =	vst.idx.msk $0xffff, v35;
	v35 =	vld [tilespmem:s17+$0xFFFFFF80];
	v38 =	vadd.s32 v19, v23;
	v23 =	vmov v25  }
.Ltmp8:
0x250: {  	v33 =	vld [tilespmem:s16+$0xFFFFFF60];
	v34 =	vadd.s32 v17, v23;
	[tilespmem:v40+s28+$0x0] =	vst.idx.msk $0xffff, v39;
	(pc) =	sbr.rel @p0 .LBB2_18-.Ltmp8, $4  }
0x251: {  	v32 =	vadd.s32 v17, v28;
	v31 =	vld [tilespmem:s16+$0xFFFFFFA0];
	[tilespmem:v37+s28+$0x0] =	vst.idx.msk $0xffff, v36  }
0x252: {  	[tilespmem:v30+s28+$0x0] =	vst.idx.msk $0xffff, v27;
	v27 =	vld [tilespmem:s17+$0xFFFFFFC0];
	v30 =	vadd.s32 v19, v21;
	v21 =	vmov v28  }
0x253: {  	v28 =	vadd.s32 v18, v24;
	[tilespmem:v42+s28+$0x0] =	vst.idx.msk $0xffff, v41;
	v25 =	vld [tilespmem:s16+$0xFFFFFFF0]  }
0x254: {  	s7 =	sadd.s32 $0x4, s7;
	s19 =	sadd.s32 $0x3, s18;
	v29 =	vadd.s32 v18, v20;
	v26 =	vld [tilespmem:s16+$0xFFFFFF30];
	[tilespmem:v38+s28+$0x0] =	vst.idx.msk $0xffff, v35  }
0x255: {  	_ =	sdelay $0x2  }
0x256: {  	v35 =	vmov s19  }
0x257: {  	s26 =	sadd.s32 $0x1, s18;
	[tilespmem:v34+s28+$0x0] =	vst.idx.msk $0xffff, v33;
	v54 =	vld [tilespmem:s17+$0xFFFFFF40];
	v22 =	vadd.s32 v19, v22;
	s7 =	sadd.s32 $0x100, s16;
	v37 =	vmov s18;
	v34 =	vand.u32 $0x7F, v35  }
0x258: {  	s29 =	sadd.s32 $0x2, s18;
	v55 =	vmov s26;
	[tilespmem:v32+s28+$0x0] =	vst.idx.msk $0xffff, v31;
	v56 =	vld [tilespmem:s7+$0xFFFFFFD0];
	v37 =	vand.u32 $0x7C, v37;
	v57 =	vadd.s32 v16, v34  }
0x259: {  	v36 =	vmov s29;
	v38 =	vld [tilespmem:s7+$0xFFFFFF10];
	v35 =	vand.u32 $0x7D, v55;
	[tilespmem:v30+s28+$0x0] =	vst.idx.msk $0xffff, v27;
	v62 =	vadd.s32 v16, v37  }
0x25a: {  	v58 =	vld [tilespmem:s7+$0xFFFFFF50];
	v36 =	vand.u32 $0x7E, v36;
	v59 =	vadd.s32 v16, v35;
	[tilespmem:v28+s28+$0x0] =	vst.idx.msk $0xffff, v25  }
0x25b: {  	v60 =	vld [tilespmem:s7+$0xFFFFFF90];
	v61 =	vadd.s32 v16, v36;
	[tilespmem:v29+s28+$0x0] =	vst.idx.msk $0xffff, v26  }
0x25c: {  	v39 =	vadd.s32 v18, v23;
	v63 =	vld [tilespmem:s16+$0xFFFFFF70];
	[tilespmem:v22+s28+$0x0] =	vst.idx.msk $0xffff, v54  }
0x25d: {  	v47 =	vadd.s32 v18, v21;
	v46 =	vld [tilespmem:s16+$0xFFFFFFB0];
	[tilespmem:v57+s28+$0x0] =	vst.idx.msk $0xffff, v56  }
0x25e: {  	v41 =	vadd.s32 v17, v34;
	[tilespmem:v62+s28+$0x0] =	vst.idx.msk $0xffff, v38;
	v31 =	vld [tilespmem:s7+$0xFFFFFFE0]  }
0x25f: {  	v45 =	vadd.s32 v17, v37;
	[tilespmem:v59+s28+$0x0] =	vst.idx.msk $0xffff, v58;
	v44 =	vld [tilespmem:s7+$0xFFFFFF20]  }
0x260: {  	v42 =	vadd.s32 v17, v35;
	[tilespmem:v61+s28+$0x0] =	vst.idx.msk $0xffff, v60;
	v27 =	vld [tilespmem:s7+$0xFFFFFF60]  }
0x261: {  	v43 =	vadd.s32 v17, v36;
	[tilespmem:v39+s28+$0x0] =	vst.idx.msk $0xffff, v63;
	v25 =	vld [tilespmem:s7+$0xFFFFFFA0]  }
0x262: {  	v24 =	vadd.s32 v19, v24;
	v40 =	vld [tilespmem:s16+$0x0];
	[tilespmem:v47+s28+$0x0] =	vst.idx.msk $0xffff, v46  }
0x263: {  	v49 =	vadd.s32 v19, v23;
	v48 =	vld [tilespmem:s16+$0xFFFFFF80];
	[tilespmem:v41+s28+$0x0] =	vst.idx.msk $0xffff, v31  }
0x264: {  	v50 =	vadd.s32 v18, v34;
	[tilespmem:v45+s28+$0x0] =	vst.idx.msk $0xffff, v44;
	v31 =	vld [tilespmem:s7+$0xFFFFFFF0]  }
0x265: {  	v55 =	vadd.s32 v18, v37;
	[tilespmem:v42+s28+$0x0] =	vst.idx.msk $0xffff, v27;
	v54 =	vld [tilespmem:s7+$0xFFFFFF30]  }
0x266: {  	v51 =	vadd.s32 v18, v35;
	[tilespmem:v43+s28+$0x0] =	vst.idx.msk $0xffff, v25;
	v27 =	vld [tilespmem:s7+$0xFFFFFF70]  }
0x267: {  	v53 =	vadd.s32 v18, v36;
	[tilespmem:v24+s28+$0x0] =	vst.idx.msk $0xffff, v40;
	v52 =	vld [tilespmem:s7+$0xFFFFFFB0]  }
0x268: {  	v20 =	vadd.s32 v19, v20;
	v57 =	vld [tilespmem:s16+$0xFFFFFF40];
	[tilespmem:v49+s28+$0x0] =	vst.idx.msk $0xffff, v48  }
0x269: {  	v56 =	vadd.s32 v19, v21;
	v29 =	vld [tilespmem:s16+$0xFFFFFFC0];
	[tilespmem:v50+s28+$0x0] =	vst.idx.msk $0xffff, v31  }
0x26a: {  	v59 =	vadd.s32 v19, v34;
	[tilespmem:v55+s28+$0x0] =	vst.idx.msk $0xffff, v54;
	v58 =	vld [tilespmem:s7+$0x0]  }
0x26b: {  	v63 =	vadd.s32 v19, v37;
	[tilespmem:v51+s28+$0x0] =	vst.idx.msk $0xffff, v27;
	v62 =	vld [tilespmem:s7+$0xFFFFFF40]  }
0x26c: {  	v60 =	vadd.s32 v19, v35;
	[tilespmem:v53+s28+$0x0] =	vst.idx.msk $0xffff, v52;
	v27 =	vld [tilespmem:s7+$0xFFFFFF80]  }
0x26d: {  	v61 =	vadd.s32 v19, v36;
	[tilespmem:v20+s28+$0x0] =	vst.idx.msk $0xffff, v57;
	v22 =	vld [tilespmem:s7+$0xFFFFFFC0]  }
0x26e: {  	[tilespmem:v56+s28+$0x0] =	vst.idx.msk $0xffff, v29  }
0x26f: {  	[tilespmem:v59+s28+$0x0] =	vst.idx.msk $0xffff, v58  }
0x270: {  	[tilespmem:v63+s28+$0x0] =	vst.idx.msk $0xffff, v62  }
0x271: {  	[tilespmem:v60+s28+$0x0] =	vst.idx.msk $0xffff, v27  }
0x272: {  	[tilespmem:v61+s28+$0x0] =	vst.idx.msk $0xffff, v22  }
0x273: {  	s16 =	simm.s32 $0x14100;
	s20 =	rddreg [dreg:$0x8]  }
0x274: {  	[hbm4b:s20+s3] =	stream.linear.scatter [tilespmem:s16], [sflag:$0xA], $0x80, $0x38;
	[tilespmem:$0x16300] =	vst v63  }
0x275: {  	s17 =	simm.s32 $0x14188;
	s18 =	sadd.s32 $0x10, s20  }
0x276: {  	[hbm4b:s18+s3] =	stream.linear.scatter [tilespmem:s17], [sflag:$0xA], $0x80, $0x38;
	[tilespmem:$0x16300] =	vst v63  }
0x277: {  	s19 =	simm.s32 $0x14210;
	s26 =	simm.s32 $0x14298;
	s25 =	sadd.s32 $0x20, s20  }
0x278: {  	[hbm4b:s25+s3] =	stream.linear.scatter [tilespmem:s19], [sflag:$0xA], $0x80, $0x38;
	[tilespmem:$0x16300] =	vst v63  }
0x279: {  	s7 =	simm.s32 $0x440;
	s29 =	sadd.s32 $0x30, s20;
	s16 =	sadd.s32 $0x1000, s20  }
0x27a: {  	[hbm4b:s29+s3] =	stream.linear.scatter [tilespmem:s26], [sflag:$0xA], $0x80, $0x38;
	[tilespmem:$0x16300] =	vst v63  }
0x27b: {  	s17 =	simm.s32 $0x14320;
	s18 =	sadd.s32 $0x40, s20;
	s19 =	simm.s32 $0x143A8  }
0x27c: {  	[hbm4b:s18+s3] =	stream.linear.scatter [tilespmem:s17], [sflag:$0xA], $0x80, $0x38;
	[tilespmem:$0x16300] =	vst v63  }
0x27d: {  	s25 =	sadd.s32 $0x50, s20;
	s26 =	simm.s32 $0x14430;
	s29 =	sadd.s32 $0x60, s20  }
0x27e: {  	[hbm4b:s25+s3] =	stream.linear.scatter [tilespmem:s19], [sflag:$0xA], $0x80, $0x38;
	[tilespmem:$0x16300] =	vst v63  }
0x27f: {  	s17 =	simm.s32 $0x2200;
	s18 =	simm.s32 $0x144B8;
	s19 =	sadd.s32 $0x70, s20  }
0x280: {  	[hbm4b:s29+s3] =	stream.linear.scatter [tilespmem:s26], [sflag:$0xA], $0x80, $0x38;
	[tilespmem:$0x16300] =	vst v63  }
.LBB2_20:
0x281: {  	[hbm4b:s19+s3] =	stream.linear.scatter [tilespmem:s18], [sflag:$0xA], $0x80, $0x38;
	[tilespmem:$0x16300] =	vst v63  }
0x282: {  	s18 =	smov.u32 s7;
	s7 =	smov.u32 s17  }
0x283: {  	s20 =	sadd.s32 $0x1100, s17;
	s7 =	sshra.s32 s7, $0x2;
	s19 =	sadd.s32 $0x14100, s18  }
0x284: {  	[hbm4b:s16+s3] =	stream.linear.scatter [tilespmem:s19], [sflag:$0xA], $0x80, $0x38;
	[tilespmem:$0x16300] =	vst v63  }
0x285: {  	p0 =	sne.s32 s17, $0x7700;
	s17 =	sadd.s32 $0x14188, s18;
	s19 =	sadd.s32 $0x10, s16  }
0x286: {  	[hbm4b:s19+s3] =	stream.linear.scatter [tilespmem:s17], [sflag:$0xA], $0x80, $0x38;
	[tilespmem:$0x16300] =	vst v63  }
0x287: {  	s17 =	sadd.s32 $0x14210, s18;
	s19 =	sadd.s32 $0x20, s16  }
0x288: {  	[hbm4b:s19+s3] =	stream.linear.scatter [tilespmem:s17], [sflag:$0xA], $0x80, $0x38;
	[tilespmem:$0x16300] =	vst v63  }
0x289: {  	s17 =	sadd.s32 $0x14298, s18;
	s19 =	sadd.s32 $0x30, s16  }
0x28a: {  	[hbm4b:s19+s3] =	stream.linear.scatter [tilespmem:s17], [sflag:$0xA], $0x80, $0x38;
	[tilespmem:$0x16300] =	vst v63  }
0x28b: {  	s17 =	sadd.s32 $0x14320, s18;
	s19 =	sadd.s32 $0x40, s16  }
0x28c: {  	[hbm4b:s19+s3] =	stream.linear.scatter [tilespmem:s17], [sflag:$0xA], $0x80, $0x38;
	[tilespmem:$0x16300] =	vst v63  }
.Ltmp9:
0x28d: {  	s17 =	sadd.s32 $0x143A8, s18;
	s19 =	sadd.s32 $0x50, s16;
	(pc) =	sbr.rel @p0 .LBB2_20-.Ltmp9, $4  }
0x28e: {  	[hbm4b:s19+s3] =	stream.linear.scatter [tilespmem:s17], [sflag:$0xA], $0x80, $0x38;
	[tilespmem:$0x16300] =	vst v63  }
0x28f: {  	s17 =	sadd.s32 $0x14430, s18;
	s19 =	sadd.s32 $0x60, s16;
	s18 =	sadd.s32 $0x144B8, s18  }
0x290: {  	[hbm4b:s19+s3] =	stream.linear.scatter [tilespmem:s17], [sflag:$0xA], $0x80, $0x38;
	[tilespmem:$0x16300] =	vst v63  }
0x291: {  	s19 =	sadd.s32 $0x70, s16;
	s16 =	sadd.s32 $0x1000, s16;
	s17 =	smov.u32 s20  }
0x292: {  	[hbm4b:s19+s3] =	stream.linear.scatter [tilespmem:s18], [sflag:$0xA], $0x80, $0x38;
	[tilespmem:$0x16300] =	vst v63  }
0x293: {  	s17 =	sadd.s32 $0x14100, s7  }
0x294: {  	[hbm4b:s16+s3] =	stream.linear.scatter [tilespmem:s17], [sflag:$0xA], $0x80, $0x38;
	[tilespmem:$0x16300] =	vst v63  }
0x295: {  	s20 =	sadd.s32 $0x14188, s7;
	s25 =	sadd.s32 $0x10, s16  }
0x296: {  	[hbm4b:s25+s3] =	stream.linear.scatter [tilespmem:s20], [sflag:$0xA], $0x80, $0x38;
	[tilespmem:$0x16300] =	vst v63  }
0x297: {  	s26 =	sadd.s32 $0x14210, s7;
	s29 =	sadd.s32 $0x20, s16  }
0x298: {  	[hbm4b:s29+s3] =	stream.linear.scatter [tilespmem:s26], [sflag:$0xA], $0x80, $0x38;
	[tilespmem:$0x16300] =	vst v63  }
0x299: {  	s18 =	sadd.s32 $0x14298, s7;
	s19 =	sadd.s32 $0x30, s16  }
0x29a: {  	[hbm4b:s19+s3] =	stream.linear.scatter [tilespmem:s18], [sflag:$0xA], $0x80, $0x38;
	[tilespmem:$0x16300] =	vst v63  }
0x29b: {  	s20 =	sadd.s32 $0x14320, s7;
	s25 =	sadd.s32 $0x40, s16  }
0x29c: {  	[hbm4b:s25+s3] =	stream.linear.scatter [tilespmem:s20], [sflag:$0xA], $0x80, $0x38;
	[tilespmem:$0x16300] =	vst v63  }
0x29d: {  	s26 =	sadd.s32 $0x143A8, s7;
	s29 =	sadd.s32 $0x50, s16  }
0x29e: {  	[hbm4b:s29+s3] =	stream.linear.scatter [tilespmem:s26], [sflag:$0xA], $0x80, $0x38;
	[tilespmem:$0x16300] =	vst v63  }
0x29f: {  	s19 =	sadd.s32 $0x14430, s7;
	s20 =	sadd.s32 $0x60, s16  }
0x2a0: {  	[hbm4b:s20+s3] =	stream.linear.scatter [tilespmem:s19], [sflag:$0xA], $0x80, $0x38;
	[tilespmem:$0x16300] =	vst v63  }
0x2a1: {  	s25 =	sadd.s32 $0x144B8, s7;
	s26 =	sadd.s32 $0x70, s16  }
0x2a2: {  	[hbm4b:s26+s3] =	stream.linear.scatter [tilespmem:s25], [sflag:$0xA], $0x80, $0x38;
	[tilespmem:$0x16300] =	vst v63  }
0x2a3: {  	s29 =	simm.s32 $0x480;
	s16 =	simm.s32 $0x1  }
0x2a4: {  	[tilespmem:s0], [sflag:$0x5] =	stream.indirect.gather [hbm4b:s4+s22], $0x40, s29, s22, $0xb8;
	[tilespmem:$0x16300] =	vst v63  }
.LBB2_22:
0x2a5: {  	_ =	swait.ge [sflag:s23], $0x2000  }
0x2a6: {  	[sflag:s23] =	ssyncset.done $0x0  }
0x2a7: {  	s7 =	simm.s32 $0x3;
	[sflag:s23] =	ssyncadd.s32 $0xFFFFE000  }
0x2a8: {  	s17 =	simm.s32 $0x0;
	v20 =	vmov s7;
	_ =	swait.ge [sflag:s24], $0x2000  }
0x2a9: {  	s19 =	simm.s32 $0x1;
	v21 =	vand.u32 $0x7F, v20;
	v20 =	vmov s17;
	[sflag:s24] =	ssyncset.done $0x0  }
0x2aa: {  	s18 =	simm.s32 $0x1980;
	v22 =	vand.u32 $0x7C, v20;
	v20 =	vmov s19;
	[sflag:s24] =	ssyncadd.s32 $0xFFFFE000  }
0x2ab: {  	v24 =	vadd.s32 v0, v21;
	v27 =	vand.u32 $0x7D, v20;
	v23 =	vld [tilespmem:s18+$0x40]  }
0x2ac: {  	v28 =	vadd.s32 v0, v27;
	v20 =	vld [tilespmem:s18+$0xFFFFFFC0]  }
0x2ad: {  	s20 =	simm.s32 $0x2;
	v26 =	vadd.s32 v0, v22;
	v25 =	vld [tilespmem:s18+$0xFFFFFF80]  }
0x2ae: {  	v29 =	vmov s20  }
0x2af: {  	v29 =	vand.u32 $0x7E, v29  }
0x2b0: {  	v31 =	vadd.s32 v0, v29;
	v30 =	vld [tilespmem:s18+$0x0];
	[tilespmem:v24+s28+$0x0] =	vst.idx.msk $0xffff, v23  }
0x2b1: {  	v24 =	vadd.s32 v1, v21;
	[tilespmem:v28+s28+$0x0] =	vst.idx.msk $0xffff, v20;
	v23 =	vld [tilespmem:s18+$0x50]  }
0x2b2: {  	[tilespmem:v26+s28+$0x0] =	vst.idx.msk $0xffff, v25;
	v28 =	vadd.s32 v1, v27;
	v20 =	vld [tilespmem:s18+$0xFFFFFFD0]  }
0x2b3: {  	v26 =	vadd.s32 v1, v22;
	v25 =	vld [tilespmem:s18+$0xFFFFFF90];
	_ =	sdelay $0x1  }
0x2b4: {  	[tilespmem:v31+s28+$0x0] =	vst.idx.msk $0xffff, v30  }
0x2b5: {  	v32 =	vadd.s32 v1, v29;
	v31 =	vld [tilespmem:s18+$0x10];
	[tilespmem:v24+s28+$0x0] =	vst.idx.msk $0xffff, v23  }
0x2b6: {  	v30 =	vadd.s32 v2, v21;
	[tilespmem:v28+s28+$0x0] =	vst.idx.msk $0xffff, v20;
	v23 =	vld [tilespmem:s18+$0x60]  }
0x2b7: {  	s25 =	simm.s32 $0x7;
	v33 =	vadd.s32 v2, v27;
	[tilespmem:v26+s28+$0x0] =	vst.idx.msk $0xffff, v25;
	v28 =	vld [tilespmem:s18+$0xFFFFFFE0]  }
0x2b8: {  	s17 =	simm.s32 $0x4;
	v26 =	vadd.s32 v2, v22;
	v24 =	vmov s25;
	v25 =	vld [tilespmem:s18+$0xFFFFFFA0]  }
0x2b9: {  	v20 =	vmov s17;
	s17 =	simm.s32 $0x1A80;
	v24 =	vand.u32 $0x7F, v24  }
0x2ba: {  	s26 =	simm.s32 $0x5;
	[tilespmem:v32+s28+$0x0] =	vst.idx.msk $0xffff, v31;
	v20 =	vand.u32 $0x7C, v20;
	v34 =	vld [tilespmem:s17+$0x40];
	v35 =	vadd.s32 v0, v24  }
0x2bb: {  	s29 =	simm.s32 $0x6;
	v38 =	vmov s26;
	v36 =	vld [tilespmem:s17+$0xFFFFFF80];
	v37 =	vadd.s32 v0, v20;
	[tilespmem:v30+s28+$0x0] =	vst.idx.msk $0xffff, v23  }
0x2bc: {  	v62 =	vadd.s32 v2, v29;
	v23 =	vand.u32 $0x7D, v38;
	v30 =	vmov s29;
	[tilespmem:v33+s28+$0x0] =	vst.idx.msk $0xffff, v28;
	v28 =	vld [tilespmem:s18+$0x20]  }
0x2bd: {  	v60 =	vadd.s32 v3, v21;
	[tilespmem:v26+s28+$0x0] =	vst.idx.msk $0xffff, v25;
	v25 =	vld [tilespmem:s17+$0xFFFFFFC0];
	v26 =	vadd.s32 v0, v23;
	v21 =	vand.u32 $0x7E, v30  }
0x2be: {  	v30 =	vld [tilespmem:s17+$0x0];
	v61 =	vadd.s32 v0, v21  }
0x2bf: {  	v31 =	vld [tilespmem:s18+$0x70];
	[tilespmem:v35+s28+$0x0] =	vst.idx.msk $0xffff, v34  }
0x2c0: {  	v63 =	vadd.s32 v1, v24;
	[tilespmem:v37+s28+$0x0] =	vst.idx.msk $0xffff, v36;
	v35 =	vld [tilespmem:s17+$0x50]  }
0x2c1: {  	v39 =	vadd.s32 v1, v20;
	v37 =	vld [tilespmem:s17+$0xFFFFFF90];
	[tilespmem:v62+s28+$0x0] =	vst.idx.msk $0xffff, v28  }
0x2c2: {  	v41 =	vadd.s32 v3, v27;
	v40 =	vld [tilespmem:s18+$0xFFFFFFF0];
	[tilespmem:v26+s28+$0x0] =	vst.idx.msk $0xffff, v25  }
0x2c3: {  	v34 =	vadd.s32 v1, v23;
	v33 =	vld [tilespmem:s17+$0xFFFFFFD0];
	[tilespmem:v61+s28+$0x0] =	vst.idx.msk $0xffff, v30  }
0x2c4: {  	v32 =	vadd.s32 v1, v21;
	[tilespmem:v60+s28+$0x0] =	vst.idx.msk $0xffff, v31;
	v31 =	vld [tilespmem:s17+$0x10]  }
0x2c5: {  	v27 =	vld [tilespmem:s18+$0x30];
	[tilespmem:v63+s28+$0x0] =	vst.idx.msk $0xffff, v35;
	v30 =	vadd.s32 v3, v29  }
0x2c6: {  	v28 =	vadd.s32 v2, v24;
	[tilespmem:v39+s28+$0x0] =	vst.idx.msk $0xffff, v37;
	v25 =	vld [tilespmem:s17+$0x60]  }
0x2c7: {  	s20 =	simm.s32 $0xB;
	s7 =	simm.s32 $0xC;
	s19 =	simm.s32 $0x8;
	[tilespmem:v41+s28+$0x0] =	vst.idx.msk $0xffff, v40;
	v29 =	vadd.s32 v2, v20;
	v26 =	vld [tilespmem:s17+$0xFFFFFFA0]  }
.LBB2_23:
0x2c8: {  	p0 =	slt.u32 s7, $0x7C;
	v35 =	vmov s20;
	[tilespmem:v34+s28+$0x0] =	vst.idx.msk $0xffff, v33;
	v33 =	vld [tilespmem:s18+$0xFFFFFFB0];
	v34 =	vadd.s32 v3, v22;
	v22 =	vmov v20;
	s18 =	smov.u32 s17  }
0x2c9: {  	v20 =	vmov s19;
	v37 =	vadd.s32 v2, v23;
	s17 =	sadd.s32 $0x100, s17;
	v35 =	vand.u32 $0x7F, v35;
	v36 =	vld [tilespmem:s18+$0xFFFFFFE0];
	[tilespmem:v32+s28+$0x0] =	vst.idx.msk $0xffff, v31  }
0x2ca: {  	s20 =	sadd.s32 $0x1, s19;
	v20 =	vand.u32 $0x7C, v20;
	v31 =	vld [tilespmem:s17+$0x40];
	v32 =	vadd.s32 v0, v35;
	[tilespmem:v30+s28+$0x0] =	vst.idx.msk $0xffff, v27  }
0x2cb: {  	v38 =	vmov s20;
	s20 =	sadd.s32 $0x2, s19;
	s19 =	smov.u32 s7;
	v30 =	vadd.s32 v0, v20;
	v27 =	vld [tilespmem:s17+$0xFFFFFF80];
	[tilespmem:v28+s28+$0x0] =	vst.idx.msk $0xffff, v25  }
0x2cc: {  	v25 =	vand.u32 $0x7D, v38;
	v28 =	vmov s20;
	[tilespmem:v29+s28+$0x0] =	vst.idx.msk $0xffff, v26;
	v26 =	vld [tilespmem:s18+$0x70];
	v29 =	vadd.s32 v3, v24;
	v24 =	vmovc v35  }
0x2cd: {  	v38 =	vadd.s32 v0, v25;
	v28 =	vand.u32 $0x7E, v28;
	v35 =	vld [tilespmem:s17+$0xFFFFFFC0];
	[tilespmem:v34+s28+$0x0] =	vst.idx.msk $0xffff, v33  }
0x2ce: {  	v40 =	vadd.s32 v0, v28;
	v39 =	vld [tilespmem:s17+$0x0];
	[tilespmem:v37+s28+$0x0] =	vst.idx.msk $0xffff, v36  }
0x2cf: {  	v37 =	vadd.s32 v2, v21;
	[tilespmem:v32+s28+$0x0] =	vst.idx.msk $0xffff, v31;
	v36 =	vld [tilespmem:s18+$0x20]  }
0x2d0: {  	[tilespmem:v30+s28+$0x0] =	vst.idx.msk $0xffff, v27;
	v27 =	vld [tilespmem:s17+$0x50];
	v30 =	vadd.s32 v1, v24  }
0x2d1: {  	v42 =	vadd.s32 v1, v20;
	v41 =	vld [tilespmem:s17+$0xFFFFFF90];
	[tilespmem:v29+s28+$0x0] =	vst.idx.msk $0xffff, v26  }
0x2d2: {  	[tilespmem:v38+s28+$0x0] =	vst.idx.msk $0xffff, v35;
	v35 =	vld [tilespmem:s18+$0xFFFFFFF0];
	v38 =	vadd.s32 v3, v23;
	v23 =	vmov v25  }
.Ltmp10:
0x2d3: {  	v33 =	vld [tilespmem:s17+$0xFFFFFFD0];
	v34 =	vadd.s32 v1, v23;
	[tilespmem:v40+s28+$0x0] =	vst.idx.msk $0xffff, v39;
	(pc) =	sbr.rel @p0 .LBB2_23-.Ltmp10, $4  }
0x2d4: {  	v32 =	vadd.s32 v1, v28;
	v31 =	vld [tilespmem:s17+$0x10];
	[tilespmem:v37+s28+$0x0] =	vst.idx.msk $0xffff, v36  }
0x2d5: {  	[tilespmem:v30+s28+$0x0] =	vst.idx.msk $0xffff, v27;
	v27 =	vld [tilespmem:s18+$0x30];
	v30 =	vadd.s32 v3, v21;
	v21 =	vmov v28  }
0x2d6: {  	v28 =	vadd.s32 v2, v24;
	[tilespmem:v42+s28+$0x0] =	vst.idx.msk $0xffff, v41;
	v25 =	vld [tilespmem:s17+$0x60]  }
0x2d7: {  	s7 =	sadd.s32 $0x4, s7;
	s20 =	sadd.s32 $0x3, s19;
	v29 =	vadd.s32 v2, v20;
	v26 =	vld [tilespmem:s17+$0xFFFFFFA0];
	[tilespmem:v38+s28+$0x0] =	vst.idx.msk $0xffff, v35  }
0x2d8: {  	_ =	sdelay $0x2  }
0x2d9: {  	v35 =	vmov s20  }
0x2da: {  	s26 =	sadd.s32 $0x1, s19;
	[tilespmem:v34+s28+$0x0] =	vst.idx.msk $0xffff, v33;
	v54 =	vld [tilespmem:s18+$0xFFFFFFB0];
	v22 =	vadd.s32 v3, v22;
	s7 =	sadd.s32 $0x100, s17;
	v37 =	vmov s19;
	v34 =	vand.u32 $0x7F, v35  }
0x2db: {  	s29 =	sadd.s32 $0x2, s19;
	v55 =	vmov s26;
	[tilespmem:v32+s28+$0x0] =	vst.idx.msk $0xffff, v31;
	v56 =	vld [tilespmem:s7+$0x40];
	v37 =	vand.u32 $0x7C, v37;
	v57 =	vadd.s32 v0, v34  }
0x2dc: {  	v36 =	vmov s29;
	v38 =	vld [tilespmem:s7+$0xFFFFFF80];
	v35 =	vand.u32 $0x7D, v55;
	[tilespmem:v30+s28+$0x0] =	vst.idx.msk $0xffff, v27;
	v62 =	vadd.s32 v0, v37  }
0x2dd: {  	v58 =	vld [tilespmem:s7+$0xFFFFFFC0];
	v36 =	vand.u32 $0x7E, v36;
	v59 =	vadd.s32 v0, v35;
	[tilespmem:v28+s28+$0x0] =	vst.idx.msk $0xffff, v25  }
0x2de: {  	v60 =	vld [tilespmem:s7+$0x0];
	v61 =	vadd.s32 v0, v36;
	[tilespmem:v29+s28+$0x0] =	vst.idx.msk $0xffff, v26  }
0x2df: {  	v39 =	vadd.s32 v2, v23;
	v63 =	vld [tilespmem:s17+$0xFFFFFFE0];
	[tilespmem:v22+s28+$0x0] =	vst.idx.msk $0xffff, v54  }
0x2e0: {  	v47 =	vadd.s32 v2, v21;
	v46 =	vld [tilespmem:s17+$0x20];
	[tilespmem:v57+s28+$0x0] =	vst.idx.msk $0xffff, v56  }
0x2e1: {  	v41 =	vadd.s32 v1, v34;
	[tilespmem:v62+s28+$0x0] =	vst.idx.msk $0xffff, v38;
	v31 =	vld [tilespmem:s7+$0x50]  }
0x2e2: {  	v45 =	vadd.s32 v1, v37;
	[tilespmem:v59+s28+$0x0] =	vst.idx.msk $0xffff, v58;
	v44 =	vld [tilespmem:s7+$0xFFFFFF90]  }
0x2e3: {  	v42 =	vadd.s32 v1, v35;
	[tilespmem:v61+s28+$0x0] =	vst.idx.msk $0xffff, v60;
	v27 =	vld [tilespmem:s7+$0xFFFFFFD0]  }
0x2e4: {  	v43 =	vadd.s32 v1, v36;
	[tilespmem:v39+s28+$0x0] =	vst.idx.msk $0xffff, v63;
	v25 =	vld [tilespmem:s7+$0x10]  }
0x2e5: {  	v24 =	vadd.s32 v3, v24;
	v40 =	vld [tilespmem:s17+$0x70];
	[tilespmem:v47+s28+$0x0] =	vst.idx.msk $0xffff, v46  }
0x2e6: {  	v49 =	vadd.s32 v3, v23;
	v48 =	vld [tilespmem:s17+$0xFFFFFFF0];
	[tilespmem:v41+s28+$0x0] =	vst.idx.msk $0xffff, v31  }
0x2e7: {  	v50 =	vadd.s32 v2, v34;
	[tilespmem:v45+s28+$0x0] =	vst.idx.msk $0xffff, v44;
	v31 =	vld [tilespmem:s7+$0x60]  }
0x2e8: {  	v55 =	vadd.s32 v2, v37;
	[tilespmem:v42+s28+$0x0] =	vst.idx.msk $0xffff, v27;
	v54 =	vld [tilespmem:s7+$0xFFFFFFA0]  }
0x2e9: {  	v51 =	vadd.s32 v2, v35;
	[tilespmem:v43+s28+$0x0] =	vst.idx.msk $0xffff, v25;
	v27 =	vld [tilespmem:s7+$0xFFFFFFE0]  }
0x2ea: {  	v53 =	vadd.s32 v2, v36;
	[tilespmem:v24+s28+$0x0] =	vst.idx.msk $0xffff, v40;
	v52 =	vld [tilespmem:s7+$0x20]  }
0x2eb: {  	v20 =	vadd.s32 v3, v20;
	v57 =	vld [tilespmem:s17+$0xFFFFFFB0];
	[tilespmem:v49+s28+$0x0] =	vst.idx.msk $0xffff, v48  }
0x2ec: {  	v56 =	vadd.s32 v3, v21;
	v29 =	vld [tilespmem:s17+$0x30];
	[tilespmem:v50+s28+$0x0] =	vst.idx.msk $0xffff, v31  }
0x2ed: {  	v59 =	vadd.s32 v3, v34;
	[tilespmem:v55+s28+$0x0] =	vst.idx.msk $0xffff, v54;
	v58 =	vld [tilespmem:s7+$0x70]  }
0x2ee: {  	v63 =	vadd.s32 v3, v37;
	[tilespmem:v51+s28+$0x0] =	vst.idx.msk $0xffff, v27;
	v62 =	vld [tilespmem:s7+$0xFFFFFFB0]  }
0x2ef: {  	v60 =	vadd.s32 v3, v35;
	[tilespmem:v53+s28+$0x0] =	vst.idx.msk $0xffff, v52;
	v27 =	vld [tilespmem:s7+$0xFFFFFFF0]  }
0x2f0: {  	v61 =	vadd.s32 v3, v36;
	[tilespmem:v20+s28+$0x0] =	vst.idx.msk $0xffff, v57;
	v22 =	vld [tilespmem:s7+$0x30]  }
0x2f1: {  	s17 =	smul.u32 $0x140000, s16;
	[tilespmem:v56+s28+$0x0] =	vst.idx.msk $0xffff, v29  }
0x2f2: {  	[tilespmem:v59+s28+$0x0] =	vst.idx.msk $0xffff, v58  }
0x2f3: {  	s18 =	sor.u32 s6, s17;
	[tilespmem:v63+s28+$0x0] =	vst.idx.msk $0xffff, v62  }
0x2f4: {  	s7 =	sshrl.u32 s18, $0x3;
	[tilespmem:v60+s28+$0x0] =	vst.idx.msk $0xffff, v27  }
0x2f5: {  	s19 =	simm.s32 $0xB900;
	s18 =	sadd.s32 s2, s7;
	[tilespmem:v61+s28+$0x0] =	vst.idx.msk $0xffff, v22  }
0x2f6: {  	[hbm4b:s18+s3] =	stream.linear.scatter [tilespmem:s19], [sflag:$0x6], $0x80, $0x38;
	[tilespmem:$0x16300] =	vst v63  }
0x2f7: {  	s20 =	simm.s32 $0xB988;
	s25 =	sadd.s32 $0x10, s18  }
0x2f8: {  	[hbm4b:s25+s3] =	stream.linear.scatter [tilespmem:s20], [sflag:$0x6], $0x80, $0x38;
	[tilespmem:$0x16300] =	vst v63  }
0x2f9: {  	s26 =	simm.s32 $0xBA10;
	s7 =	simm.s32 $0x440;
	s29 =	sadd.s32 $0x20, s18  }
0x2fa: {  	[hbm4b:s29+s3] =	stream.linear.scatter [tilespmem:s26], [sflag:$0x6], $0x80, $0x38;
	[tilespmem:$0x16300] =	vst v63  }
0x2fb: {  	s19 =	simm.s32 $0x2200;
	s20 =	simm.s32 $0xBA98;
	s25 =	sadd.s32 $0x30, s18  }
0x2fc: {  	[hbm4b:s25+s3] =	stream.linear.scatter [tilespmem:s20], [sflag:$0x6], $0x80, $0x38;
	[tilespmem:$0x16300] =	vst v63  }
0x2fd: {  	s26 =	simm.s32 $0xBB20;
	s29 =	sadd.s32 $0x40, s18;
	s20 =	simm.s32 $0xBBA8  }
0x2fe: {  	[hbm4b:s29+s3] =	stream.linear.scatter [tilespmem:s26], [sflag:$0x6], $0x80, $0x38;
	[tilespmem:$0x16300] =	vst v63  }
0x2ff: {  	s25 =	sadd.s32 $0x50, s18;
	s26 =	simm.s32 $0xBC30;
	s29 =	sadd.s32 $0x60, s18  }
0x300: {  	[hbm4b:s25+s3] =	stream.linear.scatter [tilespmem:s20], [sflag:$0x6], $0x80, $0x38;
	[tilespmem:$0x16300] =	vst v63  }
0x301: {  	s20 =	simm.s32 $0xBCB8;
	s25 =	sadd.s32 $0x70, s18;
	s18 =	sadd.s32 $0x1000, s18  }
0x302: {  	[hbm4b:s29+s3] =	stream.linear.scatter [tilespmem:s26], [sflag:$0x6], $0x80, $0x38;
	[tilespmem:$0x16300] =	vst v63  }
.LBB2_25:
0x303: {  	[hbm4b:s25+s3] =	stream.linear.scatter [tilespmem:s20], [sflag:$0x6], $0x80, $0x38;
	[tilespmem:$0x16300] =	vst v63  }
0x304: {  	s20 =	smov.u32 s7;
	s7 =	smov.u32 s19  }
0x305: {  	s26 =	sadd.s32 $0x1100, s19;
	s7 =	sshra.s32 s7, $0x2;
	s25 =	sadd.s32 $0xB900, s20  }
0x306: {  	[hbm4b:s18+s3] =	stream.linear.scatter [tilespmem:s25], [sflag:$0x6], $0x80, $0x38;
	[tilespmem:$0x16300] =	vst v63  }
0x307: {  	p0 =	sne.s32 s19, $0x7700;
	s19 =	sadd.s32 $0xB988, s20;
	s25 =	sadd.s32 $0x10, s18  }
0x308: {  	[hbm4b:s25+s3] =	stream.linear.scatter [tilespmem:s19], [sflag:$0x6], $0x80, $0x38;
	[tilespmem:$0x16300] =	vst v63  }
0x309: {  	s19 =	sadd.s32 $0xBA10, s20;
	s25 =	sadd.s32 $0x20, s18  }
0x30a: {  	[hbm4b:s25+s3] =	stream.linear.scatter [tilespmem:s19], [sflag:$0x6], $0x80, $0x38;
	[tilespmem:$0x16300] =	vst v63  }
0x30b: {  	s19 =	sadd.s32 $0xBA98, s20;
	s25 =	sadd.s32 $0x30, s18  }
0x30c: {  	[hbm4b:s25+s3] =	stream.linear.scatter [tilespmem:s19], [sflag:$0x6], $0x80, $0x38;
	[tilespmem:$0x16300] =	vst v63  }
0x30d: {  	s19 =	sadd.s32 $0xBB20, s20;
	s25 =	sadd.s32 $0x40, s18  }
0x30e: {  	[hbm4b:s25+s3] =	stream.linear.scatter [tilespmem:s19], [sflag:$0x6], $0x80, $0x38;
	[tilespmem:$0x16300] =	vst v63  }
.Ltmp11:
0x30f: {  	s19 =	sadd.s32 $0xBBA8, s20;
	s25 =	sadd.s32 $0x50, s18;
	(pc) =	sbr.rel @p0 .LBB2_25-.Ltmp11, $4  }
0x310: {  	[hbm4b:s25+s3] =	stream.linear.scatter [tilespmem:s19], [sflag:$0x6], $0x80, $0x38;
	[tilespmem:$0x16300] =	vst v63  }
0x311: {  	s19 =	sadd.s32 $0xBC30, s20;
	s25 =	sadd.s32 $0x60, s18;
	s20 =	sadd.s32 $0xBCB8, s20  }
0x312: {  	[hbm4b:s25+s3] =	stream.linear.scatter [tilespmem:s19], [sflag:$0x6], $0x80, $0x38;
	[tilespmem:$0x16300] =	vst v63  }
0x313: {  	s25 =	sadd.s32 $0x70, s18;
	s18 =	sadd.s32 $0x1000, s18;
	s19 =	smov.u32 s26  }
0x314: {  	[hbm4b:s25+s3] =	stream.linear.scatter [tilespmem:s20], [sflag:$0x6], $0x80, $0x38;
	[tilespmem:$0x16300] =	vst v63  }
0x315: {  	s19 =	sadd.s32 $0xB900, s7  }
0x316: {  	[hbm4b:s18+s3] =	stream.linear.scatter [tilespmem:s19], [sflag:$0x6], $0x80, $0x38;
	[tilespmem:$0x16300] =	vst v63  }
0x317: {  	s20 =	sadd.s32 $0xB988, s7;
	s25 =	sadd.s32 $0x10, s18  }
0x318: {  	[hbm4b:s25+s3] =	stream.linear.scatter [tilespmem:s20], [sflag:$0x6], $0x80, $0x38;
	[tilespmem:$0x16300] =	vst v63  }
0x319: {  	s26 =	sadd.s32 $0xBA10, s7;
	s29 =	sadd.s32 $0x20, s18  }
0x31a: {  	[hbm4b:s29+s3] =	stream.linear.scatter [tilespmem:s26], [sflag:$0x6], $0x80, $0x38;
	[tilespmem:$0x16300] =	vst v63  }
0x31b: {  	s20 =	sadd.s32 $0xBA98, s7;
	s25 =	sadd.s32 $0x30, s18  }
0x31c: {  	[hbm4b:s25+s3] =	stream.linear.scatter [tilespmem:s20], [sflag:$0x6], $0x80, $0x38;
	[tilespmem:$0x16300] =	vst v63  }
0x31d: {  	s26 =	sadd.s32 $0xBB20, s7;
	s29 =	sadd.s32 $0x40, s18  }
0x31e: {  	[hbm4b:s29+s3] =	stream.linear.scatter [tilespmem:s26], [sflag:$0x6], $0x80, $0x38;
	[tilespmem:$0x16300] =	vst v63  }
0x31f: {  	s20 =	sadd.s32 $0xBBA8, s7;
	s25 =	sadd.s32 $0x50, s18  }
0x320: {  	[hbm4b:s25+s3] =	stream.linear.scatter [tilespmem:s20], [sflag:$0x6], $0x80, $0x38;
	[tilespmem:$0x16300] =	vst v63  }
0x321: {  	s26 =	sadd.s32 $0xBC30, s7;
	s29 =	sadd.s32 $0x60, s18;
	s25 =	smul.u32 $0xA00, s16  }
0x322: {  	[hbm4b:s29+s3] =	stream.linear.scatter [tilespmem:s26], [sflag:$0x6], $0x80, $0x38;
	[tilespmem:$0x16300] =	vst v63  }
0x323: {  	s19 =	sadd.s32 $0xBCB8, s7;
	s20 =	sadd.s32 $0x70, s18;
	s18 =	sshra.s32 s25, $0x2  }
0x324: {  	[hbm4b:s20+s3] =	stream.linear.scatter [tilespmem:s19], [sflag:$0x6], $0x80, $0x38;
	[tilespmem:$0x16300] =	vst v63  }
0x325: {  	s29 =	simm.s32 $0x1900;
	s26 =	sadd.s32 $0x280, s18  }
0x326: {  	[tilespmem:s29], [sflag:$0x1] =	stream.indirect.gather [hbm4b:s4+s22], $0x40, s26, s22, $0xb8;
	[tilespmem:$0x16300] =	vst v63  }
0x327: {  	_ =	swait.ge [sflag:s1], $0x2000  }
0x328: {  	[sflag:s1] =	ssyncset.done $0x0  }
0x329: {  	s20 =	simm.s32 $0x3;
	[sflag:s1] =	ssyncadd.s32 $0xFFFFE000  }
0x32a: {  	s25 =	simm.s32 $0x0;
	v20 =	vmov s20;
	_ =	swait.ge [sflag:s8], $0x2000  }
0x32b: {  	v21 =	vand.u32 $0x7F, v20;
	v20 =	vmov s25;
	s26 =	simm.s32 $0x1;
	[sflag:s8] =	ssyncset.done $0x0  }
0x32c: {  	s20 =	simm.s32 $0x39F0;
	v22 =	vand.u32 $0x7C, v20;
	v20 =	vmov s26;
	[sflag:s8] =	ssyncadd.s32 $0xFFFFE000  }
0x32d: {  	v24 =	vadd.s32 v4, v21;
	v27 =	vand.u32 $0x7D, v20;
	v23 =	vld [tilespmem:s20+$0xFFFFFFD0]  }
0x32e: {  	v28 =	vadd.s32 v4, v27;
	v20 =	vld [tilespmem:s20+$0xFFFFFF50]  }
0x32f: {  	s29 =	simm.s32 $0x2;
	v26 =	vadd.s32 v4, v22;
	v25 =	vld [tilespmem:s20+$0xFFFFFF10]  }
0x330: {  	v29 =	vmov s29  }
0x331: {  	v29 =	vand.u32 $0x7E, v29  }
0x332: {  	v31 =	vadd.s32 v4, v29;
	v30 =	vld [tilespmem:s20+$0xFFFFFF90];
	[tilespmem:v24+s28+$0x0] =	vst.idx.msk $0xffff, v23  }
0x333: {  	v24 =	vadd.s32 v5, v21;
	[tilespmem:v28+s28+$0x0] =	vst.idx.msk $0xffff, v20;
	v23 =	vld [tilespmem:s20+$0xFFFFFFE0]  }
0x334: {  	[tilespmem:v26+s28+$0x0] =	vst.idx.msk $0xffff, v25;
	v28 =	vadd.s32 v5, v27;
	v20 =	vld [tilespmem:s20+$0xFFFFFF60]  }
0x335: {  	v26 =	vadd.s32 v5, v22;
	v25 =	vld [tilespmem:s20+$0xFFFFFF20];
	_ =	sdelay $0x1  }
0x336: {  	[tilespmem:v31+s28+$0x0] =	vst.idx.msk $0xffff, v30  }
0x337: {  	v32 =	vadd.s32 v5, v29;
	v31 =	vld [tilespmem:s20+$0xFFFFFFA0];
	[tilespmem:v24+s28+$0x0] =	vst.idx.msk $0xffff, v23  }
0x338: {  	v30 =	vadd.s32 v6, v21;
	[tilespmem:v28+s28+$0x0] =	vst.idx.msk $0xffff, v20;
	v23 =	vld [tilespmem:s20+$0xFFFFFFF0]  }
0x339: {  	s19 =	simm.s32 $0x7;
	v33 =	vadd.s32 v6, v27;
	[tilespmem:v26+s28+$0x0] =	vst.idx.msk $0xffff, v25;
	v28 =	vld [tilespmem:s20+$0xFFFFFF70]  }
0x33a: {  	s25 =	simm.s32 $0x4;
	v26 =	vadd.s32 v6, v22;
	v24 =	vmov s19;
	v25 =	vld [tilespmem:s20+$0xFFFFFF30]  }
0x33b: {  	v20 =	vmov s25;
	s19 =	simm.s32 $0x3AF0;
	v24 =	vand.u32 $0x7F, v24  }
0x33c: {  	s26 =	simm.s32 $0x5;
	[tilespmem:v32+s28+$0x0] =	vst.idx.msk $0xffff, v31;
	v20 =	vand.u32 $0x7C, v20;
	v34 =	vld [tilespmem:s19+$0xFFFFFFD0];
	v35 =	vadd.s32 v4, v24  }
0x33d: {  	s29 =	simm.s32 $0x6;
	v38 =	vmov s26;
	v36 =	vld [tilespmem:s19+$0xFFFFFF10];
	v37 =	vadd.s32 v4, v20;
	[tilespmem:v30+s28+$0x0] =	vst.idx.msk $0xffff, v23  }
0x33e: {  	v62 =	vadd.s32 v6, v29;
	v23 =	vand.u32 $0x7D, v38;
	v30 =	vmov s29;
	[tilespmem:v33+s28+$0x0] =	vst.idx.msk $0xffff, v28;
	v28 =	vld [tilespmem:s20+$0xFFFFFFB0]  }
0x33f: {  	v60 =	vadd.s32 v7, v21;
	[tilespmem:v26+s28+$0x0] =	vst.idx.msk $0xffff, v25;
	v25 =	vld [tilespmem:s19+$0xFFFFFF50];
	v26 =	vadd.s32 v4, v23;
	v21 =	vand.u32 $0x7E, v30  }
0x340: {  	v30 =	vld [tilespmem:s19+$0xFFFFFF90];
	v61 =	vadd.s32 v4, v21  }
0x341: {  	v31 =	vld [tilespmem:s20+$0x0];
	[tilespmem:v35+s28+$0x0] =	vst.idx.msk $0xffff, v34  }
0x342: {  	v63 =	vadd.s32 v5, v24;
	[tilespmem:v37+s28+$0x0] =	vst.idx.msk $0xffff, v36;
	v35 =	vld [tilespmem:s19+$0xFFFFFFE0]  }
0x343: {  	v39 =	vadd.s32 v5, v20;
	v37 =	vld [tilespmem:s19+$0xFFFFFF20];
	[tilespmem:v62+s28+$0x0] =	vst.idx.msk $0xffff, v28  }
0x344: {  	v41 =	vadd.s32 v7, v27;
	v40 =	vld [tilespmem:s20+$0xFFFFFF80];
	[tilespmem:v26+s28+$0x0] =	vst.idx.msk $0xffff, v25  }
0x345: {  	v34 =	vadd.s32 v5, v23;
	v33 =	vld [tilespmem:s19+$0xFFFFFF60];
	[tilespmem:v61+s28+$0x0] =	vst.idx.msk $0xffff, v30  }
0x346: {  	v32 =	vadd.s32 v5, v21;
	[tilespmem:v60+s28+$0x0] =	vst.idx.msk $0xffff, v31;
	v31 =	vld [tilespmem:s19+$0xFFFFFFA0]  }
0x347: {  	v27 =	vld [tilespmem:s20+$0xFFFFFFC0];
	[tilespmem:v63+s28+$0x0] =	vst.idx.msk $0xffff, v35;
	v30 =	vadd.s32 v7, v29  }
0x348: {  	v28 =	vadd.s32 v6, v24;
	[tilespmem:v39+s28+$0x0] =	vst.idx.msk $0xffff, v37;
	v25 =	vld [tilespmem:s19+$0xFFFFFFF0]  }
0x349: {  	s7 =	simm.s32 $0x8;
	s26 =	simm.s32 $0xB;
	s25 =	simm.s32 $0xC;
	[tilespmem:v41+s28+$0x0] =	vst.idx.msk $0xffff, v40;
	v29 =	vadd.s32 v6, v20;
	v26 =	vld [tilespmem:s19+$0xFFFFFF30]  }
.LBB2_27:
0x34a: {  	p0 =	slt.u32 s25, $0x7C;
	v35 =	vmov s26;
	[tilespmem:v34+s28+$0x0] =	vst.idx.msk $0xffff, v33;
	v33 =	vld [tilespmem:s20+$0xFFFFFF40];
	v34 =	vadd.s32 v7, v22;
	v22 =	vmov v20;
	s20 =	smov.u32 s19  }
0x34b: {  	v20 =	vmov s7;
	v37 =	vadd.s32 v6, v23;
	s19 =	sadd.s32 $0x100, s19;
	v35 =	vand.u32 $0x7F, v35;
	v36 =	vld [tilespmem:s20+$0xFFFFFF70];
	[tilespmem:v32+s28+$0x0] =	vst.idx.msk $0xffff, v31  }
0x34c: {  	s26 =	sadd.s32 $0x1, s7;
	v20 =	vand.u32 $0x7C, v20;
	v31 =	vld [tilespmem:s19+$0xFFFFFFD0];
	v32 =	vadd.s32 v4, v35;
	[tilespmem:v30+s28+$0x0] =	vst.idx.msk $0xffff, v27  }
0x34d: {  	v38 =	vmov s26;
	s26 =	sadd.s32 $0x2, s7;
	s7 =	smov.u32 s25;
	v30 =	vadd.s32 v4, v20;
	v27 =	vld [tilespmem:s19+$0xFFFFFF10];
	[tilespmem:v28+s28+$0x0] =	vst.idx.msk $0xffff, v25  }
0x34e: {  	v25 =	vand.u32 $0x7D, v38;
	v28 =	vmov s26;
	[tilespmem:v29+s28+$0x0] =	vst.idx.msk $0xffff, v26;
	v26 =	vld [tilespmem:s20+$0x0];
	v29 =	vadd.s32 v7, v24;
	v24 =	vmovc v35  }
0x34f: {  	v38 =	vadd.s32 v4, v25;
	v28 =	vand.u32 $0x7E, v28;
	v35 =	vld [tilespmem:s19+$0xFFFFFF50];
	[tilespmem:v34+s28+$0x0] =	vst.idx.msk $0xffff, v33  }
0x350: {  	v40 =	vadd.s32 v4, v28;
	v39 =	vld [tilespmem:s19+$0xFFFFFF90];
	[tilespmem:v37+s28+$0x0] =	vst.idx.msk $0xffff, v36  }
0x351: {  	v37 =	vadd.s32 v6, v21;
	[tilespmem:v32+s28+$0x0] =	vst.idx.msk $0xffff, v31;
	v36 =	vld [tilespmem:s20+$0xFFFFFFB0]  }
0x352: {  	[tilespmem:v30+s28+$0x0] =	vst.idx.msk $0xffff, v27;
	v27 =	vld [tilespmem:s19+$0xFFFFFFE0];
	v30 =	vadd.s32 v5, v24  }
0x353: {  	v42 =	vadd.s32 v5, v20;
	v41 =	vld [tilespmem:s19+$0xFFFFFF20];
	[tilespmem:v29+s28+$0x0] =	vst.idx.msk $0xffff, v26  }
0x354: {  	[tilespmem:v38+s28+$0x0] =	vst.idx.msk $0xffff, v35;
	v35 =	vld [tilespmem:s20+$0xFFFFFF80];
	v38 =	vadd.s32 v7, v23;
	v23 =	vmov v25  }
.Ltmp12:
0x355: {  	v33 =	vld [tilespmem:s19+$0xFFFFFF60];
	v34 =	vadd.s32 v5, v23;
	[tilespmem:v40+s28+$0x0] =	vst.idx.msk $0xffff, v39;
	(pc) =	sbr.rel @p0 .LBB2_27-.Ltmp12, $4  }
0x356: {  	v32 =	vadd.s32 v5, v28;
	v31 =	vld [tilespmem:s19+$0xFFFFFFA0];
	[tilespmem:v37+s28+$0x0] =	vst.idx.msk $0xffff, v36  }
0x357: {  	[tilespmem:v30+s28+$0x0] =	vst.idx.msk $0xffff, v27;
	v27 =	vld [tilespmem:s20+$0xFFFFFFC0];
	v30 =	vadd.s32 v7, v21;
	v21 =	vmov v28  }
0x358: {  	v28 =	vadd.s32 v6, v24;
	[tilespmem:v42+s28+$0x0] =	vst.idx.msk $0xffff, v41;
	v25 =	vld [tilespmem:s19+$0xFFFFFFF0]  }
0x359: {  	s25 =	sadd.s32 $0x4, s25;
	s26 =	sadd.s32 $0x3, s7;
	v29 =	vadd.s32 v6, v20;
	v26 =	vld [tilespmem:s19+$0xFFFFFF30];
	[tilespmem:v38+s28+$0x0] =	vst.idx.msk $0xffff, v35  }
0x35a: {  	_ =	sdelay $0x2  }
0x35b: {  	v35 =	vmov s26  }
0x35c: {  	s25 =	sadd.s32 $0x1, s7;
	[tilespmem:v34+s28+$0x0] =	vst.idx.msk $0xffff, v33;
	v54 =	vld [tilespmem:s20+$0xFFFFFF40];
	v22 =	vadd.s32 v7, v22;
	s26 =	sadd.s32 $0x100, s19;
	v37 =	vmov s7;
	v34 =	vand.u32 $0x7F, v35  }
0x35d: {  	s29 =	sadd.s32 $0x2, s7;
	v55 =	vmov s25;
	[tilespmem:v32+s28+$0x0] =	vst.idx.msk $0xffff, v31;
	v56 =	vld [tilespmem:s26+$0xFFFFFFD0];
	v37 =	vand.u32 $0x7C, v37;
	v57 =	vadd.s32 v4, v34  }
0x35e: {  	v36 =	vmov s29;
	v38 =	vld [tilespmem:s26+$0xFFFFFF10];
	v35 =	vand.u32 $0x7D, v55;
	[tilespmem:v30+s28+$0x0] =	vst.idx.msk $0xffff, v27;
	v62 =	vadd.s32 v4, v37  }
0x35f: {  	v58 =	vld [tilespmem:s26+$0xFFFFFF50];
	v36 =	vand.u32 $0x7E, v36;
	v59 =	vadd.s32 v4, v35;
	[tilespmem:v28+s28+$0x0] =	vst.idx.msk $0xffff, v25  }
0x360: {  	v60 =	vld [tilespmem:s26+$0xFFFFFF90];
	v61 =	vadd.s32 v4, v36;
	[tilespmem:v29+s28+$0x0] =	vst.idx.msk $0xffff, v26  }
0x361: {  	v39 =	vadd.s32 v6, v23;
	v63 =	vld [tilespmem:s19+$0xFFFFFF70];
	[tilespmem:v22+s28+$0x0] =	vst.idx.msk $0xffff, v54  }
0x362: {  	v47 =	vadd.s32 v6, v21;
	v46 =	vld [tilespmem:s19+$0xFFFFFFB0];
	[tilespmem:v57+s28+$0x0] =	vst.idx.msk $0xffff, v56  }
0x363: {  	v41 =	vadd.s32 v5, v34;
	[tilespmem:v62+s28+$0x0] =	vst.idx.msk $0xffff, v38;
	v31 =	vld [tilespmem:s26+$0xFFFFFFE0]  }
0x364: {  	v45 =	vadd.s32 v5, v37;
	[tilespmem:v59+s28+$0x0] =	vst.idx.msk $0xffff, v58;
	v44 =	vld [tilespmem:s26+$0xFFFFFF20]  }
0x365: {  	v42 =	vadd.s32 v5, v35;
	[tilespmem:v61+s28+$0x0] =	vst.idx.msk $0xffff, v60;
	v27 =	vld [tilespmem:s26+$0xFFFFFF60]  }
0x366: {  	v43 =	vadd.s32 v5, v36;
	[tilespmem:v39+s28+$0x0] =	vst.idx.msk $0xffff, v63;
	v25 =	vld [tilespmem:s26+$0xFFFFFFA0]  }
0x367: {  	v24 =	vadd.s32 v7, v24;
	v40 =	vld [tilespmem:s19+$0x0];
	[tilespmem:v47+s28+$0x0] =	vst.idx.msk $0xffff, v46  }
0x368: {  	v49 =	vadd.s32 v7, v23;
	v48 =	vld [tilespmem:s19+$0xFFFFFF80];
	[tilespmem:v41+s28+$0x0] =	vst.idx.msk $0xffff, v31  }
0x369: {  	v50 =	vadd.s32 v6, v34;
	[tilespmem:v45+s28+$0x0] =	vst.idx.msk $0xffff, v44;
	v31 =	vld [tilespmem:s26+$0xFFFFFFF0]  }
0x36a: {  	v55 =	vadd.s32 v6, v37;
	[tilespmem:v42+s28+$0x0] =	vst.idx.msk $0xffff, v27;
	v54 =	vld [tilespmem:s26+$0xFFFFFF30]  }
0x36b: {  	v51 =	vadd.s32 v6, v35;
	[tilespmem:v43+s28+$0x0] =	vst.idx.msk $0xffff, v25;
	v27 =	vld [tilespmem:s26+$0xFFFFFF70]  }
0x36c: {  	v53 =	vadd.s32 v6, v36;
	[tilespmem:v24+s28+$0x0] =	vst.idx.msk $0xffff, v40;
	v52 =	vld [tilespmem:s26+$0xFFFFFFB0]  }
0x36d: {  	v20 =	vadd.s32 v7, v20;
	v57 =	vld [tilespmem:s19+$0xFFFFFF40];
	[tilespmem:v49+s28+$0x0] =	vst.idx.msk $0xffff, v48  }
0x36e: {  	v56 =	vadd.s32 v7, v21;
	v29 =	vld [tilespmem:s19+$0xFFFFFFC0];
	[tilespmem:v50+s28+$0x0] =	vst.idx.msk $0xffff, v31  }
0x36f: {  	v59 =	vadd.s32 v7, v34;
	[tilespmem:v55+s28+$0x0] =	vst.idx.msk $0xffff, v54;
	v58 =	vld [tilespmem:s26+$0x0]  }
0x370: {  	v63 =	vadd.s32 v7, v37;
	[tilespmem:v51+s28+$0x0] =	vst.idx.msk $0xffff, v27;
	v62 =	vld [tilespmem:s26+$0xFFFFFF40]  }
0x371: {  	v60 =	vadd.s32 v7, v35;
	[tilespmem:v53+s28+$0x0] =	vst.idx.msk $0xffff, v52;
	v27 =	vld [tilespmem:s26+$0xFFFFFF80]  }
0x372: {  	v61 =	vadd.s32 v7, v36;
	[tilespmem:v20+s28+$0x0] =	vst.idx.msk $0xffff, v57;
	v22 =	vld [tilespmem:s26+$0xFFFFFFC0]  }
0x373: {  	[tilespmem:v56+s28+$0x0] =	vst.idx.msk $0xffff, v29  }
0x374: {  	[tilespmem:v59+s28+$0x0] =	vst.idx.msk $0xffff, v58  }
0x375: {  	s26 =	sadd.s32 s12, s17;
	[tilespmem:v63+s28+$0x0] =	vst.idx.msk $0xffff, v62  }
0x376: {  	s7 =	sshrl.u32 s26, $0x3;
	[tilespmem:v60+s28+$0x0] =	vst.idx.msk $0xffff, v27  }
0x377: {  	s29 =	simm.s32 $0xDB00;
	s19 =	sadd.s32 s2, s7;
	[tilespmem:v61+s28+$0x0] =	vst.idx.msk $0xffff, v22  }
0x378: {  	[hbm4b:s19+s3] =	stream.linear.scatter [tilespmem:s29], [sflag:$0x7], $0x80, $0x38;
	[tilespmem:$0x16300] =	vst v63  }
0x379: {  	s20 =	simm.s32 $0xDB88;
	s25 =	sadd.s32 $0x10, s19  }
0x37a: {  	[hbm4b:s25+s3] =	stream.linear.scatter [tilespmem:s20], [sflag:$0x7], $0x80, $0x38;
	[tilespmem:$0x16300] =	vst v63  }
0x37b: {  	s26 =	simm.s32 $0xDC10;
	s29 =	sadd.s32 $0x20, s19  }
0x37c: {  	[hbm4b:s29+s3] =	stream.linear.scatter [tilespmem:s26], [sflag:$0x7], $0x80, $0x38;
	[tilespmem:$0x16300] =	vst v63  }
0x37d: {  	s20 =	simm.s32 $0xDC98;
	s25 =	sadd.s32 $0x30, s19  }
0x37e: {  	[hbm4b:s25+s3] =	stream.linear.scatter [tilespmem:s20], [sflag:$0x7], $0x80, $0x38;
	[tilespmem:$0x16300] =	vst v63  }
0x37f: {  	s26 =	simm.s32 $0xDD20;
	s29 =	sadd.s32 $0x40, s19  }
0x380: {  	[hbm4b:s29+s3] =	stream.linear.scatter [tilespmem:s26], [sflag:$0x7], $0x80, $0x38;
	[tilespmem:$0x16300] =	vst v63  }
0x381: {  	s7 =	simm.s32 $0x440;
	s20 =	simm.s32 $0xDDA8;
	s25 =	sadd.s32 $0x50, s19  }
0x382: {  	[hbm4b:s25+s3] =	stream.linear.scatter [tilespmem:s20], [sflag:$0x7], $0x80, $0x38;
	[tilespmem:$0x16300] =	vst v63  }
0x383: {  	s26 =	simm.s32 $0xDE30;
	s29 =	sadd.s32 $0x60, s19;
	s20 =	simm.s32 $0x2200  }
0x384: {  	[hbm4b:s29+s3] =	stream.linear.scatter [tilespmem:s26], [sflag:$0x7], $0x80, $0x38;
	[tilespmem:$0x16300] =	vst v63  }
0x385: {  	s25 =	simm.s32 $0xDEB8;
	s26 =	sadd.s32 $0x70, s19;
	s19 =	sadd.s32 $0x1000, s19  }
.LBB2_29:
0x386: {  	[hbm4b:s26+s3] =	stream.linear.scatter [tilespmem:s25], [sflag:$0x7], $0x80, $0x38;
	[tilespmem:$0x16300] =	vst v63  }
0x387: {  	s25 =	smov.u32 s7;
	s7 =	smov.u32 s20  }
0x388: {  	s29 =	sadd.s32 $0x1100, s20;
	s7 =	sshra.s32 s7, $0x2;
	s26 =	sadd.s32 $0xDB00, s25  }
0x389: {  	[hbm4b:s19+s3] =	stream.linear.scatter [tilespmem:s26], [sflag:$0x7], $0x80, $0x38;
	[tilespmem:$0x16300] =	vst v63  }
0x38a: {  	p0 =	sne.s32 s20, $0x7700;
	s20 =	sadd.s32 $0xDB88, s25;
	s26 =	sadd.s32 $0x10, s19  }
0x38b: {  	[hbm4b:s26+s3] =	stream.linear.scatter [tilespmem:s20], [sflag:$0x7], $0x80, $0x38;
	[tilespmem:$0x16300] =	vst v63  }
0x38c: {  	s20 =	sadd.s32 $0xDC10, s25;
	s26 =	sadd.s32 $0x20, s19  }
0x38d: {  	[hbm4b:s26+s3] =	stream.linear.scatter [tilespmem:s20], [sflag:$0x7], $0x80, $0x38;
	[tilespmem:$0x16300] =	vst v63  }
0x38e: {  	s20 =	sadd.s32 $0xDC98, s25;
	s26 =	sadd.s32 $0x30, s19  }
0x38f: {  	[hbm4b:s26+s3] =	stream.linear.scatter [tilespmem:s20], [sflag:$0x7], $0x80, $0x38;
	[tilespmem:$0x16300] =	vst v63  }
0x390: {  	s20 =	sadd.s32 $0xDD20, s25;
	s26 =	sadd.s32 $0x40, s19  }
0x391: {  	[hbm4b:s26+s3] =	stream.linear.scatter [tilespmem:s20], [sflag:$0x7], $0x80, $0x38;
	[tilespmem:$0x16300] =	vst v63  }
.Ltmp13:
0x392: {  	s20 =	sadd.s32 $0xDDA8, s25;
	s26 =	sadd.s32 $0x50, s19;
	(pc) =	sbr.rel @p0 .LBB2_29-.Ltmp13, $4  }
0x393: {  	[hbm4b:s26+s3] =	stream.linear.scatter [tilespmem:s20], [sflag:$0x7], $0x80, $0x38;
	[tilespmem:$0x16300] =	vst v63  }
0x394: {  	s20 =	sadd.s32 $0xDE30, s25;
	s26 =	sadd.s32 $0x60, s19;
	s25 =	sadd.s32 $0xDEB8, s25  }
0x395: {  	[hbm4b:s26+s3] =	stream.linear.scatter [tilespmem:s20], [sflag:$0x7], $0x80, $0x38;
	[tilespmem:$0x16300] =	vst v63  }
0x396: {  	s26 =	sadd.s32 $0x70, s19;
	s19 =	sadd.s32 $0x1000, s19;
	s20 =	smov.u32 s29  }
0x397: {  	[hbm4b:s26+s3] =	stream.linear.scatter [tilespmem:s25], [sflag:$0x7], $0x80, $0x38;
	[tilespmem:$0x16300] =	vst v63  }
0x398: {  	s20 =	sadd.s32 $0xDB00, s7  }
0x399: {  	[hbm4b:s19+s3] =	stream.linear.scatter [tilespmem:s20], [sflag:$0x7], $0x80, $0x38;
	[tilespmem:$0x16300] =	vst v63  }
0x39a: {  	s26 =	sadd.s32 $0xDB88, s7;
	s29 =	sadd.s32 $0x10, s19  }
0x39b: {  	[hbm4b:s29+s3] =	stream.linear.scatter [tilespmem:s26], [sflag:$0x7], $0x80, $0x38;
	[tilespmem:$0x16300] =	vst v63  }
0x39c: {  	s26 =	sadd.s32 $0xDC10, s7;
	s29 =	sadd.s32 $0x20, s19  }
0x39d: {  	[hbm4b:s29+s3] =	stream.linear.scatter [tilespmem:s26], [sflag:$0x7], $0x80, $0x38;
	[tilespmem:$0x16300] =	vst v63  }
0x39e: {  	s26 =	sadd.s32 $0xDC98, s7;
	s29 =	sadd.s32 $0x30, s19  }
0x39f: {  	[hbm4b:s29+s3] =	stream.linear.scatter [tilespmem:s26], [sflag:$0x7], $0x80, $0x38;
	[tilespmem:$0x16300] =	vst v63  }
0x3a0: {  	s26 =	sadd.s32 $0xDD20, s7;
	s29 =	sadd.s32 $0x40, s19  }
0x3a1: {  	[hbm4b:s29+s3] =	stream.linear.scatter [tilespmem:s26], [sflag:$0x7], $0x80, $0x38;
	[tilespmem:$0x16300] =	vst v63  }
0x3a2: {  	s26 =	sadd.s32 $0xDDA8, s7;
	s29 =	sadd.s32 $0x50, s19  }
0x3a3: {  	[hbm4b:s29+s3] =	stream.linear.scatter [tilespmem:s26], [sflag:$0x7], $0x80, $0x38;
	[tilespmem:$0x16300] =	vst v63  }
0x3a4: {  	s26 =	sadd.s32 $0xDE30, s7;
	s29 =	sadd.s32 $0x60, s19  }
0x3a5: {  	[hbm4b:s29+s3] =	stream.linear.scatter [tilespmem:s26], [sflag:$0x7], $0x80, $0x38;
	[tilespmem:$0x16300] =	vst v63  }
0x3a6: {  	s25 =	sadd.s32 $0x70, s19;
	s20 =	sadd.s32 $0xDEB8, s7  }
0x3a7: {  	[hbm4b:s25+s3] =	stream.linear.scatter [tilespmem:s20], [sflag:$0x7], $0x80, $0x38;
	[tilespmem:$0x16300] =	vst v63  }
0x3a8: {  	s26 =	sadd.s32 $0x300, s18;
	s29 =	simm.s32 $0x3900  }
0x3a9: {  	[tilespmem:s29], [sflag:$0x2] =	stream.indirect.gather [hbm4b:s4+s22], $0x40, s26, s22, $0xb8;
	[tilespmem:$0x16300] =	vst v63  }
0x3aa: {  	_ =	swait.ge [sflag:s30], $0x2000  }
0x3ab: {  	[sflag:s30] =	ssyncset.done $0x0  }
0x3ac: {  	s20 =	simm.s32 $0x3;
	[sflag:s30] =	ssyncadd.s32 $0xFFFFE000  }
0x3ad: {  	s25 =	simm.s32 $0x0;
	v20 =	vmov s20;
	_ =	swait.ge [sflag:s9], $0x2000  }
0x3ae: {  	v21 =	vand.u32 $0x7F, v20;
	v20 =	vmov s25;
	s26 =	simm.s32 $0x1;
	[sflag:s9] =	ssyncset.done $0x0  }
0x3af: {  	s20 =	simm.s32 $0x59F0;
	v22 =	vand.u32 $0x7C, v20;
	v20 =	vmov s26;
	[sflag:s9] =	ssyncadd.s32 $0xFFFFE000  }
0x3b0: {  	v24 =	vadd.s32 v8, v21;
	v27 =	vand.u32 $0x7D, v20;
	v23 =	vld [tilespmem:s20+$0xFFFFFFD0]  }
0x3b1: {  	v28 =	vadd.s32 v8, v27;
	v20 =	vld [tilespmem:s20+$0xFFFFFF50]  }
0x3b2: {  	s29 =	simm.s32 $0x2;
	v26 =	vadd.s32 v8, v22;
	v25 =	vld [tilespmem:s20+$0xFFFFFF10]  }
0x3b3: {  	v29 =	vmov s29  }
0x3b4: {  	v29 =	vand.u32 $0x7E, v29  }
0x3b5: {  	v31 =	vadd.s32 v8, v29;
	v30 =	vld [tilespmem:s20+$0xFFFFFF90];
	[tilespmem:v24+s28+$0x0] =	vst.idx.msk $0xffff, v23  }
0x3b6: {  	v24 =	vadd.s32 v9, v21;
	[tilespmem:v28+s28+$0x0] =	vst.idx.msk $0xffff, v20;
	v23 =	vld [tilespmem:s20+$0xFFFFFFE0]  }
0x3b7: {  	[tilespmem:v26+s28+$0x0] =	vst.idx.msk $0xffff, v25;
	v28 =	vadd.s32 v9, v27;
	v20 =	vld [tilespmem:s20+$0xFFFFFF60]  }
0x3b8: {  	v26 =	vadd.s32 v9, v22;
	v25 =	vld [tilespmem:s20+$0xFFFFFF20];
	_ =	sdelay $0x1  }
0x3b9: {  	[tilespmem:v31+s28+$0x0] =	vst.idx.msk $0xffff, v30  }
0x3ba: {  	v32 =	vadd.s32 v9, v29;
	v31 =	vld [tilespmem:s20+$0xFFFFFFA0];
	[tilespmem:v24+s28+$0x0] =	vst.idx.msk $0xffff, v23  }
0x3bb: {  	v30 =	vadd.s32 v10, v21;
	[tilespmem:v28+s28+$0x0] =	vst.idx.msk $0xffff, v20;
	v23 =	vld [tilespmem:s20+$0xFFFFFFF0]  }
0x3bc: {  	s19 =	simm.s32 $0x7;
	v33 =	vadd.s32 v10, v27;
	[tilespmem:v26+s28+$0x0] =	vst.idx.msk $0xffff, v25;
	v28 =	vld [tilespmem:s20+$0xFFFFFF70]  }
0x3bd: {  	s25 =	simm.s32 $0x4;
	v26 =	vadd.s32 v10, v22;
	v24 =	vmov s19;
	v25 =	vld [tilespmem:s20+$0xFFFFFF30]  }
0x3be: {  	v20 =	vmov s25;
	s19 =	simm.s32 $0x5AF0;
	v24 =	vand.u32 $0x7F, v24  }
0x3bf: {  	s26 =	simm.s32 $0x5;
	[tilespmem:v32+s28+$0x0] =	vst.idx.msk $0xffff, v31;
	v20 =	vand.u32 $0x7C, v20;
	v34 =	vld [tilespmem:s19+$0xFFFFFFD0];
	v35 =	vadd.s32 v8, v24  }
0x3c0: {  	s29 =	simm.s32 $0x6;
	v38 =	vmov s26;
	v36 =	vld [tilespmem:s19+$0xFFFFFF10];
	v37 =	vadd.s32 v8, v20;
	[tilespmem:v30+s28+$0x0] =	vst.idx.msk $0xffff, v23  }
0x3c1: {  	v62 =	vadd.s32 v10, v29;
	v23 =	vand.u32 $0x7D, v38;
	v30 =	vmov s29;
	[tilespmem:v33+s28+$0x0] =	vst.idx.msk $0xffff, v28;
	v28 =	vld [tilespmem:s20+$0xFFFFFFB0]  }
0x3c2: {  	v60 =	vadd.s32 v11, v21;
	[tilespmem:v26+s28+$0x0] =	vst.idx.msk $0xffff, v25;
	v25 =	vld [tilespmem:s19+$0xFFFFFF50];
	v26 =	vadd.s32 v8, v23;
	v21 =	vand.u32 $0x7E, v30  }
0x3c3: {  	v30 =	vld [tilespmem:s19+$0xFFFFFF90];
	v61 =	vadd.s32 v8, v21  }
0x3c4: {  	v31 =	vld [tilespmem:s20+$0x0];
	[tilespmem:v35+s28+$0x0] =	vst.idx.msk $0xffff, v34  }
0x3c5: {  	v63 =	vadd.s32 v9, v24;
	[tilespmem:v37+s28+$0x0] =	vst.idx.msk $0xffff, v36;
	v35 =	vld [tilespmem:s19+$0xFFFFFFE0]  }
0x3c6: {  	v39 =	vadd.s32 v9, v20;
	v37 =	vld [tilespmem:s19+$0xFFFFFF20];
	[tilespmem:v62+s28+$0x0] =	vst.idx.msk $0xffff, v28  }
0x3c7: {  	v41 =	vadd.s32 v11, v27;
	v40 =	vld [tilespmem:s20+$0xFFFFFF80];
	[tilespmem:v26+s28+$0x0] =	vst.idx.msk $0xffff, v25  }
0x3c8: {  	v34 =	vadd.s32 v9, v23;
	v33 =	vld [tilespmem:s19+$0xFFFFFF60];
	[tilespmem:v61+s28+$0x0] =	vst.idx.msk $0xffff, v30  }
0x3c9: {  	v32 =	vadd.s32 v9, v21;
	[tilespmem:v60+s28+$0x0] =	vst.idx.msk $0xffff, v31;
	v31 =	vld [tilespmem:s19+$0xFFFFFFA0]  }
0x3ca: {  	v27 =	vld [tilespmem:s20+$0xFFFFFFC0];
	[tilespmem:v63+s28+$0x0] =	vst.idx.msk $0xffff, v35;
	v30 =	vadd.s32 v11, v29  }
0x3cb: {  	v28 =	vadd.s32 v10, v24;
	[tilespmem:v39+s28+$0x0] =	vst.idx.msk $0xffff, v37;
	v25 =	vld [tilespmem:s19+$0xFFFFFFF0]  }
0x3cc: {  	s7 =	simm.s32 $0x8;
	s26 =	simm.s32 $0xB;
	s25 =	simm.s32 $0xC;
	[tilespmem:v41+s28+$0x0] =	vst.idx.msk $0xffff, v40;
	v29 =	vadd.s32 v10, v20;
	v26 =	vld [tilespmem:s19+$0xFFFFFF30]  }
.LBB2_31:
0x3cd: {  	p0 =	slt.u32 s25, $0x7C;
	v35 =	vmov s26;
	[tilespmem:v34+s28+$0x0] =	vst.idx.msk $0xffff, v33;
	v33 =	vld [tilespmem:s20+$0xFFFFFF40];
	v34 =	vadd.s32 v11, v22;
	v22 =	vmov v20;
	s20 =	smov.u32 s19  }
0x3ce: {  	v20 =	vmov s7;
	v37 =	vadd.s32 v10, v23;
	s19 =	sadd.s32 $0x100, s19;
	v35 =	vand.u32 $0x7F, v35;
	v36 =	vld [tilespmem:s20+$0xFFFFFF70];
	[tilespmem:v32+s28+$0x0] =	vst.idx.msk $0xffff, v31  }
0x3cf: {  	s26 =	sadd.s32 $0x1, s7;
	v20 =	vand.u32 $0x7C, v20;
	v31 =	vld [tilespmem:s19+$0xFFFFFFD0];
	v32 =	vadd.s32 v8, v35;
	[tilespmem:v30+s28+$0x0] =	vst.idx.msk $0xffff, v27  }
0x3d0: {  	v38 =	vmov s26;
	s26 =	sadd.s32 $0x2, s7;
	s7 =	smov.u32 s25;
	v30 =	vadd.s32 v8, v20;
	v27 =	vld [tilespmem:s19+$0xFFFFFF10];
	[tilespmem:v28+s28+$0x0] =	vst.idx.msk $0xffff, v25  }
0x3d1: {  	v25 =	vand.u32 $0x7D, v38;
	v28 =	vmov s26;
	[tilespmem:v29+s28+$0x0] =	vst.idx.msk $0xffff, v26;
	v26 =	vld [tilespmem:s20+$0x0];
	v29 =	vadd.s32 v11, v24;
	v24 =	vmovc v35  }
0x3d2: {  	v38 =	vadd.s32 v8, v25;
	v28 =	vand.u32 $0x7E, v28;
	v35 =	vld [tilespmem:s19+$0xFFFFFF50];
	[tilespmem:v34+s28+$0x0] =	vst.idx.msk $0xffff, v33  }
0x3d3: {  	v40 =	vadd.s32 v8, v28;
	v39 =	vld [tilespmem:s19+$0xFFFFFF90];
	[tilespmem:v37+s28+$0x0] =	vst.idx.msk $0xffff, v36  }
0x3d4: {  	v37 =	vadd.s32 v10, v21;
	[tilespmem:v32+s28+$0x0] =	vst.idx.msk $0xffff, v31;
	v36 =	vld [tilespmem:s20+$0xFFFFFFB0]  }
0x3d5: {  	[tilespmem:v30+s28+$0x0] =	vst.idx.msk $0xffff, v27;
	v27 =	vld [tilespmem:s19+$0xFFFFFFE0];
	v30 =	vadd.s32 v9, v24  }
0x3d6: {  	v42 =	vadd.s32 v9, v20;
	v41 =	vld [tilespmem:s19+$0xFFFFFF20];
	[tilespmem:v29+s28+$0x0] =	vst.idx.msk $0xffff, v26  }
0x3d7: {  	[tilespmem:v38+s28+$0x0] =	vst.idx.msk $0xffff, v35;
	v35 =	vld [tilespmem:s20+$0xFFFFFF80];
	v38 =	vadd.s32 v11, v23;
	v23 =	vmov v25  }
.Ltmp14:
0x3d8: {  	v33 =	vld [tilespmem:s19+$0xFFFFFF60];
	v34 =	vadd.s32 v9, v23;
	[tilespmem:v40+s28+$0x0] =	vst.idx.msk $0xffff, v39;
	(pc) =	sbr.rel @p0 .LBB2_31-.Ltmp14, $4  }
0x3d9: {  	v32 =	vadd.s32 v9, v28;
	v31 =	vld [tilespmem:s19+$0xFFFFFFA0];
	[tilespmem:v37+s28+$0x0] =	vst.idx.msk $0xffff, v36  }
0x3da: {  	[tilespmem:v30+s28+$0x0] =	vst.idx.msk $0xffff, v27;
	v27 =	vld [tilespmem:s20+$0xFFFFFFC0];
	v30 =	vadd.s32 v11, v21;
	v21 =	vmov v28  }
0x3db: {  	v28 =	vadd.s32 v10, v24;
	[tilespmem:v42+s28+$0x0] =	vst.idx.msk $0xffff, v41;
	v25 =	vld [tilespmem:s19+$0xFFFFFFF0]  }
0x3dc: {  	s25 =	sadd.s32 $0x4, s25;
	s26 =	sadd.s32 $0x3, s7;
	v29 =	vadd.s32 v10, v20;
	v26 =	vld [tilespmem:s19+$0xFFFFFF30];
	[tilespmem:v38+s28+$0x0] =	vst.idx.msk $0xffff, v35  }
0x3dd: {  	_ =	sdelay $0x2  }
0x3de: {  	v35 =	vmov s26  }
0x3df: {  	s25 =	sadd.s32 $0x1, s7;
	[tilespmem:v34+s28+$0x0] =	vst.idx.msk $0xffff, v33;
	v54 =	vld [tilespmem:s20+$0xFFFFFF40];
	v22 =	vadd.s32 v11, v22;
	s26 =	sadd.s32 $0x100, s19;
	v37 =	vmov s7;
	v34 =	vand.u32 $0x7F, v35  }
0x3e0: {  	s29 =	sadd.s32 $0x2, s7;
	v55 =	vmov s25;
	[tilespmem:v32+s28+$0x0] =	vst.idx.msk $0xffff, v31;
	v56 =	vld [tilespmem:s26+$0xFFFFFFD0];
	v37 =	vand.u32 $0x7C, v37;
	v57 =	vadd.s32 v8, v34  }
0x3e1: {  	v36 =	vmov s29;
	v38 =	vld [tilespmem:s26+$0xFFFFFF10];
	v35 =	vand.u32 $0x7D, v55;
	[tilespmem:v30+s28+$0x0] =	vst.idx.msk $0xffff, v27;
	v62 =	vadd.s32 v8, v37  }
0x3e2: {  	v58 =	vld [tilespmem:s26+$0xFFFFFF50];
	v36 =	vand.u32 $0x7E, v36;
	v59 =	vadd.s32 v8, v35;
	[tilespmem:v28+s28+$0x0] =	vst.idx.msk $0xffff, v25  }
0x3e3: {  	v60 =	vld [tilespmem:s26+$0xFFFFFF90];
	v61 =	vadd.s32 v8, v36;
	[tilespmem:v29+s28+$0x0] =	vst.idx.msk $0xffff, v26  }
0x3e4: {  	v39 =	vadd.s32 v10, v23;
	v63 =	vld [tilespmem:s19+$0xFFFFFF70];
	[tilespmem:v22+s28+$0x0] =	vst.idx.msk $0xffff, v54  }
0x3e5: {  	v47 =	vadd.s32 v10, v21;
	v46 =	vld [tilespmem:s19+$0xFFFFFFB0];
	[tilespmem:v57+s28+$0x0] =	vst.idx.msk $0xffff, v56  }
0x3e6: {  	v41 =	vadd.s32 v9, v34;
	[tilespmem:v62+s28+$0x0] =	vst.idx.msk $0xffff, v38;
	v31 =	vld [tilespmem:s26+$0xFFFFFFE0]  }
0x3e7: {  	v45 =	vadd.s32 v9, v37;
	[tilespmem:v59+s28+$0x0] =	vst.idx.msk $0xffff, v58;
	v44 =	vld [tilespmem:s26+$0xFFFFFF20]  }
0x3e8: {  	v42 =	vadd.s32 v9, v35;
	[tilespmem:v61+s28+$0x0] =	vst.idx.msk $0xffff, v60;
	v27 =	vld [tilespmem:s26+$0xFFFFFF60]  }
0x3e9: {  	v43 =	vadd.s32 v9, v36;
	[tilespmem:v39+s28+$0x0] =	vst.idx.msk $0xffff, v63;
	v25 =	vld [tilespmem:s26+$0xFFFFFFA0]  }
0x3ea: {  	v24 =	vadd.s32 v11, v24;
	v40 =	vld [tilespmem:s19+$0x0];
	[tilespmem:v47+s28+$0x0] =	vst.idx.msk $0xffff, v46  }
0x3eb: {  	v49 =	vadd.s32 v11, v23;
	v48 =	vld [tilespmem:s19+$0xFFFFFF80];
	[tilespmem:v41+s28+$0x0] =	vst.idx.msk $0xffff, v31  }
0x3ec: {  	v50 =	vadd.s32 v10, v34;
	[tilespmem:v45+s28+$0x0] =	vst.idx.msk $0xffff, v44;
	v31 =	vld [tilespmem:s26+$0xFFFFFFF0]  }
0x3ed: {  	v55 =	vadd.s32 v10, v37;
	[tilespmem:v42+s28+$0x0] =	vst.idx.msk $0xffff, v27;
	v54 =	vld [tilespmem:s26+$0xFFFFFF30]  }
0x3ee: {  	v51 =	vadd.s32 v10, v35;
	[tilespmem:v43+s28+$0x0] =	vst.idx.msk $0xffff, v25;
	v27 =	vld [tilespmem:s26+$0xFFFFFF70]  }
0x3ef: {  	v53 =	vadd.s32 v10, v36;
	[tilespmem:v24+s28+$0x0] =	vst.idx.msk $0xffff, v40;
	v52 =	vld [tilespmem:s26+$0xFFFFFFB0]  }
0x3f0: {  	v20 =	vadd.s32 v11, v20;
	v57 =	vld [tilespmem:s19+$0xFFFFFF40];
	[tilespmem:v49+s28+$0x0] =	vst.idx.msk $0xffff, v48  }
0x3f1: {  	v56 =	vadd.s32 v11, v21;
	v29 =	vld [tilespmem:s19+$0xFFFFFFC0];
	[tilespmem:v50+s28+$0x0] =	vst.idx.msk $0xffff, v31  }
0x3f2: {  	v59 =	vadd.s32 v11, v34;
	[tilespmem:v55+s28+$0x0] =	vst.idx.msk $0xffff, v54;
	v58 =	vld [tilespmem:s26+$0x0]  }
0x3f3: {  	v63 =	vadd.s32 v11, v37;
	[tilespmem:v51+s28+$0x0] =	vst.idx.msk $0xffff, v27;
	v62 =	vld [tilespmem:s26+$0xFFFFFF40]  }
0x3f4: {  	v60 =	vadd.s32 v11, v35;
	[tilespmem:v53+s28+$0x0] =	vst.idx.msk $0xffff, v52;
	v27 =	vld [tilespmem:s26+$0xFFFFFF80]  }
0x3f5: {  	v61 =	vadd.s32 v11, v36;
	[tilespmem:v20+s28+$0x0] =	vst.idx.msk $0xffff, v57;
	v22 =	vld [tilespmem:s26+$0xFFFFFFC0]  }
0x3f6: {  	[tilespmem:v56+s28+$0x0] =	vst.idx.msk $0xffff, v29  }
0x3f7: {  	[tilespmem:v59+s28+$0x0] =	vst.idx.msk $0xffff, v58  }
0x3f8: {  	s26 =	sadd.s32 s13, s17;
	[tilespmem:v63+s28+$0x0] =	vst.idx.msk $0xffff, v62  }
0x3f9: {  	s7 =	sshrl.u32 s26, $0x3;
	[tilespmem:v60+s28+$0x0] =	vst.idx.msk $0xffff, v27  }
0x3fa: {  	s29 =	simm.s32 $0xFD00;
	s19 =	sadd.s32 s2, s7;
	[tilespmem:v61+s28+$0x0] =	vst.idx.msk $0xffff, v22  }
0x3fb: {  	[hbm4b:s19+s3] =	stream.linear.scatter [tilespmem:s29], [sflag:$0x8], $0x80, $0x38;
	[tilespmem:$0x16300] =	vst v63  }
0x3fc: {  	s20 =	simm.s32 $0xFD88;
	s25 =	sadd.s32 $0x10, s19  }
0x3fd: {  	[hbm4b:s25+s3] =	stream.linear.scatter [tilespmem:s20], [sflag:$0x8], $0x80, $0x38;
	[tilespmem:$0x16300] =	vst v63  }
0x3fe: {  	s26 =	simm.s32 $0xFE10;
	s29 =	sadd.s32 $0x20, s19  }
0x3ff: {  	[hbm4b:s29+s3] =	stream.linear.scatter [tilespmem:s26], [sflag:$0x8], $0x80, $0x38;
	[tilespmem:$0x16300] =	vst v63  }
0x400: {  	s20 =	simm.s32 $0xFE98;
	s25 =	sadd.s32 $0x30, s19  }
0x401: {  	[hbm4b:s25+s3] =	stream.linear.scatter [tilespmem:s20], [sflag:$0x8], $0x80, $0x38;
	[tilespmem:$0x16300] =	vst v63  }
0x402: {  	s26 =	simm.s32 $0xFF20;
	s29 =	sadd.s32 $0x40, s19  }
0x403: {  	[hbm4b:s29+s3] =	stream.linear.scatter [tilespmem:s26], [sflag:$0x8], $0x80, $0x38;
	[tilespmem:$0x16300] =	vst v63  }
0x404: {  	s7 =	simm.s32 $0x440;
	s20 =	simm.s32 $0xFFA8;
	s25 =	sadd.s32 $0x50, s19  }
0x405: {  	[hbm4b:s25+s3] =	stream.linear.scatter [tilespmem:s20], [sflag:$0x8], $0x80, $0x38;
	[tilespmem:$0x16300] =	vst v63  }
0x406: {  	s26 =	simm.s32 $0x10030;
	s29 =	sadd.s32 $0x60, s19;
	s20 =	simm.s32 $0x2200  }
0x407: {  	[hbm4b:s29+s3] =	stream.linear.scatter [tilespmem:s26], [sflag:$0x8], $0x80, $0x38;
	[tilespmem:$0x16300] =	vst v63  }
0x408: {  	s25 =	simm.s32 $0x100B8;
	s26 =	sadd.s32 $0x70, s19;
	s19 =	sadd.s32 $0x1000, s19  }
.LBB2_33:
0x409: {  	[hbm4b:s26+s3] =	stream.linear.scatter [tilespmem:s25], [sflag:$0x8], $0x80, $0x38;
	[tilespmem:$0x16300] =	vst v63  }
0x40a: {  	s25 =	smov.u32 s7;
	s7 =	smov.u32 s20  }
0x40b: {  	s29 =	sadd.s32 $0x1100, s20;
	s7 =	sshra.s32 s7, $0x2;
	s26 =	sadd.s32 $0xFD00, s25  }
0x40c: {  	[hbm4b:s19+s3] =	stream.linear.scatter [tilespmem:s26], [sflag:$0x8], $0x80, $0x38;
	[tilespmem:$0x16300] =	vst v63  }
0x40d: {  	p0 =	sne.s32 s20, $0x7700;
	s20 =	sadd.s32 $0xFD88, s25;
	s26 =	sadd.s32 $0x10, s19  }
0x40e: {  	[hbm4b:s26+s3] =	stream.linear.scatter [tilespmem:s20], [sflag:$0x8], $0x80, $0x38;
	[tilespmem:$0x16300] =	vst v63  }
0x40f: {  	s20 =	sadd.s32 $0xFE10, s25;
	s26 =	sadd.s32 $0x20, s19  }
0x410: {  	[hbm4b:s26+s3] =	stream.linear.scatter [tilespmem:s20], [sflag:$0x8], $0x80, $0x38;
	[tilespmem:$0x16300] =	vst v63  }
0x411: {  	s20 =	sadd.s32 $0xFE98, s25;
	s26 =	sadd.s32 $0x30, s19  }
0x412: {  	[hbm4b:s26+s3] =	stream.linear.scatter [tilespmem:s20], [sflag:$0x8], $0x80, $0x38;
	[tilespmem:$0x16300] =	vst v63  }
0x413: {  	s20 =	sadd.s32 $0xFF20, s25;
	s26 =	sadd.s32 $0x40, s19  }
0x414: {  	[hbm4b:s26+s3] =	stream.linear.scatter [tilespmem:s20], [sflag:$0x8], $0x80, $0x38;
	[tilespmem:$0x16300] =	vst v63  }
.Ltmp15:
0x415: {  	s20 =	sadd.s32 $0xFFA8, s25;
	s26 =	sadd.s32 $0x50, s19;
	(pc) =	sbr.rel @p0 .LBB2_33-.Ltmp15, $4  }
0x416: {  	[hbm4b:s26+s3] =	stream.linear.scatter [tilespmem:s20], [sflag:$0x8], $0x80, $0x38;
	[tilespmem:$0x16300] =	vst v63  }
0x417: {  	s20 =	sadd.s32 $0x10030, s25;
	s26 =	sadd.s32 $0x60, s19;
	s25 =	sadd.s32 $0x100B8, s25  }
0x418: {  	[hbm4b:s26+s3] =	stream.linear.scatter [tilespmem:s20], [sflag:$0x8], $0x80, $0x38;
	[tilespmem:$0x16300] =	vst v63  }
0x419: {  	s26 =	sadd.s32 $0x70, s19;
	s19 =	sadd.s32 $0x1000, s19;
	s20 =	smov.u32 s29  }
0x41a: {  	[hbm4b:s26+s3] =	stream.linear.scatter [tilespmem:s25], [sflag:$0x8], $0x80, $0x38;
	[tilespmem:$0x16300] =	vst v63  }
0x41b: {  	s20 =	sadd.s32 $0xFD00, s7  }
0x41c: {  	[hbm4b:s19+s3] =	stream.linear.scatter [tilespmem:s20], [sflag:$0x8], $0x80, $0x38;
	[tilespmem:$0x16300] =	vst v63  }
0x41d: {  	s26 =	sadd.s32 $0xFD88, s7;
	s29 =	sadd.s32 $0x10, s19  }
0x41e: {  	[hbm4b:s29+s3] =	stream.linear.scatter [tilespmem:s26], [sflag:$0x8], $0x80, $0x38;
	[tilespmem:$0x16300] =	vst v63  }
0x41f: {  	s26 =	sadd.s32 $0xFE10, s7;
	s29 =	sadd.s32 $0x20, s19  }
0x420: {  	[hbm4b:s29+s3] =	stream.linear.scatter [tilespmem:s26], [sflag:$0x8], $0x80, $0x38;
	[tilespmem:$0x16300] =	vst v63  }
0x421: {  	s26 =	sadd.s32 $0xFE98, s7;
	s29 =	sadd.s32 $0x30, s19  }
0x422: {  	[hbm4b:s29+s3] =	stream.linear.scatter [tilespmem:s26], [sflag:$0x8], $0x80, $0x38;
	[tilespmem:$0x16300] =	vst v63  }
0x423: {  	s26 =	sadd.s32 $0xFF20, s7;
	s29 =	sadd.s32 $0x40, s19  }
0x424: {  	[hbm4b:s29+s3] =	stream.linear.scatter [tilespmem:s26], [sflag:$0x8], $0x80, $0x38;
	[tilespmem:$0x16300] =	vst v63  }
0x425: {  	s26 =	sadd.s32 $0xFFA8, s7;
	s29 =	sadd.s32 $0x50, s19  }
0x426: {  	[hbm4b:s29+s3] =	stream.linear.scatter [tilespmem:s26], [sflag:$0x8], $0x80, $0x38;
	[tilespmem:$0x16300] =	vst v63  }
0x427: {  	s26 =	sadd.s32 $0x10030, s7;
	s29 =	sadd.s32 $0x60, s19  }
0x428: {  	[hbm4b:s29+s3] =	stream.linear.scatter [tilespmem:s26], [sflag:$0x8], $0x80, $0x38;
	[tilespmem:$0x16300] =	vst v63  }
0x429: {  	s25 =	sadd.s32 $0x70, s19;
	s20 =	sadd.s32 $0x100B8, s7  }
0x42a: {  	[hbm4b:s25+s3] =	stream.linear.scatter [tilespmem:s20], [sflag:$0x8], $0x80, $0x38;
	[tilespmem:$0x16300] =	vst v63  }
0x42b: {  	s26 =	sadd.s32 $0x380, s18;
	s29 =	simm.s32 $0x5900  }
0x42c: {  	[tilespmem:s29], [sflag:$0x3] =	stream.indirect.gather [hbm4b:s4+s22], $0x40, s26, s22, $0xb8;
	[tilespmem:$0x16300] =	vst v63  }
0x42d: {  	_ =	swait.ge [sflag:s5], $0x2000  }
0x42e: {  	[sflag:s5] =	ssyncset.done $0x0  }
0x42f: {  	s20 =	simm.s32 $0x3;
	[sflag:s5] =	ssyncadd.s32 $0xFFFFE000  }
0x430: {  	s25 =	simm.s32 $0x0;
	v20 =	vmov s20;
	_ =	swait.ge [sflag:s10], $0x2000  }
0x431: {  	v21 =	vand.u32 $0x7F, v20;
	v20 =	vmov s25;
	s26 =	simm.s32 $0x1;
	[sflag:s10] =	ssyncset.done $0x0  }
0x432: {  	s20 =	simm.s32 $0x79F0;
	v22 =	vand.u32 $0x7C, v20;
	v20 =	vmov s26;
	[sflag:s10] =	ssyncadd.s32 $0xFFFFE000  }
0x433: {  	v24 =	vadd.s32 v12, v21;
	v27 =	vand.u32 $0x7D, v20;
	v23 =	vld [tilespmem:s20+$0xFFFFFFD0]  }
0x434: {  	v28 =	vadd.s32 v12, v27;
	v20 =	vld [tilespmem:s20+$0xFFFFFF50]  }
0x435: {  	s29 =	simm.s32 $0x2;
	v26 =	vadd.s32 v12, v22;
	v25 =	vld [tilespmem:s20+$0xFFFFFF10]  }
0x436: {  	v29 =	vmov s29  }
0x437: {  	v29 =	vand.u32 $0x7E, v29  }
0x438: {  	v31 =	vadd.s32 v12, v29;
	v30 =	vld [tilespmem:s20+$0xFFFFFF90];
	[tilespmem:v24+s28+$0x0] =	vst.idx.msk $0xffff, v23  }
0x439: {  	v24 =	vadd.s32 v13, v21;
	[tilespmem:v28+s28+$0x0] =	vst.idx.msk $0xffff, v20;
	v23 =	vld [tilespmem:s20+$0xFFFFFFE0]  }
0x43a: {  	[tilespmem:v26+s28+$0x0] =	vst.idx.msk $0xffff, v25;
	v28 =	vadd.s32 v13, v27;
	v20 =	vld [tilespmem:s20+$0xFFFFFF60]  }
0x43b: {  	v26 =	vadd.s32 v13, v22;
	v25 =	vld [tilespmem:s20+$0xFFFFFF20];
	_ =	sdelay $0x1  }
0x43c: {  	[tilespmem:v31+s28+$0x0] =	vst.idx.msk $0xffff, v30  }
0x43d: {  	v32 =	vadd.s32 v13, v29;
	v31 =	vld [tilespmem:s20+$0xFFFFFFA0];
	[tilespmem:v24+s28+$0x0] =	vst.idx.msk $0xffff, v23  }
0x43e: {  	v30 =	vadd.s32 v14, v21;
	[tilespmem:v28+s28+$0x0] =	vst.idx.msk $0xffff, v20;
	v23 =	vld [tilespmem:s20+$0xFFFFFFF0]  }
0x43f: {  	s19 =	simm.s32 $0x7;
	v33 =	vadd.s32 v14, v27;
	[tilespmem:v26+s28+$0x0] =	vst.idx.msk $0xffff, v25;
	v28 =	vld [tilespmem:s20+$0xFFFFFF70]  }
0x440: {  	s25 =	simm.s32 $0x4;
	v26 =	vadd.s32 v14, v22;
	v24 =	vmov s19;
	v25 =	vld [tilespmem:s20+$0xFFFFFF30]  }
0x441: {  	v20 =	vmov s25;
	s19 =	simm.s32 $0x7AF0;
	v24 =	vand.u32 $0x7F, v24  }
0x442: {  	s26 =	simm.s32 $0x5;
	[tilespmem:v32+s28+$0x0] =	vst.idx.msk $0xffff, v31;
	v20 =	vand.u32 $0x7C, v20;
	v34 =	vld [tilespmem:s19+$0xFFFFFFD0];
	v35 =	vadd.s32 v12, v24  }
0x443: {  	s29 =	simm.s32 $0x6;
	v38 =	vmov s26;
	v36 =	vld [tilespmem:s19+$0xFFFFFF10];
	v37 =	vadd.s32 v12, v20;
	[tilespmem:v30+s28+$0x0] =	vst.idx.msk $0xffff, v23  }
0x444: {  	v62 =	vadd.s32 v14, v29;
	v23 =	vand.u32 $0x7D, v38;
	v30 =	vmov s29;
	[tilespmem:v33+s28+$0x0] =	vst.idx.msk $0xffff, v28;
	v28 =	vld [tilespmem:s20+$0xFFFFFFB0]  }
0x445: {  	v60 =	vadd.s32 v15, v21;
	[tilespmem:v26+s28+$0x0] =	vst.idx.msk $0xffff, v25;
	v25 =	vld [tilespmem:s19+$0xFFFFFF50];
	v26 =	vadd.s32 v12, v23;
	v21 =	vand.u32 $0x7E, v30  }
0x446: {  	v30 =	vld [tilespmem:s19+$0xFFFFFF90];
	v61 =	vadd.s32 v12, v21  }
0x447: {  	v31 =	vld [tilespmem:s20+$0x0];
	[tilespmem:v35+s28+$0x0] =	vst.idx.msk $0xffff, v34  }
0x448: {  	v63 =	vadd.s32 v13, v24;
	[tilespmem:v37+s28+$0x0] =	vst.idx.msk $0xffff, v36;
	v35 =	vld [tilespmem:s19+$0xFFFFFFE0]  }
0x449: {  	v39 =	vadd.s32 v13, v20;
	v37 =	vld [tilespmem:s19+$0xFFFFFF20];
	[tilespmem:v62+s28+$0x0] =	vst.idx.msk $0xffff, v28  }
0x44a: {  	v41 =	vadd.s32 v15, v27;
	v40 =	vld [tilespmem:s20+$0xFFFFFF80];
	[tilespmem:v26+s28+$0x0] =	vst.idx.msk $0xffff, v25  }
0x44b: {  	v34 =	vadd.s32 v13, v23;
	v33 =	vld [tilespmem:s19+$0xFFFFFF60];
	[tilespmem:v61+s28+$0x0] =	vst.idx.msk $0xffff, v30  }
0x44c: {  	v32 =	vadd.s32 v13, v21;
	[tilespmem:v60+s28+$0x0] =	vst.idx.msk $0xffff, v31;
	v31 =	vld [tilespmem:s19+$0xFFFFFFA0]  }
0x44d: {  	v27 =	vld [tilespmem:s20+$0xFFFFFFC0];
	[tilespmem:v63+s28+$0x0] =	vst.idx.msk $0xffff, v35;
	v30 =	vadd.s32 v15, v29  }
0x44e: {  	v28 =	vadd.s32 v14, v24;
	[tilespmem:v39+s28+$0x0] =	vst.idx.msk $0xffff, v37;
	v25 =	vld [tilespmem:s19+$0xFFFFFFF0]  }
0x44f: {  	s7 =	simm.s32 $0x8;
	s26 =	simm.s32 $0xB;
	s25 =	simm.s32 $0xC;
	[tilespmem:v41+s28+$0x0] =	vst.idx.msk $0xffff, v40;
	v29 =	vadd.s32 v14, v20;
	v26 =	vld [tilespmem:s19+$0xFFFFFF30]  }
.LBB2_35:
0x450: {  	p0 =	slt.u32 s25, $0x7C;
	v35 =	vmov s26;
	[tilespmem:v34+s28+$0x0] =	vst.idx.msk $0xffff, v33;
	v33 =	vld [tilespmem:s20+$0xFFFFFF40];
	v34 =	vadd.s32 v15, v22;
	v22 =	vmov v20;
	s20 =	smov.u32 s19  }
0x451: {  	v20 =	vmov s7;
	v37 =	vadd.s32 v14, v23;
	s19 =	sadd.s32 $0x100, s19;
	v35 =	vand.u32 $0x7F, v35;
	v36 =	vld [tilespmem:s20+$0xFFFFFF70];
	[tilespmem:v32+s28+$0x0] =	vst.idx.msk $0xffff, v31  }
0x452: {  	s26 =	sadd.s32 $0x1, s7;
	v20 =	vand.u32 $0x7C, v20;
	v31 =	vld [tilespmem:s19+$0xFFFFFFD0];
	v32 =	vadd.s32 v12, v35;
	[tilespmem:v30+s28+$0x0] =	vst.idx.msk $0xffff, v27  }
0x453: {  	v38 =	vmov s26;
	s26 =	sadd.s32 $0x2, s7;
	s7 =	smov.u32 s25;
	v30 =	vadd.s32 v12, v20;
	v27 =	vld [tilespmem:s19+$0xFFFFFF10];
	[tilespmem:v28+s28+$0x0] =	vst.idx.msk $0xffff, v25  }
0x454: {  	v25 =	vand.u32 $0x7D, v38;
	v28 =	vmov s26;
	[tilespmem:v29+s28+$0x0] =	vst.idx.msk $0xffff, v26;
	v26 =	vld [tilespmem:s20+$0x0];
	v29 =	vadd.s32 v15, v24;
	v24 =	vmovc v35  }
0x455: {  	v38 =	vadd.s32 v12, v25;
	v28 =	vand.u32 $0x7E, v28;
	v35 =	vld [tilespmem:s19+$0xFFFFFF50];
	[tilespmem:v34+s28+$0x0] =	vst.idx.msk $0xffff, v33  }
0x456: {  	v40 =	vadd.s32 v12, v28;
	v39 =	vld [tilespmem:s19+$0xFFFFFF90];
	[tilespmem:v37+s28+$0x0] =	vst.idx.msk $0xffff, v36  }
0x457: {  	v37 =	vadd.s32 v14, v21;
	[tilespmem:v32+s28+$0x0] =	vst.idx.msk $0xffff, v31;
	v36 =	vld [tilespmem:s20+$0xFFFFFFB0]  }
0x458: {  	[tilespmem:v30+s28+$0x0] =	vst.idx.msk $0xffff, v27;
	v27 =	vld [tilespmem:s19+$0xFFFFFFE0];
	v30 =	vadd.s32 v13, v24  }
0x459: {  	v42 =	vadd.s32 v13, v20;
	v41 =	vld [tilespmem:s19+$0xFFFFFF20];
	[tilespmem:v29+s28+$0x0] =	vst.idx.msk $0xffff, v26  }
0x45a: {  	[tilespmem:v38+s28+$0x0] =	vst.idx.msk $0xffff, v35;
	v35 =	vld [tilespmem:s20+$0xFFFFFF80];
	v38 =	vadd.s32 v15, v23;
	v23 =	vmov v25  }
.Ltmp16:
0x45b: {  	v33 =	vld [tilespmem:s19+$0xFFFFFF60];
	v34 =	vadd.s32 v13, v23;
	[tilespmem:v40+s28+$0x0] =	vst.idx.msk $0xffff, v39;
	(pc) =	sbr.rel @p0 .LBB2_35-.Ltmp16, $4  }
0x45c: {  	v32 =	vadd.s32 v13, v28;
	v31 =	vld [tilespmem:s19+$0xFFFFFFA0];
	[tilespmem:v37+s28+$0x0] =	vst.idx.msk $0xffff, v36  }
0x45d: {  	[tilespmem:v30+s28+$0x0] =	vst.idx.msk $0xffff, v27;
	v27 =	vld [tilespmem:s20+$0xFFFFFFC0];
	v30 =	vadd.s32 v15, v21;
	v21 =	vmov v28  }
0x45e: {  	v28 =	vadd.s32 v14, v24;
	[tilespmem:v42+s28+$0x0] =	vst.idx.msk $0xffff, v41;
	v25 =	vld [tilespmem:s19+$0xFFFFFFF0]  }
0x45f: {  	s25 =	sadd.s32 $0x4, s25;
	s26 =	sadd.s32 $0x3, s7;
	v29 =	vadd.s32 v14, v20;
	v26 =	vld [tilespmem:s19+$0xFFFFFF30];
	[tilespmem:v38+s28+$0x0] =	vst.idx.msk $0xffff, v35  }
0x460: {  	_ =	sdelay $0x2  }
0x461: {  	v35 =	vmov s26  }
0x462: {  	s25 =	sadd.s32 $0x1, s7;
	[tilespmem:v34+s28+$0x0] =	vst.idx.msk $0xffff, v33;
	v54 =	vld [tilespmem:s20+$0xFFFFFF40];
	v22 =	vadd.s32 v15, v22;
	s26 =	sadd.s32 $0x100, s19;
	v37 =	vmov s7;
	v34 =	vand.u32 $0x7F, v35  }
0x463: {  	s29 =	sadd.s32 $0x2, s7;
	v55 =	vmov s25;
	[tilespmem:v32+s28+$0x0] =	vst.idx.msk $0xffff, v31;
	v56 =	vld [tilespmem:s26+$0xFFFFFFD0];
	v37 =	vand.u32 $0x7C, v37;
	v57 =	vadd.s32 v12, v34  }
0x464: {  	v36 =	vmov s29;
	v38 =	vld [tilespmem:s26+$0xFFFFFF10];
	v35 =	vand.u32 $0x7D, v55;
	[tilespmem:v30+s28+$0x0] =	vst.idx.msk $0xffff, v27;
	v62 =	vadd.s32 v12, v37  }
0x465: {  	v58 =	vld [tilespmem:s26+$0xFFFFFF50];
	v36 =	vand.u32 $0x7E, v36;
	v59 =	vadd.s32 v12, v35;
	[tilespmem:v28+s28+$0x0] =	vst.idx.msk $0xffff, v25  }
0x466: {  	v60 =	vld [tilespmem:s26+$0xFFFFFF90];
	v61 =	vadd.s32 v12, v36;
	[tilespmem:v29+s28+$0x0] =	vst.idx.msk $0xffff, v26  }
0x467: {  	v39 =	vadd.s32 v14, v23;
	v63 =	vld [tilespmem:s19+$0xFFFFFF70];
	[tilespmem:v22+s28+$0x0] =	vst.idx.msk $0xffff, v54  }
0x468: {  	v47 =	vadd.s32 v14, v21;
	v46 =	vld [tilespmem:s19+$0xFFFFFFB0];
	[tilespmem:v57+s28+$0x0] =	vst.idx.msk $0xffff, v56  }
0x469: {  	v41 =	vadd.s32 v13, v34;
	[tilespmem:v62+s28+$0x0] =	vst.idx.msk $0xffff, v38;
	v31 =	vld [tilespmem:s26+$0xFFFFFFE0]  }
0x46a: {  	v45 =	vadd.s32 v13, v37;
	[tilespmem:v59+s28+$0x0] =	vst.idx.msk $0xffff, v58;
	v44 =	vld [tilespmem:s26+$0xFFFFFF20]  }
0x46b: {  	v42 =	vadd.s32 v13, v35;
	[tilespmem:v61+s28+$0x0] =	vst.idx.msk $0xffff, v60;
	v27 =	vld [tilespmem:s26+$0xFFFFFF60]  }
0x46c: {  	v43 =	vadd.s32 v13, v36;
	[tilespmem:v39+s28+$0x0] =	vst.idx.msk $0xffff, v63;
	v25 =	vld [tilespmem:s26+$0xFFFFFFA0]  }
0x46d: {  	v24 =	vadd.s32 v15, v24;
	v40 =	vld [tilespmem:s19+$0x0];
	[tilespmem:v47+s28+$0x0] =	vst.idx.msk $0xffff, v46  }
0x46e: {  	v49 =	vadd.s32 v15, v23;
	v48 =	vld [tilespmem:s19+$0xFFFFFF80];
	[tilespmem:v41+s28+$0x0] =	vst.idx.msk $0xffff, v31  }
0x46f: {  	v50 =	vadd.s32 v14, v34;
	[tilespmem:v45+s28+$0x0] =	vst.idx.msk $0xffff, v44;
	v31 =	vld [tilespmem:s26+$0xFFFFFFF0]  }
0x470: {  	v55 =	vadd.s32 v14, v37;
	[tilespmem:v42+s28+$0x0] =	vst.idx.msk $0xffff, v27;
	v54 =	vld [tilespmem:s26+$0xFFFFFF30]  }
0x471: {  	v51 =	vadd.s32 v14, v35;
	[tilespmem:v43+s28+$0x0] =	vst.idx.msk $0xffff, v25;
	v27 =	vld [tilespmem:s26+$0xFFFFFF70]  }
0x472: {  	v53 =	vadd.s32 v14, v36;
	[tilespmem:v24+s28+$0x0] =	vst.idx.msk $0xffff, v40;
	v52 =	vld [tilespmem:s26+$0xFFFFFFB0]  }
0x473: {  	v20 =	vadd.s32 v15, v20;
	v57 =	vld [tilespmem:s19+$0xFFFFFF40];
	[tilespmem:v49+s28+$0x0] =	vst.idx.msk $0xffff, v48  }
0x474: {  	v56 =	vadd.s32 v15, v21;
	v29 =	vld [tilespmem:s19+$0xFFFFFFC0];
	[tilespmem:v50+s28+$0x0] =	vst.idx.msk $0xffff, v31  }
0x475: {  	v59 =	vadd.s32 v15, v34;
	[tilespmem:v55+s28+$0x0] =	vst.idx.msk $0xffff, v54;
	v58 =	vld [tilespmem:s26+$0x0]  }
0x476: {  	v63 =	vadd.s32 v15, v37;
	[tilespmem:v51+s28+$0x0] =	vst.idx.msk $0xffff, v27;
	v62 =	vld [tilespmem:s26+$0xFFFFFF40]  }
0x477: {  	v60 =	vadd.s32 v15, v35;
	[tilespmem:v53+s28+$0x0] =	vst.idx.msk $0xffff, v52;
	v27 =	vld [tilespmem:s26+$0xFFFFFF80]  }
0x478: {  	v61 =	vadd.s32 v15, v36;
	[tilespmem:v20+s28+$0x0] =	vst.idx.msk $0xffff, v57;
	v22 =	vld [tilespmem:s26+$0xFFFFFFC0]  }
0x479: {  	[tilespmem:v56+s28+$0x0] =	vst.idx.msk $0xffff, v29  }
0x47a: {  	[tilespmem:v59+s28+$0x0] =	vst.idx.msk $0xffff, v58  }
0x47b: {  	s26 =	sadd.s32 s14, s17;
	[tilespmem:v63+s28+$0x0] =	vst.idx.msk $0xffff, v62  }
0x47c: {  	s7 =	sshrl.u32 s26, $0x3;
	[tilespmem:v60+s28+$0x0] =	vst.idx.msk $0xffff, v27  }
0x47d: {  	s29 =	simm.s32 $0x11F00;
	s19 =	sadd.s32 s2, s7;
	[tilespmem:v61+s28+$0x0] =	vst.idx.msk $0xffff, v22  }
0x47e: {  	[hbm4b:s19+s3] =	stream.linear.scatter [tilespmem:s29], [sflag:$0x9], $0x80, $0x38;
	[tilespmem:$0x16300] =	vst v63  }
0x47f: {  	s20 =	simm.s32 $0x11F88;
	s25 =	sadd.s32 $0x10, s19  }
0x480: {  	[hbm4b:s25+s3] =	stream.linear.scatter [tilespmem:s20], [sflag:$0x9], $0x80, $0x38;
	[tilespmem:$0x16300] =	vst v63  }
0x481: {  	s26 =	simm.s32 $0x12010;
	s29 =	sadd.s32 $0x20, s19  }
0x482: {  	[hbm4b:s29+s3] =	stream.linear.scatter [tilespmem:s26], [sflag:$0x9], $0x80, $0x38;
	[tilespmem:$0x16300] =	vst v63  }
0x483: {  	s20 =	simm.s32 $0x12098;
	s25 =	sadd.s32 $0x30, s19  }
0x484: {  	[hbm4b:s25+s3] =	stream.linear.scatter [tilespmem:s20], [sflag:$0x9], $0x80, $0x38;
	[tilespmem:$0x16300] =	vst v63  }
0x485: {  	s26 =	simm.s32 $0x12120;
	s29 =	sadd.s32 $0x40, s19  }
0x486: {  	[hbm4b:s29+s3] =	stream.linear.scatter [tilespmem:s26], [sflag:$0x9], $0x80, $0x38;
	[tilespmem:$0x16300] =	vst v63  }
0x487: {  	s7 =	simm.s32 $0x440;
	s20 =	simm.s32 $0x121A8;
	s25 =	sadd.s32 $0x50, s19  }
0x488: {  	[hbm4b:s25+s3] =	stream.linear.scatter [tilespmem:s20], [sflag:$0x9], $0x80, $0x38;
	[tilespmem:$0x16300] =	vst v63  }
0x489: {  	s26 =	simm.s32 $0x12230;
	s29 =	sadd.s32 $0x60, s19;
	s20 =	simm.s32 $0x2200  }
0x48a: {  	[hbm4b:s29+s3] =	stream.linear.scatter [tilespmem:s26], [sflag:$0x9], $0x80, $0x38;
	[tilespmem:$0x16300] =	vst v63  }
0x48b: {  	s25 =	simm.s32 $0x122B8;
	s26 =	sadd.s32 $0x70, s19;
	s19 =	sadd.s32 $0x1000, s19  }
.LBB2_37:
0x48c: {  	[hbm4b:s26+s3] =	stream.linear.scatter [tilespmem:s25], [sflag:$0x9], $0x80, $0x38;
	[tilespmem:$0x16300] =	vst v63  }
0x48d: {  	s25 =	smov.u32 s7;
	s7 =	smov.u32 s20  }
0x48e: {  	s29 =	sadd.s32 $0x1100, s20;
	s7 =	sshra.s32 s7, $0x2;
	s26 =	sadd.s32 $0x11F00, s25  }
0x48f: {  	[hbm4b:s19+s3] =	stream.linear.scatter [tilespmem:s26], [sflag:$0x9], $0x80, $0x38;
	[tilespmem:$0x16300] =	vst v63  }
0x490: {  	p0 =	sne.s32 s20, $0x7700;
	s20 =	sadd.s32 $0x11F88, s25;
	s26 =	sadd.s32 $0x10, s19  }
0x491: {  	[hbm4b:s26+s3] =	stream.linear.scatter [tilespmem:s20], [sflag:$0x9], $0x80, $0x38;
	[tilespmem:$0x16300] =	vst v63  }
0x492: {  	s20 =	sadd.s32 $0x12010, s25;
	s26 =	sadd.s32 $0x20, s19  }
0x493: {  	[hbm4b:s26+s3] =	stream.linear.scatter [tilespmem:s20], [sflag:$0x9], $0x80, $0x38;
	[tilespmem:$0x16300] =	vst v63  }
0x494: {  	s20 =	sadd.s32 $0x12098, s25;
	s26 =	sadd.s32 $0x30, s19  }
0x495: {  	[hbm4b:s26+s3] =	stream.linear.scatter [tilespmem:s20], [sflag:$0x9], $0x80, $0x38;
	[tilespmem:$0x16300] =	vst v63  }
0x496: {  	s20 =	sadd.s32 $0x12120, s25;
	s26 =	sadd.s32 $0x40, s19  }
0x497: {  	[hbm4b:s26+s3] =	stream.linear.scatter [tilespmem:s20], [sflag:$0x9], $0x80, $0x38;
	[tilespmem:$0x16300] =	vst v63  }
.Ltmp17:
0x498: {  	s20 =	sadd.s32 $0x121A8, s25;
	s26 =	sadd.s32 $0x50, s19;
	(pc) =	sbr.rel @p0 .LBB2_37-.Ltmp17, $4  }
0x499: {  	[hbm4b:s26+s3] =	stream.linear.scatter [tilespmem:s20], [sflag:$0x9], $0x80, $0x38;
	[tilespmem:$0x16300] =	vst v63  }
0x49a: {  	s20 =	sadd.s32 $0x12230, s25;
	s26 =	sadd.s32 $0x60, s19;
	s25 =	sadd.s32 $0x122B8, s25  }
0x49b: {  	[hbm4b:s26+s3] =	stream.linear.scatter [tilespmem:s20], [sflag:$0x9], $0x80, $0x38;
	[tilespmem:$0x16300] =	vst v63  }
0x49c: {  	s26 =	sadd.s32 $0x70, s19;
	s19 =	sadd.s32 $0x1000, s19;
	s20 =	smov.u32 s29  }
0x49d: {  	[hbm4b:s26+s3] =	stream.linear.scatter [tilespmem:s25], [sflag:$0x9], $0x80, $0x38;
	[tilespmem:$0x16300] =	vst v63  }
0x49e: {  	s20 =	sadd.s32 $0x11F00, s7  }
0x49f: {  	[hbm4b:s19+s3] =	stream.linear.scatter [tilespmem:s20], [sflag:$0x9], $0x80, $0x38;
	[tilespmem:$0x16300] =	vst v63  }
0x4a0: {  	s26 =	sadd.s32 $0x11F88, s7;
	s29 =	sadd.s32 $0x10, s19  }
0x4a1: {  	[hbm4b:s29+s3] =	stream.linear.scatter [tilespmem:s26], [sflag:$0x9], $0x80, $0x38;
	[tilespmem:$0x16300] =	vst v63  }
0x4a2: {  	s26 =	sadd.s32 $0x12010, s7;
	s29 =	sadd.s32 $0x20, s19  }
0x4a3: {  	[hbm4b:s29+s3] =	stream.linear.scatter [tilespmem:s26], [sflag:$0x9], $0x80, $0x38;
	[tilespmem:$0x16300] =	vst v63  }
0x4a4: {  	s26 =	sadd.s32 $0x12098, s7;
	s29 =	sadd.s32 $0x30, s19  }
0x4a5: {  	[hbm4b:s29+s3] =	stream.linear.scatter [tilespmem:s26], [sflag:$0x9], $0x80, $0x38;
	[tilespmem:$0x16300] =	vst v63  }
0x4a6: {  	s26 =	sadd.s32 $0x12120, s7;
	s29 =	sadd.s32 $0x40, s19  }
0x4a7: {  	[hbm4b:s29+s3] =	stream.linear.scatter [tilespmem:s26], [sflag:$0x9], $0x80, $0x38;
	[tilespmem:$0x16300] =	vst v63  }
0x4a8: {  	s26 =	sadd.s32 $0x121A8, s7;
	s29 =	sadd.s32 $0x50, s19  }
0x4a9: {  	[hbm4b:s29+s3] =	stream.linear.scatter [tilespmem:s26], [sflag:$0x9], $0x80, $0x38;
	[tilespmem:$0x16300] =	vst v63  }
0x4aa: {  	s26 =	sadd.s32 $0x12230, s7;
	s29 =	sadd.s32 $0x60, s19  }
0x4ab: {  	[hbm4b:s29+s3] =	stream.linear.scatter [tilespmem:s26], [sflag:$0x9], $0x80, $0x38;
	[tilespmem:$0x16300] =	vst v63  }
0x4ac: {  	s26 =	sadd.s32 $0x122B8, s7;
	s29 =	sadd.s32 $0x70, s19  }
0x4ad: {  	[hbm4b:s29+s3] =	stream.linear.scatter [tilespmem:s26], [sflag:$0x9], $0x80, $0x38;
	[tilespmem:$0x16300] =	vst v63  }
0x4ae: {  	s19 =	sadd.s32 $0x400, s18  }
0x4af: {  	[tilespmem:s31], [sflag:$0x4] =	stream.indirect.gather [hbm4b:s4+s22], $0x40, s19, s22, $0xb8;
	[tilespmem:$0x16300] =	vst v63  }
0x4b0: {  	_ =	swait.ge [sflag:s21], $0x2000  }
0x4b1: {  	[sflag:s21] =	ssyncset.done $0x0  }
0x4b2: {  	s20 =	simm.s32 $0x3;
	[sflag:s21] =	ssyncadd.s32 $0xFFFFE000  }
0x4b3: {  	s25 =	simm.s32 $0x0;
	v20 =	vmov s20;
	_ =	swait.ge [sflag:s11], $0x2000  }
0x4b4: {  	v21 =	vand.u32 $0x7F, v20;
	v20 =	vmov s25;
	s26 =	simm.s32 $0x1;
	[sflag:s11] =	ssyncset.done $0x0  }
0x4b5: {  	s20 =	simm.s32 $0x99F0;
	v22 =	vand.u32 $0x7C, v20;
	v20 =	vmov s26;
	[sflag:s11] =	ssyncadd.s32 $0xFFFFE000  }
0x4b6: {  	v24 =	vadd.s32 v16, v21;
	v27 =	vand.u32 $0x7D, v20;
	v23 =	vld [tilespmem:s20+$0xFFFFFFD0]  }
0x4b7: {  	v28 =	vadd.s32 v16, v27;
	v20 =	vld [tilespmem:s20+$0xFFFFFF50]  }
0x4b8: {  	v26 =	vadd.s32 v16, v22;
	s29 =	simm.s32 $0x2;
	v25 =	vld [tilespmem:s20+$0xFFFFFF10]  }
0x4b9: {  	v29 =	vmov s29  }
0x4ba: {  	v29 =	vand.u32 $0x7E, v29  }
0x4bb: {  	v31 =	vadd.s32 v16, v29;
	v30 =	vld [tilespmem:s20+$0xFFFFFF90];
	[tilespmem:v24+s28+$0x0] =	vst.idx.msk $0xffff, v23  }
0x4bc: {  	v24 =	vadd.s32 v17, v21;
	[tilespmem:v28+s28+$0x0] =	vst.idx.msk $0xffff, v20;
	v23 =	vld [tilespmem:s20+$0xFFFFFFE0]  }
0x4bd: {  	[tilespmem:v26+s28+$0x0] =	vst.idx.msk $0xffff, v25;
	v28 =	vadd.s32 v17, v27;
	v20 =	vld [tilespmem:s20+$0xFFFFFF60]  }
0x4be: {  	v26 =	vadd.s32 v17, v22;
	v25 =	vld [tilespmem:s20+$0xFFFFFF20];
	_ =	sdelay $0x1  }
0x4bf: {  	[tilespmem:v31+s28+$0x0] =	vst.idx.msk $0xffff, v30  }
0x4c0: {  	v32 =	vadd.s32 v17, v29;
	v31 =	vld [tilespmem:s20+$0xFFFFFFA0];
	[tilespmem:v24+s28+$0x0] =	vst.idx.msk $0xffff, v23  }
0x4c1: {  	v30 =	vadd.s32 v18, v21;
	[tilespmem:v28+s28+$0x0] =	vst.idx.msk $0xffff, v20;
	v23 =	vld [tilespmem:s20+$0xFFFFFFF0]  }
0x4c2: {  	s19 =	simm.s32 $0x7;
	v33 =	vadd.s32 v18, v27;
	[tilespmem:v26+s28+$0x0] =	vst.idx.msk $0xffff, v25;
	v28 =	vld [tilespmem:s20+$0xFFFFFF70]  }
0x4c3: {  	s25 =	simm.s32 $0x4;
	v26 =	vadd.s32 v18, v22;
	v24 =	vmov s19;
	v25 =	vld [tilespmem:s20+$0xFFFFFF30]  }
0x4c4: {  	v20 =	vmov s25;
	s19 =	simm.s32 $0x9AF0;
	v24 =	vand.u32 $0x7F, v24  }
0x4c5: {  	s26 =	simm.s32 $0x5;
	[tilespmem:v32+s28+$0x0] =	vst.idx.msk $0xffff, v31;
	v20 =	vand.u32 $0x7C, v20;
	v34 =	vld [tilespmem:s19+$0xFFFFFFD0];
	v35 =	vadd.s32 v16, v24  }
0x4c6: {  	s29 =	simm.s32 $0x6;
	v38 =	vmov s26;
	v36 =	vld [tilespmem:s19+$0xFFFFFF10];
	v37 =	vadd.s32 v16, v20;
	[tilespmem:v30+s28+$0x0] =	vst.idx.msk $0xffff, v23  }
0x4c7: {  	v62 =	vadd.s32 v18, v29;
	v23 =	vand.u32 $0x7D, v38;
	v30 =	vmov s29;
	[tilespmem:v33+s28+$0x0] =	vst.idx.msk $0xffff, v28;
	v28 =	vld [tilespmem:s20+$0xFFFFFFB0]  }
0x4c8: {  	v60 =	vadd.s32 v19, v21;
	[tilespmem:v26+s28+$0x0] =	vst.idx.msk $0xffff, v25;
	v25 =	vld [tilespmem:s19+$0xFFFFFF50];
	v26 =	vadd.s32 v16, v23;
	v21 =	vand.u32 $0x7E, v30  }
0x4c9: {  	v30 =	vld [tilespmem:s19+$0xFFFFFF90];
	v61 =	vadd.s32 v16, v21  }
0x4ca: {  	v31 =	vld [tilespmem:s20+$0x0];
	[tilespmem:v35+s28+$0x0] =	vst.idx.msk $0xffff, v34  }
0x4cb: {  	v63 =	vadd.s32 v17, v24;
	[tilespmem:v37+s28+$0x0] =	vst.idx.msk $0xffff, v36;
	v35 =	vld [tilespmem:s19+$0xFFFFFFE0]  }
0x4cc: {  	v39 =	vadd.s32 v17, v20;
	v37 =	vld [tilespmem:s19+$0xFFFFFF20];
	[tilespmem:v62+s28+$0x0] =	vst.idx.msk $0xffff, v28  }
0x4cd: {  	v41 =	vadd.s32 v19, v27;
	v40 =	vld [tilespmem:s20+$0xFFFFFF80];
	[tilespmem:v26+s28+$0x0] =	vst.idx.msk $0xffff, v25  }
0x4ce: {  	v34 =	vadd.s32 v17, v23;
	v33 =	vld [tilespmem:s19+$0xFFFFFF60];
	[tilespmem:v61+s28+$0x0] =	vst.idx.msk $0xffff, v30  }
0x4cf: {  	v32 =	vadd.s32 v17, v21;
	[tilespmem:v60+s28+$0x0] =	vst.idx.msk $0xffff, v31;
	v31 =	vld [tilespmem:s19+$0xFFFFFFA0]  }
0x4d0: {  	v27 =	vld [tilespmem:s20+$0xFFFFFFC0];
	[tilespmem:v63+s28+$0x0] =	vst.idx.msk $0xffff, v35;
	v30 =	vadd.s32 v19, v29  }
0x4d1: {  	v28 =	vadd.s32 v18, v24;
	[tilespmem:v39+s28+$0x0] =	vst.idx.msk $0xffff, v37;
	v25 =	vld [tilespmem:s19+$0xFFFFFFF0]  }
0x4d2: {  	s7 =	simm.s32 $0x8;
	s26 =	simm.s32 $0xB;
	s25 =	simm.s32 $0xC;
	[tilespmem:v41+s28+$0x0] =	vst.idx.msk $0xffff, v40;
	v29 =	vadd.s32 v18, v20;
	v26 =	vld [tilespmem:s19+$0xFFFFFF30]  }
.LBB2_39:
0x4d3: {  	p0 =	slt.u32 s25, $0x7C;
	v35 =	vmov s26;
	[tilespmem:v34+s28+$0x0] =	vst.idx.msk $0xffff, v33;
	v33 =	vld [tilespmem:s20+$0xFFFFFF40];
	v34 =	vadd.s32 v19, v22;
	v22 =	vmov v20;
	s20 =	smov.u32 s19  }
0x4d4: {  	v20 =	vmov s7;
	v37 =	vadd.s32 v18, v23;
	s19 =	sadd.s32 $0x100, s19;
	v35 =	vand.u32 $0x7F, v35;
	v36 =	vld [tilespmem:s20+$0xFFFFFF70];
	[tilespmem:v32+s28+$0x0] =	vst.idx.msk $0xffff, v31  }
0x4d5: {  	s26 =	sadd.s32 $0x1, s7;
	v20 =	vand.u32 $0x7C, v20;
	v31 =	vld [tilespmem:s19+$0xFFFFFFD0];
	v32 =	vadd.s32 v16, v35;
	[tilespmem:v30+s28+$0x0] =	vst.idx.msk $0xffff, v27  }
0x4d6: {  	v38 =	vmov s26;
	s26 =	sadd.s32 $0x2, s7;
	s7 =	smov.u32 s25;
	v30 =	vadd.s32 v16, v20;
	v27 =	vld [tilespmem:s19+$0xFFFFFF10];
	[tilespmem:v28+s28+$0x0] =	vst.idx.msk $0xffff, v25  }
0x4d7: {  	v25 =	vand.u32 $0x7D, v38;
	v28 =	vmov s26;
	[tilespmem:v29+s28+$0x0] =	vst.idx.msk $0xffff, v26;
	v26 =	vld [tilespmem:s20+$0x0];
	v29 =	vadd.s32 v19, v24;
	v24 =	vmovc v35  }
0x4d8: {  	v38 =	vadd.s32 v16, v25;
	v28 =	vand.u32 $0x7E, v28;
	v35 =	vld [tilespmem:s19+$0xFFFFFF50];
	[tilespmem:v34+s28+$0x0] =	vst.idx.msk $0xffff, v33  }
0x4d9: {  	v40 =	vadd.s32 v16, v28;
	v39 =	vld [tilespmem:s19+$0xFFFFFF90];
	[tilespmem:v37+s28+$0x0] =	vst.idx.msk $0xffff, v36  }
0x4da: {  	v37 =	vadd.s32 v18, v21;
	[tilespmem:v32+s28+$0x0] =	vst.idx.msk $0xffff, v31;
	v36 =	vld [tilespmem:s20+$0xFFFFFFB0]  }
0x4db: {  	[tilespmem:v30+s28+$0x0] =	vst.idx.msk $0xffff, v27;
	v27 =	vld [tilespmem:s19+$0xFFFFFFE0];
	v30 =	vadd.s32 v17, v24  }
0x4dc: {  	v42 =	vadd.s32 v17, v20;
	v41 =	vld [tilespmem:s19+$0xFFFFFF20];
	[tilespmem:v29+s28+$0x0] =	vst.idx.msk $0xffff, v26  }
0x4dd: {  	[tilespmem:v38+s28+$0x0] =	vst.idx.msk $0xffff, v35;
	v35 =	vld [tilespmem:s20+$0xFFFFFF80];
	v38 =	vadd.s32 v19, v23;
	v23 =	vmov v25  }
.Ltmp18:
0x4de: {  	v33 =	vld [tilespmem:s19+$0xFFFFFF60];
	v34 =	vadd.s32 v17, v23;
	[tilespmem:v40+s28+$0x0] =	vst.idx.msk $0xffff, v39;
	(pc) =	sbr.rel @p0 .LBB2_39-.Ltmp18, $4  }
0x4df: {  	v32 =	vadd.s32 v17, v28;
	v31 =	vld [tilespmem:s19+$0xFFFFFFA0];
	[tilespmem:v37+s28+$0x0] =	vst.idx.msk $0xffff, v36  }
0x4e0: {  	[tilespmem:v30+s28+$0x0] =	vst.idx.msk $0xffff, v27;
	v27 =	vld [tilespmem:s20+$0xFFFFFFC0];
	v30 =	vadd.s32 v19, v21;
	v21 =	vmov v28  }
0x4e1: {  	v28 =	vadd.s32 v18, v24;
	[tilespmem:v42+s28+$0x0] =	vst.idx.msk $0xffff, v41;
	v25 =	vld [tilespmem:s19+$0xFFFFFFF0]  }
0x4e2: {  	s25 =	sadd.s32 $0x4, s25;
	s26 =	sadd.s32 $0x3, s7;
	v29 =	vadd.s32 v18, v20;
	v26 =	vld [tilespmem:s19+$0xFFFFFF30];
	[tilespmem:v38+s28+$0x0] =	vst.idx.msk $0xffff, v35  }
0x4e3: {  	_ =	sdelay $0x2  }
0x4e4: {  	v35 =	vmov s26  }
0x4e5: {  	s25 =	sadd.s32 $0x1, s7;
	[tilespmem:v34+s28+$0x0] =	vst.idx.msk $0xffff, v33;
	v54 =	vld [tilespmem:s20+$0xFFFFFF40];
	v22 =	vadd.s32 v19, v22;
	s26 =	sadd.s32 $0x100, s19;
	v37 =	vmov s7;
	v34 =	vand.u32 $0x7F, v35  }
0x4e6: {  	s29 =	sadd.s32 $0x2, s7;
	v55 =	vmov s25;
	[tilespmem:v32+s28+$0x0] =	vst.idx.msk $0xffff, v31;
	v56 =	vld [tilespmem:s26+$0xFFFFFFD0];
	v37 =	vand.u32 $0x7C, v37;
	v57 =	vadd.s32 v16, v34  }
0x4e7: {  	v36 =	vmov s29;
	v38 =	vld [tilespmem:s26+$0xFFFFFF10];
	v35 =	vand.u32 $0x7D, v55;
	[tilespmem:v30+s28+$0x0] =	vst.idx.msk $0xffff, v27;
	v62 =	vadd.s32 v16, v37  }
0x4e8: {  	v58 =	vld [tilespmem:s26+$0xFFFFFF50];
	v36 =	vand.u32 $0x7E, v36;
	v59 =	vadd.s32 v16, v35;
	[tilespmem:v28+s28+$0x0] =	vst.idx.msk $0xffff, v25  }
0x4e9: {  	v60 =	vld [tilespmem:s26+$0xFFFFFF90];
	v61 =	vadd.s32 v16, v36;
	[tilespmem:v29+s28+$0x0] =	vst.idx.msk $0xffff, v26  }
0x4ea: {  	v39 =	vadd.s32 v18, v23;
	v63 =	vld [tilespmem:s19+$0xFFFFFF70];
	[tilespmem:v22+s28+$0x0] =	vst.idx.msk $0xffff, v54  }
0x4eb: {  	v47 =	vadd.s32 v18, v21;
	v46 =	vld [tilespmem:s19+$0xFFFFFFB0];
	[tilespmem:v57+s28+$0x0] =	vst.idx.msk $0xffff, v56  }
0x4ec: {  	v41 =	vadd.s32 v17, v34;
	[tilespmem:v62+s28+$0x0] =	vst.idx.msk $0xffff, v38;
	v31 =	vld [tilespmem:s26+$0xFFFFFFE0]  }
0x4ed: {  	v45 =	vadd.s32 v17, v37;
	[tilespmem:v59+s28+$0x0] =	vst.idx.msk $0xffff, v58;
	v44 =	vld [tilespmem:s26+$0xFFFFFF20]  }
0x4ee: {  	v42 =	vadd.s32 v17, v35;
	[tilespmem:v61+s28+$0x0] =	vst.idx.msk $0xffff, v60;
	v27 =	vld [tilespmem:s26+$0xFFFFFF60]  }
0x4ef: {  	v43 =	vadd.s32 v17, v36;
	[tilespmem:v39+s28+$0x0] =	vst.idx.msk $0xffff, v63;
	v25 =	vld [tilespmem:s26+$0xFFFFFFA0]  }
0x4f0: {  	v24 =	vadd.s32 v19, v24;
	v40 =	vld [tilespmem:s19+$0x0];
	[tilespmem:v47+s28+$0x0] =	vst.idx.msk $0xffff, v46  }
0x4f1: {  	v49 =	vadd.s32 v19, v23;
	v48 =	vld [tilespmem:s19+$0xFFFFFF80];
	[tilespmem:v41+s28+$0x0] =	vst.idx.msk $0xffff, v31  }
0x4f2: {  	v50 =	vadd.s32 v18, v34;
	[tilespmem:v45+s28+$0x0] =	vst.idx.msk $0xffff, v44;
	v31 =	vld [tilespmem:s26+$0xFFFFFFF0]  }
0x4f3: {  	v55 =	vadd.s32 v18, v37;
	[tilespmem:v42+s28+$0x0] =	vst.idx.msk $0xffff, v27;
	v54 =	vld [tilespmem:s26+$0xFFFFFF30]  }
0x4f4: {  	v51 =	vadd.s32 v18, v35;
	[tilespmem:v43+s28+$0x0] =	vst.idx.msk $0xffff, v25;
	v27 =	vld [tilespmem:s26+$0xFFFFFF70]  }
0x4f5: {  	v53 =	vadd.s32 v18, v36;
	[tilespmem:v24+s28+$0x0] =	vst.idx.msk $0xffff, v40;
	v52 =	vld [tilespmem:s26+$0xFFFFFFB0]  }
0x4f6: {  	v20 =	vadd.s32 v19, v20;
	v57 =	vld [tilespmem:s19+$0xFFFFFF40];
	[tilespmem:v49+s28+$0x0] =	vst.idx.msk $0xffff, v48  }
0x4f7: {  	v56 =	vadd.s32 v19, v21;
	v29 =	vld [tilespmem:s19+$0xFFFFFFC0];
	[tilespmem:v50+s28+$0x0] =	vst.idx.msk $0xffff, v31  }
0x4f8: {  	v59 =	vadd.s32 v19, v34;
	[tilespmem:v55+s28+$0x0] =	vst.idx.msk $0xffff, v54;
	v58 =	vld [tilespmem:s26+$0x0]  }
0x4f9: {  	v63 =	vadd.s32 v19, v37;
	[tilespmem:v51+s28+$0x0] =	vst.idx.msk $0xffff, v27;
	v62 =	vld [tilespmem:s26+$0xFFFFFF40]  }
0x4fa: {  	v60 =	vadd.s32 v19, v35;
	[tilespmem:v53+s28+$0x0] =	vst.idx.msk $0xffff, v52;
	v27 =	vld [tilespmem:s26+$0xFFFFFF80]  }
0x4fb: {  	v61 =	vadd.s32 v19, v36;
	[tilespmem:v20+s28+$0x0] =	vst.idx.msk $0xffff, v57;
	v22 =	vld [tilespmem:s26+$0xFFFFFFC0]  }
0x4fc: {  	[tilespmem:v56+s28+$0x0] =	vst.idx.msk $0xffff, v29  }
0x4fd: {  	[tilespmem:v59+s28+$0x0] =	vst.idx.msk $0xffff, v58  }
0x4fe: {  	s17 =	sadd.s32 s15, s17;
	[tilespmem:v63+s28+$0x0] =	vst.idx.msk $0xffff, v62  }
0x4ff: {  	s7 =	sshrl.u32 s17, $0x3;
	[tilespmem:v60+s28+$0x0] =	vst.idx.msk $0xffff, v27  }
0x500: {  	s17 =	sadd.s32 s2, s7;
	s19 =	simm.s32 $0x14100;
	[tilespmem:v61+s28+$0x0] =	vst.idx.msk $0xffff, v22  }
0x501: {  	[hbm4b:s17+s3] =	stream.linear.scatter [tilespmem:s19], [sflag:$0xA], $0x80, $0x38;
	[tilespmem:$0x16300] =	vst v63  }
0x502: {  	s20 =	simm.s32 $0x14188;
	s25 =	sadd.s32 $0x10, s17  }
0x503: {  	[hbm4b:s25+s3] =	stream.linear.scatter [tilespmem:s20], [sflag:$0xA], $0x80, $0x38;
	[tilespmem:$0x16300] =	vst v63  }
0x504: {  	s7 =	simm.s32 $0x440;
	s29 =	sadd.s32 $0x20, s17;
	s26 =	simm.s32 $0x14210  }
0x505: {  	[hbm4b:s29+s3] =	stream.linear.scatter [tilespmem:s26], [sflag:$0xA], $0x80, $0x38;
	[tilespmem:$0x16300] =	vst v63  }
0x506: {  	s19 =	simm.s32 $0x2200;
	s20 =	simm.s32 $0x14298;
	s25 =	sadd.s32 $0x30, s17  }
0x507: {  	[hbm4b:s25+s3] =	stream.linear.scatter [tilespmem:s20], [sflag:$0xA], $0x80, $0x38;
	[tilespmem:$0x16300] =	vst v63  }
0x508: {  	s26 =	simm.s32 $0x14320;
	s29 =	sadd.s32 $0x40, s17;
	s20 =	simm.s32 $0x143A8  }
0x509: {  	[hbm4b:s29+s3] =	stream.linear.scatter [tilespmem:s26], [sflag:$0xA], $0x80, $0x38;
	[tilespmem:$0x16300] =	vst v63  }
0x50a: {  	s25 =	sadd.s32 $0x50, s17;
	s26 =	simm.s32 $0x14430;
	s29 =	sadd.s32 $0x60, s17  }
0x50b: {  	[hbm4b:s25+s3] =	stream.linear.scatter [tilespmem:s20], [sflag:$0xA], $0x80, $0x38;
	[tilespmem:$0x16300] =	vst v63  }
0x50c: {  	s20 =	simm.s32 $0x144B8;
	s25 =	sadd.s32 $0x70, s17;
	s17 =	sadd.s32 $0x1000, s17  }
0x50d: {  	[hbm4b:s29+s3] =	stream.linear.scatter [tilespmem:s26], [sflag:$0xA], $0x80, $0x38;
	[tilespmem:$0x16300] =	vst v63  }
.LBB2_41:
0x50e: {  	[hbm4b:s25+s3] =	stream.linear.scatter [tilespmem:s20], [sflag:$0xA], $0x80, $0x38;
	[tilespmem:$0x16300] =	vst v63  }
0x50f: {  	s20 =	smov.u32 s7;
	s7 =	smov.u32 s19  }
0x510: {  	s26 =	sadd.s32 $0x1100, s19;
	s7 =	sshra.s32 s7, $0x2;
	s25 =	sadd.s32 $0x14100, s20  }
0x511: {  	[hbm4b:s17+s3] =	stream.linear.scatter [tilespmem:s25], [sflag:$0xA], $0x80, $0x38;
	[tilespmem:$0x16300] =	vst v63  }
0x512: {  	p0 =	sne.s32 s19, $0x7700;
	s19 =	sadd.s32 $0x14188, s20;
	s25 =	sadd.s32 $0x10, s17  }
0x513: {  	[hbm4b:s25+s3] =	stream.linear.scatter [tilespmem:s19], [sflag:$0xA], $0x80, $0x38;
	[tilespmem:$0x16300] =	vst v63  }
0x514: {  	s19 =	sadd.s32 $0x14210, s20;
	s25 =	sadd.s32 $0x20, s17  }
0x515: {  	[hbm4b:s25+s3] =	stream.linear.scatter [tilespmem:s19], [sflag:$0xA], $0x80, $0x38;
	[tilespmem:$0x16300] =	vst v63  }
0x516: {  	s19 =	sadd.s32 $0x14298, s20;
	s25 =	sadd.s32 $0x30, s17  }
0x517: {  	[hbm4b:s25+s3] =	stream.linear.scatter [tilespmem:s19], [sflag:$0xA], $0x80, $0x38;
	[tilespmem:$0x16300] =	vst v63  }
0x518: {  	s19 =	sadd.s32 $0x14320, s20;
	s25 =	sadd.s32 $0x40, s17  }
0x519: {  	[hbm4b:s25+s3] =	stream.linear.scatter [tilespmem:s19], [sflag:$0xA], $0x80, $0x38;
	[tilespmem:$0x16300] =	vst v63  }
.Ltmp19:
0x51a: {  	s19 =	sadd.s32 $0x143A8, s20;
	s25 =	sadd.s32 $0x50, s17;
	(pc) =	sbr.rel @p0 .LBB2_41-.Ltmp19, $4  }
0x51b: {  	[hbm4b:s25+s3] =	stream.linear.scatter [tilespmem:s19], [sflag:$0xA], $0x80, $0x38;
	[tilespmem:$0x16300] =	vst v63  }
0x51c: {  	s19 =	sadd.s32 $0x14430, s20;
	s25 =	sadd.s32 $0x60, s17;
	s20 =	sadd.s32 $0x144B8, s20  }
0x51d: {  	[hbm4b:s25+s3] =	stream.linear.scatter [tilespmem:s19], [sflag:$0xA], $0x80, $0x38;
	[tilespmem:$0x16300] =	vst v63  }
0x51e: {  	s25 =	sadd.s32 $0x70, s17;
	s17 =	sadd.s32 $0x1000, s17;
	s19 =	smov.u32 s26  }
0x51f: {  	[hbm4b:s25+s3] =	stream.linear.scatter [tilespmem:s20], [sflag:$0xA], $0x80, $0x38;
	[tilespmem:$0x16300] =	vst v63  }
0x520: {  	s19 =	sadd.s32 $0x14100, s7  }
0x521: {  	[hbm4b:s17+s3] =	stream.linear.scatter [tilespmem:s19], [sflag:$0xA], $0x80, $0x38;
	[tilespmem:$0x16300] =	vst v63  }
0x522: {  	s20 =	sadd.s32 $0x14188, s7;
	s25 =	sadd.s32 $0x10, s17  }
0x523: {  	[hbm4b:s25+s3] =	stream.linear.scatter [tilespmem:s20], [sflag:$0xA], $0x80, $0x38;
	[tilespmem:$0x16300] =	vst v63  }
0x524: {  	s26 =	sadd.s32 $0x14210, s7;
	s29 =	sadd.s32 $0x20, s17  }
0x525: {  	[hbm4b:s29+s3] =	stream.linear.scatter [tilespmem:s26], [sflag:$0xA], $0x80, $0x38;
	[tilespmem:$0x16300] =	vst v63  }
0x526: {  	s20 =	sadd.s32 $0x14298, s7;
	s25 =	sadd.s32 $0x30, s17  }
0x527: {  	[hbm4b:s25+s3] =	stream.linear.scatter [tilespmem:s20], [sflag:$0xA], $0x80, $0x38;
	[tilespmem:$0x16300] =	vst v63  }
0x528: {  	s26 =	sadd.s32 $0x14320, s7;
	s29 =	sadd.s32 $0x40, s17  }
0x529: {  	[hbm4b:s29+s3] =	stream.linear.scatter [tilespmem:s26], [sflag:$0xA], $0x80, $0x38;
	[tilespmem:$0x16300] =	vst v63  }
0x52a: {  	s16 =	sadd.s32 $0x1, s16;
	s20 =	sadd.s32 $0x143A8, s7;
	s25 =	sadd.s32 $0x50, s17  }
0x52b: {  	[hbm4b:s25+s3] =	stream.linear.scatter [tilespmem:s20], [sflag:$0xA], $0x80, $0x38;
	[tilespmem:$0x16300] =	vst v63  }
0x52c: {  	p0 =	sne.s32 s16, $0x9;
	s26 =	sadd.s32 $0x14430, s7;
	s29 =	sadd.s32 $0x60, s17  }
0x52d: {  	[hbm4b:s29+s3] =	stream.linear.scatter [tilespmem:s26], [sflag:$0xA], $0x80, $0x38;
	[tilespmem:$0x16300] =	vst v63  }
.Ltmp20:
0x52e: {  	_ = 	snop;
	(pc) =	sbr.rel @p0 .LBB2_22-.Ltmp20, $4  }
0x52f: {  	s25 =	sadd.s32 $0x144B8, s7;
	s26 =	sadd.s32 $0x70, s17  }
0x530: {  	[hbm4b:s26+s3] =	stream.linear.scatter [tilespmem:s25], [sflag:$0xA], $0x80, $0x38;
	[tilespmem:$0x16300] =	vst v63  }
0x531: {  	s29 =	sadd.s32 $0x480, s18  }
0x532: {  	[tilespmem:s0], [sflag:$0x5] =	stream.indirect.gather [hbm4b:s4+s22], $0x40, s29, s22, $0xb8;
	[tilespmem:$0x16300] =	vst v63  }
0x533: {  	_ =	swait.ge [sflag:s23], $0x2000  }
0x534: {  	[sflag:s23] =	ssyncset.done $0x0  }
0x535: {  	s7 =	simm.s32 $0x3;
	[sflag:s23] =	ssyncadd.s32 $0xFFFFE000  }
0x536: {  	s18 =	simm.s32 $0x0;
	v20 =	vmov s7;
	_ =	swait.ge [sflag:s24], $0x2000  }
0x537: {  	s19 =	simm.s32 $0x1;
	v21 =	vand.u32 $0x7F, v20;
	v20 =	vmov s18;
	[sflag:s24] =	ssyncset.done $0x0  }
0x538: {  	s17 =	simm.s32 $0x1980;
	v22 =	vand.u32 $0x7C, v20;
	v20 =	vmov s19;
	[sflag:s24] =	ssyncadd.s32 $0xFFFFE000  }
0x539: {  	v24 =	vadd.s32 v0, v21;
	v27 =	vand.u32 $0x7D, v20;
	v23 =	vld [tilespmem:s17+$0x40]  }
0x53a: {  	v28 =	vadd.s32 v0, v27;
	v20 =	vld [tilespmem:s17+$0xFFFFFFC0]  }
0x53b: {  	s20 =	simm.s32 $0x2;
	v26 =	vadd.s32 v0, v22;
	v25 =	vld [tilespmem:s17+$0xFFFFFF80]  }
0x53c: {  	v29 =	vmov s20  }
0x53d: {  	v29 =	vand.u32 $0x7E, v29  }
0x53e: {  	v31 =	vadd.s32 v0, v29;
	v30 =	vld [tilespmem:s17+$0x0];
	[tilespmem:v24+s28+$0x0] =	vst.idx.msk $0xffff, v23  }
0x53f: {  	v24 =	vadd.s32 v1, v21;
	[tilespmem:v28+s28+$0x0] =	vst.idx.msk $0xffff, v20;
	v23 =	vld [tilespmem:s17+$0x50]  }
0x540: {  	[tilespmem:v26+s28+$0x0] =	vst.idx.msk $0xffff, v25;
	v28 =	vadd.s32 v1, v27;
	v20 =	vld [tilespmem:s17+$0xFFFFFFD0]  }
0x541: {  	v26 =	vadd.s32 v1, v22;
	v25 =	vld [tilespmem:s17+$0xFFFFFF90];
	_ =	sdelay $0x1  }
0x542: {  	[tilespmem:v31+s28+$0x0] =	vst.idx.msk $0xffff, v30  }
0x543: {  	v32 =	vadd.s32 v1, v29;
	v31 =	vld [tilespmem:s17+$0x10];
	[tilespmem:v24+s28+$0x0] =	vst.idx.msk $0xffff, v23  }
0x544: {  	v30 =	vadd.s32 v2, v21;
	[tilespmem:v28+s28+$0x0] =	vst.idx.msk $0xffff, v20;
	v23 =	vld [tilespmem:s17+$0x60]  }
0x545: {  	s25 =	simm.s32 $0x7;
	v33 =	vadd.s32 v2, v27;
	[tilespmem:v26+s28+$0x0] =	vst.idx.msk $0xffff, v25;
	v28 =	vld [tilespmem:s17+$0xFFFFFFE0]  }
0x546: {  	s16 =	simm.s32 $0x4;
	v26 =	vadd.s32 v2, v22;
	v24 =	vmov s25;
	v25 =	vld [tilespmem:s17+$0xFFFFFFA0]  }
0x547: {  	v20 =	vmov s16;
	s16 =	simm.s32 $0x1A80;
	v24 =	vand.u32 $0x7F, v24  }
0x548: {  	s26 =	simm.s32 $0x5;
	[tilespmem:v32+s28+$0x0] =	vst.idx.msk $0xffff, v31;
	v20 =	vand.u32 $0x7C, v20;
	v34 =	vld [tilespmem:s16+$0x40];
	v35 =	vadd.s32 v0, v24  }
0x549: {  	s29 =	simm.s32 $0x6;
	v38 =	vmov s26;
	v36 =	vld [tilespmem:s16+$0xFFFFFF80];
	v37 =	vadd.s32 v0, v20;
	[tilespmem:v30+s28+$0x0] =	vst.idx.msk $0xffff, v23  }
0x54a: {  	v62 =	vadd.s32 v2, v29;
	v23 =	vand.u32 $0x7D, v38;
	v30 =	vmov s29;
	[tilespmem:v33+s28+$0x0] =	vst.idx.msk $0xffff, v28;
	v28 =	vld [tilespmem:s17+$0x20]  }
0x54b: {  	v60 =	vadd.s32 v3, v21;
	[tilespmem:v26+s28+$0x0] =	vst.idx.msk $0xffff, v25;
	v25 =	vld [tilespmem:s16+$0xFFFFFFC0];
	v26 =	vadd.s32 v0, v23;
	v21 =	vand.u32 $0x7E, v30  }
0x54c: {  	v30 =	vld [tilespmem:s16+$0x0];
	v61 =	vadd.s32 v0, v21  }
0x54d: {  	v31 =	vld [tilespmem:s17+$0x70];
	[tilespmem:v35+s28+$0x0] =	vst.idx.msk $0xffff, v34  }
0x54e: {  	v63 =	vadd.s32 v1, v24;
	[tilespmem:v37+s28+$0x0] =	vst.idx.msk $0xffff, v36;
	v35 =	vld [tilespmem:s16+$0x50]  }
0x54f: {  	v39 =	vadd.s32 v1, v20;
	v37 =	vld [tilespmem:s16+$0xFFFFFF90];
	[tilespmem:v62+s28+$0x0] =	vst.idx.msk $0xffff, v28  }
0x550: {  	v41 =	vadd.s32 v3, v27;
	v40 =	vld [tilespmem:s17+$0xFFFFFFF0];
	[tilespmem:v26+s28+$0x0] =	vst.idx.msk $0xffff, v25  }
0x551: {  	v34 =	vadd.s32 v1, v23;
	v33 =	vld [tilespmem:s16+$0xFFFFFFD0];
	[tilespmem:v61+s28+$0x0] =	vst.idx.msk $0xffff, v30  }
0x552: {  	v32 =	vadd.s32 v1, v21;
	[tilespmem:v60+s28+$0x0] =	vst.idx.msk $0xffff, v31;
	v31 =	vld [tilespmem:s16+$0x10]  }
0x553: {  	v27 =	vld [tilespmem:s17+$0x30];
	[tilespmem:v63+s28+$0x0] =	vst.idx.msk $0xffff, v35;
	v30 =	vadd.s32 v3, v29  }
0x554: {  	v28 =	vadd.s32 v2, v24;
	[tilespmem:v39+s28+$0x0] =	vst.idx.msk $0xffff, v37;
	v25 =	vld [tilespmem:s16+$0x60]  }
0x555: {  	s7 =	simm.s32 $0x8;
	s18 =	simm.s32 $0xC;
	s19 =	simm.s32 $0xB;
	[tilespmem:v41+s28+$0x0] =	vst.idx.msk $0xffff, v40;
	v29 =	vadd.s32 v2, v20;
	v26 =	vld [tilespmem:s16+$0xFFFFFFA0]  }
.LBB2_44:
0x556: {  	p0 =	slt.u32 s18, $0x7C;
	v35 =	vmov s19;
	[tilespmem:v34+s28+$0x0] =	vst.idx.msk $0xffff, v33;
	v33 =	vld [tilespmem:s17+$0xFFFFFFB0];
	v34 =	vadd.s32 v3, v22;
	v22 =	vmov v20;
	s17 =	smov.u32 s16  }
0x557: {  	v20 =	vmov s7;
	v37 =	vadd.s32 v2, v23;
	s16 =	sadd.s32 $0x100, s16;
	v35 =	vand.u32 $0x7F, v35;
	v36 =	vld [tilespmem:s17+$0xFFFFFFE0];
	[tilespmem:v32+s28+$0x0] =	vst.idx.msk $0xffff, v31  }
0x558: {  	s19 =	sadd.s32 $0x1, s7;
	v20 =	vand.u32 $0x7C, v20;
	v31 =	vld [tilespmem:s16+$0x40];
	v32 =	vadd.s32 v0, v35;
	[tilespmem:v30+s28+$0x0] =	vst.idx.msk $0xffff, v27  }
0x559: {  	v38 =	vmov s19;
	s19 =	sadd.s32 $0x2, s7;
	s7 =	smov.u32 s18;
	v30 =	vadd.s32 v0, v20;
	v27 =	vld [tilespmem:s16+$0xFFFFFF80];
	[tilespmem:v28+s28+$0x0] =	vst.idx.msk $0xffff, v25  }
0x55a: {  	v25 =	vand.u32 $0x7D, v38;
	v28 =	vmov s19;
	[tilespmem:v29+s28+$0x0] =	vst.idx.msk $0xffff, v26;
	v26 =	vld [tilespmem:s17+$0x70];
	v29 =	vadd.s32 v3, v24;
	v24 =	vmovc v35  }
0x55b: {  	v38 =	vadd.s32 v0, v25;
	v28 =	vand.u32 $0x7E, v28;
	v35 =	vld [tilespmem:s16+$0xFFFFFFC0];
	[tilespmem:v34+s28+$0x0] =	vst.idx.msk $0xffff, v33  }
0x55c: {  	v40 =	vadd.s32 v0, v28;
	v39 =	vld [tilespmem:s16+$0x0];
	[tilespmem:v37+s28+$0x0] =	vst.idx.msk $0xffff, v36  }
0x55d: {  	v37 =	vadd.s32 v2, v21;
	[tilespmem:v32+s28+$0x0] =	vst.idx.msk $0xffff, v31;
	v36 =	vld [tilespmem:s17+$0x20]  }
0x55e: {  	[tilespmem:v30+s28+$0x0] =	vst.idx.msk $0xffff, v27;
	v27 =	vld [tilespmem:s16+$0x50];
	v30 =	vadd.s32 v1, v24  }
0x55f: {  	v42 =	vadd.s32 v1, v20;
	v41 =	vld [tilespmem:s16+$0xFFFFFF90];
	[tilespmem:v29+s28+$0x0] =	vst.idx.msk $0xffff, v26  }
0x560: {  	[tilespmem:v38+s28+$0x0] =	vst.idx.msk $0xffff, v35;
	v35 =	vld [tilespmem:s17+$0xFFFFFFF0];
	v38 =	vadd.s32 v3, v23;
	v23 =	vmov v25  }
.Ltmp21:
0x561: {  	v33 =	vld [tilespmem:s16+$0xFFFFFFD0];
	v34 =	vadd.s32 v1, v23;
	[tilespmem:v40+s28+$0x0] =	vst.idx.msk $0xffff, v39;
	(pc) =	sbr.rel @p0 .LBB2_44-.Ltmp21, $4  }
0x562: {  	v32 =	vadd.s32 v1, v28;
	v31 =	vld [tilespmem:s16+$0x10];
	[tilespmem:v37+s28+$0x0] =	vst.idx.msk $0xffff, v36  }
0x563: {  	[tilespmem:v30+s28+$0x0] =	vst.idx.msk $0xffff, v27;
	v27 =	vld [tilespmem:s17+$0x30];
	v30 =	vadd.s32 v3, v21;
	v21 =	vmov v28  }
0x564: {  	v28 =	vadd.s32 v2, v24;
	[tilespmem:v42+s28+$0x0] =	vst.idx.msk $0xffff, v41;
	v25 =	vld [tilespmem:s16+$0x60]  }
0x565: {  	s18 =	sadd.s32 $0x4, s18;
	s19 =	sadd.s32 $0x3, s7;
	v29 =	vadd.s32 v2, v20;
	v26 =	vld [tilespmem:s16+$0xFFFFFFA0];
	[tilespmem:v38+s28+$0x0] =	vst.idx.msk $0xffff, v35  }
0x566: {  	_ =	sdelay $0x2  }
0x567: {  	v35 =	vmov s19  }
0x568: {  	s18 =	sadd.s32 $0x1, s7;
	[tilespmem:v34+s28+$0x0] =	vst.idx.msk $0xffff, v33;
	v54 =	vld [tilespmem:s17+$0xFFFFFFB0];
	v22 =	vadd.s32 v3, v22;
	s26 =	sadd.s32 $0x100, s16;
	v37 =	vmov s7;
	v34 =	vand.u32 $0x7F, v35  }
0x569: {  	s29 =	sadd.s32 $0x2, s7;
	v55 =	vmov s18;
	[tilespmem:v32+s28+$0x0] =	vst.idx.msk $0xffff, v31;
	v56 =	vld [tilespmem:s26+$0x40];
	v37 =	vand.u32 $0x7C, v37;
	v57 =	vadd.s32 v0, v34  }
0x56a: {  	v36 =	vmov s29;
	v38 =	vld [tilespmem:s26+$0xFFFFFF80];
	v35 =	vand.u32 $0x7D, v55;
	[tilespmem:v30+s28+$0x0] =	vst.idx.msk $0xffff, v27;
	v62 =	vadd.s32 v0, v37  }
0x56b: {  	v58 =	vld [tilespmem:s26+$0xFFFFFFC0];
	v36 =	vand.u32 $0x7E, v36;
	v59 =	vadd.s32 v0, v35;
	[tilespmem:v28+s28+$0x0] =	vst.idx.msk $0xffff, v25  }
0x56c: {  	v60 =	vld [tilespmem:s26+$0x0];
	v61 =	vadd.s32 v0, v36;
	[tilespmem:v29+s28+$0x0] =	vst.idx.msk $0xffff, v26  }
0x56d: {  	v39 =	vadd.s32 v2, v23;
	v63 =	vld [tilespmem:s16+$0xFFFFFFE0];
	[tilespmem:v22+s28+$0x0] =	vst.idx.msk $0xffff, v54  }
0x56e: {  	v47 =	vadd.s32 v2, v21;
	v46 =	vld [tilespmem:s16+$0x20];
	[tilespmem:v57+s28+$0x0] =	vst.idx.msk $0xffff, v56  }
0x56f: {  	v41 =	vadd.s32 v1, v34;
	[tilespmem:v62+s28+$0x0] =	vst.idx.msk $0xffff, v38;
	v31 =	vld [tilespmem:s26+$0x50]  }
0x570: {  	v45 =	vadd.s32 v1, v37;
	[tilespmem:v59+s28+$0x0] =	vst.idx.msk $0xffff, v58;
	v44 =	vld [tilespmem:s26+$0xFFFFFF90]  }
0x571: {  	v42 =	vadd.s32 v1, v35;
	[tilespmem:v61+s28+$0x0] =	vst.idx.msk $0xffff, v60;
	v27 =	vld [tilespmem:s26+$0xFFFFFFD0]  }
0x572: {  	v43 =	vadd.s32 v1, v36;
	[tilespmem:v39+s28+$0x0] =	vst.idx.msk $0xffff, v63;
	v25 =	vld [tilespmem:s26+$0x10]  }
0x573: {  	v24 =	vadd.s32 v3, v24;
	v40 =	vld [tilespmem:s16+$0x70];
	[tilespmem:v47+s28+$0x0] =	vst.idx.msk $0xffff, v46  }
0x574: {  	v49 =	vadd.s32 v3, v23;
	v48 =	vld [tilespmem:s16+$0xFFFFFFF0];
	[tilespmem:v41+s28+$0x0] =	vst.idx.msk $0xffff, v31  }
0x575: {  	v50 =	vadd.s32 v2, v34;
	[tilespmem:v45+s28+$0x0] =	vst.idx.msk $0xffff, v44;
	v31 =	vld [tilespmem:s26+$0x60]  }
0x576: {  	v55 =	vadd.s32 v2, v37;
	[tilespmem:v42+s28+$0x0] =	vst.idx.msk $0xffff, v27;
	v54 =	vld [tilespmem:s26+$0xFFFFFFA0]  }
0x577: {  	v51 =	vadd.s32 v2, v35;
	[tilespmem:v43+s28+$0x0] =	vst.idx.msk $0xffff, v25;
	v27 =	vld [tilespmem:s26+$0xFFFFFFE0]  }
0x578: {  	v53 =	vadd.s32 v2, v36;
	[tilespmem:v24+s28+$0x0] =	vst.idx.msk $0xffff, v40;
	v52 =	vld [tilespmem:s26+$0x20]  }
0x579: {  	v20 =	vadd.s32 v3, v20;
	v57 =	vld [tilespmem:s16+$0xFFFFFFB0];
	[tilespmem:v49+s28+$0x0] =	vst.idx.msk $0xffff, v48  }
0x57a: {  	v56 =	vadd.s32 v3, v21;
	v29 =	vld [tilespmem:s16+$0x30];
	[tilespmem:v50+s28+$0x0] =	vst.idx.msk $0xffff, v31  }
0x57b: {  	v59 =	vadd.s32 v3, v34;
	[tilespmem:v55+s28+$0x0] =	vst.idx.msk $0xffff, v54;
	v58 =	vld [tilespmem:s26+$0x70]  }
0x57c: {  	v63 =	vadd.s32 v3, v37;
	[tilespmem:v51+s28+$0x0] =	vst.idx.msk $0xffff, v27;
	v62 =	vld [tilespmem:s26+$0xFFFFFFB0]  }
0x57d: {  	v60 =	vadd.s32 v3, v35;
	[tilespmem:v53+s28+$0x0] =	vst.idx.msk $0xffff, v52;
	v27 =	vld [tilespmem:s26+$0xFFFFFFF0]  }
0x57e: {  	v61 =	vadd.s32 v3, v36;
	[tilespmem:v20+s28+$0x0] =	vst.idx.msk $0xffff, v57;
	v22 =	vld [tilespmem:s26+$0x30]  }
0x57f: {  	[tilespmem:v56+s28+$0x0] =	vst.idx.msk $0xffff, v29  }
0x580: {  	[tilespmem:v59+s28+$0x0] =	vst.idx.msk $0xffff, v58  }
0x581: {  	[tilespmem:v63+s28+$0x0] =	vst.idx.msk $0xffff, v62  }
0x582: {  	[tilespmem:v60+s28+$0x0] =	vst.idx.msk $0xffff, v27  }
0x583: {  	[tilespmem:v61+s28+$0x0] =	vst.idx.msk $0xffff, v22  }
0x584: {  	s16 =	simm.s32 $0xB900;
	s20 =	rddreg [dreg:$0x9]  }
0x585: {  	[hbm4b:s20+s3] =	stream.linear.scatter [tilespmem:s16], [sflag:$0x6], $0x80, $0x38;
	[tilespmem:$0x16300] =	vst v63  }
0x586: {  	s17 =	simm.s32 $0xB988;
	s18 =	sadd.s32 $0x10, s20  }
0x587: {  	[hbm4b:s18+s3] =	stream.linear.scatter [tilespmem:s17], [sflag:$0x6], $0x80, $0x38;
	[tilespmem:$0x16300] =	vst v63  }
0x588: {  	s19 =	simm.s32 $0xBA10;
	s7 =	simm.s32 $0x440;
	s25 =	sadd.s32 $0x20, s20  }
0x589: {  	[hbm4b:s25+s3] =	stream.linear.scatter [tilespmem:s19], [sflag:$0x6], $0x80, $0x38;
	[tilespmem:$0x16300] =	vst v63  }
0x58a: {  	s26 =	simm.s32 $0xBA98;
	s29 =	sadd.s32 $0x30, s20;
	s16 =	sadd.s32 $0x1000, s20  }
0x58b: {  	[hbm4b:s29+s3] =	stream.linear.scatter [tilespmem:s26], [sflag:$0x6], $0x80, $0x38;
	[tilespmem:$0x16300] =	vst v63  }
0x58c: {  	s17 =	simm.s32 $0xBB20;
	s18 =	sadd.s32 $0x40, s20;
	s19 =	simm.s32 $0xBBA8  }
0x58d: {  	[hbm4b:s18+s3] =	stream.linear.scatter [tilespmem:s17], [sflag:$0x6], $0x80, $0x38;
	[tilespmem:$0x16300] =	vst v63  }
0x58e: {  	s25 =	sadd.s32 $0x50, s20;
	s26 =	simm.s32 $0xBC30;
	s29 =	sadd.s32 $0x60, s20  }
0x58f: {  	[hbm4b:s25+s3] =	stream.linear.scatter [tilespmem:s19], [sflag:$0x6], $0x80, $0x38;
	[tilespmem:$0x16300] =	vst v63  }
0x590: {  	s17 =	simm.s32 $0x2200;
	s18 =	simm.s32 $0xBCB8;
	s19 =	sadd.s32 $0x70, s20  }
0x591: {  	[hbm4b:s29+s3] =	stream.linear.scatter [tilespmem:s26], [sflag:$0x6], $0x80, $0x38;
	[tilespmem:$0x16300] =	vst v63  }
.LBB2_46:
0x592: {  	[hbm4b:s19+s3] =	stream.linear.scatter [tilespmem:s18], [sflag:$0x6], $0x80, $0x38;
	[tilespmem:$0x16300] =	vst v63  }
0x593: {  	s18 =	smov.u32 s7;
	s7 =	smov.u32 s17  }
0x594: {  	s20 =	sadd.s32 $0x1100, s17;
	s7 =	sshra.s32 s7, $0x2;
	s19 =	sadd.s32 $0xB900, s18  }
0x595: {  	[hbm4b:s16+s3] =	stream.linear.scatter [tilespmem:s19], [sflag:$0x6], $0x80, $0x38;
	[tilespmem:$0x16300] =	vst v63  }
0x596: {  	p0 =	sne.s32 s17, $0x7700;
	s17 =	sadd.s32 $0xB988, s18;
	s19 =	sadd.s32 $0x10, s16  }
0x597: {  	[hbm4b:s19+s3] =	stream.linear.scatter [tilespmem:s17], [sflag:$0x6], $0x80, $0x38;
	[tilespmem:$0x16300] =	vst v63  }
0x598: {  	s17 =	sadd.s32 $0xBA10, s18;
	s19 =	sadd.s32 $0x20, s16  }
0x599: {  	[hbm4b:s19+s3] =	stream.linear.scatter [tilespmem:s17], [sflag:$0x6], $0x80, $0x38;
	[tilespmem:$0x16300] =	vst v63  }
0x59a: {  	s17 =	sadd.s32 $0xBA98, s18;
	s19 =	sadd.s32 $0x30, s16  }
0x59b: {  	[hbm4b:s19+s3] =	stream.linear.scatter [tilespmem:s17], [sflag:$0x6], $0x80, $0x38;
	[tilespmem:$0x16300] =	vst v63  }
0x59c: {  	s17 =	sadd.s32 $0xBB20, s18;
	s19 =	sadd.s32 $0x40, s16  }
0x59d: {  	[hbm4b:s19+s3] =	stream.linear.scatter [tilespmem:s17], [sflag:$0x6], $0x80, $0x38;
	[tilespmem:$0x16300] =	vst v63  }
.Ltmp22:
0x59e: {  	s17 =	sadd.s32 $0xBBA8, s18;
	s19 =	sadd.s32 $0x50, s16;
	(pc) =	sbr.rel @p0 .LBB2_46-.Ltmp22, $4  }
0x59f: {  	[hbm4b:s19+s3] =	stream.linear.scatter [tilespmem:s17], [sflag:$0x6], $0x80, $0x38;
	[tilespmem:$0x16300] =	vst v63  }
0x5a0: {  	s17 =	sadd.s32 $0xBC30, s18;
	s19 =	sadd.s32 $0x60, s16;
	s18 =	sadd.s32 $0xBCB8, s18  }
0x5a1: {  	[hbm4b:s19+s3] =	stream.linear.scatter [tilespmem:s17], [sflag:$0x6], $0x80, $0x38;
	[tilespmem:$0x16300] =	vst v63  }
0x5a2: {  	s19 =	sadd.s32 $0x70, s16;
	s16 =	sadd.s32 $0x1000, s16;
	s17 =	smov.u32 s20  }
0x5a3: {  	[hbm4b:s19+s3] =	stream.linear.scatter [tilespmem:s18], [sflag:$0x6], $0x80, $0x38;
	[tilespmem:$0x16300] =	vst v63  }
0x5a4: {  	s17 =	sadd.s32 $0xB900, s7  }
0x5a5: {  	[hbm4b:s16+s3] =	stream.linear.scatter [tilespmem:s17], [sflag:$0x6], $0x80, $0x38;
	[tilespmem:$0x16300] =	vst v63  }
0x5a6: {  	s20 =	sadd.s32 $0xB988, s7;
	s25 =	sadd.s32 $0x10, s16  }
0x5a7: {  	[hbm4b:s25+s3] =	stream.linear.scatter [tilespmem:s20], [sflag:$0x6], $0x80, $0x38;
	[tilespmem:$0x16300] =	vst v63  }
0x5a8: {  	s26 =	sadd.s32 $0xBA10, s7;
	s29 =	sadd.s32 $0x20, s16  }
0x5a9: {  	[hbm4b:s29+s3] =	stream.linear.scatter [tilespmem:s26], [sflag:$0x6], $0x80, $0x38;
	[tilespmem:$0x16300] =	vst v63  }
0x5aa: {  	s18 =	sadd.s32 $0xBA98, s7;
	s19 =	sadd.s32 $0x30, s16  }
0x5ab: {  	[hbm4b:s19+s3] =	stream.linear.scatter [tilespmem:s18], [sflag:$0x6], $0x80, $0x38;
	[tilespmem:$0x16300] =	vst v63  }
0x5ac: {  	s20 =	sadd.s32 $0xBB20, s7;
	s25 =	sadd.s32 $0x40, s16  }
0x5ad: {  	[hbm4b:s25+s3] =	stream.linear.scatter [tilespmem:s20], [sflag:$0x6], $0x80, $0x38;
	[tilespmem:$0x16300] =	vst v63  }
0x5ae: {  	s26 =	sadd.s32 $0xBBA8, s7;
	s29 =	sadd.s32 $0x50, s16  }
0x5af: {  	[hbm4b:s29+s3] =	stream.linear.scatter [tilespmem:s26], [sflag:$0x6], $0x80, $0x38;
	[tilespmem:$0x16300] =	vst v63  }
0x5b0: {  	s19 =	sadd.s32 $0xBC30, s7;
	s20 =	sadd.s32 $0x60, s16  }
0x5b1: {  	[hbm4b:s20+s3] =	stream.linear.scatter [tilespmem:s19], [sflag:$0x6], $0x80, $0x38;
	[tilespmem:$0x16300] =	vst v63  }
0x5b2: {  	s25 =	sadd.s32 $0xBCB8, s7;
	s26 =	sadd.s32 $0x70, s16  }
0x5b3: {  	[hbm4b:s26+s3] =	stream.linear.scatter [tilespmem:s25], [sflag:$0x6], $0x80, $0x38;
	[tilespmem:$0x16300] =	vst v63  }
0x5b4: {  	_ =	swait.ge [sflag:s1], $0x2000  }
0x5b5: {  	[sflag:s1] =	ssyncset.done $0x0  }
0x5b6: {  	s29 =	simm.s32 $0x3;
	[sflag:s1] =	ssyncadd.s32 $0xFFFFE000  }
0x5b7: {  	s16 =	simm.s32 $0x0;
	v20 =	vmov s29;
	_ =	swait.ge [sflag:s8], $0x2000  }
0x5b8: {  	s18 =	simm.s32 $0x1;
	v21 =	vand.u32 $0x7F, v20;
	v20 =	vmov s16;
	[sflag:s8] =	ssyncset.done $0x0  }
0x5b9: {  	s17 =	simm.s32 $0x39F0;
	v22 =	vand.u32 $0x7C, v20;
	v20 =	vmov s18;
	[sflag:s8] =	ssyncadd.s32 $0xFFFFE000  }
0x5ba: {  	v24 =	vadd.s32 v4, v21;
	v27 =	vand.u32 $0x7D, v20;
	v23 =	vld [tilespmem:s17+$0xFFFFFFD0]  }
0x5bb: {  	v28 =	vadd.s32 v4, v27;
	v20 =	vld [tilespmem:s17+$0xFFFFFF50]  }
0x5bc: {  	s19 =	simm.s32 $0x2;
	v26 =	vadd.s32 v4, v22;
	v25 =	vld [tilespmem:s17+$0xFFFFFF10]  }
0x5bd: {  	v29 =	vmov s19  }
0x5be: {  	v29 =	vand.u32 $0x7E, v29  }
0x5bf: {  	v31 =	vadd.s32 v4, v29;
	v30 =	vld [tilespmem:s17+$0xFFFFFF90];
	[tilespmem:v24+s28+$0x0] =	vst.idx.msk $0xffff, v23  }
0x5c0: {  	v24 =	vadd.s32 v5, v21;
	[tilespmem:v28+s28+$0x0] =	vst.idx.msk $0xffff, v20;
	v23 =	vld [tilespmem:s17+$0xFFFFFFE0]  }
0x5c1: {  	[tilespmem:v26+s28+$0x0] =	vst.idx.msk $0xffff, v25;
	v28 =	vadd.s32 v5, v27;
	v20 =	vld [tilespmem:s17+$0xFFFFFF60]  }
0x5c2: {  	v26 =	vadd.s32 v5, v22;
	v25 =	vld [tilespmem:s17+$0xFFFFFF20];
	_ =	sdelay $0x1  }
0x5c3: {  	[tilespmem:v31+s28+$0x0] =	vst.idx.msk $0xffff, v30  }
0x5c4: {  	v32 =	vadd.s32 v5, v29;
	v31 =	vld [tilespmem:s17+$0xFFFFFFA0];
	[tilespmem:v24+s28+$0x0] =	vst.idx.msk $0xffff, v23  }
0x5c5: {  	v30 =	vadd.s32 v6, v21;
	[tilespmem:v28+s28+$0x0] =	vst.idx.msk $0xffff, v20;
	v23 =	vld [tilespmem:s17+$0xFFFFFFF0]  }
0x5c6: {  	s20 =	simm.s32 $0x7;
	v33 =	vadd.s32 v6, v27;
	[tilespmem:v26+s28+$0x0] =	vst.idx.msk $0xffff, v25;
	v28 =	vld [tilespmem:s17+$0xFFFFFF70]  }
0x5c7: {  	s25 =	simm.s32 $0x4;
	v26 =	vadd.s32 v6, v22;
	v24 =	vmov s20;
	v25 =	vld [tilespmem:s17+$0xFFFFFF30]  }
0x5c8: {  	s16 =	simm.s32 $0x3AF0;
	v20 =	vmov s25;
	v24 =	vand.u32 $0x7F, v24  }
0x5c9: {  	s26 =	simm.s32 $0x5;
	v34 =	vld [tilespmem:s16+$0xFFFFFFD0];
	[tilespmem:v32+s28+$0x0] =	vst.idx.msk $0xffff, v31;
	v20 =	vand.u32 $0x7C, v20;
	v35 =	vadd.s32 v4, v24  }
0x5ca: {  	s29 =	simm.s32 $0x6;
	v38 =	vmov s26;
	v36 =	vld [tilespmem:s16+$0xFFFFFF10];
	v37 =	vadd.s32 v4, v20;
	[tilespmem:v30+s28+$0x0] =	vst.idx.msk $0xffff, v23  }
0x5cb: {  	v62 =	vadd.s32 v6, v29;
	v23 =	vand.u32 $0x7D, v38;
	v30 =	vmov s29;
	[tilespmem:v33+s28+$0x0] =	vst.idx.msk $0xffff, v28;
	v28 =	vld [tilespmem:s17+$0xFFFFFFB0]  }
0x5cc: {  	v60 =	vadd.s32 v7, v21;
	[tilespmem:v26+s28+$0x0] =	vst.idx.msk $0xffff, v25;
	v25 =	vld [tilespmem:s16+$0xFFFFFF50];
	v26 =	vadd.s32 v4, v23;
	v21 =	vand.u32 $0x7E, v30  }
0x5cd: {  	v30 =	vld [tilespmem:s16+$0xFFFFFF90];
	v61 =	vadd.s32 v4, v21  }
0x5ce: {  	v31 =	vld [tilespmem:s17+$0x0];
	[tilespmem:v35+s28+$0x0] =	vst.idx.msk $0xffff, v34  }
0x5cf: {  	v63 =	vadd.s32 v5, v24;
	[tilespmem:v37+s28+$0x0] =	vst.idx.msk $0xffff, v36;
	v35 =	vld [tilespmem:s16+$0xFFFFFFE0]  }
0x5d0: {  	v39 =	vadd.s32 v5, v20;
	v37 =	vld [tilespmem:s16+$0xFFFFFF20];
	[tilespmem:v62+s28+$0x0] =	vst.idx.msk $0xffff, v28  }
0x5d1: {  	v41 =	vadd.s32 v7, v27;
	v40 =	vld [tilespmem:s17+$0xFFFFFF80];
	[tilespmem:v26+s28+$0x0] =	vst.idx.msk $0xffff, v25  }
0x5d2: {  	v34 =	vadd.s32 v5, v23;
	v33 =	vld [tilespmem:s16+$0xFFFFFF60];
	[tilespmem:v61+s28+$0x0] =	vst.idx.msk $0xffff, v30  }
0x5d3: {  	v32 =	vadd.s32 v5, v21;
	[tilespmem:v60+s28+$0x0] =	vst.idx.msk $0xffff, v31;
	v31 =	vld [tilespmem:s16+$0xFFFFFFA0]  }
0x5d4: {  	v27 =	vld [tilespmem:s17+$0xFFFFFFC0];
	[tilespmem:v63+s28+$0x0] =	vst.idx.msk $0xffff, v35;
	v30 =	vadd.s32 v7, v29  }
0x5d5: {  	v28 =	vadd.s32 v6, v24;
	[tilespmem:v39+s28+$0x0] =	vst.idx.msk $0xffff, v37;
	v25 =	vld [tilespmem:s16+$0xFFFFFFF0]  }
0x5d6: {  	s7 =	simm.s32 $0x8;
	s19 =	simm.s32 $0xB;
	s18 =	simm.s32 $0xC;
	[tilespmem:v41+s28+$0x0] =	vst.idx.msk $0xffff, v40;
	v29 =	vadd.s32 v6, v20;
	v26 =	vld [tilespmem:s16+$0xFFFFFF30]  }
.LBB2_48:
0x5d7: {  	p0 =	slt.u32 s18, $0x7C;
	v35 =	vmov s19;
	[tilespmem:v34+s28+$0x0] =	vst.idx.msk $0xffff, v33;
	v33 =	vld [tilespmem:s17+$0xFFFFFF40];
	v34 =	vadd.s32 v7, v22;
	v22 =	vmov v20;
	s17 =	smov.u32 s16  }
0x5d8: {  	v20 =	vmov s7;
	v37 =	vadd.s32 v6, v23;
	s16 =	sadd.s32 $0x100, s16;
	v35 =	vand.u32 $0x7F, v35;
	v36 =	vld [tilespmem:s17+$0xFFFFFF70];
	[tilespmem:v32+s28+$0x0] =	vst.idx.msk $0xffff, v31  }
0x5d9: {  	s19 =	sadd.s32 $0x1, s7;
	v20 =	vand.u32 $0x7C, v20;
	v31 =	vld [tilespmem:s16+$0xFFFFFFD0];
	v32 =	vadd.s32 v4, v35;
	[tilespmem:v30+s28+$0x0] =	vst.idx.msk $0xffff, v27  }
0x5da: {  	v38 =	vmov s19;
	s19 =	sadd.s32 $0x2, s7;
	s7 =	smov.u32 s18;
	v30 =	vadd.s32 v4, v20;
	v27 =	vld [tilespmem:s16+$0xFFFFFF10];
	[tilespmem:v28+s28+$0x0] =	vst.idx.msk $0xffff, v25  }
0x5db: {  	v25 =	vand.u32 $0x7D, v38;
	v28 =	vmov s19;
	[tilespmem:v29+s28+$0x0] =	vst.idx.msk $0xffff, v26;
	v26 =	vld [tilespmem:s17+$0x0];
	v29 =	vadd.s32 v7, v24;
	v24 =	vmovc v35  }
0x5dc: {  	v38 =	vadd.s32 v4, v25;
	v28 =	vand.u32 $0x7E, v28;
	v35 =	vld [tilespmem:s16+$0xFFFFFF50];
	[tilespmem:v34+s28+$0x0] =	vst.idx.msk $0xffff, v33  }
0x5dd: {  	v40 =	vadd.s32 v4, v28;
	v39 =	vld [tilespmem:s16+$0xFFFFFF90];
	[tilespmem:v37+s28+$0x0] =	vst.idx.msk $0xffff, v36  }
0x5de: {  	v37 =	vadd.s32 v6, v21;
	[tilespmem:v32+s28+$0x0] =	vst.idx.msk $0xffff, v31;
	v36 =	vld [tilespmem:s17+$0xFFFFFFB0]  }
0x5df: {  	[tilespmem:v30+s28+$0x0] =	vst.idx.msk $0xffff, v27;
	v27 =	vld [tilespmem:s16+$0xFFFFFFE0];
	v30 =	vadd.s32 v5, v24  }
0x5e0: {  	v42 =	vadd.s32 v5, v20;
	v41 =	vld [tilespmem:s16+$0xFFFFFF20];
	[tilespmem:v29+s28+$0x0] =	vst.idx.msk $0xffff, v26  }
0x5e1: {  	[tilespmem:v38+s28+$0x0] =	vst.idx.msk $0xffff, v35;
	v35 =	vld [tilespmem:s17+$0xFFFFFF80];
	v38 =	vadd.s32 v7, v23;
	v23 =	vmov v25  }
.Ltmp23:
0x5e2: {  	v33 =	vld [tilespmem:s16+$0xFFFFFF60];
	v34 =	vadd.s32 v5, v23;
	[tilespmem:v40+s28+$0x0] =	vst.idx.msk $0xffff, v39;
	(pc) =	sbr.rel @p0 .LBB2_48-.Ltmp23, $4  }
0x5e3: {  	v32 =	vadd.s32 v5, v28;
	v31 =	vld [tilespmem:s16+$0xFFFFFFA0];
	[tilespmem:v37+s28+$0x0] =	vst.idx.msk $0xffff, v36  }
0x5e4: {  	[tilespmem:v30+s28+$0x0] =	vst.idx.msk $0xffff, v27;
	v27 =	vld [tilespmem:s17+$0xFFFFFFC0];
	v30 =	vadd.s32 v7, v21;
	v21 =	vmov v28  }
0x5e5: {  	v28 =	vadd.s32 v6, v24;
	[tilespmem:v42+s28+$0x0] =	vst.idx.msk $0xffff, v41;
	v25 =	vld [tilespmem:s16+$0xFFFFFFF0]  }
0x5e6: {  	s18 =	sadd.s32 $0x4, s18;
	s19 =	sadd.s32 $0x3, s7;
	v29 =	vadd.s32 v6, v20;
	v26 =	vld [tilespmem:s16+$0xFFFFFF30];
	[tilespmem:v38+s28+$0x0] =	vst.idx.msk $0xffff, v35  }
0x5e7: {  	_ =	sdelay $0x2  }
0x5e8: {  	v35 =	vmov s19  }
0x5e9: {  	s18 =	sadd.s32 $0x1, s7;
	[tilespmem:v34+s28+$0x0] =	vst.idx.msk $0xffff, v33;
	v54 =	vld [tilespmem:s17+$0xFFFFFF40];
	v22 =	vadd.s32 v7, v22;
	s26 =	sadd.s32 $0x100, s16;
	v37 =	vmov s7;
	v34 =	vand.u32 $0x7F, v35  }
0x5ea: {  	s29 =	sadd.s32 $0x2, s7;
	v55 =	vmov s18;
	[tilespmem:v32+s28+$0x0] =	vst.idx.msk $0xffff, v31;
	v56 =	vld [tilespmem:s26+$0xFFFFFFD0];
	v37 =	vand.u32 $0x7C, v37;
	v57 =	vadd.s32 v4, v34  }
0x5eb: {  	v36 =	vmov s29;
	v38 =	vld [tilespmem:s26+$0xFFFFFF10];
	v35 =	vand.u32 $0x7D, v55;
	[tilespmem:v30+s28+$0x0] =	vst.idx.msk $0xffff, v27;
	v62 =	vadd.s32 v4, v37  }
0x5ec: {  	v58 =	vld [tilespmem:s26+$0xFFFFFF50];
	v36 =	vand.u32 $0x7E, v36;
	v59 =	vadd.s32 v4, v35;
	[tilespmem:v28+s28+$0x0] =	vst.idx.msk $0xffff, v25  }
0x5ed: {  	v60 =	vld [tilespmem:s26+$0xFFFFFF90];
	v61 =	vadd.s32 v4, v36;
	[tilespmem:v29+s28+$0x0] =	vst.idx.msk $0xffff, v26  }
0x5ee: {  	v39 =	vadd.s32 v6, v23;
	v63 =	vld [tilespmem:s16+$0xFFFFFF70];
	[tilespmem:v22+s28+$0x0] =	vst.idx.msk $0xffff, v54  }
0x5ef: {  	v47 =	vadd.s32 v6, v21;
	v46 =	vld [tilespmem:s16+$0xFFFFFFB0];
	[tilespmem:v57+s28+$0x0] =	vst.idx.msk $0xffff, v56  }
0x5f0: {  	v41 =	vadd.s32 v5, v34;
	[tilespmem:v62+s28+$0x0] =	vst.idx.msk $0xffff, v38;
	v31 =	vld [tilespmem:s26+$0xFFFFFFE0]  }
0x5f1: {  	v45 =	vadd.s32 v5, v37;
	[tilespmem:v59+s28+$0x0] =	vst.idx.msk $0xffff, v58;
	v44 =	vld [tilespmem:s26+$0xFFFFFF20]  }
0x5f2: {  	v42 =	vadd.s32 v5, v35;
	[tilespmem:v61+s28+$0x0] =	vst.idx.msk $0xffff, v60;
	v27 =	vld [tilespmem:s26+$0xFFFFFF60]  }
0x5f3: {  	v43 =	vadd.s32 v5, v36;
	[tilespmem:v39+s28+$0x0] =	vst.idx.msk $0xffff, v63;
	v25 =	vld [tilespmem:s26+$0xFFFFFFA0]  }
0x5f4: {  	v24 =	vadd.s32 v7, v24;
	v40 =	vld [tilespmem:s16+$0x0];
	[tilespmem:v47+s28+$0x0] =	vst.idx.msk $0xffff, v46  }
0x5f5: {  	v49 =	vadd.s32 v7, v23;
	v48 =	vld [tilespmem:s16+$0xFFFFFF80];
	[tilespmem:v41+s28+$0x0] =	vst.idx.msk $0xffff, v31  }
0x5f6: {  	v50 =	vadd.s32 v6, v34;
	[tilespmem:v45+s28+$0x0] =	vst.idx.msk $0xffff, v44;
	v31 =	vld [tilespmem:s26+$0xFFFFFFF0]  }
0x5f7: {  	v55 =	vadd.s32 v6, v37;
	[tilespmem:v42+s28+$0x0] =	vst.idx.msk $0xffff, v27;
	v54 =	vld [tilespmem:s26+$0xFFFFFF30]  }
0x5f8: {  	v51 =	vadd.s32 v6, v35;
	[tilespmem:v43+s28+$0x0] =	vst.idx.msk $0xffff, v25;
	v27 =	vld [tilespmem:s26+$0xFFFFFF70]  }
0x5f9: {  	v53 =	vadd.s32 v6, v36;
	[tilespmem:v24+s28+$0x0] =	vst.idx.msk $0xffff, v40;
	v52 =	vld [tilespmem:s26+$0xFFFFFFB0]  }
0x5fa: {  	v20 =	vadd.s32 v7, v20;
	v57 =	vld [tilespmem:s16+$0xFFFFFF40];
	[tilespmem:v49+s28+$0x0] =	vst.idx.msk $0xffff, v48  }
0x5fb: {  	v56 =	vadd.s32 v7, v21;
	v29 =	vld [tilespmem:s16+$0xFFFFFFC0];
	[tilespmem:v50+s28+$0x0] =	vst.idx.msk $0xffff, v31  }
0x5fc: {  	v59 =	vadd.s32 v7, v34;
	[tilespmem:v55+s28+$0x0] =	vst.idx.msk $0xffff, v54;
	v58 =	vld [tilespmem:s26+$0x0]  }
0x5fd: {  	v63 =	vadd.s32 v7, v37;
	[tilespmem:v51+s28+$0x0] =	vst.idx.msk $0xffff, v27;
	v62 =	vld [tilespmem:s26+$0xFFFFFF40]  }
0x5fe: {  	v60 =	vadd.s32 v7, v35;
	[tilespmem:v53+s28+$0x0] =	vst.idx.msk $0xffff, v52;
	v27 =	vld [tilespmem:s26+$0xFFFFFF80]  }
0x5ff: {  	v61 =	vadd.s32 v7, v36;
	[tilespmem:v20+s28+$0x0] =	vst.idx.msk $0xffff, v57;
	v22 =	vld [tilespmem:s26+$0xFFFFFFC0]  }
0x600: {  	[tilespmem:v56+s28+$0x0] =	vst.idx.msk $0xffff, v29  }
0x601: {  	[tilespmem:v59+s28+$0x0] =	vst.idx.msk $0xffff, v58  }
0x602: {  	[tilespmem:v63+s28+$0x0] =	vst.idx.msk $0xffff, v62  }
0x603: {  	[tilespmem:v60+s28+$0x0] =	vst.idx.msk $0xffff, v27  }
0x604: {  	[tilespmem:v61+s28+$0x0] =	vst.idx.msk $0xffff, v22  }
0x605: {  	s16 =	simm.s32 $0xDB00;
	s20 =	rddreg [dreg:$0xa]  }
0x606: {  	[hbm4b:s20+s3] =	stream.linear.scatter [tilespmem:s16], [sflag:$0x7], $0x80, $0x38;
	[tilespmem:$0x16300] =	vst v63  }
0x607: {  	s17 =	simm.s32 $0xDB88;
	s18 =	sadd.s32 $0x10, s20  }
0x608: {  	[hbm4b:s18+s3] =	stream.linear.scatter [tilespmem:s17], [sflag:$0x7], $0x80, $0x38;
	[tilespmem:$0x16300] =	vst v63  }
0x609: {  	s19 =	simm.s32 $0xDC10;
	s7 =	simm.s32 $0x440;
	s25 =	sadd.s32 $0x20, s20  }
0x60a: {  	[hbm4b:s25+s3] =	stream.linear.scatter [tilespmem:s19], [sflag:$0x7], $0x80, $0x38;
	[tilespmem:$0x16300] =	vst v63  }
0x60b: {  	s26 =	simm.s32 $0xDC98;
	s29 =	sadd.s32 $0x30, s20;
	s16 =	sadd.s32 $0x1000, s20  }
0x60c: {  	[hbm4b:s29+s3] =	stream.linear.scatter [tilespmem:s26], [sflag:$0x7], $0x80, $0x38;
	[tilespmem:$0x16300] =	vst v63  }
0x60d: {  	s17 =	simm.s32 $0xDD20;
	s18 =	sadd.s32 $0x40, s20;
	s19 =	simm.s32 $0xDDA8  }
0x60e: {  	[hbm4b:s18+s3] =	stream.linear.scatter [tilespmem:s17], [sflag:$0x7], $0x80, $0x38;
	[tilespmem:$0x16300] =	vst v63  }
0x60f: {  	s25 =	sadd.s32 $0x50, s20;
	s26 =	simm.s32 $0xDE30;
	s29 =	sadd.s32 $0x60, s20  }
0x610: {  	[hbm4b:s25+s3] =	stream.linear.scatter [tilespmem:s19], [sflag:$0x7], $0x80, $0x38;
	[tilespmem:$0x16300] =	vst v63  }
0x611: {  	s17 =	simm.s32 $0x2200;
	s18 =	simm.s32 $0xDEB8;
	s19 =	sadd.s32 $0x70, s20  }
0x612: {  	[hbm4b:s29+s3] =	stream.linear.scatter [tilespmem:s26], [sflag:$0x7], $0x80, $0x38;
	[tilespmem:$0x16300] =	vst v63  }
.LBB2_50:
0x613: {  	[hbm4b:s19+s3] =	stream.linear.scatter [tilespmem:s18], [sflag:$0x7], $0x80, $0x38;
	[tilespmem:$0x16300] =	vst v63  }
0x614: {  	s18 =	smov.u32 s7;
	s7 =	smov.u32 s17  }
0x615: {  	s20 =	sadd.s32 $0x1100, s17;
	s7 =	sshra.s32 s7, $0x2;
	s19 =	sadd.s32 $0xDB00, s18  }
0x616: {  	[hbm4b:s16+s3] =	stream.linear.scatter [tilespmem:s19], [sflag:$0x7], $0x80, $0x38;
	[tilespmem:$0x16300] =	vst v63  }
0x617: {  	p0 =	sne.s32 s17, $0x7700;
	s17 =	sadd.s32 $0xDB88, s18;
	s19 =	sadd.s32 $0x10, s16  }
0x618: {  	[hbm4b:s19+s3] =	stream.linear.scatter [tilespmem:s17], [sflag:$0x7], $0x80, $0x38;
	[tilespmem:$0x16300] =	vst v63  }
0x619: {  	s17 =	sadd.s32 $0xDC10, s18;
	s19 =	sadd.s32 $0x20, s16  }
0x61a: {  	[hbm4b:s19+s3] =	stream.linear.scatter [tilespmem:s17], [sflag:$0x7], $0x80, $0x38;
	[tilespmem:$0x16300] =	vst v63  }
0x61b: {  	s17 =	sadd.s32 $0xDC98, s18;
	s19 =	sadd.s32 $0x30, s16  }
0x61c: {  	[hbm4b:s19+s3] =	stream.linear.scatter [tilespmem:s17], [sflag:$0x7], $0x80, $0x38;
	[tilespmem:$0x16300] =	vst v63  }
0x61d: {  	s17 =	sadd.s32 $0xDD20, s18;
	s19 =	sadd.s32 $0x40, s16  }
0x61e: {  	[hbm4b:s19+s3] =	stream.linear.scatter [tilespmem:s17], [sflag:$0x7], $0x80, $0x38;
	[tilespmem:$0x16300] =	vst v63  }
.Ltmp24:
0x61f: {  	s17 =	sadd.s32 $0xDDA8, s18;
	s19 =	sadd.s32 $0x50, s16;
	(pc) =	sbr.rel @p0 .LBB2_50-.Ltmp24, $4  }
0x620: {  	[hbm4b:s19+s3] =	stream.linear.scatter [tilespmem:s17], [sflag:$0x7], $0x80, $0x38;
	[tilespmem:$0x16300] =	vst v63  }
0x621: {  	s17 =	sadd.s32 $0xDE30, s18;
	s19 =	sadd.s32 $0x60, s16;
	s18 =	sadd.s32 $0xDEB8, s18  }
0x622: {  	[hbm4b:s19+s3] =	stream.linear.scatter [tilespmem:s17], [sflag:$0x7], $0x80, $0x38;
	[tilespmem:$0x16300] =	vst v63  }
0x623: {  	s19 =	sadd.s32 $0x70, s16;
	s16 =	sadd.s32 $0x1000, s16;
	s17 =	smov.u32 s20  }
0x624: {  	[hbm4b:s19+s3] =	stream.linear.scatter [tilespmem:s18], [sflag:$0x7], $0x80, $0x38;
	[tilespmem:$0x16300] =	vst v63  }
0x625: {  	s17 =	sadd.s32 $0xDB00, s7  }
0x626: {  	[hbm4b:s16+s3] =	stream.linear.scatter [tilespmem:s17], [sflag:$0x7], $0x80, $0x38;
	[tilespmem:$0x16300] =	vst v63  }
0x627: {  	s20 =	sadd.s32 $0xDB88, s7;
	s25 =	sadd.s32 $0x10, s16  }
0x628: {  	[hbm4b:s25+s3] =	stream.linear.scatter [tilespmem:s20], [sflag:$0x7], $0x80, $0x38;
	[tilespmem:$0x16300] =	vst v63  }
0x629: {  	s26 =	sadd.s32 $0xDC10, s7;
	s29 =	sadd.s32 $0x20, s16  }
0x62a: {  	[hbm4b:s29+s3] =	stream.linear.scatter [tilespmem:s26], [sflag:$0x7], $0x80, $0x38;
	[tilespmem:$0x16300] =	vst v63  }
0x62b: {  	s18 =	sadd.s32 $0xDC98, s7;
	s19 =	sadd.s32 $0x30, s16  }
0x62c: {  	[hbm4b:s19+s3] =	stream.linear.scatter [tilespmem:s18], [sflag:$0x7], $0x80, $0x38;
	[tilespmem:$0x16300] =	vst v63  }
0x62d: {  	s20 =	sadd.s32 $0xDD20, s7;
	s25 =	sadd.s32 $0x40, s16  }
0x62e: {  	[hbm4b:s25+s3] =	stream.linear.scatter [tilespmem:s20], [sflag:$0x7], $0x80, $0x38;
	[tilespmem:$0x16300] =	vst v63  }
0x62f: {  	s26 =	sadd.s32 $0xDDA8, s7;
	s29 =	sadd.s32 $0x50, s16  }
0x630: {  	[hbm4b:s29+s3] =	stream.linear.scatter [tilespmem:s26], [sflag:$0x7], $0x80, $0x38;
	[tilespmem:$0x16300] =	vst v63  }
0x631: {  	s19 =	sadd.s32 $0xDE30, s7;
	s20 =	sadd.s32 $0x60, s16  }
0x632: {  	[hbm4b:s20+s3] =	stream.linear.scatter [tilespmem:s19], [sflag:$0x7], $0x80, $0x38;
	[tilespmem:$0x16300] =	vst v63  }
0x633: {  	s25 =	sadd.s32 $0xDEB8, s7;
	s26 =	sadd.s32 $0x70, s16  }
0x634: {  	[hbm4b:s26+s3] =	stream.linear.scatter [tilespmem:s25], [sflag:$0x7], $0x80, $0x38;
	[tilespmem:$0x16300] =	vst v63  }
0x635: {  	_ =	swait.ge [sflag:s30], $0x2000  }
0x636: {  	[sflag:s30] =	ssyncset.done $0x0  }
0x637: {  	s29 =	simm.s32 $0x3;
	[sflag:s30] =	ssyncadd.s32 $0xFFFFE000  }
0x638: {  	s16 =	simm.s32 $0x0;
	v20 =	vmov s29;
	_ =	swait.ge [sflag:s9], $0x2000  }
0x639: {  	s18 =	simm.s32 $0x1;
	v21 =	vand.u32 $0x7F, v20;
	v20 =	vmov s16;
	[sflag:s9] =	ssyncset.done $0x0  }
0x63a: {  	s17 =	simm.s32 $0x59F0;
	v22 =	vand.u32 $0x7C, v20;
	v20 =	vmov s18;
	[sflag:s9] =	ssyncadd.s32 $0xFFFFE000  }
0x63b: {  	v24 =	vadd.s32 v8, v21;
	v27 =	vand.u32 $0x7D, v20;
	v23 =	vld [tilespmem:s17+$0xFFFFFFD0]  }
0x63c: {  	v28 =	vadd.s32 v8, v27;
	v20 =	vld [tilespmem:s17+$0xFFFFFF50]  }
0x63d: {  	s19 =	simm.s32 $0x2;
	v26 =	vadd.s32 v8, v22;
	v25 =	vld [tilespmem:s17+$0xFFFFFF10]  }
0x63e: {  	v29 =	vmov s19  }
0x63f: {  	v29 =	vand.u32 $0x7E, v29  }
0x640: {  	v31 =	vadd.s32 v8, v29;
	v30 =	vld [tilespmem:s17+$0xFFFFFF90];
	[tilespmem:v24+s28+$0x0] =	vst.idx.msk $0xffff, v23  }
0x641: {  	v24 =	vadd.s32 v9, v21;
	[tilespmem:v28+s28+$0x0] =	vst.idx.msk $0xffff, v20;
	v23 =	vld [tilespmem:s17+$0xFFFFFFE0]  }
0x642: {  	[tilespmem:v26+s28+$0x0] =	vst.idx.msk $0xffff, v25;
	v28 =	vadd.s32 v9, v27;
	v20 =	vld [tilespmem:s17+$0xFFFFFF60]  }
0x643: {  	v26 =	vadd.s32 v9, v22;
	v25 =	vld [tilespmem:s17+$0xFFFFFF20];
	_ =	sdelay $0x1  }
0x644: {  	[tilespmem:v31+s28+$0x0] =	vst.idx.msk $0xffff, v30  }
0x645: {  	v32 =	vadd.s32 v9, v29;
	v31 =	vld [tilespmem:s17+$0xFFFFFFA0];
	[tilespmem:v24+s28+$0x0] =	vst.idx.msk $0xffff, v23  }
0x646: {  	v30 =	vadd.s32 v10, v21;
	[tilespmem:v28+s28+$0x0] =	vst.idx.msk $0xffff, v20;
	v23 =	vld [tilespmem:s17+$0xFFFFFFF0]  }
0x647: {  	s20 =	simm.s32 $0x7;
	v33 =	vadd.s32 v10, v27;
	[tilespmem:v26+s28+$0x0] =	vst.idx.msk $0xffff, v25;
	v28 =	vld [tilespmem:s17+$0xFFFFFF70]  }
0x648: {  	s25 =	simm.s32 $0x4;
	v26 =	vadd.s32 v10, v22;
	v24 =	vmov s20;
	v25 =	vld [tilespmem:s17+$0xFFFFFF30]  }
0x649: {  	s16 =	simm.s32 $0x5AF0;
	v20 =	vmov s25;
	v24 =	vand.u32 $0x7F, v24  }
0x64a: {  	s26 =	simm.s32 $0x5;
	v34 =	vld [tilespmem:s16+$0xFFFFFFD0];
	[tilespmem:v32+s28+$0x0] =	vst.idx.msk $0xffff, v31;
	v20 =	vand.u32 $0x7C, v20;
	v35 =	vadd.s32 v8, v24  }
0x64b: {  	s29 =	simm.s32 $0x6;
	v38 =	vmov s26;
	v36 =	vld [tilespmem:s16+$0xFFFFFF10];
	v37 =	vadd.s32 v8, v20;
	[tilespmem:v30+s28+$0x0] =	vst.idx.msk $0xffff, v23  }
0x64c: {  	v62 =	vadd.s32 v10, v29;
	v23 =	vand.u32 $0x7D, v38;
	v30 =	vmov s29;
	[tilespmem:v33+s28+$0x0] =	vst.idx.msk $0xffff, v28;
	v28 =	vld [tilespmem:s17+$0xFFFFFFB0]  }
0x64d: {  	v60 =	vadd.s32 v11, v21;
	[tilespmem:v26+s28+$0x0] =	vst.idx.msk $0xffff, v25;
	v25 =	vld [tilespmem:s16+$0xFFFFFF50];
	v26 =	vadd.s32 v8, v23;
	v21 =	vand.u32 $0x7E, v30  }
0x64e: {  	v30 =	vld [tilespmem:s16+$0xFFFFFF90];
	v61 =	vadd.s32 v8, v21  }
0x64f: {  	v31 =	vld [tilespmem:s17+$0x0];
	[tilespmem:v35+s28+$0x0] =	vst.idx.msk $0xffff, v34  }
0x650: {  	v63 =	vadd.s32 v9, v24;
	[tilespmem:v37+s28+$0x0] =	vst.idx.msk $0xffff, v36;
	v35 =	vld [tilespmem:s16+$0xFFFFFFE0]  }
0x651: {  	v39 =	vadd.s32 v9, v20;
	v37 =	vld [tilespmem:s16+$0xFFFFFF20];
	[tilespmem:v62+s28+$0x0] =	vst.idx.msk $0xffff, v28  }
0x652: {  	v41 =	vadd.s32 v11, v27;
	v40 =	vld [tilespmem:s17+$0xFFFFFF80];
	[tilespmem:v26+s28+$0x0] =	vst.idx.msk $0xffff, v25  }
0x653: {  	v34 =	vadd.s32 v9, v23;
	v33 =	vld [tilespmem:s16+$0xFFFFFF60];
	[tilespmem:v61+s28+$0x0] =	vst.idx.msk $0xffff, v30  }
0x654: {  	v32 =	vadd.s32 v9, v21;
	[tilespmem:v60+s28+$0x0] =	vst.idx.msk $0xffff, v31;
	v31 =	vld [tilespmem:s16+$0xFFFFFFA0]  }
0x655: {  	v27 =	vld [tilespmem:s17+$0xFFFFFFC0];
	[tilespmem:v63+s28+$0x0] =	vst.idx.msk $0xffff, v35;
	v30 =	vadd.s32 v11, v29  }
0x656: {  	v28 =	vadd.s32 v10, v24;
	[tilespmem:v39+s28+$0x0] =	vst.idx.msk $0xffff, v37;
	v25 =	vld [tilespmem:s16+$0xFFFFFFF0]  }
0x657: {  	s7 =	simm.s32 $0x8;
	s19 =	simm.s32 $0xB;
	s18 =	simm.s32 $0xC;
	[tilespmem:v41+s28+$0x0] =	vst.idx.msk $0xffff, v40;
	v29 =	vadd.s32 v10, v20;
	v26 =	vld [tilespmem:s16+$0xFFFFFF30]  }
.LBB2_52:
0x658: {  	p0 =	slt.u32 s18, $0x7C;
	v35 =	vmov s19;
	[tilespmem:v34+s28+$0x0] =	vst.idx.msk $0xffff, v33;
	v33 =	vld [tilespmem:s17+$0xFFFFFF40];
	v34 =	vadd.s32 v11, v22;
	v22 =	vmov v20;
	s17 =	smov.u32 s16  }
0x659: {  	v20 =	vmov s7;
	v37 =	vadd.s32 v10, v23;
	s16 =	sadd.s32 $0x100, s16;
	v35 =	vand.u32 $0x7F, v35;
	v36 =	vld [tilespmem:s17+$0xFFFFFF70];
	[tilespmem:v32+s28+$0x0] =	vst.idx.msk $0xffff, v31  }
0x65a: {  	s19 =	sadd.s32 $0x1, s7;
	v20 =	vand.u32 $0x7C, v20;
	v31 =	vld [tilespmem:s16+$0xFFFFFFD0];
	v32 =	vadd.s32 v8, v35;
	[tilespmem:v30+s28+$0x0] =	vst.idx.msk $0xffff, v27  }
0x65b: {  	v38 =	vmov s19;
	s19 =	sadd.s32 $0x2, s7;
	s7 =	smov.u32 s18;
	v30 =	vadd.s32 v8, v20;
	v27 =	vld [tilespmem:s16+$0xFFFFFF10];
	[tilespmem:v28+s28+$0x0] =	vst.idx.msk $0xffff, v25  }
0x65c: {  	v25 =	vand.u32 $0x7D, v38;
	v28 =	vmov s19;
	[tilespmem:v29+s28+$0x0] =	vst.idx.msk $0xffff, v26;
	v26 =	vld [tilespmem:s17+$0x0];
	v29 =	vadd.s32 v11, v24;
	v24 =	vmovc v35  }
0x65d: {  	v38 =	vadd.s32 v8, v25;
	v28 =	vand.u32 $0x7E, v28;
	v35 =	vld [tilespmem:s16+$0xFFFFFF50];
	[tilespmem:v34+s28+$0x0] =	vst.idx.msk $0xffff, v33  }
0x65e: {  	v40 =	vadd.s32 v8, v28;
	v39 =	vld [tilespmem:s16+$0xFFFFFF90];
	[tilespmem:v37+s28+$0x0] =	vst.idx.msk $0xffff, v36  }
0x65f: {  	v37 =	vadd.s32 v10, v21;
	[tilespmem:v32+s28+$0x0] =	vst.idx.msk $0xffff, v31;
	v36 =	vld [tilespmem:s17+$0xFFFFFFB0]  }
0x660: {  	[tilespmem:v30+s28+$0x0] =	vst.idx.msk $0xffff, v27;
	v27 =	vld [tilespmem:s16+$0xFFFFFFE0];
	v30 =	vadd.s32 v9, v24  }
0x661: {  	v42 =	vadd.s32 v9, v20;
	v41 =	vld [tilespmem:s16+$0xFFFFFF20];
	[tilespmem:v29+s28+$0x0] =	vst.idx.msk $0xffff, v26  }
0x662: {  	[tilespmem:v38+s28+$0x0] =	vst.idx.msk $0xffff, v35;
	v35 =	vld [tilespmem:s17+$0xFFFFFF80];
	v38 =	vadd.s32 v11, v23;
	v23 =	vmov v25  }
.Ltmp25:
0x663: {  	v33 =	vld [tilespmem:s16+$0xFFFFFF60];
	v34 =	vadd.s32 v9, v23;
	[tilespmem:v40+s28+$0x0] =	vst.idx.msk $0xffff, v39;
	(pc) =	sbr.rel @p0 .LBB2_52-.Ltmp25, $4  }
0x664: {  	v32 =	vadd.s32 v9, v28;
	v31 =	vld [tilespmem:s16+$0xFFFFFFA0];
	[tilespmem:v37+s28+$0x0] =	vst.idx.msk $0xffff, v36  }
0x665: {  	[tilespmem:v30+s28+$0x0] =	vst.idx.msk $0xffff, v27;
	v27 =	vld [tilespmem:s17+$0xFFFFFFC0];
	v30 =	vadd.s32 v11, v21;
	v21 =	vmov v28  }
0x666: {  	v28 =	vadd.s32 v10, v24;
	[tilespmem:v42+s28+$0x0] =	vst.idx.msk $0xffff, v41;
	v25 =	vld [tilespmem:s16+$0xFFFFFFF0]  }
0x667: {  	s18 =	sadd.s32 $0x4, s18;
	s19 =	sadd.s32 $0x3, s7;
	v29 =	vadd.s32 v10, v20;
	v26 =	vld [tilespmem:s16+$0xFFFFFF30];
	[tilespmem:v38+s28+$0x0] =	vst.idx.msk $0xffff, v35  }
0x668: {  	_ =	sdelay $0x2  }
0x669: {  	v35 =	vmov s19  }
0x66a: {  	s18 =	sadd.s32 $0x1, s7;
	[tilespmem:v34+s28+$0x0] =	vst.idx.msk $0xffff, v33;
	v54 =	vld [tilespmem:s17+$0xFFFFFF40];
	v22 =	vadd.s32 v11, v22;
	s26 =	sadd.s32 $0x100, s16;
	v37 =	vmov s7;
	v34 =	vand.u32 $0x7F, v35  }
0x66b: {  	s29 =	sadd.s32 $0x2, s7;
	v55 =	vmov s18;
	[tilespmem:v32+s28+$0x0] =	vst.idx.msk $0xffff, v31;
	v56 =	vld [tilespmem:s26+$0xFFFFFFD0];
	v37 =	vand.u32 $0x7C, v37;
	v57 =	vadd.s32 v8, v34  }
0x66c: {  	v36 =	vmov s29;
	v38 =	vld [tilespmem:s26+$0xFFFFFF10];
	v35 =	vand.u32 $0x7D, v55;
	[tilespmem:v30+s28+$0x0] =	vst.idx.msk $0xffff, v27;
	v62 =	vadd.s32 v8, v37  }
0x66d: {  	v58 =	vld [tilespmem:s26+$0xFFFFFF50];
	v36 =	vand.u32 $0x7E, v36;
	v59 =	vadd.s32 v8, v35;
	[tilespmem:v28+s28+$0x0] =	vst.idx.msk $0xffff, v25  }
0x66e: {  	v60 =	vld [tilespmem:s26+$0xFFFFFF90];
	v61 =	vadd.s32 v8, v36;
	[tilespmem:v29+s28+$0x0] =	vst.idx.msk $0xffff, v26  }
0x66f: {  	v39 =	vadd.s32 v10, v23;
	v63 =	vld [tilespmem:s16+$0xFFFFFF70];
	[tilespmem:v22+s28+$0x0] =	vst.idx.msk $0xffff, v54  }
0x670: {  	v47 =	vadd.s32 v10, v21;
	v46 =	vld [tilespmem:s16+$0xFFFFFFB0];
	[tilespmem:v57+s28+$0x0] =	vst.idx.msk $0xffff, v56  }
0x671: {  	v41 =	vadd.s32 v9, v34;
	[tilespmem:v62+s28+$0x0] =	vst.idx.msk $0xffff, v38;
	v31 =	vld [tilespmem:s26+$0xFFFFFFE0]  }
0x672: {  	v45 =	vadd.s32 v9, v37;
	[tilespmem:v59+s28+$0x0] =	vst.idx.msk $0xffff, v58;
	v44 =	vld [tilespmem:s26+$0xFFFFFF20]  }
0x673: {  	v42 =	vadd.s32 v9, v35;
	[tilespmem:v61+s28+$0x0] =	vst.idx.msk $0xffff, v60;
	v27 =	vld [tilespmem:s26+$0xFFFFFF60]  }
0x674: {  	v43 =	vadd.s32 v9, v36;
	[tilespmem:v39+s28+$0x0] =	vst.idx.msk $0xffff, v63;
	v25 =	vld [tilespmem:s26+$0xFFFFFFA0]  }
0x675: {  	v24 =	vadd.s32 v11, v24;
	v40 =	vld [tilespmem:s16+$0x0];
	[tilespmem:v47+s28+$0x0] =	vst.idx.msk $0xffff, v46  }
0x676: {  	v49 =	vadd.s32 v11, v23;
	v48 =	vld [tilespmem:s16+$0xFFFFFF80];
	[tilespmem:v41+s28+$0x0] =	vst.idx.msk $0xffff, v31  }
0x677: {  	v50 =	vadd.s32 v10, v34;
	[tilespmem:v45+s28+$0x0] =	vst.idx.msk $0xffff, v44;
	v31 =	vld [tilespmem:s26+$0xFFFFFFF0]  }
0x678: {  	v55 =	vadd.s32 v10, v37;
	[tilespmem:v42+s28+$0x0] =	vst.idx.msk $0xffff, v27;
	v54 =	vld [tilespmem:s26+$0xFFFFFF30]  }
0x679: {  	v51 =	vadd.s32 v10, v35;
	[tilespmem:v43+s28+$0x0] =	vst.idx.msk $0xffff, v25;
	v27 =	vld [tilespmem:s26+$0xFFFFFF70]  }
0x67a: {  	v53 =	vadd.s32 v10, v36;
	[tilespmem:v24+s28+$0x0] =	vst.idx.msk $0xffff, v40;
	v52 =	vld [tilespmem:s26+$0xFFFFFFB0]  }
0x67b: {  	v20 =	vadd.s32 v11, v20;
	v57 =	vld [tilespmem:s16+$0xFFFFFF40];
	[tilespmem:v49+s28+$0x0] =	vst.idx.msk $0xffff, v48  }
0x67c: {  	v56 =	vadd.s32 v11, v21;
	v29 =	vld [tilespmem:s16+$0xFFFFFFC0];
	[tilespmem:v50+s28+$0x0] =	vst.idx.msk $0xffff, v31  }
0x67d: {  	v59 =	vadd.s32 v11, v34;
	[tilespmem:v55+s28+$0x0] =	vst.idx.msk $0xffff, v54;
	v58 =	vld [tilespmem:s26+$0x0]  }
0x67e: {  	v63 =	vadd.s32 v11, v37;
	[tilespmem:v51+s28+$0x0] =	vst.idx.msk $0xffff, v27;
	v62 =	vld [tilespmem:s26+$0xFFFFFF40]  }
0x67f: {  	v60 =	vadd.s32 v11, v35;
	[tilespmem:v53+s28+$0x0] =	vst.idx.msk $0xffff, v52;
	v27 =	vld [tilespmem:s26+$0xFFFFFF80]  }
0x680: {  	v61 =	vadd.s32 v11, v36;
	[tilespmem:v20+s28+$0x0] =	vst.idx.msk $0xffff, v57;
	v22 =	vld [tilespmem:s26+$0xFFFFFFC0]  }
0x681: {  	[tilespmem:v56+s28+$0x0] =	vst.idx.msk $0xffff, v29  }
0x682: {  	[tilespmem:v59+s28+$0x0] =	vst.idx.msk $0xffff, v58  }
0x683: {  	[tilespmem:v63+s28+$0x0] =	vst.idx.msk $0xffff, v62  }
0x684: {  	[tilespmem:v60+s28+$0x0] =	vst.idx.msk $0xffff, v27  }
0x685: {  	[tilespmem:v61+s28+$0x0] =	vst.idx.msk $0xffff, v22  }
0x686: {  	s16 =	simm.s32 $0xFD00;
	s20 =	rddreg [dreg:$0xb]  }
0x687: {  	[hbm4b:s20+s3] =	stream.linear.scatter [tilespmem:s16], [sflag:$0x8], $0x80, $0x38;
	[tilespmem:$0x16300] =	vst v63  }
0x688: {  	s17 =	simm.s32 $0xFD88;
	s18 =	sadd.s32 $0x10, s20  }
0x689: {  	[hbm4b:s18+s3] =	stream.linear.scatter [tilespmem:s17], [sflag:$0x8], $0x80, $0x38;
	[tilespmem:$0x16300] =	vst v63  }
0x68a: {  	s19 =	simm.s32 $0xFE10;
	s7 =	simm.s32 $0x440;
	s25 =	sadd.s32 $0x20, s20  }
0x68b: {  	[hbm4b:s25+s3] =	stream.linear.scatter [tilespmem:s19], [sflag:$0x8], $0x80, $0x38;
	[tilespmem:$0x16300] =	vst v63  }
0x68c: {  	s26 =	simm.s32 $0xFE98;
	s29 =	sadd.s32 $0x30, s20;
	s16 =	sadd.s32 $0x1000, s20  }
0x68d: {  	[hbm4b:s29+s3] =	stream.linear.scatter [tilespmem:s26], [sflag:$0x8], $0x80, $0x38;
	[tilespmem:$0x16300] =	vst v63  }
0x68e: {  	s17 =	simm.s32 $0xFF20;
	s18 =	sadd.s32 $0x40, s20;
	s19 =	simm.s32 $0xFFA8  }
0x68f: {  	[hbm4b:s18+s3] =	stream.linear.scatter [tilespmem:s17], [sflag:$0x8], $0x80, $0x38;
	[tilespmem:$0x16300] =	vst v63  }
0x690: {  	s25 =	sadd.s32 $0x50, s20;
	s26 =	simm.s32 $0x10030;
	s29 =	sadd.s32 $0x60, s20  }
0x691: {  	[hbm4b:s25+s3] =	stream.linear.scatter [tilespmem:s19], [sflag:$0x8], $0x80, $0x38;
	[tilespmem:$0x16300] =	vst v63  }
0x692: {  	s17 =	simm.s32 $0x2200;
	s18 =	simm.s32 $0x100B8;
	s19 =	sadd.s32 $0x70, s20  }
0x693: {  	[hbm4b:s29+s3] =	stream.linear.scatter [tilespmem:s26], [sflag:$0x8], $0x80, $0x38;
	[tilespmem:$0x16300] =	vst v63  }
.LBB2_54:
0x694: {  	[hbm4b:s19+s3] =	stream.linear.scatter [tilespmem:s18], [sflag:$0x8], $0x80, $0x38;
	[tilespmem:$0x16300] =	vst v63  }
0x695: {  	s18 =	smov.u32 s7;
	s7 =	smov.u32 s17  }
0x696: {  	s20 =	sadd.s32 $0x1100, s17;
	s7 =	sshra.s32 s7, $0x2;
	s19 =	sadd.s32 $0xFD00, s18  }
0x697: {  	[hbm4b:s16+s3] =	stream.linear.scatter [tilespmem:s19], [sflag:$0x8], $0x80, $0x38;
	[tilespmem:$0x16300] =	vst v63  }
0x698: {  	p0 =	sne.s32 s17, $0x7700;
	s17 =	sadd.s32 $0xFD88, s18;
	s19 =	sadd.s32 $0x10, s16  }
0x699: {  	[hbm4b:s19+s3] =	stream.linear.scatter [tilespmem:s17], [sflag:$0x8], $0x80, $0x38;
	[tilespmem:$0x16300] =	vst v63  }
0x69a: {  	s17 =	sadd.s32 $0xFE10, s18;
	s19 =	sadd.s32 $0x20, s16  }
0x69b: {  	[hbm4b:s19+s3] =	stream.linear.scatter [tilespmem:s17], [sflag:$0x8], $0x80, $0x38;
	[tilespmem:$0x16300] =	vst v63  }
0x69c: {  	s17 =	sadd.s32 $0xFE98, s18;
	s19 =	sadd.s32 $0x30, s16  }
0x69d: {  	[hbm4b:s19+s3] =	stream.linear.scatter [tilespmem:s17], [sflag:$0x8], $0x80, $0x38;
	[tilespmem:$0x16300] =	vst v63  }
0x69e: {  	s17 =	sadd.s32 $0xFF20, s18;
	s19 =	sadd.s32 $0x40, s16  }
0x69f: {  	[hbm4b:s19+s3] =	stream.linear.scatter [tilespmem:s17], [sflag:$0x8], $0x80, $0x38;
	[tilespmem:$0x16300] =	vst v63  }
.Ltmp26:
0x6a0: {  	s17 =	sadd.s32 $0xFFA8, s18;
	s19 =	sadd.s32 $0x50, s16;
	(pc) =	sbr.rel @p0 .LBB2_54-.Ltmp26, $4  }
0x6a1: {  	[hbm4b:s19+s3] =	stream.linear.scatter [tilespmem:s17], [sflag:$0x8], $0x80, $0x38;
	[tilespmem:$0x16300] =	vst v63  }
0x6a2: {  	s17 =	sadd.s32 $0x10030, s18;
	s19 =	sadd.s32 $0x60, s16;
	s18 =	sadd.s32 $0x100B8, s18  }
0x6a3: {  	[hbm4b:s19+s3] =	stream.linear.scatter [tilespmem:s17], [sflag:$0x8], $0x80, $0x38;
	[tilespmem:$0x16300] =	vst v63  }
0x6a4: {  	s19 =	sadd.s32 $0x70, s16;
	s16 =	sadd.s32 $0x1000, s16;
	s17 =	smov.u32 s20  }
0x6a5: {  	[hbm4b:s19+s3] =	stream.linear.scatter [tilespmem:s18], [sflag:$0x8], $0x80, $0x38;
	[tilespmem:$0x16300] =	vst v63  }
0x6a6: {  	s17 =	sadd.s32 $0xFD00, s7  }
0x6a7: {  	[hbm4b:s16+s3] =	stream.linear.scatter [tilespmem:s17], [sflag:$0x8], $0x80, $0x38;
	[tilespmem:$0x16300] =	vst v63  }
0x6a8: {  	s20 =	sadd.s32 $0xFD88, s7;
	s25 =	sadd.s32 $0x10, s16  }
0x6a9: {  	[hbm4b:s25+s3] =	stream.linear.scatter [tilespmem:s20], [sflag:$0x8], $0x80, $0x38;
	[tilespmem:$0x16300] =	vst v63  }
0x6aa: {  	s26 =	sadd.s32 $0xFE10, s7;
	s29 =	sadd.s32 $0x20, s16  }
0x6ab: {  	[hbm4b:s29+s3] =	stream.linear.scatter [tilespmem:s26], [sflag:$0x8], $0x80, $0x38;
	[tilespmem:$0x16300] =	vst v63  }
0x6ac: {  	s18 =	sadd.s32 $0xFE98, s7;
	s19 =	sadd.s32 $0x30, s16  }
0x6ad: {  	[hbm4b:s19+s3] =	stream.linear.scatter [tilespmem:s18], [sflag:$0x8], $0x80, $0x38;
	[tilespmem:$0x16300] =	vst v63  }
0x6ae: {  	s20 =	sadd.s32 $0xFF20, s7;
	s25 =	sadd.s32 $0x40, s16  }
0x6af: {  	[hbm4b:s25+s3] =	stream.linear.scatter [tilespmem:s20], [sflag:$0x8], $0x80, $0x38;
	[tilespmem:$0x16300] =	vst v63  }
0x6b0: {  	s26 =	sadd.s32 $0xFFA8, s7;
	s29 =	sadd.s32 $0x50, s16  }
0x6b1: {  	[hbm4b:s29+s3] =	stream.linear.scatter [tilespmem:s26], [sflag:$0x8], $0x80, $0x38;
	[tilespmem:$0x16300] =	vst v63  }
0x6b2: {  	s19 =	sadd.s32 $0x10030, s7;
	s20 =	sadd.s32 $0x60, s16  }
0x6b3: {  	[hbm4b:s20+s3] =	stream.linear.scatter [tilespmem:s19], [sflag:$0x8], $0x80, $0x38;
	[tilespmem:$0x16300] =	vst v63  }
0x6b4: {  	s25 =	sadd.s32 $0x100B8, s7;
	s26 =	sadd.s32 $0x70, s16  }
0x6b5: {  	[hbm4b:s26+s3] =	stream.linear.scatter [tilespmem:s25], [sflag:$0x8], $0x80, $0x38;
	[tilespmem:$0x16300] =	vst v63  }
0x6b6: {  	_ =	swait.ge [sflag:s5], $0x2000  }
0x6b7: {  	[sflag:s5] =	ssyncset.done $0x0  }
0x6b8: {  	s29 =	simm.s32 $0x3;
	[sflag:s5] =	ssyncadd.s32 $0xFFFFE000  }
0x6b9: {  	s16 =	simm.s32 $0x0;
	v20 =	vmov s29;
	_ =	swait.ge [sflag:s10], $0x2000  }
0x6ba: {  	s18 =	simm.s32 $0x1;
	v21 =	vand.u32 $0x7F, v20;
	v20 =	vmov s16;
	[sflag:s10] =	ssyncset.done $0x0  }
0x6bb: {  	s17 =	simm.s32 $0x79F0;
	v22 =	vand.u32 $0x7C, v20;
	v20 =	vmov s18;
	[sflag:s10] =	ssyncadd.s32 $0xFFFFE000  }
0x6bc: {  	v24 =	vadd.s32 v12, v21;
	v27 =	vand.u32 $0x7D, v20;
	v23 =	vld [tilespmem:s17+$0xFFFFFFD0]  }
0x6bd: {  	v28 =	vadd.s32 v12, v27;
	v20 =	vld [tilespmem:s17+$0xFFFFFF50]  }
0x6be: {  	s19 =	simm.s32 $0x2;
	v26 =	vadd.s32 v12, v22;
	v25 =	vld [tilespmem:s17+$0xFFFFFF10]  }
0x6bf: {  	v29 =	vmov s19  }
0x6c0: {  	v29 =	vand.u32 $0x7E, v29  }
0x6c1: {  	v31 =	vadd.s32 v12, v29;
	v30 =	vld [tilespmem:s17+$0xFFFFFF90];
	[tilespmem:v24+s28+$0x0] =	vst.idx.msk $0xffff, v23  }
0x6c2: {  	v24 =	vadd.s32 v13, v21;
	[tilespmem:v28+s28+$0x0] =	vst.idx.msk $0xffff, v20;
	v23 =	vld [tilespmem:s17+$0xFFFFFFE0]  }
0x6c3: {  	[tilespmem:v26+s28+$0x0] =	vst.idx.msk $0xffff, v25;
	v28 =	vadd.s32 v13, v27;
	v20 =	vld [tilespmem:s17+$0xFFFFFF60]  }
0x6c4: {  	v26 =	vadd.s32 v13, v22;
	v25 =	vld [tilespmem:s17+$0xFFFFFF20];
	_ =	sdelay $0x1  }
0x6c5: {  	[tilespmem:v31+s28+$0x0] =	vst.idx.msk $0xffff, v30  }
0x6c6: {  	v32 =	vadd.s32 v13, v29;
	v31 =	vld [tilespmem:s17+$0xFFFFFFA0];
	[tilespmem:v24+s28+$0x0] =	vst.idx.msk $0xffff, v23  }
0x6c7: {  	v30 =	vadd.s32 v14, v21;
	[tilespmem:v28+s28+$0x0] =	vst.idx.msk $0xffff, v20;
	v23 =	vld [tilespmem:s17+$0xFFFFFFF0]  }
0x6c8: {  	s20 =	simm.s32 $0x7;
	v33 =	vadd.s32 v14, v27;
	[tilespmem:v26+s28+$0x0] =	vst.idx.msk $0xffff, v25;
	v28 =	vld [tilespmem:s17+$0xFFFFFF70]  }
0x6c9: {  	s25 =	simm.s32 $0x4;
	v26 =	vadd.s32 v14, v22;
	v24 =	vmov s20;
	v25 =	vld [tilespmem:s17+$0xFFFFFF30]  }
0x6ca: {  	s16 =	simm.s32 $0x7AF0;
	v20 =	vmov s25;
	v24 =	vand.u32 $0x7F, v24  }
0x6cb: {  	s26 =	simm.s32 $0x5;
	v34 =	vld [tilespmem:s16+$0xFFFFFFD0];
	[tilespmem:v32+s28+$0x0] =	vst.idx.msk $0xffff, v31;
	v20 =	vand.u32 $0x7C, v20;
	v35 =	vadd.s32 v12, v24  }
0x6cc: {  	s29 =	simm.s32 $0x6;
	v38 =	vmov s26;
	v36 =	vld [tilespmem:s16+$0xFFFFFF10];
	v37 =	vadd.s32 v12, v20;
	[tilespmem:v30+s28+$0x0] =	vst.idx.msk $0xffff, v23  }
0x6cd: {  	v62 =	vadd.s32 v14, v29;
	v23 =	vand.u32 $0x7D, v38;
	v30 =	vmov s29;
	[tilespmem:v33+s28+$0x0] =	vst.idx.msk $0xffff, v28;
	v28 =	vld [tilespmem:s17+$0xFFFFFFB0]  }
0x6ce: {  	v60 =	vadd.s32 v15, v21;
	[tilespmem:v26+s28+$0x0] =	vst.idx.msk $0xffff, v25;
	v25 =	vld [tilespmem:s16+$0xFFFFFF50];
	v26 =	vadd.s32 v12, v23;
	v21 =	vand.u32 $0x7E, v30  }
0x6cf: {  	v30 =	vld [tilespmem:s16+$0xFFFFFF90];
	v61 =	vadd.s32 v12, v21  }
0x6d0: {  	v31 =	vld [tilespmem:s17+$0x0];
	[tilespmem:v35+s28+$0x0] =	vst.idx.msk $0xffff, v34  }
0x6d1: {  	v63 =	vadd.s32 v13, v24;
	[tilespmem:v37+s28+$0x0] =	vst.idx.msk $0xffff, v36;
	v35 =	vld [tilespmem:s16+$0xFFFFFFE0]  }
0x6d2: {  	v39 =	vadd.s32 v13, v20;
	v37 =	vld [tilespmem:s16+$0xFFFFFF20];
	[tilespmem:v62+s28+$0x0] =	vst.idx.msk $0xffff, v28  }
0x6d3: {  	v41 =	vadd.s32 v15, v27;
	v40 =	vld [tilespmem:s17+$0xFFFFFF80];
	[tilespmem:v26+s28+$0x0] =	vst.idx.msk $0xffff, v25  }
0x6d4: {  	v34 =	vadd.s32 v13, v23;
	v33 =	vld [tilespmem:s16+$0xFFFFFF60];
	[tilespmem:v61+s28+$0x0] =	vst.idx.msk $0xffff, v30  }
0x6d5: {  	v32 =	vadd.s32 v13, v21;
	[tilespmem:v60+s28+$0x0] =	vst.idx.msk $0xffff, v31;
	v31 =	vld [tilespmem:s16+$0xFFFFFFA0]  }
0x6d6: {  	v27 =	vld [tilespmem:s17+$0xFFFFFFC0];
	[tilespmem:v63+s28+$0x0] =	vst.idx.msk $0xffff, v35;
	v30 =	vadd.s32 v15, v29  }
0x6d7: {  	v28 =	vadd.s32 v14, v24;
	[tilespmem:v39+s28+$0x0] =	vst.idx.msk $0xffff, v37;
	v25 =	vld [tilespmem:s16+$0xFFFFFFF0]  }
0x6d8: {  	s7 =	simm.s32 $0x8;
	s19 =	simm.s32 $0xB;
	s18 =	simm.s32 $0xC;
	[tilespmem:v41+s28+$0x0] =	vst.idx.msk $0xffff, v40;
	v29 =	vadd.s32 v14, v20;
	v26 =	vld [tilespmem:s16+$0xFFFFFF30]  }
.LBB2_56:
0x6d9: {  	p0 =	slt.u32 s18, $0x7C;
	v35 =	vmov s19;
	[tilespmem:v34+s28+$0x0] =	vst.idx.msk $0xffff, v33;
	v33 =	vld [tilespmem:s17+$0xFFFFFF40];
	v34 =	vadd.s32 v15, v22;
	v22 =	vmov v20;
	s17 =	smov.u32 s16  }
0x6da: {  	v20 =	vmov s7;
	v37 =	vadd.s32 v14, v23;
	s16 =	sadd.s32 $0x100, s16;
	v35 =	vand.u32 $0x7F, v35;
	v36 =	vld [tilespmem:s17+$0xFFFFFF70];
	[tilespmem:v32+s28+$0x0] =	vst.idx.msk $0xffff, v31  }
0x6db: {  	s19 =	sadd.s32 $0x1, s7;
	v20 =	vand.u32 $0x7C, v20;
	v31 =	vld [tilespmem:s16+$0xFFFFFFD0];
	v32 =	vadd.s32 v12, v35;
	[tilespmem:v30+s28+$0x0] =	vst.idx.msk $0xffff, v27  }
0x6dc: {  	v38 =	vmov s19;
	s19 =	sadd.s32 $0x2, s7;
	s7 =	smov.u32 s18;
	v30 =	vadd.s32 v12, v20;
	v27 =	vld [tilespmem:s16+$0xFFFFFF10];
	[tilespmem:v28+s28+$0x0] =	vst.idx.msk $0xffff, v25  }
0x6dd: {  	v25 =	vand.u32 $0x7D, v38;
	v28 =	vmov s19;
	[tilespmem:v29+s28+$0x0] =	vst.idx.msk $0xffff, v26;
	v26 =	vld [tilespmem:s17+$0x0];
	v29 =	vadd.s32 v15, v24;
	v24 =	vmovc v35  }
0x6de: {  	v38 =	vadd.s32 v12, v25;
	v28 =	vand.u32 $0x7E, v28;
	v35 =	vld [tilespmem:s16+$0xFFFFFF50];
	[tilespmem:v34+s28+$0x0] =	vst.idx.msk $0xffff, v33  }
0x6df: {  	v40 =	vadd.s32 v12, v28;
	v39 =	vld [tilespmem:s16+$0xFFFFFF90];
	[tilespmem:v37+s28+$0x0] =	vst.idx.msk $0xffff, v36  }
0x6e0: {  	v37 =	vadd.s32 v14, v21;
	[tilespmem:v32+s28+$0x0] =	vst.idx.msk $0xffff, v31;
	v36 =	vld [tilespmem:s17+$0xFFFFFFB0]  }
0x6e1: {  	[tilespmem:v30+s28+$0x0] =	vst.idx.msk $0xffff, v27;
	v27 =	vld [tilespmem:s16+$0xFFFFFFE0];
	v30 =	vadd.s32 v13, v24  }
0x6e2: {  	v42 =	vadd.s32 v13, v20;
	v41 =	vld [tilespmem:s16+$0xFFFFFF20];
	[tilespmem:v29+s28+$0x0] =	vst.idx.msk $0xffff, v26  }
0x6e3: {  	[tilespmem:v38+s28+$0x0] =	vst.idx.msk $0xffff, v35;
	v35 =	vld [tilespmem:s17+$0xFFFFFF80];
	v38 =	vadd.s32 v15, v23;
	v23 =	vmov v25  }
.Ltmp27:
0x6e4: {  	v33 =	vld [tilespmem:s16+$0xFFFFFF60];
	v34 =	vadd.s32 v13, v23;
	[tilespmem:v40+s28+$0x0] =	vst.idx.msk $0xffff, v39;
	(pc) =	sbr.rel @p0 .LBB2_56-.Ltmp27, $4  }
0x6e5: {  	v32 =	vadd.s32 v13, v28;
	v31 =	vld [tilespmem:s16+$0xFFFFFFA0];
	[tilespmem:v37+s28+$0x0] =	vst.idx.msk $0xffff, v36  }
0x6e6: {  	[tilespmem:v30+s28+$0x0] =	vst.idx.msk $0xffff, v27;
	v27 =	vld [tilespmem:s17+$0xFFFFFFC0];
	v30 =	vadd.s32 v15, v21;
	v21 =	vmov v28  }
0x6e7: {  	v28 =	vadd.s32 v14, v24;
	[tilespmem:v42+s28+$0x0] =	vst.idx.msk $0xffff, v41;
	v25 =	vld [tilespmem:s16+$0xFFFFFFF0]  }
0x6e8: {  	s18 =	sadd.s32 $0x4, s18;
	s19 =	sadd.s32 $0x3, s7;
	v29 =	vadd.s32 v14, v20;
	v26 =	vld [tilespmem:s16+$0xFFFFFF30];
	[tilespmem:v38+s28+$0x0] =	vst.idx.msk $0xffff, v35  }
0x6e9: {  	_ =	sdelay $0x2  }
0x6ea: {  	v35 =	vmov s19  }
0x6eb: {  	s18 =	sadd.s32 $0x1, s7;
	[tilespmem:v34+s28+$0x0] =	vst.idx.msk $0xffff, v33;
	v54 =	vld [tilespmem:s17+$0xFFFFFF40];
	v22 =	vadd.s32 v15, v22;
	s26 =	sadd.s32 $0x100, s16;
	v37 =	vmov s7;
	v34 =	vand.u32 $0x7F, v35  }
0x6ec: {  	s29 =	sadd.s32 $0x2, s7;
	v55 =	vmov s18;
	[tilespmem:v32+s28+$0x0] =	vst.idx.msk $0xffff, v31;
	v56 =	vld [tilespmem:s26+$0xFFFFFFD0];
	v37 =	vand.u32 $0x7C, v37;
	v57 =	vadd.s32 v12, v34  }
0x6ed: {  	v36 =	vmov s29;
	v38 =	vld [tilespmem:s26+$0xFFFFFF10];
	v35 =	vand.u32 $0x7D, v55;
	[tilespmem:v30+s28+$0x0] =	vst.idx.msk $0xffff, v27;
	v62 =	vadd.s32 v12, v37  }
0x6ee: {  	v58 =	vld [tilespmem:s26+$0xFFFFFF50];
	v36 =	vand.u32 $0x7E, v36;
	v59 =	vadd.s32 v12, v35;
	[tilespmem:v28+s28+$0x0] =	vst.idx.msk $0xffff, v25  }
0x6ef: {  	v60 =	vld [tilespmem:s26+$0xFFFFFF90];
	v61 =	vadd.s32 v12, v36;
	[tilespmem:v29+s28+$0x0] =	vst.idx.msk $0xffff, v26  }
0x6f0: {  	v39 =	vadd.s32 v14, v23;
	v63 =	vld [tilespmem:s16+$0xFFFFFF70];
	[tilespmem:v22+s28+$0x0] =	vst.idx.msk $0xffff, v54  }
0x6f1: {  	v47 =	vadd.s32 v14, v21;
	v46 =	vld [tilespmem:s16+$0xFFFFFFB0];
	[tilespmem:v57+s28+$0x0] =	vst.idx.msk $0xffff, v56  }
0x6f2: {  	v41 =	vadd.s32 v13, v34;
	[tilespmem:v62+s28+$0x0] =	vst.idx.msk $0xffff, v38;
	v31 =	vld [tilespmem:s26+$0xFFFFFFE0]  }
0x6f3: {  	v45 =	vadd.s32 v13, v37;
	[tilespmem:v59+s28+$0x0] =	vst.idx.msk $0xffff, v58;
	v44 =	vld [tilespmem:s26+$0xFFFFFF20]  }
0x6f4: {  	v42 =	vadd.s32 v13, v35;
	[tilespmem:v61+s28+$0x0] =	vst.idx.msk $0xffff, v60;
	v27 =	vld [tilespmem:s26+$0xFFFFFF60]  }
0x6f5: {  	v43 =	vadd.s32 v13, v36;
	[tilespmem:v39+s28+$0x0] =	vst.idx.msk $0xffff, v63;
	v25 =	vld [tilespmem:s26+$0xFFFFFFA0]  }
0x6f6: {  	v24 =	vadd.s32 v15, v24;
	v40 =	vld [tilespmem:s16+$0x0];
	[tilespmem:v47+s28+$0x0] =	vst.idx.msk $0xffff, v46  }
0x6f7: {  	v49 =	vadd.s32 v15, v23;
	v48 =	vld [tilespmem:s16+$0xFFFFFF80];
	[tilespmem:v41+s28+$0x0] =	vst.idx.msk $0xffff, v31  }
0x6f8: {  	v50 =	vadd.s32 v14, v34;
	[tilespmem:v45+s28+$0x0] =	vst.idx.msk $0xffff, v44;
	v31 =	vld [tilespmem:s26+$0xFFFFFFF0]  }
0x6f9: {  	v55 =	vadd.s32 v14, v37;
	[tilespmem:v42+s28+$0x0] =	vst.idx.msk $0xffff, v27;
	v54 =	vld [tilespmem:s26+$0xFFFFFF30]  }
0x6fa: {  	v51 =	vadd.s32 v14, v35;
	[tilespmem:v43+s28+$0x0] =	vst.idx.msk $0xffff, v25;
	v27 =	vld [tilespmem:s26+$0xFFFFFF70]  }
0x6fb: {  	v53 =	vadd.s32 v14, v36;
	[tilespmem:v24+s28+$0x0] =	vst.idx.msk $0xffff, v40;
	v52 =	vld [tilespmem:s26+$0xFFFFFFB0]  }
0x6fc: {  	v20 =	vadd.s32 v15, v20;
	v57 =	vld [tilespmem:s16+$0xFFFFFF40];
	[tilespmem:v49+s28+$0x0] =	vst.idx.msk $0xffff, v48  }
0x6fd: {  	v56 =	vadd.s32 v15, v21;
	v29 =	vld [tilespmem:s16+$0xFFFFFFC0];
	[tilespmem:v50+s28+$0x0] =	vst.idx.msk $0xffff, v31  }
0x6fe: {  	v59 =	vadd.s32 v15, v34;
	[tilespmem:v55+s28+$0x0] =	vst.idx.msk $0xffff, v54;
	v58 =	vld [tilespmem:s26+$0x0]  }
0x6ff: {  	v63 =	vadd.s32 v15, v37;
	[tilespmem:v51+s28+$0x0] =	vst.idx.msk $0xffff, v27;
	v62 =	vld [tilespmem:s26+$0xFFFFFF40]  }
0x700: {  	v60 =	vadd.s32 v15, v35;
	[tilespmem:v53+s28+$0x0] =	vst.idx.msk $0xffff, v52;
	v27 =	vld [tilespmem:s26+$0xFFFFFF80]  }
0x701: {  	v61 =	vadd.s32 v15, v36;
	[tilespmem:v20+s28+$0x0] =	vst.idx.msk $0xffff, v57;
	v22 =	vld [tilespmem:s26+$0xFFFFFFC0]  }
0x702: {  	[tilespmem:v56+s28+$0x0] =	vst.idx.msk $0xffff, v29  }
0x703: {  	[tilespmem:v59+s28+$0x0] =	vst.idx.msk $0xffff, v58  }
0x704: {  	[tilespmem:v63+s28+$0x0] =	vst.idx.msk $0xffff, v62  }
0x705: {  	[tilespmem:v60+s28+$0x0] =	vst.idx.msk $0xffff, v27  }
0x706: {  	[tilespmem:v61+s28+$0x0] =	vst.idx.msk $0xffff, v22  }
0x707: {  	s16 =	simm.s32 $0x11F00;
	s20 =	rddreg [dreg:$0xc]  }
0x708: {  	[hbm4b:s20+s3] =	stream.linear.scatter [tilespmem:s16], [sflag:$0x9], $0x80, $0x38;
	[tilespmem:$0x16300] =	vst v63  }
0x709: {  	s17 =	simm.s32 $0x11F88;
	s18 =	sadd.s32 $0x10, s20  }
0x70a: {  	[hbm4b:s18+s3] =	stream.linear.scatter [tilespmem:s17], [sflag:$0x9], $0x80, $0x38;
	[tilespmem:$0x16300] =	vst v63  }
0x70b: {  	s19 =	simm.s32 $0x12010;
	s7 =	simm.s32 $0x440;
	s25 =	sadd.s32 $0x20, s20  }
0x70c: {  	[hbm4b:s25+s3] =	stream.linear.scatter [tilespmem:s19], [sflag:$0x9], $0x80, $0x38;
	[tilespmem:$0x16300] =	vst v63  }
0x70d: {  	s26 =	simm.s32 $0x12098;
	s29 =	sadd.s32 $0x30, s20;
	s16 =	sadd.s32 $0x1000, s20  }
0x70e: {  	[hbm4b:s29+s3] =	stream.linear.scatter [tilespmem:s26], [sflag:$0x9], $0x80, $0x38;
	[tilespmem:$0x16300] =	vst v63  }
0x70f: {  	s17 =	simm.s32 $0x12120;
	s18 =	sadd.s32 $0x40, s20;
	s19 =	simm.s32 $0x121A8  }
0x710: {  	[hbm4b:s18+s3] =	stream.linear.scatter [tilespmem:s17], [sflag:$0x9], $0x80, $0x38;
	[tilespmem:$0x16300] =	vst v63  }
0x711: {  	s25 =	sadd.s32 $0x50, s20;
	s26 =	simm.s32 $0x12230;
	s29 =	sadd.s32 $0x60, s20  }
0x712: {  	[hbm4b:s25+s3] =	stream.linear.scatter [tilespmem:s19], [sflag:$0x9], $0x80, $0x38;
	[tilespmem:$0x16300] =	vst v63  }
0x713: {  	s17 =	simm.s32 $0x2200;
	s18 =	simm.s32 $0x122B8;
	s19 =	sadd.s32 $0x70, s20  }
0x714: {  	[hbm4b:s29+s3] =	stream.linear.scatter [tilespmem:s26], [sflag:$0x9], $0x80, $0x38;
	[tilespmem:$0x16300] =	vst v63  }
.LBB2_58:
0x715: {  	[hbm4b:s19+s3] =	stream.linear.scatter [tilespmem:s18], [sflag:$0x9], $0x80, $0x38;
	[tilespmem:$0x16300] =	vst v63  }
0x716: {  	s18 =	smov.u32 s7;
	s7 =	smov.u32 s17  }
0x717: {  	s20 =	sadd.s32 $0x1100, s17;
	s7 =	sshra.s32 s7, $0x2;
	s19 =	sadd.s32 $0x11F00, s18  }
0x718: {  	[hbm4b:s16+s3] =	stream.linear.scatter [tilespmem:s19], [sflag:$0x9], $0x80, $0x38;
	[tilespmem:$0x16300] =	vst v63  }
0x719: {  	p0 =	sne.s32 s17, $0x7700;
	s17 =	sadd.s32 $0x11F88, s18;
	s19 =	sadd.s32 $0x10, s16  }
0x71a: {  	[hbm4b:s19+s3] =	stream.linear.scatter [tilespmem:s17], [sflag:$0x9], $0x80, $0x38;
	[tilespmem:$0x16300] =	vst v63  }
0x71b: {  	s17 =	sadd.s32 $0x12010, s18;
	s19 =	sadd.s32 $0x20, s16  }
0x71c: {  	[hbm4b:s19+s3] =	stream.linear.scatter [tilespmem:s17], [sflag:$0x9], $0x80, $0x38;
	[tilespmem:$0x16300] =	vst v63  }
0x71d: {  	s17 =	sadd.s32 $0x12098, s18;
	s19 =	sadd.s32 $0x30, s16  }
0x71e: {  	[hbm4b:s19+s3] =	stream.linear.scatter [tilespmem:s17], [sflag:$0x9], $0x80, $0x38;
	[tilespmem:$0x16300] =	vst v63  }
0x71f: {  	s17 =	sadd.s32 $0x12120, s18;
	s19 =	sadd.s32 $0x40, s16  }
0x720: {  	[hbm4b:s19+s3] =	stream.linear.scatter [tilespmem:s17], [sflag:$0x9], $0x80, $0x38;
	[tilespmem:$0x16300] =	vst v63  }
.Ltmp28:
0x721: {  	s17 =	sadd.s32 $0x121A8, s18;
	s19 =	sadd.s32 $0x50, s16;
	(pc) =	sbr.rel @p0 .LBB2_58-.Ltmp28, $4  }
0x722: {  	[hbm4b:s19+s3] =	stream.linear.scatter [tilespmem:s17], [sflag:$0x9], $0x80, $0x38;
	[tilespmem:$0x16300] =	vst v63  }
0x723: {  	s17 =	sadd.s32 $0x12230, s18;
	s19 =	sadd.s32 $0x60, s16;
	s18 =	sadd.s32 $0x122B8, s18  }
0x724: {  	[hbm4b:s19+s3] =	stream.linear.scatter [tilespmem:s17], [sflag:$0x9], $0x80, $0x38;
	[tilespmem:$0x16300] =	vst v63  }
0x725: {  	s19 =	sadd.s32 $0x70, s16;
	s16 =	sadd.s32 $0x1000, s16;
	s17 =	smov.u32 s20  }
0x726: {  	[hbm4b:s19+s3] =	stream.linear.scatter [tilespmem:s18], [sflag:$0x9], $0x80, $0x38;
	[tilespmem:$0x16300] =	vst v63  }
0x727: {  	s17 =	sadd.s32 $0x11F00, s7  }
0x728: {  	[hbm4b:s16+s3] =	stream.linear.scatter [tilespmem:s17], [sflag:$0x9], $0x80, $0x38;
	[tilespmem:$0x16300] =	vst v63  }
0x729: {  	s20 =	sadd.s32 $0x11F88, s7;
	s25 =	sadd.s32 $0x10, s16  }
0x72a: {  	[hbm4b:s25+s3] =	stream.linear.scatter [tilespmem:s20], [sflag:$0x9], $0x80, $0x38;
	[tilespmem:$0x16300] =	vst v63  }
0x72b: {  	s26 =	sadd.s32 $0x12010, s7;
	s29 =	sadd.s32 $0x20, s16  }
0x72c: {  	[hbm4b:s29+s3] =	stream.linear.scatter [tilespmem:s26], [sflag:$0x9], $0x80, $0x38;
	[tilespmem:$0x16300] =	vst v63  }
0x72d: {  	s18 =	sadd.s32 $0x12098, s7;
	s19 =	sadd.s32 $0x30, s16  }
0x72e: {  	[hbm4b:s19+s3] =	stream.linear.scatter [tilespmem:s18], [sflag:$0x9], $0x80, $0x38;
	[tilespmem:$0x16300] =	vst v63  }
0x72f: {  	s20 =	sadd.s32 $0x12120, s7;
	s25 =	sadd.s32 $0x40, s16  }
0x730: {  	[hbm4b:s25+s3] =	stream.linear.scatter [tilespmem:s20], [sflag:$0x9], $0x80, $0x38;
	[tilespmem:$0x16300] =	vst v63  }
0x731: {  	s26 =	sadd.s32 $0x121A8, s7;
	s29 =	sadd.s32 $0x50, s16  }
0x732: {  	[hbm4b:s29+s3] =	stream.linear.scatter [tilespmem:s26], [sflag:$0x9], $0x80, $0x38;
	[tilespmem:$0x16300] =	vst v63  }
0x733: {  	s19 =	sadd.s32 $0x12230, s7;
	s20 =	sadd.s32 $0x60, s16  }
0x734: {  	[hbm4b:s20+s3] =	stream.linear.scatter [tilespmem:s19], [sflag:$0x9], $0x80, $0x38;
	[tilespmem:$0x16300] =	vst v63  }
0x735: {  	s25 =	sadd.s32 $0x122B8, s7;
	s26 =	sadd.s32 $0x70, s16  }
0x736: {  	[hbm4b:s26+s3] =	stream.linear.scatter [tilespmem:s25], [sflag:$0x9], $0x80, $0x38;
	[tilespmem:$0x16300] =	vst v63  }
0x737: {  	_ =	swait.ge [sflag:s21], $0x2000  }
0x738: {  	[sflag:s21] =	ssyncset.done $0x0  }
0x739: {  	s29 =	simm.s32 $0x3;
	[sflag:s21] =	ssyncadd.s32 $0xFFFFE000  }
0x73a: {  	s16 =	simm.s32 $0x0;
	v20 =	vmov s29;
	_ =	swait.ge [sflag:s11], $0x2000  }
0x73b: {  	s18 =	simm.s32 $0x1;
	v21 =	vand.u32 $0x7F, v20;
	v20 =	vmov s16;
	[sflag:s11] =	ssyncset.done $0x0  }
0x73c: {  	s17 =	simm.s32 $0x99F0;
	v22 =	vand.u32 $0x7C, v20;
	v20 =	vmov s18;
	[sflag:s11] =	ssyncadd.s32 $0xFFFFE000  }
0x73d: {  	v24 =	vadd.s32 v16, v21;
	v27 =	vand.u32 $0x7D, v20;
	v23 =	vld [tilespmem:s17+$0xFFFFFFD0]  }
0x73e: {  	v28 =	vadd.s32 v16, v27;
	v20 =	vld [tilespmem:s17+$0xFFFFFF50]  }
0x73f: {  	s19 =	simm.s32 $0x2;
	v26 =	vadd.s32 v16, v22;
	v25 =	vld [tilespmem:s17+$0xFFFFFF10]  }
0x740: {  	v29 =	vmov s19  }
0x741: {  	v29 =	vand.u32 $0x7E, v29  }
0x742: {  	v31 =	vadd.s32 v16, v29;
	v30 =	vld [tilespmem:s17+$0xFFFFFF90];
	[tilespmem:v24+s28+$0x0] =	vst.idx.msk $0xffff, v23  }
0x743: {  	v24 =	vadd.s32 v17, v21;
	[tilespmem:v28+s28+$0x0] =	vst.idx.msk $0xffff, v20;
	v23 =	vld [tilespmem:s17+$0xFFFFFFE0]  }
0x744: {  	[tilespmem:v26+s28+$0x0] =	vst.idx.msk $0xffff, v25;
	v28 =	vadd.s32 v17, v27;
	v20 =	vld [tilespmem:s17+$0xFFFFFF60]  }
0x745: {  	v26 =	vadd.s32 v17, v22;
	v25 =	vld [tilespmem:s17+$0xFFFFFF20];
	_ =	sdelay $0x1  }
0x746: {  	[tilespmem:v31+s28+$0x0] =	vst.idx.msk $0xffff, v30  }
0x747: {  	v32 =	vadd.s32 v17, v29;
	v31 =	vld [tilespmem:s17+$0xFFFFFFA0];
	[tilespmem:v24+s28+$0x0] =	vst.idx.msk $0xffff, v23  }
0x748: {  	v30 =	vadd.s32 v18, v21;
	[tilespmem:v28+s28+$0x0] =	vst.idx.msk $0xffff, v20;
	v23 =	vld [tilespmem:s17+$0xFFFFFFF0]  }
0x749: {  	s20 =	simm.s32 $0x7;
	v33 =	vadd.s32 v18, v27;
	[tilespmem:v26+s28+$0x0] =	vst.idx.msk $0xffff, v25;
	v28 =	vld [tilespmem:s17+$0xFFFFFF70]  }
0x74a: {  	s25 =	simm.s32 $0x4;
	v26 =	vadd.s32 v18, v22;
	v24 =	vmov s20;
	v25 =	vld [tilespmem:s17+$0xFFFFFF30]  }
0x74b: {  	s16 =	simm.s32 $0x9AF0;
	v20 =	vmov s25;
	v24 =	vand.u32 $0x7F, v24  }
0x74c: {  	s26 =	simm.s32 $0x5;
	v34 =	vld [tilespmem:s16+$0xFFFFFFD0];
	[tilespmem:v32+s28+$0x0] =	vst.idx.msk $0xffff, v31;
	v20 =	vand.u32 $0x7C, v20;
	v35 =	vadd.s32 v16, v24  }
0x74d: {  	s29 =	simm.s32 $0x6;
	v38 =	vmov s26;
	v36 =	vld [tilespmem:s16+$0xFFFFFF10];
	v37 =	vadd.s32 v16, v20;
	[tilespmem:v30+s28+$0x0] =	vst.idx.msk $0xffff, v23  }
0x74e: {  	v62 =	vadd.s32 v18, v29;
	v23 =	vand.u32 $0x7D, v38;
	v30 =	vmov s29;
	[tilespmem:v33+s28+$0x0] =	vst.idx.msk $0xffff, v28;
	v28 =	vld [tilespmem:s17+$0xFFFFFFB0]  }
0x74f: {  	v60 =	vadd.s32 v19, v21;
	[tilespmem:v26+s28+$0x0] =	vst.idx.msk $0xffff, v25;
	v25 =	vld [tilespmem:s16+$0xFFFFFF50];
	v26 =	vadd.s32 v16, v23;
	v21 =	vand.u32 $0x7E, v30  }
0x750: {  	v30 =	vld [tilespmem:s16+$0xFFFFFF90];
	v61 =	vadd.s32 v16, v21  }
0x751: {  	v31 =	vld [tilespmem:s17+$0x0];
	[tilespmem:v35+s28+$0x0] =	vst.idx.msk $0xffff, v34  }
0x752: {  	v63 =	vadd.s32 v17, v24;
	[tilespmem:v37+s28+$0x0] =	vst.idx.msk $0xffff, v36;
	v35 =	vld [tilespmem:s16+$0xFFFFFFE0]  }
0x753: {  	v39 =	vadd.s32 v17, v20;
	v37 =	vld [tilespmem:s16+$0xFFFFFF20];
	[tilespmem:v62+s28+$0x0] =	vst.idx.msk $0xffff, v28  }
0x754: {  	v41 =	vadd.s32 v19, v27;
	v40 =	vld [tilespmem:s17+$0xFFFFFF80];
	[tilespmem:v26+s28+$0x0] =	vst.idx.msk $0xffff, v25  }
0x755: {  	v34 =	vadd.s32 v17, v23;
	v33 =	vld [tilespmem:s16+$0xFFFFFF60];
	[tilespmem:v61+s28+$0x0] =	vst.idx.msk $0xffff, v30  }
0x756: {  	v32 =	vadd.s32 v17, v21;
	[tilespmem:v60+s28+$0x0] =	vst.idx.msk $0xffff, v31;
	v31 =	vld [tilespmem:s16+$0xFFFFFFA0]  }
0x757: {  	v27 =	vld [tilespmem:s17+$0xFFFFFFC0];
	[tilespmem:v63+s28+$0x0] =	vst.idx.msk $0xffff, v35;
	v30 =	vadd.s32 v19, v29  }
0x758: {  	v28 =	vadd.s32 v18, v24;
	[tilespmem:v39+s28+$0x0] =	vst.idx.msk $0xffff, v37;
	v25 =	vld [tilespmem:s16+$0xFFFFFFF0]  }
0x759: {  	s7 =	simm.s32 $0x8;
	s19 =	simm.s32 $0xB;
	s18 =	simm.s32 $0xC;
	[tilespmem:v41+s28+$0x0] =	vst.idx.msk $0xffff, v40;
	v29 =	vadd.s32 v18, v20;
	v26 =	vld [tilespmem:s16+$0xFFFFFF30]  }
.LBB2_60:
0x75a: {  	p0 =	slt.u32 s18, $0x7C;
	v35 =	vmov s19;
	[tilespmem:v34+s28+$0x0] =	vst.idx.msk $0xffff, v33;
	v33 =	vld [tilespmem:s17+$0xFFFFFF40];
	v34 =	vadd.s32 v19, v22;
	v22 =	vmov v20;
	s17 =	smov.u32 s16  }
0x75b: {  	v20 =	vmov s7;
	v37 =	vadd.s32 v18, v23;
	s16 =	sadd.s32 $0x100, s16;
	v35 =	vand.u32 $0x7F, v35;
	v36 =	vld [tilespmem:s17+$0xFFFFFF70];
	[tilespmem:v32+s28+$0x0] =	vst.idx.msk $0xffff, v31  }
0x75c: {  	s19 =	sadd.s32 $0x1, s7;
	v20 =	vand.u32 $0x7C, v20;
	v31 =	vld [tilespmem:s16+$0xFFFFFFD0];
	v32 =	vadd.s32 v16, v35;
	[tilespmem:v30+s28+$0x0] =	vst.idx.msk $0xffff, v27  }
0x75d: {  	v38 =	vmov s19;
	s19 =	sadd.s32 $0x2, s7;
	s7 =	smov.u32 s18;
	v30 =	vadd.s32 v16, v20;
	v27 =	vld [tilespmem:s16+$0xFFFFFF10];
	[tilespmem:v28+s28+$0x0] =	vst.idx.msk $0xffff, v25  }
0x75e: {  	v25 =	vand.u32 $0x7D, v38;
	v28 =	vmov s19;
	[tilespmem:v29+s28+$0x0] =	vst.idx.msk $0xffff, v26;
	v26 =	vld [tilespmem:s17+$0x0];
	v29 =	vadd.s32 v19, v24;
	v24 =	vmovc v35  }
0x75f: {  	v38 =	vadd.s32 v16, v25;
	v28 =	vand.u32 $0x7E, v28;
	v35 =	vld [tilespmem:s16+$0xFFFFFF50];
	[tilespmem:v34+s28+$0x0] =	vst.idx.msk $0xffff, v33  }
0x760: {  	v40 =	vadd.s32 v16, v28;
	v39 =	vld [tilespmem:s16+$0xFFFFFF90];
	[tilespmem:v37+s28+$0x0] =	vst.idx.msk $0xffff, v36  }
0x761: {  	v37 =	vadd.s32 v18, v21;
	[tilespmem:v32+s28+$0x0] =	vst.idx.msk $0xffff, v31;
	v36 =	vld [tilespmem:s17+$0xFFFFFFB0]  }
0x762: {  	[tilespmem:v30+s28+$0x0] =	vst.idx.msk $0xffff, v27;
	v27 =	vld [tilespmem:s16+$0xFFFFFFE0];
	v30 =	vadd.s32 v17, v24  }
0x763: {  	v42 =	vadd.s32 v17, v20;
	v41 =	vld [tilespmem:s16+$0xFFFFFF20];
	[tilespmem:v29+s28+$0x0] =	vst.idx.msk $0xffff, v26  }
0x764: {  	[tilespmem:v38+s28+$0x0] =	vst.idx.msk $0xffff, v35;
	v35 =	vld [tilespmem:s17+$0xFFFFFF80];
	v38 =	vadd.s32 v19, v23;
	v23 =	vmov v25  }
.Ltmp29:
0x765: {  	v33 =	vld [tilespmem:s16+$0xFFFFFF60];
	v34 =	vadd.s32 v17, v23;
	[tilespmem:v40+s28+$0x0] =	vst.idx.msk $0xffff, v39;
	(pc) =	sbr.rel @p0 .LBB2_60-.Ltmp29, $4  }
0x766: {  	v32 =	vadd.s32 v17, v28;
	v31 =	vld [tilespmem:s16+$0xFFFFFFA0];
	[tilespmem:v37+s28+$0x0] =	vst.idx.msk $0xffff, v36  }
0x767: {  	[tilespmem:v30+s28+$0x0] =	vst.idx.msk $0xffff, v27;
	v27 =	vld [tilespmem:s17+$0xFFFFFFC0];
	v30 =	vadd.s32 v19, v21;
	v21 =	vmov v28  }
0x768: {  	v28 =	vadd.s32 v18, v24;
	[tilespmem:v42+s28+$0x0] =	vst.idx.msk $0xffff, v41;
	v25 =	vld [tilespmem:s16+$0xFFFFFFF0]  }
0x769: {  	s18 =	sadd.s32 $0x4, s18;
	s19 =	sadd.s32 $0x3, s7;
	v29 =	vadd.s32 v18, v20;
	v26 =	vld [tilespmem:s16+$0xFFFFFF30];
	[tilespmem:v38+s28+$0x0] =	vst.idx.msk $0xffff, v35  }
0x76a: {  	_ =	sdelay $0x2  }
0x76b: {  	v35 =	vmov s19  }
0x76c: {  	s18 =	sadd.s32 $0x1, s7;
	[tilespmem:v34+s28+$0x0] =	vst.idx.msk $0xffff, v33;
	v54 =	vld [tilespmem:s17+$0xFFFFFF40];
	v22 =	vadd.s32 v19, v22;
	s26 =	sadd.s32 $0x100, s16;
	v37 =	vmov s7;
	v34 =	vand.u32 $0x7F, v35  }
0x76d: {  	s29 =	sadd.s32 $0x2, s7;
	v55 =	vmov s18;
	[tilespmem:v32+s28+$0x0] =	vst.idx.msk $0xffff, v31;
	v56 =	vld [tilespmem:s26+$0xFFFFFFD0];
	v37 =	vand.u32 $0x7C, v37;
	v57 =	vadd.s32 v16, v34  }
0x76e: {  	v36 =	vmov s29;
	v38 =	vld [tilespmem:s26+$0xFFFFFF10];
	v35 =	vand.u32 $0x7D, v55;
	[tilespmem:v30+s28+$0x0] =	vst.idx.msk $0xffff, v27;
	v62 =	vadd.s32 v16, v37  }
0x76f: {  	v58 =	vld [tilespmem:s26+$0xFFFFFF50];
	v36 =	vand.u32 $0x7E, v36;
	v59 =	vadd.s32 v16, v35;
	[tilespmem:v28+s28+$0x0] =	vst.idx.msk $0xffff, v25  }
0x770: {  	v60 =	vld [tilespmem:s26+$0xFFFFFF90];
	v61 =	vadd.s32 v16, v36;
	[tilespmem:v29+s28+$0x0] =	vst.idx.msk $0xffff, v26  }
0x771: {  	v39 =	vadd.s32 v18, v23;
	v63 =	vld [tilespmem:s16+$0xFFFFFF70];
	[tilespmem:v22+s28+$0x0] =	vst.idx.msk $0xffff, v54  }
0x772: {  	v47 =	vadd.s32 v18, v21;
	v46 =	vld [tilespmem:s16+$0xFFFFFFB0];
	[tilespmem:v57+s28+$0x0] =	vst.idx.msk $0xffff, v56  }
0x773: {  	v41 =	vadd.s32 v17, v34;
	[tilespmem:v62+s28+$0x0] =	vst.idx.msk $0xffff, v38;
	v31 =	vld [tilespmem:s26+$0xFFFFFFE0]  }
0x774: {  	v45 =	vadd.s32 v17, v37;
	[tilespmem:v59+s28+$0x0] =	vst.idx.msk $0xffff, v58;
	v44 =	vld [tilespmem:s26+$0xFFFFFF20]  }
0x775: {  	v42 =	vadd.s32 v17, v35;
	[tilespmem:v61+s28+$0x0] =	vst.idx.msk $0xffff, v60;
	v27 =	vld [tilespmem:s26+$0xFFFFFF60]  }
0x776: {  	v43 =	vadd.s32 v17, v36;
	[tilespmem:v39+s28+$0x0] =	vst.idx.msk $0xffff, v63;
	v25 =	vld [tilespmem:s26+$0xFFFFFFA0]  }
0x777: {  	v24 =	vadd.s32 v19, v24;
	v40 =	vld [tilespmem:s16+$0x0];
	[tilespmem:v47+s28+$0x0] =	vst.idx.msk $0xffff, v46  }
0x778: {  	v49 =	vadd.s32 v19, v23;
	v48 =	vld [tilespmem:s16+$0xFFFFFF80];
	[tilespmem:v41+s28+$0x0] =	vst.idx.msk $0xffff, v31  }
0x779: {  	v50 =	vadd.s32 v18, v34;
	[tilespmem:v45+s28+$0x0] =	vst.idx.msk $0xffff, v44;
	v31 =	vld [tilespmem:s26+$0xFFFFFFF0]  }
0x77a: {  	v55 =	vadd.s32 v18, v37;
	[tilespmem:v42+s28+$0x0] =	vst.idx.msk $0xffff, v27;
	v54 =	vld [tilespmem:s26+$0xFFFFFF30]  }
0x77b: {  	v51 =	vadd.s32 v18, v35;
	[tilespmem:v43+s28+$0x0] =	vst.idx.msk $0xffff, v25;
	v27 =	vld [tilespmem:s26+$0xFFFFFF70]  }
0x77c: {  	v53 =	vadd.s32 v18, v36;
	[tilespmem:v24+s28+$0x0] =	vst.idx.msk $0xffff, v40;
	v52 =	vld [tilespmem:s26+$0xFFFFFFB0]  }
0x77d: {  	v20 =	vadd.s32 v19, v20;
	v57 =	vld [tilespmem:s16+$0xFFFFFF40];
	[tilespmem:v49+s28+$0x0] =	vst.idx.msk $0xffff, v48  }
0x77e: {  	v56 =	vadd.s32 v19, v21;
	v29 =	vld [tilespmem:s16+$0xFFFFFFC0];
	[tilespmem:v50+s28+$0x0] =	vst.idx.msk $0xffff, v31  }
0x77f: {  	v59 =	vadd.s32 v19, v34;
	[tilespmem:v55+s28+$0x0] =	vst.idx.msk $0xffff, v54;
	v58 =	vld [tilespmem:s26+$0x0]  }
0x780: {  	v63 =	vadd.s32 v19, v37;
	[tilespmem:v51+s28+$0x0] =	vst.idx.msk $0xffff, v27;
	v62 =	vld [tilespmem:s26+$0xFFFFFF40]  }
0x781: {  	v60 =	vadd.s32 v19, v35;
	[tilespmem:v53+s28+$0x0] =	vst.idx.msk $0xffff, v52;
	v27 =	vld [tilespmem:s26+$0xFFFFFF80]  }
0x782: {  	v61 =	vadd.s32 v19, v36;
	[tilespmem:v20+s28+$0x0] =	vst.idx.msk $0xffff, v57;
	v22 =	vld [tilespmem:s26+$0xFFFFFFC0]  }
0x783: {  	[tilespmem:v56+s28+$0x0] =	vst.idx.msk $0xffff, v29  }
0x784: {  	[tilespmem:v59+s28+$0x0] =	vst.idx.msk $0xffff, v58  }
0x785: {  	[tilespmem:v63+s28+$0x0] =	vst.idx.msk $0xffff, v62  }
0x786: {  	[tilespmem:v60+s28+$0x0] =	vst.idx.msk $0xffff, v27  }
0x787: {  	[tilespmem:v61+s28+$0x0] =	vst.idx.msk $0xffff, v22  }
0x788: {  	s16 =	simm.s32 $0x14100;
	s20 =	rddreg [dreg:$0xd]  }
0x789: {  	[hbm4b:s20+s3] =	stream.linear.scatter [tilespmem:s16], [sflag:$0xA], $0x80, $0x38;
	[tilespmem:$0x16300] =	vst v63  }
0x78a: {  	s17 =	simm.s32 $0x14188;
	s18 =	sadd.s32 $0x10, s20  }
0x78b: {  	[hbm4b:s18+s3] =	stream.linear.scatter [tilespmem:s17], [sflag:$0xA], $0x80, $0x38;
	[tilespmem:$0x16300] =	vst v63  }
0x78c: {  	s19 =	simm.s32 $0x14210;
	s7 =	simm.s32 $0x440;
	s25 =	sadd.s32 $0x20, s20  }
0x78d: {  	[hbm4b:s25+s3] =	stream.linear.scatter [tilespmem:s19], [sflag:$0xA], $0x80, $0x38;
	[tilespmem:$0x16300] =	vst v63  }
0x78e: {  	s26 =	simm.s32 $0x14298;
	s29 =	sadd.s32 $0x30, s20;
	s16 =	sadd.s32 $0x1000, s20  }
0x78f: {  	[hbm4b:s29+s3] =	stream.linear.scatter [tilespmem:s26], [sflag:$0xA], $0x80, $0x38;
	[tilespmem:$0x16300] =	vst v63  }
0x790: {  	s17 =	simm.s32 $0x14320;
	s18 =	sadd.s32 $0x40, s20;
	s19 =	simm.s32 $0x143A8  }
0x791: {  	[hbm4b:s18+s3] =	stream.linear.scatter [tilespmem:s17], [sflag:$0xA], $0x80, $0x38;
	[tilespmem:$0x16300] =	vst v63  }
0x792: {  	s25 =	sadd.s32 $0x50, s20;
	s26 =	simm.s32 $0x14430;
	s29 =	sadd.s32 $0x60, s20  }
0x793: {  	[hbm4b:s25+s3] =	stream.linear.scatter [tilespmem:s19], [sflag:$0xA], $0x80, $0x38;
	[tilespmem:$0x16300] =	vst v63  }
0x794: {  	s17 =	simm.s32 $0x2200;
	s18 =	simm.s32 $0x144B8;
	s19 =	sadd.s32 $0x70, s20  }
0x795: {  	[hbm4b:s29+s3] =	stream.linear.scatter [tilespmem:s26], [sflag:$0xA], $0x80, $0x38;
	[tilespmem:$0x16300] =	vst v63  }
.LBB2_62:
0x796: {  	[hbm4b:s19+s3] =	stream.linear.scatter [tilespmem:s18], [sflag:$0xA], $0x80, $0x38;
	[tilespmem:$0x16300] =	vst v63  }
0x797: {  	s18 =	smov.u32 s7;
	s7 =	smov.u32 s17  }
0x798: {  	s20 =	sadd.s32 $0x1100, s17;
	s7 =	sshra.s32 s7, $0x2;
	s19 =	sadd.s32 $0x14100, s18  }
0x799: {  	[hbm4b:s16+s3] =	stream.linear.scatter [tilespmem:s19], [sflag:$0xA], $0x80, $0x38;
	[tilespmem:$0x16300] =	vst v63  }
0x79a: {  	p0 =	sne.s32 s17, $0x7700;
	s17 =	sadd.s32 $0x14188, s18;
	s19 =	sadd.s32 $0x10, s16  }
0x79b: {  	[hbm4b:s19+s3] =	stream.linear.scatter [tilespmem:s17], [sflag:$0xA], $0x80, $0x38;
	[tilespmem:$0x16300] =	vst v63  }
0x79c: {  	s17 =	sadd.s32 $0x14210, s18;
	s19 =	sadd.s32 $0x20, s16  }
0x79d: {  	[hbm4b:s19+s3] =	stream.linear.scatter [tilespmem:s17], [sflag:$0xA], $0x80, $0x38;
	[tilespmem:$0x16300] =	vst v63  }
0x79e: {  	s17 =	sadd.s32 $0x14298, s18;
	s19 =	sadd.s32 $0x30, s16  }
0x79f: {  	[hbm4b:s19+s3] =	stream.linear.scatter [tilespmem:s17], [sflag:$0xA], $0x80, $0x38;
	[tilespmem:$0x16300] =	vst v63  }
0x7a0: {  	s17 =	sadd.s32 $0x14320, s18;
	s19 =	sadd.s32 $0x40, s16  }
0x7a1: {  	[hbm4b:s19+s3] =	stream.linear.scatter [tilespmem:s17], [sflag:$0xA], $0x80, $0x38;
	[tilespmem:$0x16300] =	vst v63  }
.Ltmp30:
0x7a2: {  	s17 =	sadd.s32 $0x143A8, s18;
	s19 =	sadd.s32 $0x50, s16;
	(pc) =	sbr.rel @p0 .LBB2_62-.Ltmp30, $4  }
0x7a3: {  	[hbm4b:s19+s3] =	stream.linear.scatter [tilespmem:s17], [sflag:$0xA], $0x80, $0x38;
	[tilespmem:$0x16300] =	vst v63  }
0x7a4: {  	s17 =	sadd.s32 $0x14430, s18;
	s19 =	sadd.s32 $0x60, s16;
	s18 =	sadd.s32 $0x144B8, s18  }
0x7a5: {  	[hbm4b:s19+s3] =	stream.linear.scatter [tilespmem:s17], [sflag:$0xA], $0x80, $0x38;
	[tilespmem:$0x16300] =	vst v63  }
0x7a6: {  	s19 =	sadd.s32 $0x70, s16;
	s16 =	sadd.s32 $0x1000, s16;
	s17 =	smov.u32 s20  }
0x7a7: {  	[hbm4b:s19+s3] =	stream.linear.scatter [tilespmem:s18], [sflag:$0xA], $0x80, $0x38;
	[tilespmem:$0x16300] =	vst v63  }
0x7a8: {  	s17 =	sadd.s32 $0x14100, s7  }
0x7a9: {  	[hbm4b:s16+s3] =	stream.linear.scatter [tilespmem:s17], [sflag:$0xA], $0x80, $0x38;
	[tilespmem:$0x16300] =	vst v63  }
0x7aa: {  	s20 =	sadd.s32 $0x14188, s7;
	s25 =	sadd.s32 $0x10, s16  }
0x7ab: {  	[hbm4b:s25+s3] =	stream.linear.scatter [tilespmem:s20], [sflag:$0xA], $0x80, $0x38;
	[tilespmem:$0x16300] =	vst v63  }
0x7ac: {  	s26 =	sadd.s32 $0x14210, s7;
	s29 =	sadd.s32 $0x20, s16  }
0x7ad: {  	[hbm4b:s29+s3] =	stream.linear.scatter [tilespmem:s26], [sflag:$0xA], $0x80, $0x38;
	[tilespmem:$0x16300] =	vst v63  }
0x7ae: {  	s18 =	sadd.s32 $0x14298, s7;
	s19 =	sadd.s32 $0x30, s16  }
0x7af: {  	[hbm4b:s19+s3] =	stream.linear.scatter [tilespmem:s18], [sflag:$0xA], $0x80, $0x38;
	[tilespmem:$0x16300] =	vst v63  }
0x7b0: {  	s20 =	sadd.s32 $0x14320, s7;
	s25 =	sadd.s32 $0x40, s16  }
0x7b1: {  	[hbm4b:s25+s3] =	stream.linear.scatter [tilespmem:s20], [sflag:$0xA], $0x80, $0x38;
	[tilespmem:$0x16300] =	vst v63  }
0x7b2: {  	s26 =	sadd.s32 $0x143A8, s7;
	s29 =	sadd.s32 $0x50, s16  }
0x7b3: {  	[hbm4b:s29+s3] =	stream.linear.scatter [tilespmem:s26], [sflag:$0xA], $0x80, $0x38;
	[tilespmem:$0x16300] =	vst v63  }
0x7b4: {  	s18 =	sadd.s32 $0x14430, s7;
	s19 =	sadd.s32 $0x60, s16  }
0x7b5: {  	[hbm4b:s19+s3] =	stream.linear.scatter [tilespmem:s18], [sflag:$0xA], $0x80, $0x38;
	[tilespmem:$0x16300] =	vst v63  }
0x7b6: {  	s20 =	sadd.s32 $0x144B8, s7;
	s25 =	sadd.s32 $0x70, s16  }
0x7b7: {  	[hbm4b:s25+s3] =	stream.linear.scatter [tilespmem:s20], [sflag:$0xA], $0x80, $0x38;
	[tilespmem:$0x16300] =	vst v63  }
0x7b8: {  	_ =	swait.ge [sflag:s24], $0x2000  }
0x7b9: {  	[sflag:s24] =	ssyncset.done $0x0  }
0x7ba: {  	[sflag:s24] =	ssyncadd.s32 $0xFFFFE000  }
0x7bb: {  	_ =	swait.ge [sflag:s8], $0x2000  }
0x7bc: {  	[sflag:s8] =	ssyncset.done $0x0  }
0x7bd: {  	[sflag:s8] =	ssyncadd.s32 $0xFFFFE000  }
0x7be: {  	_ =	swait.ge [sflag:s9], $0x2000  }
0x7bf: {  	[sflag:s9] =	ssyncset.done $0x0  }
0x7c0: {  	[sflag:s9] =	ssyncadd.s32 $0xFFFFE000  }
0x7c1: {  	_ =	swait.ge [sflag:s10], $0x2000  }
0x7c2: {  	[sflag:s10] =	ssyncset.done $0x0  }
0x7c3: {  	[sflag:s10] =	ssyncadd.s32 $0xFFFFE000  }
0x7c4: {  	_ =	swait.ge [sflag:s11], $0x2000  }
0x7c5: {  	s26 =	rddreg [dreg:$0xf]  }
0x7c6: {  	s29 =	rddreg [dreg:$0xe];
	s16 =	sadd.s32 $0x1, s26  }
0x7c7: {  	p0 =	sne.s32 s16, s29  }
.Ltmp31:
0x7c8: {  	_ = 	snop;
	(pc) =	sbr.rel @p0 .LBB2_1-.Ltmp31, $3  }
0x7c9: {  	_ =	sdelay $0x1  }
0x7ca: {  	[sflag:s11] =	ssyncset.done $0x0  }
0x7cb: {  	[sflag:s11] =	ssyncadd.s32 $0xFFFFE000  }
0x7cc: {  	_ =	sfence.sel $0x180000  }
0x7cd: {  	[bflag:$0x0] =	sbarrier.arrive $0xFFFF  }
0x7ce: {  	_ =	strace $0x90000047  }
0x7cf: {  	s0 =	stileid.u32;
	[bflag:$0x2] =	sbarrier.arrive $0xFFFF  }
0x7d0: {  	p0 =	sne.s32 s0, $0x0;
	s0 =	rddreg [dreg:$0x2]  }
0x7d1: {  	s0 =	sadd.s32 @!p0 $0x100000, s0  }
0x7d2: {  	[sflag:s0] =	ssyncadd.tile.s32 @!p0 $0x1;
	_ =	shalt  }
.Lfunc_end2:
_tile_overlayer_lowered:
.L_overlay_start_2:
0x7d3: {  	(tag) =	ssettag $0x2  }
0x7d4: {  	s0 =	rddreg [dreg:$0x0];
	s2 =	stileid.u32  }
0x7d5: {  	s1 =	rddreg [dreg:$0x1];
	p0 =	sne.s32 s2, $0x0  }
0x7d6: {  	s3 =	rddreg [dreg:$0x2];
	[bflag:$0x3] =	sbarrier.arrive $0xFFFF;
	s2 =	simm.s32 @!p0 $0x1C0B  }
0x7d7: {  	[timem:s3], [sflag:s2] =	dma.local @!p0 [hbm:s0], s1  }
0x7d8: {  	s0 =	simm.s32 @!p0 $0xB  }
0x7d9: {  	_ =	swait.ge @!p0 [sflag:s0], s1  }
0x7da: {  	s1 =	ssub.s32 @!p0 $0x0, s1;
	[sflag:s0] =	ssyncset.done @!p0 $0x0  }
0x7db: {  	[sflag:s0] =	ssyncadd.s32 @!p0 s1  }
0x7dc: {  	[bflag:$0x3] =	sbarrier.arrive $0xFFFF  }
0x7dd: {  	_ =	shalt  }

</sc_bundles>
